<compile_context>
chip_gen: v7x
topology: tpu7x:2x2x1
jax: 0.10.2.dev20260603
libtpu: 0.0.44.dev20260713+nightly
codegen_flags: <defaults>
</compile_context>

<pallas_src>
import jax
import jax.numpy as jnp
from jax import lax
from jax.experimental import pallas as pl
from jax.experimental.pallas import tpu as pltpu
from jax.experimental.pallas import tpu_sc as plsc

L = 16
NC = 2
NS = 16
NW = NC * NS
B = 16384
D = 32
BPW = B // NW
G = BPW // L
BFOLD = 16
BROWS = 6256
TCOL = 128


def _mirt_body(user_hbm, item_hbm, uc_hbm, im8_hbm, ib8_hbm, ic_hbm,
               theta_t_hbm, a_hbm, b16_hbm, out_hbm,
               uidx_v, iidx_v, uc_v, im8_v, ib8_v, ic_v,
               tbuf, abuf, bbuf, out_v, sem):
    c = lax.axis_index("c")
    s = lax.axis_index("s")
    wid = s * NC + c
    base = wid * BPW

    for src, dst in ((user_hbm, uidx_v), (item_hbm, iidx_v),
                     (uc_hbm, uc_v), (im8_hbm, im8_v),
                     (ib8_hbm, ib8_v), (ic_hbm, ic_v)):
        pltpu.sync_copy(src.at[pl.ds(base, BPW)], dst)

    lanes = lax.iota(jnp.int32, L)
    lanes8 = lanes * 8
    lanes32 = lanes * D

    def group(g, carry):
        gb = pl.multiple_of(g * L, L)
        uvec = uidx_v[pl.ds(gb, L)]
        ivec = iidx_v[pl.ds(gb, L)]
        for e in range(L):
            r = uvec[e]
            c128 = pl.multiple_of((r // TCOL) * TCOL, TCOL)
            pltpu.async_copy(theta_t_hbm.at[:, pl.ds(c128, TCOL)],
                             tbuf.at[pl.ds(e * D, D), :], sem)
        for e in range(L):
            r = ivec[e]
            q8 = pl.multiple_of((r // 8) * 8, 8)
            pltpu.async_copy(a_hbm.at[pl.ds(q8, 8), :],
                             abuf.at[pl.ds(e * 8, 8), :], sem)
        for e in range(L):
            rb = ivec[e] // BFOLD
            q8 = pl.multiple_of((rb // 8) * 8, 8)
            pltpu.async_copy(b16_hbm.at[pl.ds(q8, 8), :],
                             bbuf.at[pl.ds(e * 8, 8), :], sem)
        for e in range(L):
            pltpu.make_async_copy(theta_t_hbm.at[:, pl.ds(0, TCOL)],
                                  tbuf.at[pl.ds(e * D, D), :], sem).wait()
        pltpu.make_async_copy(a_hbm.at[pl.ds(0, L * 8), :], abuf, sem).wait()
        pltpu.make_async_copy(b16_hbm.at[pl.ds(0, L * 8), :], bbuf, sem).wait()

        tcols = uc_v[pl.ds(gb, L)]
        arows = lanes8 + im8_v[pl.ds(gb, L)]
        acc = jnp.zeros((L,), jnp.float32)
        for d in range(D):
            dcol = jnp.full((L,), d, jnp.int32)
            tv = plsc.load_gather(tbuf, [lanes32 + d, tcols])
            av = plsc.load_gather(abuf, [arows, dcol])
            acc = acc + tv * av
        brows = lanes8 + ib8_v[pl.ds(gb, L)]
        bv = plsc.load_gather(bbuf, [brows, ic_v[pl.ds(gb, L)]])
        out_v[pl.ds(gb, L)] = 1.0 / (1.0 + jnp.exp(-acc + bv))
        return carry

    lax.fori_loop(0, G, group, 0)

    pltpu.sync_copy(out_v, out_hbm.at[pl.ds(base, BPW)])


@jax.jit
def _mirt(user, item, uc, im8, ib8, ic, theta_t, a_table, b16):
    mesh = plsc.VectorSubcoreMesh(core_axis_name="c", subcore_axis_name="s")
    fn = pl.kernel(
        _mirt_body,
        mesh=mesh,
        compiler_params=pltpu.CompilerParams(needs_layout_passes=False,
                                             use_tc_tiling_on_sc=True),
        out_type=jax.ShapeDtypeStruct((B,), jnp.float32),
        scratch_types=[
            pltpu.VMEM((BPW,), jnp.int32),
            pltpu.VMEM((BPW,), jnp.int32),
            pltpu.VMEM((BPW,), jnp.int32),
            pltpu.VMEM((BPW,), jnp.int32),
            pltpu.VMEM((BPW,), jnp.int32),
            pltpu.VMEM((BPW,), jnp.int32),
            pltpu.VMEM((L * D, TCOL), jnp.float32),
            pltpu.VMEM((L * 8, D), jnp.float32),
            pltpu.VMEM((L * 8, BFOLD), jnp.float32),
            pltpu.VMEM((BPW,), jnp.float32),
            pltpu.SemaphoreType.DMA,
        ],
    )
    return fn(user, item, uc, im8, ib8, ic, theta_t, a_table, b16)


def kernel(user, item, theta_table, a_table, b_table):
    user = user.astype(jnp.int32)
    item = item.astype(jnp.int32)
    uc = user % TCOL
    im8 = item % 8
    ib8 = (item // BFOLD) % 8
    ic = item % BFOLD
    b16 = jnp.pad(b_table.reshape(b_table.shape[0] // BFOLD, BFOLD),
                  ((0, BROWS - b_table.shape[0] // BFOLD), (0, 0)))
    return _mirt(user, item, uc, im8, ib8, ic, theta_table.T, a_table, b16)

# --- scband reference (transcript-rebuilt; emitter-appended) ---
"""Pipeline reference for scband-mirtnet-55868934586757 (READ-ONLY COPY).

The authoritative reference and input builder live on the scoring server;
editing this copy changes nothing except your own understanding.
"""

import jax, jax.numpy as jnp
import numpy as np

USER_NUM = 1000000
ITEM_NUM = 100000
LATENT_DIM = 32
BATCH = 16384


def setup_inputs(seed: int = 0) -> dict:
    key = jax.random.key(seed)
    k_user, k_item, k_theta, k_a, k_b = jax.random.split(key, 5)
    user = jax.random.randint(k_user, (BATCH,), 0, USER_NUM, dtype=jnp.int64 if jax.config.jax_enable_x64 else jnp.int32)
    item = jax.random.randint(k_item, (BATCH,), 0, ITEM_NUM, dtype=jnp.int64 if jax.config.jax_enable_x64 else jnp.int32)
    theta_table = jax.random.normal(k_theta, (USER_NUM, LATENT_DIM), dtype=jnp.float32)
    a_table = jax.random.normal(k_a, (ITEM_NUM, LATENT_DIM), dtype=jnp.float32)
    b_table = jax.random.normal(k_b, (ITEM_NUM, 1), dtype=jnp.float32)
    return {"user": user, "item": item, "theta_table": theta_table, "a_table": a_table, "b_table": b_table}


def reference(user, item, theta_table, a_table, b_table):
    # theta = squeeze(theta(user), -1) -> no-op since latent_dim > 1
    theta = jnp.take(theta_table, user, axis=0)            # [B, D]
    a = jnp.take(a_table, item, axis=0)                    # [B, D]
    b = jnp.squeeze(jnp.take(b_table, item, axis=0), -1)   # [B]
    # irt2pl: 1 / (1 + exp(-sum(a*theta, -1) + b))
    return 1.0 / (1.0 + jnp.exp(-jnp.sum(a * theta, axis=-1) + b))

if __name__ == "__main__":
    import jax
    _d = setup_inputs()
    print(jax.jit(kernel)(*tuple(_d.values())))

</pallas_src>

<mosaic_0001>
#map = affine_map<(d0, d1) -> (0)>
#map1 = affine_map<(d0, d1) -> (0, 0)>
module attributes {stable_mosaic.version = 14 : i64} {
  func.func @_mirt_body(%arg0: i32, %arg1: i32, %arg2: memref<16384xi32, #tpu.memory_space<hbm>>, %arg3: memref<16384xi32, #tpu.memory_space<hbm>>, %arg4: memref<16384xi32, #tpu.memory_space<hbm>>, %arg5: memref<16384xi32, #tpu.memory_space<hbm>>, %arg6: memref<16384xi32, #tpu.memory_space<hbm>>, %arg7: memref<16384xi32, #tpu.memory_space<hbm>>, %arg8: memref<32x1000000xf32, #tpu.memory_space<hbm>>, %arg9: memref<100000x32xf32, #tpu.memory_space<hbm>>, %arg10: memref<6256x16xf32, #tpu.memory_space<hbm>>, %arg11: memref<16384xf32, #tpu.memory_space<hbm>>, %arg12: memref<512xi32, #tpu.memory_space<vmem>>, %arg13: memref<512xi32, #tpu.memory_space<vmem>>, %arg14: memref<512xi32, #tpu.memory_space<vmem>>, %arg15: memref<512xi32, #tpu.memory_space<vmem>>, %arg16: memref<512xi32, #tpu.memory_space<vmem>>, %arg17: memref<512xi32, #tpu.memory_space<vmem>>, %arg18: memref<512x128xf32, #tpu.memory_space<vmem>>, %arg19: memref<128x32xf32, #tpu.memory_space<vmem>>, %arg20: memref<128x16xf32, #tpu.memory_space<vmem>>, %arg21: memref<512xf32, #tpu.memory_space<vmem>>, %arg22: memref<!tpu.dma_semaphore, #tpu.memory_space<semaphore_mem>>) attributes {dimension_semantics = [#tpu.dimension_semantics<core_parallel>, #tpu.dimension_semantics<subcore_parallel>], iteration_bounds = array<i64: 2, 16>, scalar_prefetch = 0 : i64, scratch_operands = 11 : i64, tpu.core_type = #tpu.core_type<sc_vector_subcore>, window_params = [{transform_indices = #map}, {transform_indices = #map}, {transform_indices = #map}, {transform_indices = #map}, {transform_indices = #map}, {transform_indices = #map}, {transform_indices = #map1}, {transform_indices = #map1}, {transform_indices = #map1}, {transform_indices = #map}]} {
    %mul3A = arith.constant 2 : i32
    %mul3A_0 = arith.muli %arg1, %mul3A : i32
    %add3A = arith.addi %mul3A_0, %arg0 : i32
    %mul3A_1 = arith.constant 512 : i32
    %mul3A_2 = arith.muli %add3A, %mul3A_1 : i32
    "tpu.region"() ({
      %run_scoped3A = tpu.sem_alloc : memref<!tpu.dma_semaphore, #tpu.memory_space<semaphore_mem>>
      %dma_start3A = tpu.memref_slice %arg2[%mul3A_2] : memref<16384xi32, #tpu.memory_space<hbm>> -> memref<512xi32, #tpu.memory_space<hbm>>
      %dma_start3A_14 = tpu.memref_slice %arg2[%mul3A_2] : memref<16384xi32, #tpu.memory_space<hbm>> -> memref<512xi32, #tpu.memory_space<hbm>>
      tpu.enqueue_dma source(%dma_start3A_14 : memref<512xi32, #tpu.memory_space<hbm>>) target(%arg12 : memref<512xi32, #tpu.memory_space<vmem>>) target_semaphore(%run_scoped3A : memref<!tpu.dma_semaphore, #tpu.memory_space<semaphore_mem>>)
      %dma_wait3A = tpu.memref_slice %arg2[%mul3A_2] : memref<16384xi32, #tpu.memory_space<hbm>> -> memref<512xi32, #tpu.memory_space<hbm>>
      %dma_wait3A_15 = tpu.memref_slice %arg2[%mul3A_2] : memref<16384xi32, #tpu.memory_space<hbm>> -> memref<512xi32, #tpu.memory_space<hbm>>
      tpu.wait_dma2 semaphore(%run_scoped3A : memref<!tpu.dma_semaphore, #tpu.memory_space<semaphore_mem>>) src(%dma_wait3A_15 : memref<512xi32, #tpu.memory_space<hbm>>) dst(%arg12 : memref<512xi32, #tpu.memory_space<vmem>>)
      tpu.yield
    }) : () -> ()
    "tpu.region"() ({
      %run_scoped3A = tpu.sem_alloc : memref<!tpu.dma_semaphore, #tpu.memory_space<semaphore_mem>>
      %dma_start3A = tpu.memref_slice %arg3[%mul3A_2] : memref<16384xi32, #tpu.memory_space<hbm>> -> memref<512xi32, #tpu.memory_space<hbm>>
      %dma_start3A_14 = tpu.memref_slice %arg3[%mul3A_2] : memref<16384xi32, #tpu.memory_space<hbm>> -> memref<512xi32, #tpu.memory_space<hbm>>
      tpu.enqueue_dma source(%dma_start3A_14 : memref<512xi32, #tpu.memory_space<hbm>>) target(%arg13 : memref<512xi32, #tpu.memory_space<vmem>>) target_semaphore(%run_scoped3A : memref<!tpu.dma_semaphore, #tpu.memory_space<semaphore_mem>>)
      %dma_wait3A = tpu.memref_slice %arg3[%mul3A_2] : memref<16384xi32, #tpu.memory_space<hbm>> -> memref<512xi32, #tpu.memory_space<hbm>>
      %dma_wait3A_15 = tpu.memref_slice %arg3[%mul3A_2] : memref<16384xi32, #tpu.memory_space<hbm>> -> memref<512xi32, #tpu.memory_space<hbm>>
      tpu.wait_dma2 semaphore(%run_scoped3A : memref<!tpu.dma_semaphore, #tpu.memory_space<semaphore_mem>>) src(%dma_wait3A_15 : memref<512xi32, #tpu.memory_space<hbm>>) dst(%arg13 : memref<512xi32, #tpu.memory_space<vmem>>)
      tpu.yield
    }) : () -> ()
    "tpu.region"() ({
      %run_scoped3A = tpu.sem_alloc : memref<!tpu.dma_semaphore, #tpu.memory_space<semaphore_mem>>
      %dma_start3A = tpu.memref_slice %arg4[%mul3A_2] : memref<16384xi32, #tpu.memory_space<hbm>> -> memref<512xi32, #tpu.memory_space<hbm>>
      %dma_start3A_14 = tpu.memref_slice %arg4[%mul3A_2] : memref<16384xi32, #tpu.memory_space<hbm>> -> memref<512xi32, #tpu.memory_space<hbm>>
      tpu.enqueue_dma source(%dma_start3A_14 : memref<512xi32, #tpu.memory_space<hbm>>) target(%arg14 : memref<512xi32, #tpu.memory_space<vmem>>) target_semaphore(%run_scoped3A : memref<!tpu.dma_semaphore, #tpu.memory_space<semaphore_mem>>)
      %dma_wait3A = tpu.memref_slice %arg4[%mul3A_2] : memref<16384xi32, #tpu.memory_space<hbm>> -> memref<512xi32, #tpu.memory_space<hbm>>
      %dma_wait3A_15 = tpu.memref_slice %arg4[%mul3A_2] : memref<16384xi32, #tpu.memory_space<hbm>> -> memref<512xi32, #tpu.memory_space<hbm>>
      tpu.wait_dma2 semaphore(%run_scoped3A : memref<!tpu.dma_semaphore, #tpu.memory_space<semaphore_mem>>) src(%dma_wait3A_15 : memref<512xi32, #tpu.memory_space<hbm>>) dst(%arg14 : memref<512xi32, #tpu.memory_space<vmem>>)
      tpu.yield
    }) : () -> ()
    "tpu.region"() ({
      %run_scoped3A = tpu.sem_alloc : memref<!tpu.dma_semaphore, #tpu.memory_space<semaphore_mem>>
      %dma_start3A = tpu.memref_slice %arg5[%mul3A_2] : memref<16384xi32, #tpu.memory_space<hbm>> -> memref<512xi32, #tpu.memory_space<hbm>>
      %dma_start3A_14 = tpu.memref_slice %arg5[%mul3A_2] : memref<16384xi32, #tpu.memory_space<hbm>> -> memref<512xi32, #tpu.memory_space<hbm>>
      tpu.enqueue_dma source(%dma_start3A_14 : memref<512xi32, #tpu.memory_space<hbm>>) target(%arg15 : memref<512xi32, #tpu.memory_space<vmem>>) target_semaphore(%run_scoped3A : memref<!tpu.dma_semaphore, #tpu.memory_space<semaphore_mem>>)
      %dma_wait3A = tpu.memref_slice %arg5[%mul3A_2] : memref<16384xi32, #tpu.memory_space<hbm>> -> memref<512xi32, #tpu.memory_space<hbm>>
      %dma_wait3A_15 = tpu.memref_slice %arg5[%mul3A_2] : memref<16384xi32, #tpu.memory_space<hbm>> -> memref<512xi32, #tpu.memory_space<hbm>>
      tpu.wait_dma2 semaphore(%run_scoped3A : memref<!tpu.dma_semaphore, #tpu.memory_space<semaphore_mem>>) src(%dma_wait3A_15 : memref<512xi32, #tpu.memory_space<hbm>>) dst(%arg15 : memref<512xi32, #tpu.memory_space<vmem>>)
      tpu.yield
    }) : () -> ()
    "tpu.region"() ({
      %run_scoped3A = tpu.sem_alloc : memref<!tpu.dma_semaphore, #tpu.memory_space<semaphore_mem>>
      %dma_start3A = tpu.memref_slice %arg6[%mul3A_2] : memref<16384xi32, #tpu.memory_space<hbm>> -> memref<512xi32, #tpu.memory_space<hbm>>
      %dma_start3A_14 = tpu.memref_slice %arg6[%mul3A_2] : memref<16384xi32, #tpu.memory_space<hbm>> -> memref<512xi32, #tpu.memory_space<hbm>>
      tpu.enqueue_dma source(%dma_start3A_14 : memref<512xi32, #tpu.memory_space<hbm>>) target(%arg16 : memref<512xi32, #tpu.memory_space<vmem>>) target_semaphore(%run_scoped3A : memref<!tpu.dma_semaphore, #tpu.memory_space<semaphore_mem>>)
      %dma_wait3A = tpu.memref_slice %arg6[%mul3A_2] : memref<16384xi32, #tpu.memory_space<hbm>> -> memref<512xi32, #tpu.memory_space<hbm>>
      %dma_wait3A_15 = tpu.memref_slice %arg6[%mul3A_2] : memref<16384xi32, #tpu.memory_space<hbm>> -> memref<512xi32, #tpu.memory_space<hbm>>
      tpu.wait_dma2 semaphore(%run_scoped3A : memref<!tpu.dma_semaphore, #tpu.memory_space<semaphore_mem>>) src(%dma_wait3A_15 : memref<512xi32, #tpu.memory_space<hbm>>) dst(%arg16 : memref<512xi32, #tpu.memory_space<vmem>>)
      tpu.yield
    }) : () -> ()
    "tpu.region"() ({
      %run_scoped3A = tpu.sem_alloc : memref<!tpu.dma_semaphore, #tpu.memory_space<semaphore_mem>>
      %dma_start3A = tpu.memref_slice %arg7[%mul3A_2] : memref<16384xi32, #tpu.memory_space<hbm>> -> memref<512xi32, #tpu.memory_space<hbm>>
      %dma_start3A_14 = tpu.memref_slice %arg7[%mul3A_2] : memref<16384xi32, #tpu.memory_space<hbm>> -> memref<512xi32, #tpu.memory_space<hbm>>
      tpu.enqueue_dma source(%dma_start3A_14 : memref<512xi32, #tpu.memory_space<hbm>>) target(%arg17 : memref<512xi32, #tpu.memory_space<vmem>>) target_semaphore(%run_scoped3A : memref<!tpu.dma_semaphore, #tpu.memory_space<semaphore_mem>>)
      %dma_wait3A = tpu.memref_slice %arg7[%mul3A_2] : memref<16384xi32, #tpu.memory_space<hbm>> -> memref<512xi32, #tpu.memory_space<hbm>>
      %dma_wait3A_15 = tpu.memref_slice %arg7[%mul3A_2] : memref<16384xi32, #tpu.memory_space<hbm>> -> memref<512xi32, #tpu.memory_space<hbm>>
      tpu.wait_dma2 semaphore(%run_scoped3A : memref<!tpu.dma_semaphore, #tpu.memory_space<semaphore_mem>>) src(%dma_wait3A_15 : memref<512xi32, #tpu.memory_space<hbm>>) dst(%arg17 : memref<512xi32, #tpu.memory_space<vmem>>)
      tpu.yield
    }) : () -> ()
    %iota3A = tpu.iota {dimensions = array<i32: 0>} : vector<16xi32>
    %mul3A_3 = arith.constant 8 : i32
    %mul3A_4 = vector.broadcast %mul3A_3 : i32 to vector<16xi32>
    %mul3A_5 = arith.muli %iota3A, %mul3A_4 : vector<16xi32>
    %mul3A_6 = arith.constant 32 : i32
    %mul3A_7 = vector.broadcast %mul3A_6 : i32 to vector<16xi32>
    %mul3A_8 = arith.muli %iota3A, %mul3A_7 : vector<16xi32>
    %scan3A = arith.constant 0 : i32
    %scan3A_9 = arith.constant 0 : i32
    %scan3A_10 = arith.constant 32 : i32
    %scan3A_11 = arith.addi %scan3A_9, %scan3A_10 : i32
    %scan3A_12 = arith.constant 1 : i32
    scf.for %scan3A_14 = %scan3A_9 to %scan3A_11 step %scan3A_12  : i32 {
      %mul3A_15 = arith.constant 16 : i32
      %mul3A_16 = arith.muli %scan3A_14, %mul3A_15 : i32
      %multiple_of3A = tpu.assume_multiple %mul3A_16, 16 : i32
      %get3A = arith.index_cast %multiple_of3A : i32 to index
      %get3A_17 = tpu.vector_load %arg12[%get3A] {strides = array<i32>} : memref<512xi32, #tpu.memory_space<vmem>>, vector<16xi32>,
      %get3A_18 = arith.index_cast %multiple_of3A : i32 to index
      %get3A_19 = tpu.vector_load %arg13[%get3A_18] {strides = array<i32>} : memref<512xi32, #tpu.memory_space<vmem>>, vector<16xi32>,
      %slice3A = vector.extract_strided_slice %get3A_17 {offsets = [0], sizes = [1], strides = [1]} : vector<16xi32> to vector<1xi32>
      %squeeze3A = vector.extract %slice3A[0] : i32 from vector<1xi32>
      %jit3A = arith.constant 128 : i32
      %div3A = arith.divsi %squeeze3A, %jit3A : i32
      %sign3A = arith.constant 0 : i32
      %sign3A_20 = arith.cmpi sgt, %squeeze3A, %sign3A : i32
      %sign3A_21 = arith.extui %sign3A_20 : i1 to i32
      %sign3A_22 = arith.constant 0 : i32
      %sign3A_23 = arith.cmpi slt, %squeeze3A, %sign3A_22 : i32
      %sign3A_24 = arith.extui %sign3A_23 : i1 to i32
      %sign3A_25 = arith.subi %sign3A_21, %sign3A_24 : i32
      %sign3A_26 = arith.constant 0 : i32
      %sign3A_27 = arith.cmpi sgt, %jit3A, %sign3A_26 : i32
      %sign3A_28 = arith.extui %sign3A_27 : i1 to i32
      %sign3A_29 = arith.constant 0 : i32
      %sign3A_30 = arith.cmpi slt, %jit3A, %sign3A_29 : i32
      %sign3A_31 = arith.extui %sign3A_30 : i1 to i32
      %sign3A_32 = arith.subi %sign3A_28, %sign3A_31 : i32
      %ne3A = arith.cmpi ne, %sign3A_25, %sign3A_32 : i32
      %rem3A = arith.remsi %squeeze3A, %jit3A : i32
      %ne3A_33 = arith.constant 0 : i32
      %ne3A_34 = arith.cmpi ne, %rem3A, %ne3A_33 : i32
      %and3A = arith.andi %ne3A, %ne3A_34 : i1
      %sub3A = arith.constant 1 : i32
      %sub3A_35 = arith.subi %div3A, %sub3A : i32
      %select_n3A = arith.select %and3A, %sub3A_35, %div3A : i32
      %mul3A_36 = arith.constant 128 : i32
      %mul3A_37 = arith.muli %select_n3A, %mul3A_36 : i32
      %multiple_of3A_38 = tpu.assume_multiple %mul3A_37, 128 : i32
      %dma_start3A = arith.constant 0 : i32
      %dma_start3A_39 = arith.constant 0 : i32
      %dma_start3A_40 = tpu.memref_slice %arg18[%dma_start3A, %dma_start3A_39] : memref<512x128xf32, #tpu.memory_space<vmem>> -> memref<32x128xf32, #tpu.memory_space<vmem>>
      %dma_start3A_41 = arith.constant 0 : i32
      %dma_start3A_42 = tpu.memref_slice %arg8[%dma_start3A_41, %multiple_of3A_38] : memref<32x1000000xf32, #tpu.memory_space<hbm>> -> memref<32x128xf32, #tpu.memory_space<hbm>>
      %dma_start3A_43 = arith.constant 0 : i32
      %dma_start3A_44 = arith.constant 0 : i32
      %dma_start3A_45 = tpu.memref_slice %arg18[%dma_start3A_43, %dma_start3A_44] : memref<512x128xf32, #tpu.memory_space<vmem>> -> memref<32x128xf32, #tpu.memory_space<vmem>>
      %dma_start3A_46 = arith.constant 0 : i32
      %dma_start3A_47 = tpu.memref_slice %arg8[%dma_start3A_46, %multiple_of3A_38] : memref<32x1000000xf32, #tpu.memory_space<hbm>> -> memref<32x128xf32, #tpu.memory_space<hbm>>
      tpu.enqueue_dma source(%dma_start3A_47 : memref<32x128xf32, #tpu.memory_space<hbm>>) target(%dma_start3A_45 : memref<32x128xf32, #tpu.memory_space<vmem>>) target_semaphore(%arg22 : memref<!tpu.dma_semaphore, #tpu.memory_space<semaphore_mem>>)
      %slice3A_48 = vector.extract_strided_slice %get3A_17 {offsets = [1], sizes = [1], strides = [1]} : vector<16xi32> to vector<1xi32>
      %squeeze3A_49 = vector.extract %slice3A_48[0] : i32 from vector<1xi32>
      %jit3A_50 = arith.constant 128 : i32
      %div3A_51 = arith.divsi %squeeze3A_49, %jit3A_50 : i32
      %sign3A_52 = arith.constant 0 : i32
      %sign3A_53 = arith.cmpi sgt, %squeeze3A_49, %sign3A_52 : i32
      %sign3A_54 = arith.extui %sign3A_53 : i1 to i32
      %sign3A_55 = arith.constant 0 : i32
      %sign3A_56 = arith.cmpi slt, %squeeze3A_49, %sign3A_55 : i32
      %sign3A_57 = arith.extui %sign3A_56 : i1 to i32
      %sign3A_58 = arith.subi %sign3A_54, %sign3A_57 : i32
      %sign3A_59 = arith.constant 0 : i32
      %sign3A_60 = arith.cmpi sgt, %jit3A_50, %sign3A_59 : i32
      %sign3A_61 = arith.extui %sign3A_60 : i1 to i32
      %sign3A_62 = arith.constant 0 : i32
      %sign3A_63 = arith.cmpi slt, %jit3A_50, %sign3A_62 : i32
      %sign3A_64 = arith.extui %sign3A_63 : i1 to i32
      %sign3A_65 = arith.subi %sign3A_61, %sign3A_64 : i32
      %ne3A_66 = arith.cmpi ne, %sign3A_58, %sign3A_65 : i32
      %rem3A_67 = arith.remsi %squeeze3A_49, %jit3A_50 : i32
      %ne3A_68 = arith.constant 0 : i32
      %ne3A_69 = arith.cmpi ne, %rem3A_67, %ne3A_68 : i32
      %and3A_70 = arith.andi %ne3A_66, %ne3A_69 : i1
      %sub3A_71 = arith.constant 1 : i32
      %sub3A_72 = arith.subi %div3A_51, %sub3A_71 : i32
      %select_n3A_73 = arith.select %and3A_70, %sub3A_72, %div3A_51 : i32
      %mul3A_74 = arith.constant 128 : i32
      %mul3A_75 = arith.muli %select_n3A_73, %mul3A_74 : i32
      %multiple_of3A_76 = tpu.assume_multiple %mul3A_75, 128 : i32
      %dma_start3A_77 = arith.constant 32 : i32
      %dma_start3A_78 = arith.constant 0 : i32
      %dma_start3A_79 = tpu.memref_slice %arg18[%dma_start3A_77, %dma_start3A_78] : memref<512x128xf32, #tpu.memory_space<vmem>> -> memref<32x128xf32, #tpu.memory_space<vmem>>
      %dma_start3A_80 = arith.constant 0 : i32
      %dma_start3A_81 = tpu.memref_slice %arg8[%dma_start3A_80, %multiple_of3A_76] : memref<32x1000000xf32, #tpu.memory_space<hbm>> -> memref<32x128xf32, #tpu.memory_space<hbm>>
      %dma_start3A_82 = arith.constant 32 : i32
      %dma_start3A_83 = arith.constant 0 : i32
      %dma_start3A_84 = tpu.memref_slice %arg18[%dma_start3A_82, %dma_start3A_83] : memref<512x128xf32, #tpu.memory_space<vmem>> -> memref<32x128xf32, #tpu.memory_space<vmem>>
      %dma_start3A_85 = arith.constant 0 : i32
      %dma_start3A_86 = tpu.memref_slice %arg8[%dma_start3A_85, %multiple_of3A_76] : memref<32x1000000xf32, #tpu.memory_space<hbm>> -> memref<32x128xf32, #tpu.memory_space<hbm>>
      tpu.enqueue_dma source(%dma_start3A_86 : memref<32x128xf32, #tpu.memory_space<hbm>>) target(%dma_start3A_84 : memref<32x128xf32, #tpu.memory_space<vmem>>) target_semaphore(%arg22 : memref<!tpu.dma_semaphore, #tpu.memory_space<semaphore_mem>>)
      %slice3A_87 = vector.extract_strided_slice %get3A_17 {offsets = [2], sizes = [1], strides = [1]} : vector<16xi32> to vector<1xi32>
      %squeeze3A_88 = vector.extract %slice3A_87[0] : i32 from vector<1xi32>
      %jit3A_89 = arith.constant 128 : i32
      %div3A_90 = arith.divsi %squeeze3A_88, %jit3A_89 : i32
      %sign3A_91 = arith.constant 0 : i32
      %sign3A_92 = arith.cmpi sgt, %squeeze3A_88, %sign3A_91 : i32
      %sign3A_93 = arith.extui %sign3A_92 : i1 to i32
      %sign3A_94 = arith.constant 0 : i32
      %sign3A_95 = arith.cmpi slt, %squeeze3A_88, %sign3A_94 : i32
      %sign3A_96 = arith.extui %sign3A_95 : i1 to i32
      %sign3A_97 = arith.subi %sign3A_93, %sign3A_96 : i32
      %sign3A_98 = arith.constant 0 : i32
      %sign3A_99 = arith.cmpi sgt, %jit3A_89, %sign3A_98 : i32
      %sign3A_100 = arith.extui %sign3A_99 : i1 to i32
      %sign3A_101 = arith.constant 0 : i32
      %sign3A_102 = arith.cmpi slt, %jit3A_89, %sign3A_101 : i32
      %sign3A_103 = arith.extui %sign3A_102 : i1 to i32
      %sign3A_104 = arith.subi %sign3A_100, %sign3A_103 : i32
      %ne3A_105 = arith.cmpi ne, %sign3A_97, %sign3A_104 : i32
      %rem3A_106 = arith.remsi %squeeze3A_88, %jit3A_89 : i32
      %ne3A_107 = arith.constant 0 : i32
      %ne3A_108 = arith.cmpi ne, %rem3A_106, %ne3A_107 : i32
      %and3A_109 = arith.andi %ne3A_105, %ne3A_108 : i1
      %sub3A_110 = arith.constant 1 : i32
      %sub3A_111 = arith.subi %div3A_90, %sub3A_110 : i32
      %select_n3A_112 = arith.select %and3A_109, %sub3A_111, %div3A_90 : i32
      %mul3A_113 = arith.constant 128 : i32
      %mul3A_114 = arith.muli %select_n3A_112, %mul3A_113 : i32
      %multiple_of3A_115 = tpu.assume_multiple %mul3A_114, 128 : i32
      %dma_start3A_116 = arith.constant 64 : i32
      %dma_start3A_117 = arith.constant 0 : i32
      %dma_start3A_118 = tpu.memref_slice %arg18[%dma_start3A_116, %dma_start3A_117] : memref<512x128xf32, #tpu.memory_space<vmem>> -> memref<32x128xf32, #tpu.memory_space<vmem>>
      %dma_start3A_119 = arith.constant 0 : i32
      %dma_start3A_120 = tpu.memref_slice %arg8[%dma_start3A_119, %multiple_of3A_115] : memref<32x1000000xf32, #tpu.memory_space<hbm>> -> memref<32x128xf32, #tpu.memory_space<hbm>>
      %dma_start3A_121 = arith.constant 64 : i32
      %dma_start3A_122 = arith.constant 0 : i32
      %dma_start3A_123 = tpu.memref_slice %arg18[%dma_start3A_121, %dma_start3A_122] : memref<512x128xf32, #tpu.memory_space<vmem>> -> memref<32x128xf32, #tpu.memory_space<vmem>>
      %dma_start3A_124 = arith.constant 0 : i32
      %dma_start3A_125 = tpu.memref_slice %arg8[%dma_start3A_124, %multiple_of3A_115] : memref<32x1000000xf32, #tpu.memory_space<hbm>> -> memref<32x128xf32, #tpu.memory_space<hbm>>
      tpu.enqueue_dma source(%dma_start3A_125 : memref<32x128xf32, #tpu.memory_space<hbm>>) target(%dma_start3A_123 : memref<32x128xf32, #tpu.memory_space<vmem>>) target_semaphore(%arg22 : memref<!tpu.dma_semaphore, #tpu.memory_space<semaphore_mem>>)
      %slice3A_126 = vector.extract_strided_slice %get3A_17 {offsets = [3], sizes = [1], strides = [1]} : vector<16xi32> to vector<1xi32>
      %squeeze3A_127 = vector.extract %slice3A_126[0] : i32 from vector<1xi32>
      %jit3A_128 = arith.constant 128 : i32
      %div3A_129 = arith.divsi %squeeze3A_127, %jit3A_128 : i32
      %sign3A_130 = arith.constant 0 : i32
      %sign3A_131 = arith.cmpi sgt, %squeeze3A_127, %sign3A_130 : i32
      %sign3A_132 = arith.extui %sign3A_131 : i1 to i32
      %sign3A_133 = arith.constant 0 : i32
      %sign3A_134 = arith.cmpi slt, %squeeze3A_127, %sign3A_133 : i32
      %sign3A_135 = arith.extui %sign3A_134 : i1 to i32
      %sign3A_136 = arith.subi %sign3A_132, %sign3A_135 : i32
      %sign3A_137 = arith.constant 0 : i32
      %sign3A_138 = arith.cmpi sgt, %jit3A_128, %sign3A_137 : i32
      %sign3A_139 = arith.extui %sign3A_138 : i1 to i32
      %sign3A_140 = arith.constant 0 : i32
      %sign3A_141 = arith.cmpi slt, %jit3A_128, %sign3A_140 : i32
      %sign3A_142 = arith.extui %sign3A_141 : i1 to i32
      %sign3A_143 = arith.subi %sign3A_139, %sign3A_142 : i32
      %ne3A_144 = arith.cmpi ne, %sign3A_136, %sign3A_143 : i32
      %rem3A_145 = arith.remsi %squeeze3A_127, %jit3A_128 : i32
      %ne3A_146 = arith.constant 0 : i32
      %ne3A_147 = arith.cmpi ne, %rem3A_145, %ne3A_146 : i32
      %and3A_148 = arith.andi %ne3A_144, %ne3A_147 : i1
      %sub3A_149 = arith.constant 1 : i32
      %sub3A_150 = arith.subi %div3A_129, %sub3A_149 : i32
      %select_n3A_151 = arith.select %and3A_148, %sub3A_150, %div3A_129 : i32
      %mul3A_152 = arith.constant 128 : i32
      %mul3A_153 = arith.muli %select_n3A_151, %mul3A_152 : i32
      %multiple_of3A_154 = tpu.assume_multiple %mul3A_153, 128 : i32
      %dma_start3A_155 = arith.constant 96 : i32
      %dma_start3A_156 = arith.constant 0 : i32
      %dma_start3A_157 = tpu.memref_slice %arg18[%dma_start3A_155, %dma_start3A_156] : memref<512x128xf32, #tpu.memory_space<vmem>> -> memref<32x128xf32, #tpu.memory_space<vmem>>
      %dma_start3A_158 = arith.constant 0 : i32
      %dma_start3A_159 = tpu.memref_slice %arg8[%dma_start3A_158, %multiple_of3A_154] : memref<32x1000000xf32, #tpu.memory_space<hbm>> -> memref<32x128xf32, #tpu.memory_space<hbm>>
      %dma_start3A_160 = arith.constant 96 : i32
      %dma_start3A_161 = arith.constant 0 : i32
      %dma_start3A_162 = tpu.memref_slice %arg18[%dma_start3A_160, %dma_start3A_161] : memref<512x128xf32, #tpu.memory_space<vmem>> -> memref<32x128xf32, #tpu.memory_space<vmem>>
      %dma_start3A_163 = arith.constant 0 : i32
      %dma_start3A_164 = tpu.memref_slice %arg8[%dma_start3A_163, %multiple_of3A_154] : memref<32x1000000xf32, #tpu.memory_space<hbm>> -> memref<32x128xf32, #tpu.memory_space<hbm>>
      tpu.enqueue_dma source(%dma_start3A_164 : memref<32x128xf32, #tpu.memory_space<hbm>>) target(%dma_start3A_162 : memref<32x128xf32, #tpu.memory_space<vmem>>) target_semaphore(%arg22 : memref<!tpu.dma_semaphore, #tpu.memory_space<semaphore_mem>>)
      %slice3A_165 = vector.extract_strided_slice %get3A_17 {offsets = [4], sizes = [1], strides = [1]} : vector<16xi32> to vector<1xi32>
      %squeeze3A_166 = vector.extract %slice3A_165[0] : i32 from vector<1xi32>
      %jit3A_167 = arith.constant 128 : i32
      %div3A_168 = arith.divsi %squeeze3A_166, %jit3A_167 : i32
      %sign3A_169 = arith.constant 0 : i32
      %sign3A_170 = arith.cmpi sgt, %squeeze3A_166, %sign3A_169 : i32
      %sign3A_171 = arith.extui %sign3A_170 : i1 to i32
      %sign3A_172 = arith.constant 0 : i32
      %sign3A_173 = arith.cmpi slt, %squeeze3A_166, %sign3A_172 : i32
      %sign3A_174 = arith.extui %sign3A_173 : i1 to i32
      %sign3A_175 = arith.subi %sign3A_171, %sign3A_174 : i32
      %sign3A_176 = arith.constant 0 : i32
      %sign3A_177 = arith.cmpi sgt, %jit3A_167, %sign3A_176 : i32
      %sign3A_178 = arith.extui %sign3A_177 : i1 to i32
      %sign3A_179 = arith.constant 0 : i32
      %sign3A_180 = arith.cmpi slt, %jit3A_167, %sign3A_179 : i32
      %sign3A_181 = arith.extui %sign3A_180 : i1 to i32
      %sign3A_182 = arith.subi %sign3A_178, %sign3A_181 : i32
      %ne3A_183 = arith.cmpi ne, %sign3A_175, %sign3A_182 : i32
      %rem3A_184 = arith.remsi %squeeze3A_166, %jit3A_167 : i32
      %ne3A_185 = arith.constant 0 : i32
      %ne3A_186 = arith.cmpi ne, %rem3A_184, %ne3A_185 : i32
      %and3A_187 = arith.andi %ne3A_183, %ne3A_186 : i1
      %sub3A_188 = arith.constant 1 : i32
      %sub3A_189 = arith.subi %div3A_168, %sub3A_188 : i32
      %select_n3A_190 = arith.select %and3A_187, %sub3A_189, %div3A_168 : i32
      %mul3A_191 = arith.constant 128 : i32
      %mul3A_192 = arith.muli %select_n3A_190, %mul3A_191 : i32
      %multiple_of3A_193 = tpu.assume_multiple %mul3A_192, 128 : i32
      %dma_start3A_194 = arith.constant 128 : i32
      %dma_start3A_195 = arith.constant 0 : i32
      %dma_start3A_196 = tpu.memref_slice %arg18[%dma_start3A_194, %dma_start3A_195] : memref<512x128xf32, #tpu.memory_space<vmem>> -> memref<32x128xf32, #tpu.memory_space<vmem>>
      %dma_start3A_197 = arith.constant 0 : i32
      %dma_start3A_198 = tpu.memref_slice %arg8[%dma_start3A_197, %multiple_of3A_193] : memref<32x1000000xf32, #tpu.memory_space<hbm>> -> memref<32x128xf32, #tpu.memory_space<hbm>>
      %dma_start3A_199 = arith.constant 128 : i32
      %dma_start3A_200 = arith.constant 0 : i32
      %dma_start3A_201 = tpu.memref_slice %arg18[%dma_start3A_199, %dma_start3A_200] : memref<512x128xf32, #tpu.memory_space<vmem>> -> memref<32x128xf32, #tpu.memory_space<vmem>>
      %dma_start3A_202 = arith.constant 0 : i32
      %dma_start3A_203 = tpu.memref_slice %arg8[%dma_start3A_202, %multiple_of3A_193] : memref<32x1000000xf32, #tpu.memory_space<hbm>> -> memref<32x128xf32, #tpu.memory_space<hbm>>
      tpu.enqueue_dma source(%dma_start3A_203 : memref<32x128xf32, #tpu.memory_space<hbm>>) target(%dma_start3A_201 : memref<32x128xf32, #tpu.memory_space<vmem>>) target_semaphore(%arg22 : memref<!tpu.dma_semaphore, #tpu.memory_space<semaphore_mem>>)
      %slice3A_204 = vector.extract_strided_slice %get3A_17 {offsets = [5], sizes = [1], strides = [1]} : vector<16xi32> to vector<1xi32>
      %squeeze3A_205 = vector.extract %slice3A_204[0] : i32 from vector<1xi32>
      %jit3A_206 = arith.constant 128 : i32
      %div3A_207 = arith.divsi %squeeze3A_205, %jit3A_206 : i32
      %sign3A_208 = arith.constant 0 : i32
      %sign3A_209 = arith.cmpi sgt, %squeeze3A_205, %sign3A_208 : i32
      %sign3A_210 = arith.extui %sign3A_209 : i1 to i32
      %sign3A_211 = arith.constant 0 : i32
      %sign3A_212 = arith.cmpi slt, %squeeze3A_205, %sign3A_211 : i32
      %sign3A_213 = arith.extui %sign3A_212 : i1 to i32
      %sign3A_214 = arith.subi %sign3A_210, %sign3A_213 : i32
      %sign3A_215 = arith.constant 0 : i32
      %sign3A_216 = arith.cmpi sgt, %jit3A_206, %sign3A_215 : i32
      %sign3A_217 = arith.extui %sign3A_216 : i1 to i32
      %sign3A_218 = arith.constant 0 : i32
      %sign3A_219 = arith.cmpi slt, %jit3A_206, %sign3A_218 : i32
      %sign3A_220 = arith.extui %sign3A_219 : i1 to i32
      %sign3A_221 = arith.subi %sign3A_217, %sign3A_220 : i32
      %ne3A_222 = arith.cmpi ne, %sign3A_214, %sign3A_221 : i32
      %rem3A_223 = arith.remsi %squeeze3A_205, %jit3A_206 : i32
      %ne3A_224 = arith.constant 0 : i32
      %ne3A_225 = arith.cmpi ne, %rem3A_223, %ne3A_224 : i32
      %and3A_226 = arith.andi %ne3A_222, %ne3A_225 : i1
      %sub3A_227 = arith.constant 1 : i32
      %sub3A_228 = arith.subi %div3A_207, %sub3A_227 : i32
      %select_n3A_229 = arith.select %and3A_226, %sub3A_228, %div3A_207 : i32
      %mul3A_230 = arith.constant 128 : i32
      %mul3A_231 = arith.muli %select_n3A_229, %mul3A_230 : i32
      %multiple_of3A_232 = tpu.assume_multiple %mul3A_231, 128 : i32
      %dma_start3A_233 = arith.constant 160 : i32
      %dma_start3A_234 = arith.constant 0 : i32
      %dma_start3A_235 = tpu.memref_slice %arg18[%dma_start3A_233, %dma_start3A_234] : memref<512x128xf32, #tpu.memory_space<vmem>> -> memref<32x128xf32, #tpu.memory_space<vmem>>
      %dma_start3A_236 = arith.constant 0 : i32
      %dma_start3A_237 = tpu.memref_slice %arg8[%dma_start3A_236, %multiple_of3A_232] : memref<32x1000000xf32, #tpu.memory_space<hbm>> -> memref<32x128xf32, #tpu.memory_space<hbm>>
      %dma_start3A_238 = arith.constant 160 : i32
      %dma_start3A_239 = arith.constant 0 : i32
      %dma_start3A_240 = tpu.memref_slice %arg18[%dma_start3A_238, %dma_start3A_239] : memref<512x128xf32, #tpu.memory_space<vmem>> -> memref<32x128xf32, #tpu.memory_space<vmem>>
      %dma_start3A_241 = arith.constant 0 : i32
      %dma_start3A_242 = tpu.memref_slice %arg8[%dma_start3A_241, %multiple_of3A_232] : memref<32x1000000xf32, #tpu.memory_space<hbm>> -> memref<32x128xf32, #tpu.memory_space<hbm>>
      tpu.enqueue_dma source(%dma_start3A_242 : memref<32x128xf32, #tpu.memory_space<hbm>>) target(%dma_start3A_240 : memref<32x128xf32, #tpu.memory_space<vmem>>) target_semaphore(%arg22 : memref<!tpu.dma_semaphore, #tpu.memory_space<semaphore_mem>>)
      %slice3A_243 = vector.extract_strided_slice %get3A_17 {offsets = [6], sizes = [1], strides = [1]} : vector<16xi32> to vector<1xi32>
      %squeeze3A_244 = vector.extract %slice3A_243[0] : i32 from vector<1xi32>
      %jit3A_245 = arith.constant 128 : i32
      %div3A_246 = arith.divsi %squeeze3A_244, %jit3A_245 : i32
      %sign3A_247 = arith.constant 0 : i32
      %sign3A_248 = arith.cmpi sgt, %squeeze3A_244, %sign3A_247 : i32
      %sign3A_249 = arith.extui %sign3A_248 : i1 to i32
      %sign3A_250 = arith.constant 0 : i32
      %sign3A_251 = arith.cmpi slt, %squeeze3A_244, %sign3A_250 : i32
      %sign3A_252 = arith.extui %sign3A_251 : i1 to i32
      %sign3A_253 = arith.subi %sign3A_249, %sign3A_252 : i32
      %sign3A_254 = arith.constant 0 : i32
      %sign3A_255 = arith.cmpi sgt, %jit3A_245, %sign3A_254 : i32
      %sign3A_256 = arith.extui %sign3A_255 : i1 to i32
      %sign3A_257 = arith.constant 0 : i32
      %sign3A_258 = arith.cmpi slt, %jit3A_245, %sign3A_257 : i32
      %sign3A_259 = arith.extui %sign3A_258 : i1 to i32
      %sign3A_260 = arith.subi %sign3A_256, %sign3A_259 : i32
      %ne3A_261 = arith.cmpi ne, %sign3A_253, %sign3A_260 : i32
      %rem3A_262 = arith.remsi %squeeze3A_244, %jit3A_245 : i32
      %ne3A_263 = arith.constant 0 : i32
      %ne3A_264 = arith.cmpi ne, %rem3A_262, %ne3A_263 : i32
      %and3A_265 = arith.andi %ne3A_261, %ne3A_264 : i1
      %sub3A_266 = arith.constant 1 : i32
      %sub3A_267 = arith.subi %div3A_246, %sub3A_266 : i32
      %select_n3A_268 = arith.select %and3A_265, %sub3A_267, %div3A_246 : i32
      %mul3A_269 = arith.constant 128 : i32
      %mul3A_270 = arith.muli %select_n3A_268, %mul3A_269 : i32
      %multiple_of3A_271 = tpu.assume_multiple %mul3A_270, 128 : i32
      %dma_start3A_272 = arith.constant 192 : i32
      %dma_start3A_273 = arith.constant 0 : i32
      %dma_start3A_274 = tpu.memref_slice %arg18[%dma_start3A_272, %dma_start3A_273] : memref<512x128xf32, #tpu.memory_space<vmem>> -> memref<32x128xf32, #tpu.memory_space<vmem>>
      %dma_start3A_275 = arith.constant 0 : i32
      %dma_start3A_276 = tpu.memref_slice %arg8[%dma_start3A_275, %multiple_of3A_271] : memref<32x1000000xf32, #tpu.memory_space<hbm>> -> memref<32x128xf32, #tpu.memory_space<hbm>>
      %dma_start3A_277 = arith.constant 192 : i32
      %dma_start3A_278 = arith.constant 0 : i32
      %dma_start3A_279 = tpu.memref_slice %arg18[%dma_start3A_277, %dma_start3A_278] : memref<512x128xf32, #tpu.memory_space<vmem>> -> memref<32x128xf32, #tpu.memory_space<vmem>>
      %dma_start3A_280 = arith.constant 0 : i32
      %dma_start3A_281 = tpu.memref_slice %arg8[%dma_start3A_280, %multiple_of3A_271] : memref<32x1000000xf32, #tpu.memory_space<hbm>> -> memref<32x128xf32, #tpu.memory_space<hbm>>
      tpu.enqueue_dma source(%dma_start3A_281 : memref<32x128xf32, #tpu.memory_space<hbm>>) target(%dma_start3A_279 : memref<32x128xf32, #tpu.memory_space<vmem>>) target_semaphore(%arg22 : memref<!tpu.dma_semaphore, #tpu.memory_space<semaphore_mem>>)
      %slice3A_282 = vector.extract_strided_slice %get3A_17 {offsets = [7], sizes = [1], strides = [1]} : vector<16xi32> to vector<1xi32>
      %squeeze3A_283 = vector.extract %slice3A_282[0] : i32 from vector<1xi32>
      %jit3A_284 = arith.constant 128 : i32
      %div3A_285 = arith.divsi %squeeze3A_283, %jit3A_284 : i32
      %sign3A_286 = arith.constant 0 : i32
      %sign3A_287 = arith.cmpi sgt, %squeeze3A_283, %sign3A_286 : i32
      %sign3A_288 = arith.extui %sign3A_287 : i1 to i32
      %sign3A_289 = arith.constant 0 : i32
      %sign3A_290 = arith.cmpi slt, %squeeze3A_283, %sign3A_289 : i32
      %sign3A_291 = arith.extui %sign3A_290 : i1 to i32
      %sign3A_292 = arith.subi %sign3A_288, %sign3A_291 : i32
      %sign3A_293 = arith.constant 0 : i32
      %sign3A_294 = arith.cmpi sgt, %jit3A_284, %sign3A_293 : i32
      %sign3A_295 = arith.extui %sign3A_294 : i1 to i32
      %sign3A_296 = arith.constant 0 : i32
      %sign3A_297 = arith.cmpi slt, %jit3A_284, %sign3A_296 : i32
      %sign3A_298 = arith.extui %sign3A_297 : i1 to i32
      %sign3A_299 = arith.subi %sign3A_295, %sign3A_298 : i32
      %ne3A_300 = arith.cmpi ne, %sign3A_292, %sign3A_299 : i32
      %rem3A_301 = arith.remsi %squeeze3A_283, %jit3A_284 : i32
      %ne3A_302 = arith.constant 0 : i32
      %ne3A_303 = arith.cmpi ne, %rem3A_301, %ne3A_302 : i32
      %and3A_304 = arith.andi %ne3A_300, %ne3A_303 : i1
      %sub3A_305 = arith.constant 1 : i32
      %sub3A_306 = arith.subi %div3A_285, %sub3A_305 : i32
      %select_n3A_307 = arith.select %and3A_304, %sub3A_306, %div3A_285 : i32
      %mul3A_308 = arith.constant 128 : i32
      %mul3A_309 = arith.muli %select_n3A_307, %mul3A_308 : i32
      %multiple_of3A_310 = tpu.assume_multiple %mul3A_309, 128 : i32
      %dma_start3A_311 = arith.constant 224 : i32
      %dma_start3A_312 = arith.constant 0 : i32
      %dma_start3A_313 = tpu.memref_slice %arg18[%dma_start3A_311, %dma_start3A_312] : memref<512x128xf32, #tpu.memory_space<vmem>> -> memref<32x128xf32, #tpu.memory_space<vmem>>
      %dma_start3A_314 = arith.constant 0 : i32
      %dma_start3A_315 = tpu.memref_slice %arg8[%dma_start3A_314, %multiple_of3A_310] : memref<32x1000000xf32, #tpu.memory_space<hbm>> -> memref<32x128xf32, #tpu.memory_space<hbm>>
      %dma_start3A_316 = arith.constant 224 : i32
      %dma_start3A_317 = arith.constant 0 : i32
      %dma_start3A_318 = tpu.memref_slice %arg18[%dma_start3A_316, %dma_start3A_317] : memref<512x128xf32, #tpu.memory_space<vmem>> -> memref<32x128xf32, #tpu.memory_space<vmem>>
      %dma_start3A_319 = arith.constant 0 : i32
      %dma_start3A_320 = tpu.memref_slice %arg8[%dma_start3A_319, %multiple_of3A_310] : memref<32x1000000xf32, #tpu.memory_space<hbm>> -> memref<32x128xf32, #tpu.memory_space<hbm>>
      tpu.enqueue_dma source(%dma_start3A_320 : memref<32x128xf32, #tpu.memory_space<hbm>>) target(%dma_start3A_318 : memref<32x128xf32, #tpu.memory_space<vmem>>) target_semaphore(%arg22 : memref<!tpu.dma_semaphore, #tpu.memory_space<semaphore_mem>>)
      %slice3A_321 = vector.extract_strided_slice %get3A_17 {offsets = [8], sizes = [1], strides = [1]} : vector<16xi32> to vector<1xi32>
      %squeeze3A_322 = vector.extract %slice3A_321[0] : i32 from vector<1xi32>
      %jit3A_323 = arith.constant 128 : i32
      %div3A_324 = arith.divsi %squeeze3A_322, %jit3A_323 : i32
      %sign3A_325 = arith.constant 0 : i32
      %sign3A_326 = arith.cmpi sgt, %squeeze3A_322, %sign3A_325 : i32
      %sign3A_327 = arith.extui %sign3A_326 : i1 to i32
      %sign3A_328 = arith.constant 0 : i32
      %sign3A_329 = arith.cmpi slt, %squeeze3A_322, %sign3A_328 : i32
      %sign3A_330 = arith.extui %sign3A_329 : i1 to i32
      %sign3A_331 = arith.subi %sign3A_327, %sign3A_330 : i32
      %sign3A_332 = arith.constant 0 : i32
      %sign3A_333 = arith.cmpi sgt, %jit3A_323, %sign3A_332 : i32
      %sign3A_334 = arith.extui %sign3A_333 : i1 to i32
      %sign3A_335 = arith.constant 0 : i32
      %sign3A_336 = arith.cmpi slt, %jit3A_323, %sign3A_335 : i32
      %sign3A_337 = arith.extui %sign3A_336 : i1 to i32
      %sign3A_338 = arith.subi %sign3A_334, %sign3A_337 : i32
      %ne3A_339 = arith.cmpi ne, %sign3A_331, %sign3A_338 : i32
      %rem3A_340 = arith.remsi %squeeze3A_322, %jit3A_323 : i32
      %ne3A_341 = arith.constant 0 : i32
      %ne3A_342 = arith.cmpi ne, %rem3A_340, %ne3A_341 : i32
      %and3A_343 = arith.andi %ne3A_339, %ne3A_342 : i1
      %sub3A_344 = arith.constant 1 : i32
      %sub3A_345 = arith.subi %div3A_324, %sub3A_344 : i32
      %select_n3A_346 = arith.select %and3A_343, %sub3A_345, %div3A_324 : i32
      %mul3A_347 = arith.constant 128 : i32
      %mul3A_348 = arith.muli %select_n3A_346, %mul3A_347 : i32
      %multiple_of3A_349 = tpu.assume_multiple %mul3A_348, 128 : i32
      %dma_start3A_350 = arith.constant 256 : i32
      %dma_start3A_351 = arith.constant 0 : i32
      %dma_start3A_352 = tpu.memref_slice %arg18[%dma_start3A_350, %dma_start3A_351] : memref<512x128xf32, #tpu.memory_space<vmem>> -> memref<32x128xf32, #tpu.memory_space<vmem>>
      %dma_start3A_353 = arith.constant 0 : i32
      %dma_start3A_354 = tpu.memref_slice %arg8[%dma_start3A_353, %multiple_of3A_349] : memref<32x1000000xf32, #tpu.memory_space<hbm>> -> memref<32x128xf32, #tpu.memory_space<hbm>>
      %dma_start3A_355 = arith.constant 256 : i32
      %dma_start3A_356 = arith.constant 0 : i32
      %dma_start3A_357 = tpu.memref_slice %arg18[%dma_start3A_355, %dma_start3A_356] : memref<512x128xf32, #tpu.memory_space<vmem>> -> memref<32x128xf32, #tpu.memory_space<vmem>>
      %dma_start3A_358 = arith.constant 0 : i32
      %dma_start3A_359 = tpu.memref_slice %arg8[%dma_start3A_358, %multiple_of3A_349] : memref<32x1000000xf32, #tpu.memory_space<hbm>> -> memref<32x128xf32, #tpu.memory_space<hbm>>
      tpu.enqueue_dma source(%dma_start3A_359 : memref<32x128xf32, #tpu.memory_space<hbm>>) target(%dma_start3A_357 : memref<32x128xf32, #tpu.memory_space<vmem>>) target_semaphore(%arg22 : memref<!tpu.dma_semaphore, #tpu.memory_space<semaphore_mem>>)
      %slice3A_360 = vector.extract_strided_slice %get3A_17 {offsets = [9], sizes = [1], strides = [1]} : vector<16xi32> to vector<1xi32>
      %squeeze3A_361 = vector.extract %slice3A_360[0] : i32 from vector<1xi32>
      %jit3A_362 = arith.constant 128 : i32
      %div3A_363 = arith.divsi %squeeze3A_361, %jit3A_362 : i32
      %sign3A_364 = arith.constant 0 : i32
      %sign3A_365 = arith.cmpi sgt, %squeeze3A_361, %sign3A_364 : i32
      %sign3A_366 = arith.extui %sign3A_365 : i1 to i32
      %sign3A_367 = arith.constant 0 : i32
      %sign3A_368 = arith.cmpi slt, %squeeze3A_361, %sign3A_367 : i32
      %sign3A_369 = arith.extui %sign3A_368 : i1 to i32
      %sign3A_370 = arith.subi %sign3A_366, %sign3A_369 : i32
      %sign3A_371 = arith.constant 0 : i32
      %sign3A_372 = arith.cmpi sgt, %jit3A_362, %sign3A_371 : i32
      %sign3A_373 = arith.extui %sign3A_372 : i1 to i32
      %sign3A_374 = arith.constant 0 : i32
      %sign3A_375 = arith.cmpi slt, %jit3A_362, %sign3A_374 : i32
      %sign3A_376 = arith.extui %sign3A_375 : i1 to i32
      %sign3A_377 = arith.subi %sign3A_373, %sign3A_376 : i32
      %ne3A_378 = arith.cmpi ne, %sign3A_370, %sign3A_377 : i32
      %rem3A_379 = arith.remsi %squeeze3A_361, %jit3A_362 : i32
      %ne3A_380 = arith.constant 0 : i32
      %ne3A_381 = arith.cmpi ne, %rem3A_379, %ne3A_380 : i32
      %and3A_382 = arith.andi %ne3A_378, %ne3A_381 : i1
      %sub3A_383 = arith.constant 1 : i32
      %sub3A_384 = arith.subi %div3A_363, %sub3A_383 : i32
      %select_n3A_385 = arith.select %and3A_382, %sub3A_384, %div3A_363 : i32
      %mul3A_386 = arith.constant 128 : i32
      %mul3A_387 = arith.muli %select_n3A_385, %mul3A_386 : i32
      %multiple_of3A_388 = tpu.assume_multiple %mul3A_387, 128 : i32
      %dma_start3A_389 = arith.constant 288 : i32
      %dma_start3A_390 = arith.constant 0 : i32
      %dma_start3A_391 = tpu.memref_slice %arg18[%dma_start3A_389, %dma_start3A_390] : memref<512x128xf32, #tpu.memory_space<vmem>> -> memref<32x128xf32, #tpu.memory_space<vmem>>
      %dma_start3A_392 = arith.constant 0 : i32
      %dma_start3A_393 = tpu.memref_slice %arg8[%dma_start3A_392, %multiple_of3A_388] : memref<32x1000000xf32, #tpu.memory_space<hbm>> -> memref<32x128xf32, #tpu.memory_space<hbm>>
      %dma_start3A_394 = arith.constant 288 : i32
      %dma_start3A_395 = arith.constant 0 : i32
      %dma_start3A_396 = tpu.memref_slice %arg18[%dma_start3A_394, %dma_start3A_395] : memref<512x128xf32, #tpu.memory_space<vmem>> -> memref<32x128xf32, #tpu.memory_space<vmem>>
      %dma_start3A_397 = arith.constant 0 : i32
      %dma_start3A_398 = tpu.memref_slice %arg8[%dma_start3A_397, %multiple_of3A_388] : memref<32x1000000xf32, #tpu.memory_space<hbm>> -> memref<32x128xf32, #tpu.memory_space<hbm>>
      tpu.enqueue_dma source(%dma_start3A_398 : memref<32x128xf32, #tpu.memory_space<hbm>>) target(%dma_start3A_396 : memref<32x128xf32, #tpu.memory_space<vmem>>) target_semaphore(%arg22 : memref<!tpu.dma_semaphore, #tpu.memory_space<semaphore_mem>>)
      %slice3A_399 = vector.extract_strided_slice %get3A_17 {offsets = [10], sizes = [1], strides = [1]} : vector<16xi32> to vector<1xi32>
      %squeeze3A_400 = vector.extract %slice3A_399[0] : i32 from vector<1xi32>
      %jit3A_401 = arith.constant 128 : i32
      %div3A_402 = arith.divsi %squeeze3A_400, %jit3A_401 : i32
      %sign3A_403 = arith.constant 0 : i32
      %sign3A_404 = arith.cmpi sgt, %squeeze3A_400, %sign3A_403 : i32
      %sign3A_405 = arith.extui %sign3A_404 : i1 to i32
      %sign3A_406 = arith.constant 0 : i32
      %sign3A_407 = arith.cmpi slt, %squeeze3A_400, %sign3A_406 : i32
      %sign3A_408 = arith.extui %sign3A_407 : i1 to i32
      %sign3A_409 = arith.subi %sign3A_405, %sign3A_408 : i32
      %sign3A_410 = arith.constant 0 : i32
      %sign3A_411 = arith.cmpi sgt, %jit3A_401, %sign3A_410 : i32
      %sign3A_412 = arith.extui %sign3A_411 : i1 to i32
      %sign3A_413 = arith.constant 0 : i32
      %sign3A_414 = arith.cmpi slt, %jit3A_401, %sign3A_413 : i32
      %sign3A_415 = arith.extui %sign3A_414 : i1 to i32
      %sign3A_416 = arith.subi %sign3A_412, %sign3A_415 : i32
      %ne3A_417 = arith.cmpi ne, %sign3A_409, %sign3A_416 : i32
      %rem3A_418 = arith.remsi %squeeze3A_400, %jit3A_401 : i32
      %ne3A_419 = arith.constant 0 : i32
      %ne3A_420 = arith.cmpi ne, %rem3A_418, %ne3A_419 : i32
      %and3A_421 = arith.andi %ne3A_417, %ne3A_420 : i1
      %sub3A_422 = arith.constant 1 : i32
      %sub3A_423 = arith.subi %div3A_402, %sub3A_422 : i32
      %select_n3A_424 = arith.select %and3A_421, %sub3A_423, %div3A_402 : i32
      %mul3A_425 = arith.constant 128 : i32
      %mul3A_426 = arith.muli %select_n3A_424, %mul3A_425 : i32
      %multiple_of3A_427 = tpu.assume_multiple %mul3A_426, 128 : i32
      %dma_start3A_428 = arith.constant 320 : i32
      %dma_start3A_429 = arith.constant 0 : i32
      %dma_start3A_430 = tpu.memref_slice %arg18[%dma_start3A_428, %dma_start3A_429] : memref<512x128xf32, #tpu.memory_space<vmem>> -> memref<32x128xf32, #tpu.memory_space<vmem>>
      %dma_start3A_431 = arith.constant 0 : i32
      %dma_start3A_432 = tpu.memref_slice %arg8[%dma_start3A_431, %multiple_of3A_427] : memref<32x1000000xf32, #tpu.memory_space<hbm>> -> memref<32x128xf32, #tpu.memory_space<hbm>>
      %dma_start3A_433 = arith.constant 320 : i32
      %dma_start3A_434 = arith.constant 0 : i32
      %dma_start3A_435 = tpu.memref_slice %arg18[%dma_start3A_433, %dma_start3A_434] : memref<512x128xf32, #tpu.memory_space<vmem>> -> memref<32x128xf32, #tpu.memory_space<vmem>>
      %dma_start3A_436 = arith.constant 0 : i32
      %dma_start3A_437 = tpu.memref_slice %arg8[%dma_start3A_436, %multiple_of3A_427] : memref<32x1000000xf32, #tpu.memory_space<hbm>> -> memref<32x128xf32, #tpu.memory_space<hbm>>
      tpu.enqueue_dma source(%dma_start3A_437 : memref<32x128xf32, #tpu.memory_space<hbm>>) target(%dma_start3A_435 : memref<32x128xf32, #tpu.memory_space<vmem>>) target_semaphore(%arg22 : memref<!tpu.dma_semaphore, #tpu.memory_space<semaphore_mem>>)
      %slice3A_438 = vector.extract_strided_slice %get3A_17 {offsets = [11], sizes = [1], strides = [1]} : vector<16xi32> to vector<1xi32>
      %squeeze3A_439 = vector.extract %slice3A_438[0] : i32 from vector<1xi32>
      %jit3A_440 = arith.constant 128 : i32
      %div3A_441 = arith.divsi %squeeze3A_439, %jit3A_440 : i32
      %sign3A_442 = arith.constant 0 : i32
      %sign3A_443 = arith.cmpi sgt, %squeeze3A_439, %sign3A_442 : i32
      %sign3A_444 = arith.extui %sign3A_443 : i1 to i32
      %sign3A_445 = arith.constant 0 : i32
      %sign3A_446 = arith.cmpi slt, %squeeze3A_439, %sign3A_445 : i32
      %sign3A_447 = arith.extui %sign3A_446 : i1 to i32
      %sign3A_448 = arith.subi %sign3A_444, %sign3A_447 : i32
      %sign3A_449 = arith.constant 0 : i32
      %sign3A_450 = arith.cmpi sgt, %jit3A_440, %sign3A_449 : i32
      %sign3A_451 = arith.extui %sign3A_450 : i1 to i32
      %sign3A_452 = arith.constant 0 : i32
      %sign3A_453 = arith.cmpi slt, %jit3A_440, %sign3A_452 : i32
      %sign3A_454 = arith.extui %sign3A_453 : i1 to i32
      %sign3A_455 = arith.subi %sign3A_451, %sign3A_454 : i32
      %ne3A_456 = arith.cmpi ne, %sign3A_448, %sign3A_455 : i32
      %rem3A_457 = arith.remsi %squeeze3A_439, %jit3A_440 : i32
      %ne3A_458 = arith.constant 0 : i32
      %ne3A_459 = arith.cmpi ne, %rem3A_457, %ne3A_458 : i32
      %and3A_460 = arith.andi %ne3A_456, %ne3A_459 : i1
      %sub3A_461 = arith.constant 1 : i32
      %sub3A_462 = arith.subi %div3A_441, %sub3A_461 : i32
      %select_n3A_463 = arith.select %and3A_460, %sub3A_462, %div3A_441 : i32
      %mul3A_464 = arith.constant 128 : i32
      %mul3A_465 = arith.muli %select_n3A_463, %mul3A_464 : i32
      %multiple_of3A_466 = tpu.assume_multiple %mul3A_465, 128 : i32
      %dma_start3A_467 = arith.constant 352 : i32
      %dma_start3A_468 = arith.constant 0 : i32
      %dma_start3A_469 = tpu.memref_slice %arg18[%dma_start3A_467, %dma_start3A_468] : memref<512x128xf32, #tpu.memory_space<vmem>> -> memref<32x128xf32, #tpu.memory_space<vmem>>
      %dma_start3A_470 = arith.constant 0 : i32
      %dma_start3A_471 = tpu.memref_slice %arg8[%dma_start3A_470, %multiple_of3A_466] : memref<32x1000000xf32, #tpu.memory_space<hbm>> -> memref<32x128xf32, #tpu.memory_space<hbm>>
      %dma_start3A_472 = arith.constant 352 : i32
      %dma_start3A_473 = arith.constant 0 : i32
      %dma_start3A_474 = tpu.memref_slice %arg18[%dma_start3A_472, %dma_start3A_473] : memref<512x128xf32, #tpu.memory_space<vmem>> -> memref<32x128xf32, #tpu.memory_space<vmem>>
      %dma_start3A_475 = arith.constant 0 : i32
      %dma_start3A_476 = tpu.memref_slice %arg8[%dma_start3A_475, %multiple_of3A_466] : memref<32x1000000xf32, #tpu.memory_space<hbm>> -> memref<32x128xf32, #tpu.memory_space<hbm>>
      tpu.enqueue_dma source(%dma_start3A_476 : memref<32x128xf32, #tpu.memory_space<hbm>>) target(%dma_start3A_474 : memref<32x128xf32, #tpu.memory_space<vmem>>) target_semaphore(%arg22 : memref<!tpu.dma_semaphore, #tpu.memory_space<semaphore_mem>>)
      %slice3A_477 = vector.extract_strided_slice %get3A_17 {offsets = [12], sizes = [1], strides = [1]} : vector<16xi32> to vector<1xi32>
      %squeeze3A_478 = vector.extract %slice3A_477[0] : i32 from vector<1xi32>
      %jit3A_479 = arith.constant 128 : i32
      %div3A_480 = arith.divsi %squeeze3A_478, %jit3A_479 : i32
      %sign3A_481 = arith.constant 0 : i32
      %sign3A_482 = arith.cmpi sgt, %squeeze3A_478, %sign3A_481 : i32
      %sign3A_483 = arith.extui %sign3A_482 : i1 to i32
      %sign3A_484 = arith.constant 0 : i32
      %sign3A_485 = arith.cmpi slt, %squeeze3A_478, %sign3A_484 : i32
      %sign3A_486 = arith.extui %sign3A_485 : i1 to i32
      %sign3A_487 = arith.subi %sign3A_483, %sign3A_486 : i32
      %sign3A_488 = arith.constant 0 : i32
      %sign3A_489 = arith.cmpi sgt, %jit3A_479, %sign3A_488 : i32
      %sign3A_490 = arith.extui %sign3A_489 : i1 to i32
      %sign3A_491 = arith.constant 0 : i32
      %sign3A_492 = arith.cmpi slt, %jit3A_479, %sign3A_491 : i32
      %sign3A_493 = arith.extui %sign3A_492 : i1 to i32
      %sign3A_494 = arith.subi %sign3A_490, %sign3A_493 : i32
      %ne3A_495 = arith.cmpi ne, %sign3A_487, %sign3A_494 : i32
      %rem3A_496 = arith.remsi %squeeze3A_478, %jit3A_479 : i32
      %ne3A_497 = arith.constant 0 : i32
      %ne3A_498 = arith.cmpi ne, %rem3A_496, %ne3A_497 : i32
      %and3A_499 = arith.andi %ne3A_495, %ne3A_498 : i1
      %sub3A_500 = arith.constant 1 : i32
      %sub3A_501 = arith.subi %div3A_480, %sub3A_500 : i32
      %select_n3A_502 = arith.select %and3A_499, %sub3A_501, %div3A_480 : i32
      %mul3A_503 = arith.constant 128 : i32
      %mul3A_504 = arith.muli %select_n3A_502, %mul3A_503 : i32
      %multiple_of3A_505 = tpu.assume_multiple %mul3A_504, 128 : i32
      %dma_start3A_506 = arith.constant 384 : i32
      %dma_start3A_507 = arith.constant 0 : i32
      %dma_start3A_508 = tpu.memref_slice %arg18[%dma_start3A_506, %dma_start3A_507] : memref<512x128xf32, #tpu.memory_space<vmem>> -> memref<32x128xf32, #tpu.memory_space<vmem>>
      %dma_start3A_509 = arith.constant 0 : i32
      %dma_start3A_510 = tpu.memref_slice %arg8[%dma_start3A_509, %multiple_of3A_505] : memref<32x1000000xf32, #tpu.memory_space<hbm>> -> memref<32x128xf32, #tpu.memory_space<hbm>>
      %dma_start3A_511 = arith.constant 384 : i32
      %dma_start3A_512 = arith.constant 0 : i32
      %dma_start3A_513 = tpu.memref_slice %arg18[%dma_start3A_511, %dma_start3A_512] : memref<512x128xf32, #tpu.memory_space<vmem>> -> memref<32x128xf32, #tpu.memory_space<vmem>>
      %dma_start3A_514 = arith.constant 0 : i32
      %dma_start3A_515 = tpu.memref_slice %arg8[%dma_start3A_514, %multiple_of3A_505] : memref<32x1000000xf32, #tpu.memory_space<hbm>> -> memref<32x128xf32, #tpu.memory_space<hbm>>
      tpu.enqueue_dma source(%dma_start3A_515 : memref<32x128xf32, #tpu.memory_space<hbm>>) target(%dma_start3A_513 : memref<32x128xf32, #tpu.memory_space<vmem>>) target_semaphore(%arg22 : memref<!tpu.dma_semaphore, #tpu.memory_space<semaphore_mem>>)
      %slice3A_516 = vector.extract_strided_slice %get3A_17 {offsets = [13], sizes = [1], strides = [1]} : vector<16xi32> to vector<1xi32>
      %squeeze3A_517 = vector.extract %slice3A_516[0] : i32 from vector<1xi32>
      %jit3A_518 = arith.constant 128 : i32
      %div3A_519 = arith.divsi %squeeze3A_517, %jit3A_518 : i32
      %sign3A_520 = arith.constant 0 : i32
      %sign3A_521 = arith.cmpi sgt, %squeeze3A_517, %sign3A_520 : i32
      %sign3A_522 = arith.extui %sign3A_521 : i1 to i32
      %sign3A_523 = arith.constant 0 : i32
      %sign3A_524 = arith.cmpi slt, %squeeze3A_517, %sign3A_523 : i32
      %sign3A_525 = arith.extui %sign3A_524 : i1 to i32
      %sign3A_526 = arith.subi %sign3A_522, %sign3A_525 : i32
      %sign3A_527 = arith.constant 0 : i32
      %sign3A_528 = arith.cmpi sgt, %jit3A_518, %sign3A_527 : i32
      %sign3A_529 = arith.extui %sign3A_528 : i1 to i32
      %sign3A_530 = arith.constant 0 : i32
      %sign3A_531 = arith.cmpi slt, %jit3A_518, %sign3A_530 : i32
      %sign3A_532 = arith.extui %sign3A_531 : i1 to i32
      %sign3A_533 = arith.subi %sign3A_529, %sign3A_532 : i32
      %ne3A_534 = arith.cmpi ne, %sign3A_526, %sign3A_533 : i32
      %rem3A_535 = arith.remsi %squeeze3A_517, %jit3A_518 : i32
      %ne3A_536 = arith.constant 0 : i32
      %ne3A_537 = arith.cmpi ne, %rem3A_535, %ne3A_536 : i32
      %and3A_538 = arith.andi %ne3A_534, %ne3A_537 : i1
      %sub3A_539 = arith.constant 1 : i32
      %sub3A_540 = arith.subi %div3A_519, %sub3A_539 : i32
      %select_n3A_541 = arith.select %and3A_538, %sub3A_540, %div3A_519 : i32
      %mul3A_542 = arith.constant 128 : i32
      %mul3A_543 = arith.muli %select_n3A_541, %mul3A_542 : i32
      %multiple_of3A_544 = tpu.assume_multiple %mul3A_543, 128 : i32
      %dma_start3A_545 = arith.constant 416 : i32
      %dma_start3A_546 = arith.constant 0 : i32
      %dma_start3A_547 = tpu.memref_slice %arg18[%dma_start3A_545, %dma_start3A_546] : memref<512x128xf32, #tpu.memory_space<vmem>> -> memref<32x128xf32, #tpu.memory_space<vmem>>
      %dma_start3A_548 = arith.constant 0 : i32
      %dma_start3A_549 = tpu.memref_slice %arg8[%dma_start3A_548, %multiple_of3A_544] : memref<32x1000000xf32, #tpu.memory_space<hbm>> -> memref<32x128xf32, #tpu.memory_space<hbm>>
      %dma_start3A_550 = arith.constant 416 : i32
      %dma_start3A_551 = arith.constant 0 : i32
      %dma_start3A_552 = tpu.memref_slice %arg18[%dma_start3A_550, %dma_start3A_551] : memref<512x128xf32, #tpu.memory_space<vmem>> -> memref<32x128xf32, #tpu.memory_space<vmem>>
      %dma_start3A_553 = arith.constant 0 : i32
      %dma_start3A_554 = tpu.memref_slice %arg8[%dma_start3A_553, %multiple_of3A_544] : memref<32x1000000xf32, #tpu.memory_space<hbm>> -> memref<32x128xf32, #tpu.memory_space<hbm>>
      tpu.enqueue_dma source(%dma_start3A_554 : memref<32x128xf32, #tpu.memory_space<hbm>>) target(%dma_start3A_552 : memref<32x128xf32, #tpu.memory_space<vmem>>) target_semaphore(%arg22 : memref<!tpu.dma_semaphore, #tpu.memory_space<semaphore_mem>>)
      %slice3A_555 = vector.extract_strided_slice %get3A_17 {offsets = [14], sizes = [1], strides = [1]} : vector<16xi32> to vector<1xi32>
      %squeeze3A_556 = vector.extract %slice3A_555[0] : i32 from vector<1xi32>
      %jit3A_557 = arith.constant 128 : i32
      %div3A_558 = arith.divsi %squeeze3A_556, %jit3A_557 : i32
      %sign3A_559 = arith.constant 0 : i32
      %sign3A_560 = arith.cmpi sgt, %squeeze3A_556, %sign3A_559 : i32
      %sign3A_561 = arith.extui %sign3A_560 : i1 to i32
      %sign3A_562 = arith.constant 0 : i32
      %sign3A_563 = arith.cmpi slt, %squeeze3A_556, %sign3A_562 : i32
      %sign3A_564 = arith.extui %sign3A_563 : i1 to i32
      %sign3A_565 = arith.subi %sign3A_561, %sign3A_564 : i32
      %sign3A_566 = arith.constant 0 : i32
      %sign3A_567 = arith.cmpi sgt, %jit3A_557, %sign3A_566 : i32
      %sign3A_568 = arith.extui %sign3A_567 : i1 to i32
      %sign3A_569 = arith.constant 0 : i32
      %sign3A_570 = arith.cmpi slt, %jit3A_557, %sign3A_569 : i32
      %sign3A_571 = arith.extui %sign3A_570 : i1 to i32
      %sign3A_572 = arith.subi %sign3A_568, %sign3A_571 : i32
      %ne3A_573 = arith.cmpi ne, %sign3A_565, %sign3A_572 : i32
      %rem3A_574 = arith.remsi %squeeze3A_556, %jit3A_557 : i32
      %ne3A_575 = arith.constant 0 : i32
      %ne3A_576 = arith.cmpi ne, %rem3A_574, %ne3A_575 : i32
      %and3A_577 = arith.andi %ne3A_573, %ne3A_576 : i1
      %sub3A_578 = arith.constant 1 : i32
      %sub3A_579 = arith.subi %div3A_558, %sub3A_578 : i32
      %select_n3A_580 = arith.select %and3A_577, %sub3A_579, %div3A_558 : i32
      %mul3A_581 = arith.constant 128 : i32
      %mul3A_582 = arith.muli %select_n3A_580, %mul3A_581 : i32
      %multiple_of3A_583 = tpu.assume_multiple %mul3A_582, 128 : i32
      %dma_start3A_584 = arith.constant 448 : i32
      %dma_start3A_585 = arith.constant 0 : i32
      %dma_start3A_586 = tpu.memref_slice %arg18[%dma_start3A_584, %dma_start3A_585] : memref<512x128xf32, #tpu.memory_space<vmem>> -> memref<32x128xf32, #tpu.memory_space<vmem>>
      %dma_start3A_587 = arith.constant 0 : i32
      %dma_start3A_588 = tpu.memref_slice %arg8[%dma_start3A_587, %multiple_of3A_583] : memref<32x1000000xf32, #tpu.memory_space<hbm>> -> memref<32x128xf32, #tpu.memory_space<hbm>>
      %dma_start3A_589 = arith.constant 448 : i32
      %dma_start3A_590 = arith.constant 0 : i32
      %dma_start3A_591 = tpu.memref_slice %arg18[%dma_start3A_589, %dma_start3A_590] : memref<512x128xf32, #tpu.memory_space<vmem>> -> memref<32x128xf32, #tpu.memory_space<vmem>>
      %dma_start3A_592 = arith.constant 0 : i32
      %dma_start3A_593 = tpu.memref_slice %arg8[%dma_start3A_592, %multiple_of3A_583] : memref<32x1000000xf32, #tpu.memory_space<hbm>> -> memref<32x128xf32, #tpu.memory_space<hbm>>
      tpu.enqueue_dma source(%dma_start3A_593 : memref<32x128xf32, #tpu.memory_space<hbm>>) target(%dma_start3A_591 : memref<32x128xf32, #tpu.memory_space<vmem>>) target_semaphore(%arg22 : memref<!tpu.dma_semaphore, #tpu.memory_space<semaphore_mem>>)
      %slice3A_594 = vector.extract_strided_slice %get3A_17 {offsets = [15], sizes = [1], strides = [1]} : vector<16xi32> to vector<1xi32>
      %squeeze3A_595 = vector.extract %slice3A_594[0] : i32 from vector<1xi32>
      %jit3A_596 = arith.constant 128 : i32
      %div3A_597 = arith.divsi %squeeze3A_595, %jit3A_596 : i32
      %sign3A_598 = arith.constant 0 : i32
      %sign3A_599 = arith.cmpi sgt, %squeeze3A_595, %sign3A_598 : i32
      %sign3A_600 = arith.extui %sign3A_599 : i1 to i32
      %sign3A_601 = arith.constant 0 : i32
      %sign3A_602 = arith.cmpi slt, %squeeze3A_595, %sign3A_601 : i32
      %sign3A_603 = arith.extui %sign3A_602 : i1 to i32
      %sign3A_604 = arith.subi %sign3A_600, %sign3A_603 : i32
      %sign3A_605 = arith.constant 0 : i32
      %sign3A_606 = arith.cmpi sgt, %jit3A_596, %sign3A_605 : i32
      %sign3A_607 = arith.extui %sign3A_606 : i1 to i32
      %sign3A_608 = arith.constant 0 : i32
      %sign3A_609 = arith.cmpi slt, %jit3A_596, %sign3A_608 : i32
      %sign3A_610 = arith.extui %sign3A_609 : i1 to i32
      %sign3A_611 = arith.subi %sign3A_607, %sign3A_610 : i32
      %ne3A_612 = arith.cmpi ne, %sign3A_604, %sign3A_611 : i32
      %rem3A_613 = arith.remsi %squeeze3A_595, %jit3A_596 : i32
      %ne3A_614 = arith.constant 0 : i32
      %ne3A_615 = arith.cmpi ne, %rem3A_613, %ne3A_614 : i32
      %and3A_616 = arith.andi %ne3A_612, %ne3A_615 : i1
      %sub3A_617 = arith.constant 1 : i32
      %sub3A_618 = arith.subi %div3A_597, %sub3A_617 : i32
      %select_n3A_619 = arith.select %and3A_616, %sub3A_618, %div3A_597 : i32
      %mul3A_620 = arith.constant 128 : i32
      %mul3A_621 = arith.muli %select_n3A_619, %mul3A_620 : i32
      %multiple_of3A_622 = tpu.assume_multiple %mul3A_621, 128 : i32
      %dma_start3A_623 = arith.constant 480 : i32
      %dma_start3A_624 = arith.constant 0 : i32
      %dma_start3A_625 = tpu.memref_slice %arg18[%dma_start3A_623, %dma_start3A_624] : memref<512x128xf32, #tpu.memory_space<vmem>> -> memref<32x128xf32, #tpu.memory_space<vmem>>
      %dma_start3A_626 = arith.constant 0 : i32
      %dma_start3A_627 = tpu.memref_slice %arg8[%dma_start3A_626, %multiple_of3A_622] : memref<32x1000000xf32, #tpu.memory_space<hbm>> -> memref<32x128xf32, #tpu.memory_space<hbm>>
      %dma_start3A_628 = arith.constant 480 : i32
      %dma_start3A_629 = arith.constant 0 : i32
      %dma_start3A_630 = tpu.memref_slice %arg18[%dma_start3A_628, %dma_start3A_629] : memref<512x128xf32, #tpu.memory_space<vmem>> -> memref<32x128xf32, #tpu.memory_space<vmem>>
      %dma_start3A_631 = arith.constant 0 : i32
      %dma_start3A_632 = tpu.memref_slice %arg8[%dma_start3A_631, %multiple_of3A_622] : memref<32x1000000xf32, #tpu.memory_space<hbm>> -> memref<32x128xf32, #tpu.memory_space<hbm>>
      tpu.enqueue_dma source(%dma_start3A_632 : memref<32x128xf32, #tpu.memory_space<hbm>>) target(%dma_start3A_630 : memref<32x128xf32, #tpu.memory_space<vmem>>) target_semaphore(%arg22 : memref<!tpu.dma_semaphore, #tpu.memory_space<semaphore_mem>>)
      %slice3A_633 = vector.extract_strided_slice %get3A_19 {offsets = [0], sizes = [1], strides = [1]} : vector<16xi32> to vector<1xi32>
      %squeeze3A_634 = vector.extract %slice3A_633[0] : i32 from vector<1xi32>
      %jit3A_635 = arith.constant 8 : i32
      %div3A_636 = arith.divsi %squeeze3A_634, %jit3A_635 : i32
      %sign3A_637 = arith.constant 0 : i32
      %sign3A_638 = arith.cmpi sgt, %squeeze3A_634, %sign3A_637 : i32
      %sign3A_639 = arith.extui %sign3A_638 : i1 to i32
      %sign3A_640 = arith.constant 0 : i32
      %sign3A_641 = arith.cmpi slt, %squeeze3A_634, %sign3A_640 : i32
      %sign3A_642 = arith.extui %sign3A_641 : i1 to i32
      %sign3A_643 = arith.subi %sign3A_639, %sign3A_642 : i32
      %sign3A_644 = arith.constant 0 : i32
      %sign3A_645 = arith.cmpi sgt, %jit3A_635, %sign3A_644 : i32
      %sign3A_646 = arith.extui %sign3A_645 : i1 to i32
      %sign3A_647 = arith.constant 0 : i32
      %sign3A_648 = arith.cmpi slt, %jit3A_635, %sign3A_647 : i32
      %sign3A_649 = arith.extui %sign3A_648 : i1 to i32
      %sign3A_650 = arith.subi %sign3A_646, %sign3A_649 : i32
      %ne3A_651 = arith.cmpi ne, %sign3A_643, %sign3A_650 : i32
      %rem3A_652 = arith.remsi %squeeze3A_634, %jit3A_635 : i32
      %ne3A_653 = arith.constant 0 : i32
      %ne3A_654 = arith.cmpi ne, %rem3A_652, %ne3A_653 : i32
      %and3A_655 = arith.andi %ne3A_651, %ne3A_654 : i1
      %sub3A_656 = arith.constant 1 : i32
      %sub3A_657 = arith.subi %div3A_636, %sub3A_656 : i32
      %select_n3A_658 = arith.select %and3A_655, %sub3A_657, %div3A_636 : i32
      %mul3A_659 = arith.constant 8 : i32
      %mul3A_660 = arith.muli %select_n3A_658, %mul3A_659 : i32
      %multiple_of3A_661 = tpu.assume_multiple %mul3A_660, 8 : i32
      %dma_start3A_662 = arith.constant 0 : i32
      %dma_start3A_663 = arith.constant 0 : i32
      %dma_start3A_664 = tpu.memref_slice %arg19[%dma_start3A_662, %dma_start3A_663] : memref<128x32xf32, #tpu.memory_space<vmem>> -> memref<8x32xf32, #tpu.memory_space<vmem>>
      %dma_start3A_665 = arith.constant 0 : i32
      %dma_start3A_666 = tpu.memref_slice %arg9[%multiple_of3A_661, %dma_start3A_665] : memref<100000x32xf32, #tpu.memory_space<hbm>> -> memref<8x32xf32, #tpu.memory_space<hbm>>
      %dma_start3A_667 = arith.constant 0 : i32
      %dma_start3A_668 = arith.constant 0 : i32
      %dma_start3A_669 = tpu.memref_slice %arg19[%dma_start3A_667, %dma_start3A_668] : memref<128x32xf32, #tpu.memory_space<vmem>> -> memref<8x32xf32, #tpu.memory_space<vmem>>
      %dma_start3A_670 = arith.constant 0 : i32
      %dma_start3A_671 = tpu.memref_slice %arg9[%multiple_of3A_661, %dma_start3A_670] : memref<100000x32xf32, #tpu.memory_space<hbm>> -> memref<8x32xf32, #tpu.memory_space<hbm>>
      tpu.enqueue_dma source(%dma_start3A_671 : memref<8x32xf32, #tpu.memory_space<hbm>>) target(%dma_start3A_669 : memref<8x32xf32, #tpu.memory_space<vmem>>) target_semaphore(%arg22 : memref<!tpu.dma_semaphore, #tpu.memory_space<semaphore_mem>>)
      %slice3A_672 = vector.extract_strided_slice %get3A_19 {offsets = [1], sizes = [1], strides = [1]} : vector<16xi32> to vector<1xi32>
      %squeeze3A_673 = vector.extract %slice3A_672[0] : i32 from vector<1xi32>
      %jit3A_674 = arith.constant 8 : i32
      %div3A_675 = arith.divsi %squeeze3A_673, %jit3A_674 : i32
      %sign3A_676 = arith.constant 0 : i32
      %sign3A_677 = arith.cmpi sgt, %squeeze3A_673, %sign3A_676 : i32
      %sign3A_678 = arith.extui %sign3A_677 : i1 to i32
      %sign3A_679 = arith.constant 0 : i32
      %sign3A_680 = arith.cmpi slt, %squeeze3A_673, %sign3A_679 : i32
      %sign3A_681 = arith.extui %sign3A_680 : i1 to i32
      %sign3A_682 = arith.subi %sign3A_678, %sign3A_681 : i32
      %sign3A_683 = arith.constant 0 : i32
      %sign3A_684 = arith.cmpi sgt, %jit3A_674, %sign3A_683 : i32
      %sign3A_685 = arith.extui %sign3A_684 : i1 to i32
      %sign3A_686 = arith.constant 0 : i32
      %sign3A_687 = arith.cmpi slt, %jit3A_674, %sign3A_686 : i32
      %sign3A_688 = arith.extui %sign3A_687 : i1 to i32
      %sign3A_689 = arith.subi %sign3A_685, %sign3A_688 : i32
      %ne3A_690 = arith.cmpi ne, %sign3A_682, %sign3A_689 : i32
      %rem3A_691 = arith.remsi %squeeze3A_673, %jit3A_674 : i32
      %ne3A_692 = arith.constant 0 : i32
      %ne3A_693 = arith.cmpi ne, %rem3A_691, %ne3A_692 : i32
      %and3A_694 = arith.andi %ne3A_690, %ne3A_693 : i1
      %sub3A_695 = arith.constant 1 : i32
      %sub3A_696 = arith.subi %div3A_675, %sub3A_695 : i32
      %select_n3A_697 = arith.select %and3A_694, %sub3A_696, %div3A_675 : i32
      %mul3A_698 = arith.constant 8 : i32
      %mul3A_699 = arith.muli %select_n3A_697, %mul3A_698 : i32
      %multiple_of3A_700 = tpu.assume_multiple %mul3A_699, 8 : i32
      %dma_start3A_701 = arith.constant 8 : i32
      %dma_start3A_702 = arith.constant 0 : i32
      %dma_start3A_703 = tpu.memref_slice %arg19[%dma_start3A_701, %dma_start3A_702] : memref<128x32xf32, #tpu.memory_space<vmem>> -> memref<8x32xf32, #tpu.memory_space<vmem>>
      %dma_start3A_704 = arith.constant 0 : i32
      %dma_start3A_705 = tpu.memref_slice %arg9[%multiple_of3A_700, %dma_start3A_704] : memref<100000x32xf32, #tpu.memory_space<hbm>> -> memref<8x32xf32, #tpu.memory_space<hbm>>
      %dma_start3A_706 = arith.constant 8 : i32
      %dma_start3A_707 = arith.constant 0 : i32
      %dma_start3A_708 = tpu.memref_slice %arg19[%dma_start3A_706, %dma_start3A_707] : memref<128x32xf32, #tpu.memory_space<vmem>> -> memref<8x32xf32, #tpu.memory_space<vmem>>
      %dma_start3A_709 = arith.constant 0 : i32
      %dma_start3A_710 = tpu.memref_slice %arg9[%multiple_of3A_700, %dma_start3A_709] : memref<100000x32xf32, #tpu.memory_space<hbm>> -> memref<8x32xf32, #tpu.memory_space<hbm>>
      tpu.enqueue_dma source(%dma_start3A_710 : memref<8x32xf32, #tpu.memory_space<hbm>>) target(%dma_start3A_708 : memref<8x32xf32, #tpu.memory_space<vmem>>) target_semaphore(%arg22 : memref<!tpu.dma_semaphore, #tpu.memory_space<semaphore_mem>>)
      %slice3A_711 = vector.extract_strided_slice %get3A_19 {offsets = [2], sizes = [1], strides = [1]} : vector<16xi32> to vector<1xi32>
      %squeeze3A_712 = vector.extract %slice3A_711[0] : i32 from vector<1xi32>
      %jit3A_713 = arith.constant 8 : i32
      %div3A_714 = arith.divsi %squeeze3A_712, %jit3A_713 : i32
      %sign3A_715 = arith.constant 0 : i32
      %sign3A_716 = arith.cmpi sgt, %squeeze3A_712, %sign3A_715 : i32
      %sign3A_717 = arith.extui %sign3A_716 : i1 to i32
      %sign3A_718 = arith.constant 0 : i32
      %sign3A_719 = arith.cmpi slt, %squeeze3A_712, %sign3A_718 : i32
      %sign3A_720 = arith.extui %sign3A_719 : i1 to i32
      %sign3A_721 = arith.subi %sign3A_717, %sign3A_720 : i32
      %sign3A_722 = arith.constant 0 : i32
      %sign3A_723 = arith.cmpi sgt, %jit3A_713, %sign3A_722 : i32
      %sign3A_724 = arith.extui %sign3A_723 : i1 to i32
      %sign3A_725 = arith.constant 0 : i32
      %sign3A_726 = arith.cmpi slt, %jit3A_713, %sign3A_725 : i32
      %sign3A_727 = arith.extui %sign3A_726 : i1 to i32
      %sign3A_728 = arith.subi %sign3A_724, %sign3A_727 : i32
      %ne3A_729 = arith.cmpi ne, %sign3A_721, %sign3A_728 : i32
      %rem3A_730 = arith.remsi %squeeze3A_712, %jit3A_713 : i32
      %ne3A_731 = arith.constant 0 : i32
      %ne3A_732 = arith.cmpi ne, %rem3A_730, %ne3A_731 : i32
      %and3A_733 = arith.andi %ne3A_729, %ne3A_732 : i1
      %sub3A_734 = arith.constant 1 : i32
      %sub3A_735 = arith.subi %div3A_714, %sub3A_734 : i32
      %select_n3A_736 = arith.select %and3A_733, %sub3A_735, %div3A_714 : i32
      %mul3A_737 = arith.constant 8 : i32
      %mul3A_738 = arith.muli %select_n3A_736, %mul3A_737 : i32
      %multiple_of3A_739 = tpu.assume_multiple %mul3A_738, 8 : i32
      %dma_start3A_740 = arith.constant 16 : i32
      %dma_start3A_741 = arith.constant 0 : i32
      %dma_start3A_742 = tpu.memref_slice %arg19[%dma_start3A_740, %dma_start3A_741] : memref<128x32xf32, #tpu.memory_space<vmem>> -> memref<8x32xf32, #tpu.memory_space<vmem>>
      %dma_start3A_743 = arith.constant 0 : i32
      %dma_start3A_744 = tpu.memref_slice %arg9[%multiple_of3A_739, %dma_start3A_743] : memref<100000x32xf32, #tpu.memory_space<hbm>> -> memref<8x32xf32, #tpu.memory_space<hbm>>
      %dma_start3A_745 = arith.constant 16 : i32
      %dma_start3A_746 = arith.constant 0 : i32
      %dma_start3A_747 = tpu.memref_slice %arg19[%dma_start3A_745, %dma_start3A_746] : memref<128x32xf32, #tpu.memory_space<vmem>> -> memref<8x32xf32, #tpu.memory_space<vmem>>
      %dma_start3A_748 = arith.constant 0 : i32
      %dma_start3A_749 = tpu.memref_slice %arg9[%multiple_of3A_739, %dma_start3A_748] : memref<100000x32xf32, #tpu.memory_space<hbm>> -> memref<8x32xf32, #tpu.memory_space<hbm>>
      tpu.enqueue_dma source(%dma_start3A_749 : memref<8x32xf32, #tpu.memory_space<hbm>>) target(%dma_start3A_747 : memref<8x32xf32, #tpu.memory_space<vmem>>) target_semaphore(%arg22 : memref<!tpu.dma_semaphore, #tpu.memory_space<semaphore_mem>>)
      %slice3A_750 = vector.extract_strided_slice %get3A_19 {offsets = [3], sizes = [1], strides = [1]} : vector<16xi32> to vector<1xi32>
      %squeeze3A_751 = vector.extract %slice3A_750[0] : i32 from vector<1xi32>
      %jit3A_752 = arith.constant 8 : i32
      %div3A_753 = arith.divsi %squeeze3A_751, %jit3A_752 : i32
      %sign3A_754 = arith.constant 0 : i32
      %sign3A_755 = arith.cmpi sgt, %squeeze3A_751, %sign3A_754 : i32
      %sign3A_756 = arith.extui %sign3A_755 : i1 to i32
      %sign3A_757 = arith.constant 0 : i32
      %sign3A_758 = arith.cmpi slt, %squeeze3A_751, %sign3A_757 : i32
      %sign3A_759 = arith.extui %sign3A_758 : i1 to i32
      %sign3A_760 = arith.subi %sign3A_756, %sign3A_759 : i32
      %sign3A_761 = arith.constant 0 : i32
      %sign3A_762 = arith.cmpi sgt, %jit3A_752, %sign3A_761 : i32
      %sign3A_763 = arith.extui %sign3A_762 : i1 to i32
      %sign3A_764 = arith.constant 0 : i32
      %sign3A_765 = arith.cmpi slt, %jit3A_752, %sign3A_764 : i32
      %sign3A_766 = arith.extui %sign3A_765 : i1 to i32
      %sign3A_767 = arith.subi %sign3A_763, %sign3A_766 : i32
      %ne3A_768 = arith.cmpi ne, %sign3A_760, %sign3A_767 : i32
      %rem3A_769 = arith.remsi %squeeze3A_751, %jit3A_752 : i32
      %ne3A_770 = arith.constant 0 : i32
      %ne3A_771 = arith.cmpi ne, %rem3A_769, %ne3A_770 : i32
      %and3A_772 = arith.andi %ne3A_768, %ne3A_771 : i1
      %sub3A_773 = arith.constant 1 : i32
      %sub3A_774 = arith.subi %div3A_753, %sub3A_773 : i32
      %select_n3A_775 = arith.select %and3A_772, %sub3A_774, %div3A_753 : i32
      %mul3A_776 = arith.constant 8 : i32
      %mul3A_777 = arith.muli %select_n3A_775, %mul3A_776 : i32
      %multiple_of3A_778 = tpu.assume_multiple %mul3A_777, 8 : i32
      %dma_start3A_779 = arith.constant 24 : i32
      %dma_start3A_780 = arith.constant 0 : i32
      %dma_start3A_781 = tpu.memref_slice %arg19[%dma_start3A_779, %dma_start3A_780] : memref<128x32xf32, #tpu.memory_space<vmem>> -> memref<8x32xf32, #tpu.memory_space<vmem>>
      %dma_start3A_782 = arith.constant 0 : i32
      %dma_start3A_783 = tpu.memref_slice %arg9[%multiple_of3A_778, %dma_start3A_782] : memref<100000x32xf32, #tpu.memory_space<hbm>> -> memref<8x32xf32, #tpu.memory_space<hbm>>
      %dma_start3A_784 = arith.constant 24 : i32
      %dma_start3A_785 = arith.constant 0 : i32
      %dma_start3A_786 = tpu.memref_slice %arg19[%dma_start3A_784, %dma_start3A_785] : memref<128x32xf32, #tpu.memory_space<vmem>> -> memref<8x32xf32, #tpu.memory_space<vmem>>
      %dma_start3A_787 = arith.constant 0 : i32
      %dma_start3A_788 = tpu.memref_slice %arg9[%multiple_of3A_778, %dma_start3A_787] : memref<100000x32xf32, #tpu.memory_space<hbm>> -> memref<8x32xf32, #tpu.memory_space<hbm>>
      tpu.enqueue_dma source(%dma_start3A_788 : memref<8x32xf32, #tpu.memory_space<hbm>>) target(%dma_start3A_786 : memref<8x32xf32, #tpu.memory_space<vmem>>) target_semaphore(%arg22 : memref<!tpu.dma_semaphore, #tpu.memory_space<semaphore_mem>>)
      %slice3A_789 = vector.extract_strided_slice %get3A_19 {offsets = [4], sizes = [1], strides = [1]} : vector<16xi32> to vector<1xi32>
      %squeeze3A_790 = vector.extract %slice3A_789[0] : i32 from vector<1xi32>
      %jit3A_791 = arith.constant 8 : i32
      %div3A_792 = arith.divsi %squeeze3A_790, %jit3A_791 : i32
      %sign3A_793 = arith.constant 0 : i32
      %sign3A_794 = arith.cmpi sgt, %squeeze3A_790, %sign3A_793 : i32
      %sign3A_795 = arith.extui %sign3A_794 : i1 to i32
      %sign3A_796 = arith.constant 0 : i32
      %sign3A_797 = arith.cmpi slt, %squeeze3A_790, %sign3A_796 : i32
      %sign3A_798 = arith.extui %sign3A_797 : i1 to i32
      %sign3A_799 = arith.subi %sign3A_795, %sign3A_798 : i32
      %sign3A_800 = arith.constant 0 : i32
      %sign3A_801 = arith.cmpi sgt, %jit3A_791, %sign3A_800 : i32
      %sign3A_802 = arith.extui %sign3A_801 : i1 to i32
      %sign3A_803 = arith.constant 0 : i32
      %sign3A_804 = arith.cmpi slt, %jit3A_791, %sign3A_803 : i32
      %sign3A_805 = arith.extui %sign3A_804 : i1 to i32
      %sign3A_806 = arith.subi %sign3A_802, %sign3A_805 : i32
      %ne3A_807 = arith.cmpi ne, %sign3A_799, %sign3A_806 : i32
      %rem3A_808 = arith.remsi %squeeze3A_790, %jit3A_791 : i32
      %ne3A_809 = arith.constant 0 : i32
      %ne3A_810 = arith.cmpi ne, %rem3A_808, %ne3A_809 : i32
      %and3A_811 = arith.andi %ne3A_807, %ne3A_810 : i1
      %sub3A_812 = arith.constant 1 : i32
      %sub3A_813 = arith.subi %div3A_792, %sub3A_812 : i32
      %select_n3A_814 = arith.select %and3A_811, %sub3A_813, %div3A_792 : i32
      %mul3A_815 = arith.constant 8 : i32
      %mul3A_816 = arith.muli %select_n3A_814, %mul3A_815 : i32
      %multiple_of3A_817 = tpu.assume_multiple %mul3A_816, 8 : i32
      %dma_start3A_818 = arith.constant 32 : i32
      %dma_start3A_819 = arith.constant 0 : i32
      %dma_start3A_820 = tpu.memref_slice %arg19[%dma_start3A_818, %dma_start3A_819] : memref<128x32xf32, #tpu.memory_space<vmem>> -> memref<8x32xf32, #tpu.memory_space<vmem>>
      %dma_start3A_821 = arith.constant 0 : i32
      %dma_start3A_822 = tpu.memref_slice %arg9[%multiple_of3A_817, %dma_start3A_821] : memref<100000x32xf32, #tpu.memory_space<hbm>> -> memref<8x32xf32, #tpu.memory_space<hbm>>
      %dma_start3A_823 = arith.constant 32 : i32
      %dma_start3A_824 = arith.constant 0 : i32
      %dma_start3A_825 = tpu.memref_slice %arg19[%dma_start3A_823, %dma_start3A_824] : memref<128x32xf32, #tpu.memory_space<vmem>> -> memref<8x32xf32, #tpu.memory_space<vmem>>
      %dma_start3A_826 = arith.constant 0 : i32
      %dma_start3A_827 = tpu.memref_slice %arg9[%multiple_of3A_817, %dma_start3A_826] : memref<100000x32xf32, #tpu.memory_space<hbm>> -> memref<8x32xf32, #tpu.memory_space<hbm>>
      tpu.enqueue_dma source(%dma_start3A_827 : memref<8x32xf32, #tpu.memory_space<hbm>>) target(%dma_start3A_825 : memref<8x32xf32, #tpu.memory_space<vmem>>) target_semaphore(%arg22 : memref<!tpu.dma_semaphore, #tpu.memory_space<semaphore_mem>>)
      %slice3A_828 = vector.extract_strided_slice %get3A_19 {offsets = [5], sizes = [1], strides = [1]} : vector<16xi32> to vector<1xi32>
      %squeeze3A_829 = vector.extract %slice3A_828[0] : i32 from vector<1xi32>
      %jit3A_830 = arith.constant 8 : i32
      %div3A_831 = arith.divsi %squeeze3A_829, %jit3A_830 : i32
      %sign3A_832 = arith.constant 0 : i32
      %sign3A_833 = arith.cmpi sgt, %squeeze3A_829, %sign3A_832 : i32
      %sign3A_834 = arith.extui %sign3A_833 : i1 to i32
      %sign3A_835 = arith.constant 0 : i32
      %sign3A_836 = arith.cmpi slt, %squeeze3A_829, %sign3A_835 : i32
      %sign3A_837 = arith.extui %sign3A_836 : i1 to i32
      %sign3A_838 = arith.subi %sign3A_834, %sign3A_837 : i32
      %sign3A_839 = arith.constant 0 : i32
      %sign3A_840 = arith.cmpi sgt, %jit3A_830, %sign3A_839 : i32
      %sign3A_841 = arith.extui %sign3A_840 : i1 to i32
      %sign3A_842 = arith.constant 0 : i32
      %sign3A_843 = arith.cmpi slt, %jit3A_830, %sign3A_842 : i32
      %sign3A_844 = arith.extui %sign3A_843 : i1 to i32
      %sign3A_845 = arith.subi %sign3A_841, %sign3A_844 : i32
      %ne3A_846 = arith.cmpi ne, %sign3A_838, %sign3A_845 : i32
      %rem3A_847 = arith.remsi %squeeze3A_829, %jit3A_830 : i32
      %ne3A_848 = arith.constant 0 : i32
      %ne3A_849 = arith.cmpi ne, %rem3A_847, %ne3A_848 : i32
      %and3A_850 = arith.andi %ne3A_846, %ne3A_849 : i1
      %sub3A_851 = arith.constant 1 : i32
      %sub3A_852 = arith.subi %div3A_831, %sub3A_851 : i32
      %select_n3A_853 = arith.select %and3A_850, %sub3A_852, %div3A_831 : i32
      %mul3A_854 = arith.constant 8 : i32
      %mul3A_855 = arith.muli %select_n3A_853, %mul3A_854 : i32
      %multiple_of3A_856 = tpu.assume_multiple %mul3A_855, 8 : i32
      %dma_start3A_857 = arith.constant 40 : i32
      %dma_start3A_858 = arith.constant 0 : i32
      %dma_start3A_859 = tpu.memref_slice %arg19[%dma_start3A_857, %dma_start3A_858] : memref<128x32xf32, #tpu.memory_space<vmem>> -> memref<8x32xf32, #tpu.memory_space<vmem>>
      %dma_start3A_860 = arith.constant 0 : i32
      %dma_start3A_861 = tpu.memref_slice %arg9[%multiple_of3A_856, %dma_start3A_860] : memref<100000x32xf32, #tpu.memory_space<hbm>> -> memref<8x32xf32, #tpu.memory_space<hbm>>
      %dma_start3A_862 = arith.constant 40 : i32
      %dma_start3A_863 = arith.constant 0 : i32
      %dma_start3A_864 = tpu.memref_slice %arg19[%dma_start3A_862, %dma_start3A_863] : memref<128x32xf32, #tpu.memory_space<vmem>> -> memref<8x32xf32, #tpu.memory_space<vmem>>
      %dma_start3A_865 = arith.constant 0 : i32
      %dma_start3A_866 = tpu.memref_slice %arg9[%multiple_of3A_856, %dma_start3A_865] : memref<100000x32xf32, #tpu.memory_space<hbm>> -> memref<8x32xf32, #tpu.memory_space<hbm>>
      tpu.enqueue_dma source(%dma_start3A_866 : memref<8x32xf32, #tpu.memory_space<hbm>>) target(%dma_start3A_864 : memref<8x32xf32, #tpu.memory_space<vmem>>) target_semaphore(%arg22 : memref<!tpu.dma_semaphore, #tpu.memory_space<semaphore_mem>>)
      %slice3A_867 = vector.extract_strided_slice %get3A_19 {offsets = [6], sizes = [1], strides = [1]} : vector<16xi32> to vector<1xi32>
      %squeeze3A_868 = vector.extract %slice3A_867[0] : i32 from vector<1xi32>
      %jit3A_869 = arith.constant 8 : i32
      %div3A_870 = arith.divsi %squeeze3A_868, %jit3A_869 : i32
      %sign3A_871 = arith.constant 0 : i32
      %sign3A_872 = arith.cmpi sgt, %squeeze3A_868, %sign3A_871 : i32
      %sign3A_873 = arith.extui %sign3A_872 : i1 to i32
      %sign3A_874 = arith.constant 0 : i32
      %sign3A_875 = arith.cmpi slt, %squeeze3A_868, %sign3A_874 : i32
      %sign3A_876 = arith.extui %sign3A_875 : i1 to i32
      %sign3A_877 = arith.subi %sign3A_873, %sign3A_876 : i32
      %sign3A_878 = arith.constant 0 : i32
      %sign3A_879 = arith.cmpi sgt, %jit3A_869, %sign3A_878 : i32
      %sign3A_880 = arith.extui %sign3A_879 : i1 to i32
      %sign3A_881 = arith.constant 0 : i32
      %sign3A_882 = arith.cmpi slt, %jit3A_869, %sign3A_881 : i32
      %sign3A_883 = arith.extui %sign3A_882 : i1 to i32
      %sign3A_884 = arith.subi %sign3A_880, %sign3A_883 : i32
      %ne3A_885 = arith.cmpi ne, %sign3A_877, %sign3A_884 : i32
      %rem3A_886 = arith.remsi %squeeze3A_868, %jit3A_869 : i32
      %ne3A_887 = arith.constant 0 : i32
      %ne3A_888 = arith.cmpi ne, %rem3A_886, %ne3A_887 : i32
      %and3A_889 = arith.andi %ne3A_885, %ne3A_888 : i1
      %sub3A_890 = arith.constant 1 : i32
      %sub3A_891 = arith.subi %div3A_870, %sub3A_890 : i32
      %select_n3A_892 = arith.select %and3A_889, %sub3A_891, %div3A_870 : i32
      %mul3A_893 = arith.constant 8 : i32
      %mul3A_894 = arith.muli %select_n3A_892, %mul3A_893 : i32
      %multiple_of3A_895 = tpu.assume_multiple %mul3A_894, 8 : i32
      %dma_start3A_896 = arith.constant 48 : i32
      %dma_start3A_897 = arith.constant 0 : i32
      %dma_start3A_898 = tpu.memref_slice %arg19[%dma_start3A_896, %dma_start3A_897] : memref<128x32xf32, #tpu.memory_space<vmem>> -> memref<8x32xf32, #tpu.memory_space<vmem>>
      %dma_start3A_899 = arith.constant 0 : i32
      %dma_start3A_900 = tpu.memref_slice %arg9[%multiple_of3A_895, %dma_start3A_899] : memref<100000x32xf32, #tpu.memory_space<hbm>> -> memref<8x32xf32, #tpu.memory_space<hbm>>
      %dma_start3A_901 = arith.constant 48 : i32
      %dma_start3A_902 = arith.constant 0 : i32
      %dma_start3A_903 = tpu.memref_slice %arg19[%dma_start3A_901, %dma_start3A_902] : memref<128x32xf32, #tpu.memory_space<vmem>> -> memref<8x32xf32, #tpu.memory_space<vmem>>
      %dma_start3A_904 = arith.constant 0 : i32
      %dma_start3A_905 = tpu.memref_slice %arg9[%multiple_of3A_895, %dma_start3A_904] : memref<100000x32xf32, #tpu.memory_space<hbm>> -> memref<8x32xf32, #tpu.memory_space<hbm>>
      tpu.enqueue_dma source(%dma_start3A_905 : memref<8x32xf32, #tpu.memory_space<hbm>>) target(%dma_start3A_903 : memref<8x32xf32, #tpu.memory_space<vmem>>) target_semaphore(%arg22 : memref<!tpu.dma_semaphore, #tpu.memory_space<semaphore_mem>>)
      %slice3A_906 = vector.extract_strided_slice %get3A_19 {offsets = [7], sizes = [1], strides = [1]} : vector<16xi32> to vector<1xi32>
      %squeeze3A_907 = vector.extract %slice3A_906[0] : i32 from vector<1xi32>
      %jit3A_908 = arith.constant 8 : i32
      %div3A_909 = arith.divsi %squeeze3A_907, %jit3A_908 : i32
      %sign3A_910 = arith.constant 0 : i32
      %sign3A_911 = arith.cmpi sgt, %squeeze3A_907, %sign3A_910 : i32
      %sign3A_912 = arith.extui %sign3A_911 : i1 to i32
      %sign3A_913 = arith.constant 0 : i32
      %sign3A_914 = arith.cmpi slt, %squeeze3A_907, %sign3A_913 : i32
      %sign3A_915 = arith.extui %sign3A_914 : i1 to i32
      %sign3A_916 = arith.subi %sign3A_912, %sign3A_915 : i32
      %sign3A_917 = arith.constant 0 : i32
      %sign3A_918 = arith.cmpi sgt, %jit3A_908, %sign3A_917 : i32
      %sign3A_919 = arith.extui %sign3A_918 : i1 to i32
      %sign3A_920 = arith.constant 0 : i32
      %sign3A_921 = arith.cmpi slt, %jit3A_908, %sign3A_920 : i32
      %sign3A_922 = arith.extui %sign3A_921 : i1 to i32
      %sign3A_923 = arith.subi %sign3A_919, %sign3A_922 : i32
      %ne3A_924 = arith.cmpi ne, %sign3A_916, %sign3A_923 : i32
      %rem3A_925 = arith.remsi %squeeze3A_907, %jit3A_908 : i32
      %ne3A_926 = arith.constant 0 : i32
      %ne3A_927 = arith.cmpi ne, %rem3A_925, %ne3A_926 : i32
      %and3A_928 = arith.andi %ne3A_924, %ne3A_927 : i1
      %sub3A_929 = arith.constant 1 : i32
      %sub3A_930 = arith.subi %div3A_909, %sub3A_929 : i32
      %select_n3A_931 = arith.select %and3A_928, %sub3A_930, %div3A_909 : i32
      %mul3A_932 = arith.constant 8 : i32
      %mul3A_933 = arith.muli %select_n3A_931, %mul3A_932 : i32
      %multiple_of3A_934 = tpu.assume_multiple %mul3A_933, 8 : i32
      %dma_start3A_935 = arith.constant 56 : i32
      %dma_start3A_936 = arith.constant 0 : i32
      %dma_start3A_937 = tpu.memref_slice %arg19[%dma_start3A_935, %dma_start3A_936] : memref<128x32xf32, #tpu.memory_space<vmem>> -> memref<8x32xf32, #tpu.memory_space<vmem>>
      %dma_start3A_938 = arith.constant 0 : i32
      %dma_start3A_939 = tpu.memref_slice %arg9[%multiple_of3A_934, %dma_start3A_938] : memref<100000x32xf32, #tpu.memory_space<hbm>> -> memref<8x32xf32, #tpu.memory_space<hbm>>
      %dma_start3A_940 = arith.constant 56 : i32
      %dma_start3A_941 = arith.constant 0 : i32
      %dma_start3A_942 = tpu.memref_slice %arg19[%dma_start3A_940, %dma_start3A_941] : memref<128x32xf32, #tpu.memory_space<vmem>> -> memref<8x32xf32, #tpu.memory_space<vmem>>
      %dma_start3A_943 = arith.constant 0 : i32
      %dma_start3A_944 = tpu.memref_slice %arg9[%multiple_of3A_934, %dma_start3A_943] : memref<100000x32xf32, #tpu.memory_space<hbm>> -> memref<8x32xf32, #tpu.memory_space<hbm>>
      tpu.enqueue_dma source(%dma_start3A_944 : memref<8x32xf32, #tpu.memory_space<hbm>>) target(%dma_start3A_942 : memref<8x32xf32, #tpu.memory_space<vmem>>) target_semaphore(%arg22 : memref<!tpu.dma_semaphore, #tpu.memory_space<semaphore_mem>>)
      %slice3A_945 = vector.extract_strided_slice %get3A_19 {offsets = [8], sizes = [1], strides = [1]} : vector<16xi32> to vector<1xi32>
      %squeeze3A_946 = vector.extract %slice3A_945[0] : i32 from vector<1xi32>
      %jit3A_947 = arith.constant 8 : i32
      %div3A_948 = arith.divsi %squeeze3A_946, %jit3A_947 : i32
      %sign3A_949 = arith.constant 0 : i32
      %sign3A_950 = arith.cmpi sgt, %squeeze3A_946, %sign3A_949 : i32
      %sign3A_951 = arith.extui %sign3A_950 : i1 to i32
      %sign3A_952 = arith.constant 0 : i32
      %sign3A_953 = arith.cmpi slt, %squeeze3A_946, %sign3A_952 : i32
      %sign3A_954 = arith.extui %sign3A_953 : i1 to i32
      %sign3A_955 = arith.subi %sign3A_951, %sign3A_954 : i32
      %sign3A_956 = arith.constant 0 : i32
      %sign3A_957 = arith.cmpi sgt, %jit3A_947, %sign3A_956 : i32
      %sign3A_958 = arith.extui %sign3A_957 : i1 to i32
      %sign3A_959 = arith.constant 0 : i32
      %sign3A_960 = arith.cmpi slt, %jit3A_947, %sign3A_959 : i32
      %sign3A_961 = arith.extui %sign3A_960 : i1 to i32
      %sign3A_962 = arith.subi %sign3A_958, %sign3A_961 : i32
      %ne3A_963 = arith.cmpi ne, %sign3A_955, %sign3A_962 : i32
      %rem3A_964 = arith.remsi %squeeze3A_946, %jit3A_947 : i32
      %ne3A_965 = arith.constant 0 : i32
      %ne3A_966 = arith.cmpi ne, %rem3A_964, %ne3A_965 : i32
      %and3A_967 = arith.andi %ne3A_963, %ne3A_966 : i1
      %sub3A_968 = arith.constant 1 : i32
      %sub3A_969 = arith.subi %div3A_948, %sub3A_968 : i32
      %select_n3A_970 = arith.select %and3A_967, %sub3A_969, %div3A_948 : i32
      %mul3A_971 = arith.constant 8 : i32
      %mul3A_972 = arith.muli %select_n3A_970, %mul3A_971 : i32
      %multiple_of3A_973 = tpu.assume_multiple %mul3A_972, 8 : i32
      %dma_start3A_974 = arith.constant 64 : i32
      %dma_start3A_975 = arith.constant 0 : i32
      %dma_start3A_976 = tpu.memref_slice %arg19[%dma_start3A_974, %dma_start3A_975] : memref<128x32xf32, #tpu.memory_space<vmem>> -> memref<8x32xf32, #tpu.memory_space<vmem>>
      %dma_start3A_977 = arith.constant 0 : i32
      %dma_start3A_978 = tpu.memref_slice %arg9[%multiple_of3A_973, %dma_start3A_977] : memref<100000x32xf32, #tpu.memory_space<hbm>> -> memref<8x32xf32, #tpu.memory_space<hbm>>
      %dma_start3A_979 = arith.constant 64 : i32
      %dma_start3A_980 = arith.constant 0 : i32
      %dma_start3A_981 = tpu.memref_slice %arg19[%dma_start3A_979, %dma_start3A_980] : memref<128x32xf32, #tpu.memory_space<vmem>> -> memref<8x32xf32, #tpu.memory_space<vmem>>
      %dma_start3A_982 = arith.constant 0 : i32
      %dma_start3A_983 = tpu.memref_slice %arg9[%multiple_of3A_973, %dma_start3A_982] : memref<100000x32xf32, #tpu.memory_space<hbm>> -> memref<8x32xf32, #tpu.memory_space<hbm>>
      tpu.enqueue_dma source(%dma_start3A_983 : memref<8x32xf32, #tpu.memory_space<hbm>>) target(%dma_start3A_981 : memref<8x32xf32, #tpu.memory_space<vmem>>) target_semaphore(%arg22 : memref<!tpu.dma_semaphore, #tpu.memory_space<semaphore_mem>>)
      %slice3A_984 = vector.extract_strided_slice %get3A_19 {offsets = [9], sizes = [1], strides = [1]} : vector<16xi32> to vector<1xi32>
      %squeeze3A_985 = vector.extract %slice3A_984[0] : i32 from vector<1xi32>
      %jit3A_986 = arith.constant 8 : i32
      %div3A_987 = arith.divsi %squeeze3A_985, %jit3A_986 : i32
      %sign3A_988 = arith.constant 0 : i32
      %sign3A_989 = arith.cmpi sgt, %squeeze3A_985, %sign3A_988 : i32
      %sign3A_990 = arith.extui %sign3A_989 : i1 to i32
      %sign3A_991 = arith.constant 0 : i32
      %sign3A_992 = arith.cmpi slt, %squeeze3A_985, %sign3A_991 : i32
      %sign3A_993 = arith.extui %sign3A_992 : i1 to i32
      %sign3A_994 = arith.subi %sign3A_990, %sign3A_993 : i32
      %sign3A_995 = arith.constant 0 : i32
      %sign3A_996 = arith.cmpi sgt, %jit3A_986, %sign3A_995 : i32
      %sign3A_997 = arith.extui %sign3A_996 : i1 to i32
      %sign3A_998 = arith.constant 0 : i32
      %sign3A_999 = arith.cmpi slt, %jit3A_986, %sign3A_998 : i32
      %sign3A_1000 = arith.extui %sign3A_999 : i1 to i32
      %sign3A_1001 = arith.subi %sign3A_997, %sign3A_1000 : i32
      %ne3A_1002 = arith.cmpi ne, %sign3A_994, %sign3A_1001 : i32
      %rem3A_1003 = arith.remsi %squeeze3A_985, %jit3A_986 : i32
      %ne3A_1004 = arith.constant 0 : i32
      %ne3A_1005 = arith.cmpi ne, %rem3A_1003, %ne3A_1004 : i32
      %and3A_1006 = arith.andi %ne3A_1002, %ne3A_1005 : i1
      %sub3A_1007 = arith.constant 1 : i32
      %sub3A_1008 = arith.subi %div3A_987, %sub3A_1007 : i32
      %select_n3A_1009 = arith.select %and3A_1006, %sub3A_1008, %div3A_987 : i32
      %mul3A_1010 = arith.constant 8 : i32
      %mul3A_1011 = arith.muli %select_n3A_1009, %mul3A_1010 : i32
      %multiple_of3A_1012 = tpu.assume_multiple %mul3A_1011, 8 : i32
      %dma_start3A_1013 = arith.constant 72 : i32
      %dma_start3A_1014 = arith.constant 0 : i32
      %dma_start3A_1015 = tpu.memref_slice %arg19[%dma_start3A_1013, %dma_start3A_1014] : memref<128x32xf32, #tpu.memory_space<vmem>> -> memref<8x32xf32, #tpu.memory_space<vmem>>
      %dma_start3A_1016 = arith.constant 0 : i32
      %dma_start3A_1017 = tpu.memref_slice %arg9[%multiple_of3A_1012, %dma_start3A_1016] : memref<100000x32xf32, #tpu.memory_space<hbm>> -> memref<8x32xf32, #tpu.memory_space<hbm>>
      %dma_start3A_1018 = arith.constant 72 : i32
      %dma_start3A_1019 = arith.constant 0 : i32
      %dma_start3A_1020 = tpu.memref_slice %arg19[%dma_start3A_1018, %dma_start3A_1019] : memref<128x32xf32, #tpu.memory_space<vmem>> -> memref<8x32xf32, #tpu.memory_space<vmem>>
      %dma_start3A_1021 = arith.constant 0 : i32
      %dma_start3A_1022 = tpu.memref_slice %arg9[%multiple_of3A_1012, %dma_start3A_1021] : memref<100000x32xf32, #tpu.memory_space<hbm>> -> memref<8x32xf32, #tpu.memory_space<hbm>>
      tpu.enqueue_dma source(%dma_start3A_1022 : memref<8x32xf32, #tpu.memory_space<hbm>>) target(%dma_start3A_1020 : memref<8x32xf32, #tpu.memory_space<vmem>>) target_semaphore(%arg22 : memref<!tpu.dma_semaphore, #tpu.memory_space<semaphore_mem>>)
      %slice3A_1023 = vector.extract_strided_slice %get3A_19 {offsets = [10], sizes = [1], strides = [1]} : vector<16xi32> to vector<1xi32>
      %squeeze3A_1024 = vector.extract %slice3A_1023[0] : i32 from vector<1xi32>
      %jit3A_1025 = arith.constant 8 : i32
      %div3A_1026 = arith.divsi %squeeze3A_1024, %jit3A_1025 : i32
      %sign3A_1027 = arith.constant 0 : i32
      %sign3A_1028 = arith.cmpi sgt, %squeeze3A_1024, %sign3A_1027 : i32
      %sign3A_1029 = arith.extui %sign3A_1028 : i1 to i32
      %sign3A_1030 = arith.constant 0 : i32
      %sign3A_1031 = arith.cmpi slt, %squeeze3A_1024, %sign3A_1030 : i32
      %sign3A_1032 = arith.extui %sign3A_1031 : i1 to i32
      %sign3A_1033 = arith.subi %sign3A_1029, %sign3A_1032 : i32
      %sign3A_1034 = arith.constant 0 : i32
      %sign3A_1035 = arith.cmpi sgt, %jit3A_1025, %sign3A_1034 : i32
      %sign3A_1036 = arith.extui %sign3A_1035 : i1 to i32
      %sign3A_1037 = arith.constant 0 : i32
      %sign3A_1038 = arith.cmpi slt, %jit3A_1025, %sign3A_1037 : i32
      %sign3A_1039 = arith.extui %sign3A_1038 : i1 to i32
      %sign3A_1040 = arith.subi %sign3A_1036, %sign3A_1039 : i32
      %ne3A_1041 = arith.cmpi ne, %sign3A_1033, %sign3A_1040 : i32
      %rem3A_1042 = arith.remsi %squeeze3A_1024, %jit3A_1025 : i32
      %ne3A_1043 = arith.constant 0 : i32
      %ne3A_1044 = arith.cmpi ne, %rem3A_1042, %ne3A_1043 : i32
      %and3A_1045 = arith.andi %ne3A_1041, %ne3A_1044 : i1
      %sub3A_1046 = arith.constant 1 : i32
      %sub3A_1047 = arith.subi %div3A_1026, %sub3A_1046 : i32
      %select_n3A_1048 = arith.select %and3A_1045, %sub3A_1047, %div3A_1026 : i32
      %mul3A_1049 = arith.constant 8 : i32
      %mul3A_1050 = arith.muli %select_n3A_1048, %mul3A_1049 : i32
      %multiple_of3A_1051 = tpu.assume_multiple %mul3A_1050, 8 : i32
      %dma_start3A_1052 = arith.constant 80 : i32
      %dma_start3A_1053 = arith.constant 0 : i32
      %dma_start3A_1054 = tpu.memref_slice %arg19[%dma_start3A_1052, %dma_start3A_1053] : memref<128x32xf32, #tpu.memory_space<vmem>> -> memref<8x32xf32, #tpu.memory_space<vmem>>
      %dma_start3A_1055 = arith.constant 0 : i32
      %dma_start3A_1056 = tpu.memref_slice %arg9[%multiple_of3A_1051, %dma_start3A_1055] : memref<100000x32xf32, #tpu.memory_space<hbm>> -> memref<8x32xf32, #tpu.memory_space<hbm>>
      %dma_start3A_1057 = arith.constant 80 : i32
      %dma_start3A_1058 = arith.constant 0 : i32
      %dma_start3A_1059 = tpu.memref_slice %arg19[%dma_start3A_1057, %dma_start3A_1058] : memref<128x32xf32, #tpu.memory_space<vmem>> -> memref<8x32xf32, #tpu.memory_space<vmem>>
      %dma_start3A_1060 = arith.constant 0 : i32
      %dma_start3A_1061 = tpu.memref_slice %arg9[%multiple_of3A_1051, %dma_start3A_1060] : memref<100000x32xf32, #tpu.memory_space<hbm>> -> memref<8x32xf32, #tpu.memory_space<hbm>>
      tpu.enqueue_dma source(%dma_start3A_1061 : memref<8x32xf32, #tpu.memory_space<hbm>>) target(%dma_start3A_1059 : memref<8x32xf32, #tpu.memory_space<vmem>>) target_semaphore(%arg22 : memref<!tpu.dma_semaphore, #tpu.memory_space<semaphore_mem>>)
      %slice3A_1062 = vector.extract_strided_slice %get3A_19 {offsets = [11], sizes = [1], strides = [1]} : vector<16xi32> to vector<1xi32>
      %squeeze3A_1063 = vector.extract %slice3A_1062[0] : i32 from vector<1xi32>
      %jit3A_1064 = arith.constant 8 : i32
      %div3A_1065 = arith.divsi %squeeze3A_1063, %jit3A_1064 : i32
      %sign3A_1066 = arith.constant 0 : i32
      %sign3A_1067 = arith.cmpi sgt, %squeeze3A_1063, %sign3A_1066 : i32
      %sign3A_1068 = arith.extui %sign3A_1067 : i1 to i32
      %sign3A_1069 = arith.constant 0 : i32
      %sign3A_1070 = arith.cmpi slt, %squeeze3A_1063, %sign3A_1069 : i32
      %sign3A_1071 = arith.extui %sign3A_1070 : i1 to i32
      %sign3A_1072 = arith.subi %sign3A_1068, %sign3A_1071 : i32
      %sign3A_1073 = arith.constant 0 : i32
      %sign3A_1074 = arith.cmpi sgt, %jit3A_1064, %sign3A_1073 : i32
      %sign3A_1075 = arith.extui %sign3A_1074 : i1 to i32
      %sign3A_1076 = arith.constant 0 : i32
      %sign3A_1077 = arith.cmpi slt, %jit3A_1064, %sign3A_1076 : i32
      %sign3A_1078 = arith.extui %sign3A_1077 : i1 to i32
      %sign3A_1079 = arith.subi %sign3A_1075, %sign3A_1078 : i32
      %ne3A_1080 = arith.cmpi ne, %sign3A_1072, %sign3A_1079 : i32
      %rem3A_1081 = arith.remsi %squeeze3A_1063, %jit3A_1064 : i32
      %ne3A_1082 = arith.constant 0 : i32
      %ne3A_1083 = arith.cmpi ne, %rem3A_1081, %ne3A_1082 : i32
      %and3A_1084 = arith.andi %ne3A_1080, %ne3A_1083 : i1
      %sub3A_1085 = arith.constant 1 : i32
      %sub3A_1086 = arith.subi %div3A_1065, %sub3A_1085 : i32
      %select_n3A_1087 = arith.select %and3A_1084, %sub3A_1086, %div3A_1065 : i32
      %mul3A_1088 = arith.constant 8 : i32
      %mul3A_1089 = arith.muli %select_n3A_1087, %mul3A_1088 : i32
      %multiple_of3A_1090 = tpu.assume_multiple %mul3A_1089, 8 : i32
      %dma_start3A_1091 = arith.constant 88 : i32
      %dma_start3A_1092 = arith.constant 0 : i32
      %dma_start3A_1093 = tpu.memref_slice %arg19[%dma_start3A_1091, %dma_start3A_1092] : memref<128x32xf32, #tpu.memory_space<vmem>> -> memref<8x32xf32, #tpu.memory_space<vmem>>
      %dma_start3A_1094 = arith.constant 0 : i32
      %dma_start3A_1095 = tpu.memref_slice %arg9[%multiple_of3A_1090, %dma_start3A_1094] : memref<100000x32xf32, #tpu.memory_space<hbm>> -> memref<8x32xf32, #tpu.memory_space<hbm>>
      %dma_start3A_1096 = arith.constant 88 : i32
      %dma_start3A_1097 = arith.constant 0 : i32
      %dma_start3A_1098 = tpu.memref_slice %arg19[%dma_start3A_1096, %dma_start3A_1097] : memref<128x32xf32, #tpu.memory_space<vmem>> -> memref<8x32xf32, #tpu.memory_space<vmem>>
      %dma_start3A_1099 = arith.constant 0 : i32
      %dma_start3A_1100 = tpu.memref_slice %arg9[%multiple_of3A_1090, %dma_start3A_1099] : memref<100000x32xf32, #tpu.memory_space<hbm>> -> memref<8x32xf32, #tpu.memory_space<hbm>>
      tpu.enqueue_dma source(%dma_start3A_1100 : memref<8x32xf32, #tpu.memory_space<hbm>>) target(%dma_start3A_1098 : memref<8x32xf32, #tpu.memory_space<vmem>>) target_semaphore(%arg22 : memref<!tpu.dma_semaphore, #tpu.memory_space<semaphore_mem>>)
      %slice3A_1101 = vector.extract_strided_slice %get3A_19 {offsets = [12], sizes = [1], strides = [1]} : vector<16xi32> to vector<1xi32>
      %squeeze3A_1102 = vector.extract %slice3A_1101[0] : i32 from vector<1xi32>
      %jit3A_1103 = arith.constant 8 : i32
      %div3A_1104 = arith.divsi %squeeze3A_1102, %jit3A_1103 : i32
      %sign3A_1105 = arith.constant 0 : i32
      %sign3A_1106 = arith.cmpi sgt, %squeeze3A_1102, %sign3A_1105 : i32
      %sign3A_1107 = arith.extui %sign3A_1106 : i1 to i32
      %sign3A_1108 = arith.constant 0 : i32
      %sign3A_1109 = arith.cmpi slt, %squeeze3A_1102, %sign3A_1108 : i32
      %sign3A_1110 = arith.extui %sign3A_1109 : i1 to i32
      %sign3A_1111 = arith.subi %sign3A_1107, %sign3A_1110 : i32
      %sign3A_1112 = arith.constant 0 : i32
      %sign3A_1113 = arith.cmpi sgt, %jit3A_1103, %sign3A_1112 : i32
      %sign3A_1114 = arith.extui %sign3A_1113 : i1 to i32
      %sign3A_1115 = arith.constant 0 : i32
      %sign3A_1116 = arith.cmpi slt, %jit3A_1103, %sign3A_1115 : i32
      %sign3A_1117 = arith.extui %sign3A_1116 : i1 to i32
      %sign3A_1118 = arith.subi %sign3A_1114, %sign3A_1117 : i32
      %ne3A_1119 = arith.cmpi ne, %sign3A_1111, %sign3A_1118 : i32
      %rem3A_1120 = arith.remsi %squeeze3A_1102, %jit3A_1103 : i32
      %ne3A_1121 = arith.constant 0 : i32
      %ne3A_1122 = arith.cmpi ne, %rem3A_1120, %ne3A_1121 : i32
      %and3A_1123 = arith.andi %ne3A_1119, %ne3A_1122 : i1
      %sub3A_1124 = arith.constant 1 : i32
      %sub3A_1125 = arith.subi %div3A_1104, %sub3A_1124 : i32
      %select_n3A_1126 = arith.select %and3A_1123, %sub3A_1125, %div3A_1104 : i32
      %mul3A_1127 = arith.constant 8 : i32
      %mul3A_1128 = arith.muli %select_n3A_1126, %mul3A_1127 : i32
      %multiple_of3A_1129 = tpu.assume_multiple %mul3A_1128, 8 : i32
      %dma_start3A_1130 = arith.constant 96 : i32
      %dma_start3A_1131 = arith.constant 0 : i32
      %dma_start3A_1132 = tpu.memref_slice %arg19[%dma_start3A_1130, %dma_start3A_1131] : memref<128x32xf32, #tpu.memory_space<vmem>> -> memref<8x32xf32, #tpu.memory_space<vmem>>
      %dma_start3A_1133 = arith.constant 0 : i32
      %dma_start3A_1134 = tpu.memref_slice %arg9[%multiple_of3A_1129, %dma_start3A_1133] : memref<100000x32xf32, #tpu.memory_space<hbm>> -> memref<8x32xf32, #tpu.memory_space<hbm>>
      %dma_start3A_1135 = arith.constant 96 : i32
      %dma_start3A_1136 = arith.constant 0 : i32
      %dma_start3A_1137 = tpu.memref_slice %arg19[%dma_start3A_1135, %dma_start3A_1136] : memref<128x32xf32, #tpu.memory_space<vmem>> -> memref<8x32xf32, #tpu.memory_space<vmem>>
      %dma_start3A_1138 = arith.constant 0 : i32
      %dma_start3A_1139 = tpu.memref_slice %arg9[%multiple_of3A_1129, %dma_start3A_1138] : memref<100000x32xf32, #tpu.memory_space<hbm>> -> memref<8x32xf32, #tpu.memory_space<hbm>>
      tpu.enqueue_dma source(%dma_start3A_1139 : memref<8x32xf32, #tpu.memory_space<hbm>>) target(%dma_start3A_1137 : memref<8x32xf32, #tpu.memory_space<vmem>>) target_semaphore(%arg22 : memref<!tpu.dma_semaphore, #tpu.memory_space<semaphore_mem>>)
      %slice3A_1140 = vector.extract_strided_slice %get3A_19 {offsets = [13], sizes = [1], strides = [1]} : vector<16xi32> to vector<1xi32>
      %squeeze3A_1141 = vector.extract %slice3A_1140[0] : i32 from vector<1xi32>
      %jit3A_1142 = arith.constant 8 : i32
      %div3A_1143 = arith.divsi %squeeze3A_1141, %jit3A_1142 : i32
      %sign3A_1144 = arith.constant 0 : i32
      %sign3A_1145 = arith.cmpi sgt, %squeeze3A_1141, %sign3A_1144 : i32
      %sign3A_1146 = arith.extui %sign3A_1145 : i1 to i32
      %sign3A_1147 = arith.constant 0 : i32
      %sign3A_1148 = arith.cmpi slt, %squeeze3A_1141, %sign3A_1147 : i32
      %sign3A_1149 = arith.extui %sign3A_1148 : i1 to i32
      %sign3A_1150 = arith.subi %sign3A_1146, %sign3A_1149 : i32
      %sign3A_1151 = arith.constant 0 : i32
      %sign3A_1152 = arith.cmpi sgt, %jit3A_1142, %sign3A_1151 : i32
      %sign3A_1153 = arith.extui %sign3A_1152 : i1 to i32
      %sign3A_1154 = arith.constant 0 : i32
      %sign3A_1155 = arith.cmpi slt, %jit3A_1142, %sign3A_1154 : i32
      %sign3A_1156 = arith.extui %sign3A_1155 : i1 to i32
      %sign3A_1157 = arith.subi %sign3A_1153, %sign3A_1156 : i32
      %ne3A_1158 = arith.cmpi ne, %sign3A_1150, %sign3A_1157 : i32
      %rem3A_1159 = arith.remsi %squeeze3A_1141, %jit3A_1142 : i32
      %ne3A_1160 = arith.constant 0 : i32
      %ne3A_1161 = arith.cmpi ne, %rem3A_1159, %ne3A_1160 : i32
      %and3A_1162 = arith.andi %ne3A_1158, %ne3A_1161 : i1
      %sub3A_1163 = arith.constant 1 : i32
      %sub3A_1164 = arith.subi %div3A_1143, %sub3A_1163 : i32
      %select_n3A_1165 = arith.select %and3A_1162, %sub3A_1164, %div3A_1143 : i32
      %mul3A_1166 = arith.constant 8 : i32
      %mul3A_1167 = arith.muli %select_n3A_1165, %mul3A_1166 : i32
      %multiple_of3A_1168 = tpu.assume_multiple %mul3A_1167, 8 : i32
      %dma_start3A_1169 = arith.constant 104 : i32
      %dma_start3A_1170 = arith.constant 0 : i32
      %dma_start3A_1171 = tpu.memref_slice %arg19[%dma_start3A_1169, %dma_start3A_1170] : memref<128x32xf32, #tpu.memory_space<vmem>> -> memref<8x32xf32, #tpu.memory_space<vmem>>
      %dma_start3A_1172 = arith.constant 0 : i32
      %dma_start3A_1173 = tpu.memref_slice %arg9[%multiple_of3A_1168, %dma_start3A_1172] : memref<100000x32xf32, #tpu.memory_space<hbm>> -> memref<8x32xf32, #tpu.memory_space<hbm>>
      %dma_start3A_1174 = arith.constant 104 : i32
      %dma_start3A_1175 = arith.constant 0 : i32
      %dma_start3A_1176 = tpu.memref_slice %arg19[%dma_start3A_1174, %dma_start3A_1175] : memref<128x32xf32, #tpu.memory_space<vmem>> -> memref<8x32xf32, #tpu.memory_space<vmem>>
      %dma_start3A_1177 = arith.constant 0 : i32
      %dma_start3A_1178 = tpu.memref_slice %arg9[%multiple_of3A_1168, %dma_start3A_1177] : memref<100000x32xf32, #tpu.memory_space<hbm>> -> memref<8x32xf32, #tpu.memory_space<hbm>>
      tpu.enqueue_dma source(%dma_start3A_1178 : memref<8x32xf32, #tpu.memory_space<hbm>>) target(%dma_start3A_1176 : memref<8x32xf32, #tpu.memory_space<vmem>>) target_semaphore(%arg22 : memref<!tpu.dma_semaphore, #tpu.memory_space<semaphore_mem>>)
      %slice3A_1179 = vector.extract_strided_slice %get3A_19 {offsets = [14], sizes = [1], strides = [1]} : vector<16xi32> to vector<1xi32>
      %squeeze3A_1180 = vector.extract %slice3A_1179[0] : i32 from vector<1xi32>
      %jit3A_1181 = arith.constant 8 : i32
      %div3A_1182 = arith.divsi %squeeze3A_1180, %jit3A_1181 : i32
      %sign3A_1183 = arith.constant 0 : i32
      %sign3A_1184 = arith.cmpi sgt, %squeeze3A_1180, %sign3A_1183 : i32
      %sign3A_1185 = arith.extui %sign3A_1184 : i1 to i32
      %sign3A_1186 = arith.constant 0 : i32
      %sign3A_1187 = arith.cmpi slt, %squeeze3A_1180, %sign3A_1186 : i32
      %sign3A_1188 = arith.extui %sign3A_1187 : i1 to i32
      %sign3A_1189 = arith.subi %sign3A_1185, %sign3A_1188 : i32
      %sign3A_1190 = arith.constant 0 : i32
      %sign3A_1191 = arith.cmpi sgt, %jit3A_1181, %sign3A_1190 : i32
      %sign3A_1192 = arith.extui %sign3A_1191 : i1 to i32
      %sign3A_1193 = arith.constant 0 : i32
      %sign3A_1194 = arith.cmpi slt, %jit3A_1181, %sign3A_1193 : i32
      %sign3A_1195 = arith.extui %sign3A_1194 : i1 to i32
      %sign3A_1196 = arith.subi %sign3A_1192, %sign3A_1195 : i32
      %ne3A_1197 = arith.cmpi ne, %sign3A_1189, %sign3A_1196 : i32
      %rem3A_1198 = arith.remsi %squeeze3A_1180, %jit3A_1181 : i32
      %ne3A_1199 = arith.constant 0 : i32
      %ne3A_1200 = arith.cmpi ne, %rem3A_1198, %ne3A_1199 : i32
      %and3A_1201 = arith.andi %ne3A_1197, %ne3A_1200 : i1
      %sub3A_1202 = arith.constant 1 : i32
      %sub3A_1203 = arith.subi %div3A_1182, %sub3A_1202 : i32
      %select_n3A_1204 = arith.select %and3A_1201, %sub3A_1203, %div3A_1182 : i32
      %mul3A_1205 = arith.constant 8 : i32
      %mul3A_1206 = arith.muli %select_n3A_1204, %mul3A_1205 : i32
      %multiple_of3A_1207 = tpu.assume_multiple %mul3A_1206, 8 : i32
      %dma_start3A_1208 = arith.constant 112 : i32
      %dma_start3A_1209 = arith.constant 0 : i32
      %dma_start3A_1210 = tpu.memref_slice %arg19[%dma_start3A_1208, %dma_start3A_1209] : memref<128x32xf32, #tpu.memory_space<vmem>> -> memref<8x32xf32, #tpu.memory_space<vmem>>
      %dma_start3A_1211 = arith.constant 0 : i32
      %dma_start3A_1212 = tpu.memref_slice %arg9[%multiple_of3A_1207, %dma_start3A_1211] : memref<100000x32xf32, #tpu.memory_space<hbm>> -> memref<8x32xf32, #tpu.memory_space<hbm>>
      %dma_start3A_1213 = arith.constant 112 : i32
      %dma_start3A_1214 = arith.constant 0 : i32
      %dma_start3A_1215 = tpu.memref_slice %arg19[%dma_start3A_1213, %dma_start3A_1214] : memref<128x32xf32, #tpu.memory_space<vmem>> -> memref<8x32xf32, #tpu.memory_space<vmem>>
      %dma_start3A_1216 = arith.constant 0 : i32
      %dma_start3A_1217 = tpu.memref_slice %arg9[%multiple_of3A_1207, %dma_start3A_1216] : memref<100000x32xf32, #tpu.memory_space<hbm>> -> memref<8x32xf32, #tpu.memory_space<hbm>>
      tpu.enqueue_dma source(%dma_start3A_1217 : memref<8x32xf32, #tpu.memory_space<hbm>>) target(%dma_start3A_1215 : memref<8x32xf32, #tpu.memory_space<vmem>>) target_semaphore(%arg22 : memref<!tpu.dma_semaphore, #tpu.memory_space<semaphore_mem>>)
      %slice3A_1218 = vector.extract_strided_slice %get3A_19 {offsets = [15], sizes = [1], strides = [1]} : vector<16xi32> to vector<1xi32>
      %squeeze3A_1219 = vector.extract %slice3A_1218[0] : i32 from vector<1xi32>
      %jit3A_1220 = arith.constant 8 : i32
      %div3A_1221 = arith.divsi %squeeze3A_1219, %jit3A_1220 : i32
      %sign3A_1222 = arith.constant 0 : i32
      %sign3A_1223 = arith.cmpi sgt, %squeeze3A_1219, %sign3A_1222 : i32
      %sign3A_1224 = arith.extui %sign3A_1223 : i1 to i32
      %sign3A_1225 = arith.constant 0 : i32
      %sign3A_1226 = arith.cmpi slt, %squeeze3A_1219, %sign3A_1225 : i32
      %sign3A_1227 = arith.extui %sign3A_1226 : i1 to i32
      %sign3A_1228 = arith.subi %sign3A_1224, %sign3A_1227 : i32
      %sign3A_1229 = arith.constant 0 : i32
      %sign3A_1230 = arith.cmpi sgt, %jit3A_1220, %sign3A_1229 : i32
      %sign3A_1231 = arith.extui %sign3A_1230 : i1 to i32
      %sign3A_1232 = arith.constant 0 : i32
      %sign3A_1233 = arith.cmpi slt, %jit3A_1220, %sign3A_1232 : i32
      %sign3A_1234 = arith.extui %sign3A_1233 : i1 to i32
      %sign3A_1235 = arith.subi %sign3A_1231, %sign3A_1234 : i32
      %ne3A_1236 = arith.cmpi ne, %sign3A_1228, %sign3A_1235 : i32
      %rem3A_1237 = arith.remsi %squeeze3A_1219, %jit3A_1220 : i32
      %ne3A_1238 = arith.constant 0 : i32
      %ne3A_1239 = arith.cmpi ne, %rem3A_1237, %ne3A_1238 : i32
      %and3A_1240 = arith.andi %ne3A_1236, %ne3A_1239 : i1
      %sub3A_1241 = arith.constant 1 : i32
      %sub3A_1242 = arith.subi %div3A_1221, %sub3A_1241 : i32
      %select_n3A_1243 = arith.select %and3A_1240, %sub3A_1242, %div3A_1221 : i32
      %mul3A_1244 = arith.constant 8 : i32
      %mul3A_1245 = arith.muli %select_n3A_1243, %mul3A_1244 : i32
      %multiple_of3A_1246 = tpu.assume_multiple %mul3A_1245, 8 : i32
      %dma_start3A_1247 = arith.constant 120 : i32
      %dma_start3A_1248 = arith.constant 0 : i32
      %dma_start3A_1249 = tpu.memref_slice %arg19[%dma_start3A_1247, %dma_start3A_1248] : memref<128x32xf32, #tpu.memory_space<vmem>> -> memref<8x32xf32, #tpu.memory_space<vmem>>
      %dma_start3A_1250 = arith.constant 0 : i32
      %dma_start3A_1251 = tpu.memref_slice %arg9[%multiple_of3A_1246, %dma_start3A_1250] : memref<100000x32xf32, #tpu.memory_space<hbm>> -> memref<8x32xf32, #tpu.memory_space<hbm>>
      %dma_start3A_1252 = arith.constant 120 : i32
      %dma_start3A_1253 = arith.constant 0 : i32
      %dma_start3A_1254 = tpu.memref_slice %arg19[%dma_start3A_1252, %dma_start3A_1253] : memref<128x32xf32, #tpu.memory_space<vmem>> -> memref<8x32xf32, #tpu.memory_space<vmem>>
      %dma_start3A_1255 = arith.constant 0 : i32
      %dma_start3A_1256 = tpu.memref_slice %arg9[%multiple_of3A_1246, %dma_start3A_1255] : memref<100000x32xf32, #tpu.memory_space<hbm>> -> memref<8x32xf32, #tpu.memory_space<hbm>>
      tpu.enqueue_dma source(%dma_start3A_1256 : memref<8x32xf32, #tpu.memory_space<hbm>>) target(%dma_start3A_1254 : memref<8x32xf32, #tpu.memory_space<vmem>>) target_semaphore(%arg22 : memref<!tpu.dma_semaphore, #tpu.memory_space<semaphore_mem>>)
      %slice3A_1257 = vector.extract_strided_slice %get3A_19 {offsets = [0], sizes = [1], strides = [1]} : vector<16xi32> to vector<1xi32>
      %squeeze3A_1258 = vector.extract %slice3A_1257[0] : i32 from vector<1xi32>
      %jit3A_1259 = arith.constant 16 : i32
      %div3A_1260 = arith.divsi %squeeze3A_1258, %jit3A_1259 : i32
      %sign3A_1261 = arith.constant 0 : i32
      %sign3A_1262 = arith.cmpi sgt, %squeeze3A_1258, %sign3A_1261 : i32
      %sign3A_1263 = arith.extui %sign3A_1262 : i1 to i32
      %sign3A_1264 = arith.constant 0 : i32
      %sign3A_1265 = arith.cmpi slt, %squeeze3A_1258, %sign3A_1264 : i32
      %sign3A_1266 = arith.extui %sign3A_1265 : i1 to i32
      %sign3A_1267 = arith.subi %sign3A_1263, %sign3A_1266 : i32
      %sign3A_1268 = arith.constant 0 : i32
      %sign3A_1269 = arith.cmpi sgt, %jit3A_1259, %sign3A_1268 : i32
      %sign3A_1270 = arith.extui %sign3A_1269 : i1 to i32
      %sign3A_1271 = arith.constant 0 : i32
      %sign3A_1272 = arith.cmpi slt, %jit3A_1259, %sign3A_1271 : i32
      %sign3A_1273 = arith.extui %sign3A_1272 : i1 to i32
      %sign3A_1274 = arith.subi %sign3A_1270, %sign3A_1273 : i32
      %ne3A_1275 = arith.cmpi ne, %sign3A_1267, %sign3A_1274 : i32
      %rem3A_1276 = arith.remsi %squeeze3A_1258, %jit3A_1259 : i32
      %ne3A_1277 = arith.constant 0 : i32
      %ne3A_1278 = arith.cmpi ne, %rem3A_1276, %ne3A_1277 : i32
      %and3A_1279 = arith.andi %ne3A_1275, %ne3A_1278 : i1
      %sub3A_1280 = arith.constant 1 : i32
      %sub3A_1281 = arith.subi %div3A_1260, %sub3A_1280 : i32
      %select_n3A_1282 = arith.select %and3A_1279, %sub3A_1281, %div3A_1260 : i32
      %jit3A_1283 = arith.constant 8 : i32
      %div3A_1284 = arith.divsi %select_n3A_1282, %jit3A_1283 : i32
      %sign3A_1285 = arith.constant 0 : i32
      %sign3A_1286 = arith.cmpi sgt, %select_n3A_1282, %sign3A_1285 : i32
      %sign3A_1287 = arith.extui %sign3A_1286 : i1 to i32
      %sign3A_1288 = arith.constant 0 : i32
      %sign3A_1289 = arith.cmpi slt, %select_n3A_1282, %sign3A_1288 : i32
      %sign3A_1290 = arith.extui %sign3A_1289 : i1 to i32
      %sign3A_1291 = arith.subi %sign3A_1287, %sign3A_1290 : i32
      %sign3A_1292 = arith.constant 0 : i32
      %sign3A_1293 = arith.cmpi sgt, %jit3A_1283, %sign3A_1292 : i32
      %sign3A_1294 = arith.extui %sign3A_1293 : i1 to i32
      %sign3A_1295 = arith.constant 0 : i32
      %sign3A_1296 = arith.cmpi slt, %jit3A_1283, %sign3A_1295 : i32
      %sign3A_1297 = arith.extui %sign3A_1296 : i1 to i32
      %sign3A_1298 = arith.subi %sign3A_1294, %sign3A_1297 : i32
      %ne3A_1299 = arith.cmpi ne, %sign3A_1291, %sign3A_1298 : i32
      %rem3A_1300 = arith.remsi %select_n3A_1282, %jit3A_1283 : i32
      %ne3A_1301 = arith.constant 0 : i32
      %ne3A_1302 = arith.cmpi ne, %rem3A_1300, %ne3A_1301 : i32
      %and3A_1303 = arith.andi %ne3A_1299, %ne3A_1302 : i1
      %sub3A_1304 = arith.constant 1 : i32
      %sub3A_1305 = arith.subi %div3A_1284, %sub3A_1304 : i32
      %select_n3A_1306 = arith.select %and3A_1303, %sub3A_1305, %div3A_1284 : i32
      %mul3A_1307 = arith.constant 8 : i32
      %mul3A_1308 = arith.muli %select_n3A_1306, %mul3A_1307 : i32
      %multiple_of3A_1309 = tpu.assume_multiple %mul3A_1308, 8 : i32
      %dma_start3A_1310 = arith.constant 0 : i32
      %dma_start3A_1311 = arith.constant 0 : i32
      %dma_start3A_1312 = tpu.memref_slice %arg20[%dma_start3A_1310, %dma_start3A_1311] : memref<128x16xf32, #tpu.memory_space<vmem>> -> memref<8x16xf32, #tpu.memory_space<vmem>>
      %dma_start3A_1313 = arith.constant 0 : i32
      %dma_start3A_1314 = tpu.memref_slice %arg10[%multiple_of3A_1309, %dma_start3A_1313] : memref<6256x16xf32, #tpu.memory_space<hbm>> -> memref<8x16xf32, #tpu.memory_space<hbm>>
      %dma_start3A_1315 = arith.constant 0 : i32
      %dma_start3A_1316 = arith.constant 0 : i32
      %dma_start3A_1317 = tpu.memref_slice %arg20[%dma_start3A_1315, %dma_start3A_1316] : memref<128x16xf32, #tpu.memory_space<vmem>> -> memref<8x16xf32, #tpu.memory_space<vmem>>
      %dma_start3A_1318 = arith.constant 0 : i32
      %dma_start3A_1319 = tpu.memref_slice %arg10[%multiple_of3A_1309, %dma_start3A_1318] : memref<6256x16xf32, #tpu.memory_space<hbm>> -> memref<8x16xf32, #tpu.memory_space<hbm>>
      tpu.enqueue_dma source(%dma_start3A_1319 : memref<8x16xf32, #tpu.memory_space<hbm>>) target(%dma_start3A_1317 : memref<8x16xf32, #tpu.memory_space<vmem>>) target_semaphore(%arg22 : memref<!tpu.dma_semaphore, #tpu.memory_space<semaphore_mem>>)
      %slice3A_1320 = vector.extract_strided_slice %get3A_19 {offsets = [1], sizes = [1], strides = [1]} : vector<16xi32> to vector<1xi32>
      %squeeze3A_1321 = vector.extract %slice3A_1320[0] : i32 from vector<1xi32>
      %jit3A_1322 = arith.constant 16 : i32
      %div3A_1323 = arith.divsi %squeeze3A_1321, %jit3A_1322 : i32
      %sign3A_1324 = arith.constant 0 : i32
      %sign3A_1325 = arith.cmpi sgt, %squeeze3A_1321, %sign3A_1324 : i32
      %sign3A_1326 = arith.extui %sign3A_1325 : i1 to i32
      %sign3A_1327 = arith.constant 0 : i32
      %sign3A_1328 = arith.cmpi slt, %squeeze3A_1321, %sign3A_1327 : i32
      %sign3A_1329 = arith.extui %sign3A_1328 : i1 to i32
      %sign3A_1330 = arith.subi %sign3A_1326, %sign3A_1329 : i32
      %sign3A_1331 = arith.constant 0 : i32
      %sign3A_1332 = arith.cmpi sgt, %jit3A_1322, %sign3A_1331 : i32
      %sign3A_1333 = arith.extui %sign3A_1332 : i1 to i32
      %sign3A_1334 = arith.constant 0 : i32
      %sign3A_1335 = arith.cmpi slt, %jit3A_1322, %sign3A_1334 : i32
      %sign3A_1336 = arith.extui %sign3A_1335 : i1 to i32
      %sign3A_1337 = arith.subi %sign3A_1333, %sign3A_1336 : i32
      %ne3A_1338 = arith.cmpi ne, %sign3A_1330, %sign3A_1337 : i32
      %rem3A_1339 = arith.remsi %squeeze3A_1321, %jit3A_1322 : i32
      %ne3A_1340 = arith.constant 0 : i32
      %ne3A_1341 = arith.cmpi ne, %rem3A_1339, %ne3A_1340 : i32
      %and3A_1342 = arith.andi %ne3A_1338, %ne3A_1341 : i1
      %sub3A_1343 = arith.constant 1 : i32
      %sub3A_1344 = arith.subi %div3A_1323, %sub3A_1343 : i32
      %select_n3A_1345 = arith.select %and3A_1342, %sub3A_1344, %div3A_1323 : i32
      %jit3A_1346 = arith.constant 8 : i32
      %div3A_1347 = arith.divsi %select_n3A_1345, %jit3A_1346 : i32
      %sign3A_1348 = arith.constant 0 : i32
      %sign3A_1349 = arith.cmpi sgt, %select_n3A_1345, %sign3A_1348 : i32
      %sign3A_1350 = arith.extui %sign3A_1349 : i1 to i32
      %sign3A_1351 = arith.constant 0 : i32
      %sign3A_1352 = arith.cmpi slt, %select_n3A_1345, %sign3A_1351 : i32
      %sign3A_1353 = arith.extui %sign3A_1352 : i1 to i32
      %sign3A_1354 = arith.subi %sign3A_1350, %sign3A_1353 : i32
      %sign3A_1355 = arith.constant 0 : i32
      %sign3A_1356 = arith.cmpi sgt, %jit3A_1346, %sign3A_1355 : i32
      %sign3A_1357 = arith.extui %sign3A_1356 : i1 to i32
      %sign3A_1358 = arith.constant 0 : i32
      %sign3A_1359 = arith.cmpi slt, %jit3A_1346, %sign3A_1358 : i32
      %sign3A_1360 = arith.extui %sign3A_1359 : i1 to i32
      %sign3A_1361 = arith.subi %sign3A_1357, %sign3A_1360 : i32
      %ne3A_1362 = arith.cmpi ne, %sign3A_1354, %sign3A_1361 : i32
      %rem3A_1363 = arith.remsi %select_n3A_1345, %jit3A_1346 : i32
      %ne3A_1364 = arith.constant 0 : i32
      %ne3A_1365 = arith.cmpi ne, %rem3A_1363, %ne3A_1364 : i32
      %and3A_1366 = arith.andi %ne3A_1362, %ne3A_1365 : i1
      %sub3A_1367 = arith.constant 1 : i32
      %sub3A_1368 = arith.subi %div3A_1347, %sub3A_1367 : i32
      %select_n3A_1369 = arith.select %and3A_1366, %sub3A_1368, %div3A_1347 : i32
      %mul3A_1370 = arith.constant 8 : i32
      %mul3A_1371 = arith.muli %select_n3A_1369, %mul3A_1370 : i32
      %multiple_of3A_1372 = tpu.assume_multiple %mul3A_1371, 8 : i32
      %dma_start3A_1373 = arith.constant 8 : i32
      %dma_start3A_1374 = arith.constant 0 : i32
      %dma_start3A_1375 = tpu.memref_slice %arg20[%dma_start3A_1373, %dma_start3A_1374] : memref<128x16xf32, #tpu.memory_space<vmem>> -> memref<8x16xf32, #tpu.memory_space<vmem>>
      %dma_start3A_1376 = arith.constant 0 : i32
      %dma_start3A_1377 = tpu.memref_slice %arg10[%multiple_of3A_1372, %dma_start3A_1376] : memref<6256x16xf32, #tpu.memory_space<hbm>> -> memref<8x16xf32, #tpu.memory_space<hbm>>
      %dma_start3A_1378 = arith.constant 8 : i32
      %dma_start3A_1379 = arith.constant 0 : i32
      %dma_start3A_1380 = tpu.memref_slice %arg20[%dma_start3A_1378, %dma_start3A_1379] : memref<128x16xf32, #tpu.memory_space<vmem>> -> memref<8x16xf32, #tpu.memory_space<vmem>>
      %dma_start3A_1381 = arith.constant 0 : i32
      %dma_start3A_1382 = tpu.memref_slice %arg10[%multiple_of3A_1372, %dma_start3A_1381] : memref<6256x16xf32, #tpu.memory_space<hbm>> -> memref<8x16xf32, #tpu.memory_space<hbm>>
      tpu.enqueue_dma source(%dma_start3A_1382 : memref<8x16xf32, #tpu.memory_space<hbm>>) target(%dma_start3A_1380 : memref<8x16xf32, #tpu.memory_space<vmem>>) target_semaphore(%arg22 : memref<!tpu.dma_semaphore, #tpu.memory_space<semaphore_mem>>)
      %slice3A_1383 = vector.extract_strided_slice %get3A_19 {offsets = [2], sizes = [1], strides = [1]} : vector<16xi32> to vector<1xi32>
      %squeeze3A_1384 = vector.extract %slice3A_1383[0] : i32 from vector<1xi32>
      %jit3A_1385 = arith.constant 16 : i32
      %div3A_1386 = arith.divsi %squeeze3A_1384, %jit3A_1385 : i32
      %sign3A_1387 = arith.constant 0 : i32
      %sign3A_1388 = arith.cmpi sgt, %squeeze3A_1384, %sign3A_1387 : i32
      %sign3A_1389 = arith.extui %sign3A_1388 : i1 to i32
      %sign3A_1390 = arith.constant 0 : i32
      %sign3A_1391 = arith.cmpi slt, %squeeze3A_1384, %sign3A_1390 : i32
      %sign3A_1392 = arith.extui %sign3A_1391 : i1 to i32
      %sign3A_1393 = arith.subi %sign3A_1389, %sign3A_1392 : i32
      %sign3A_1394 = arith.constant 0 : i32
      %sign3A_1395 = arith.cmpi sgt, %jit3A_1385, %sign3A_1394 : i32
      %sign3A_1396 = arith.extui %sign3A_1395 : i1 to i32
      %sign3A_1397 = arith.constant 0 : i32
      %sign3A_1398 = arith.cmpi slt, %jit3A_1385, %sign3A_1397 : i32
      %sign3A_1399 = arith.extui %sign3A_1398 : i1 to i32
      %sign3A_1400 = arith.subi %sign3A_1396, %sign3A_1399 : i32
      %ne3A_1401 = arith.cmpi ne, %sign3A_1393, %sign3A_1400 : i32
      %rem3A_1402 = arith.remsi %squeeze3A_1384, %jit3A_1385 : i32
      %ne3A_1403 = arith.constant 0 : i32
      %ne3A_1404 = arith.cmpi ne, %rem3A_1402, %ne3A_1403 : i32
      %and3A_1405 = arith.andi %ne3A_1401, %ne3A_1404 : i1
      %sub3A_1406 = arith.constant 1 : i32
      %sub3A_1407 = arith.subi %div3A_1386, %sub3A_1406 : i32
      %select_n3A_1408 = arith.select %and3A_1405, %sub3A_1407, %div3A_1386 : i32
      %jit3A_1409 = arith.constant 8 : i32
      %div3A_1410 = arith.divsi %select_n3A_1408, %jit3A_1409 : i32
      %sign3A_1411 = arith.constant 0 : i32
      %sign3A_1412 = arith.cmpi sgt, %select_n3A_1408, %sign3A_1411 : i32
      %sign3A_1413 = arith.extui %sign3A_1412 : i1 to i32
      %sign3A_1414 = arith.constant 0 : i32
      %sign3A_1415 = arith.cmpi slt, %select_n3A_1408, %sign3A_1414 : i32
      %sign3A_1416 = arith.extui %sign3A_1415 : i1 to i32
      %sign3A_1417 = arith.subi %sign3A_1413, %sign3A_1416 : i32
      %sign3A_1418 = arith.constant 0 : i32
      %sign3A_1419 = arith.cmpi sgt, %jit3A_1409, %sign3A_1418 : i32
      %sign3A_1420 = arith.extui %sign3A_1419 : i1 to i32
      %sign3A_1421 = arith.constant 0 : i32
      %sign3A_1422 = arith.cmpi slt, %jit3A_1409, %sign3A_1421 : i32
      %sign3A_1423 = arith.extui %sign3A_1422 : i1 to i32
      %sign3A_1424 = arith.subi %sign3A_1420, %sign3A_1423 : i32
      %ne3A_1425 = arith.cmpi ne, %sign3A_1417, %sign3A_1424 : i32
      %rem3A_1426 = arith.remsi %select_n3A_1408, %jit3A_1409 : i32
      %ne3A_1427 = arith.constant 0 : i32
      %ne3A_1428 = arith.cmpi ne, %rem3A_1426, %ne3A_1427 : i32
      %and3A_1429 = arith.andi %ne3A_1425, %ne3A_1428 : i1
      %sub3A_1430 = arith.constant 1 : i32
      %sub3A_1431 = arith.subi %div3A_1410, %sub3A_1430 : i32
      %select_n3A_1432 = arith.select %and3A_1429, %sub3A_1431, %div3A_1410 : i32
      %mul3A_1433 = arith.constant 8 : i32
      %mul3A_1434 = arith.muli %select_n3A_1432, %mul3A_1433 : i32
      %multiple_of3A_1435 = tpu.assume_multiple %mul3A_1434, 8 : i32
      %dma_start3A_1436 = arith.constant 16 : i32
      %dma_start3A_1437 = arith.constant 0 : i32
      %dma_start3A_1438 = tpu.memref_slice %arg20[%dma_start3A_1436, %dma_start3A_1437] : memref<128x16xf32, #tpu.memory_space<vmem>> -> memref<8x16xf32, #tpu.memory_space<vmem>>
      %dma_start3A_1439 = arith.constant 0 : i32
      %dma_start3A_1440 = tpu.memref_slice %arg10[%multiple_of3A_1435, %dma_start3A_1439] : memref<6256x16xf32, #tpu.memory_space<hbm>> -> memref<8x16xf32, #tpu.memory_space<hbm>>
      %dma_start3A_1441 = arith.constant 16 : i32
      %dma_start3A_1442 = arith.constant 0 : i32
      %dma_start3A_1443 = tpu.memref_slice %arg20[%dma_start3A_1441, %dma_start3A_1442] : memref<128x16xf32, #tpu.memory_space<vmem>> -> memref<8x16xf32, #tpu.memory_space<vmem>>
      %dma_start3A_1444 = arith.constant 0 : i32
      %dma_start3A_1445 = tpu.memref_slice %arg10[%multiple_of3A_1435, %dma_start3A_1444] : memref<6256x16xf32, #tpu.memory_space<hbm>> -> memref<8x16xf32, #tpu.memory_space<hbm>>
      tpu.enqueue_dma source(%dma_start3A_1445 : memref<8x16xf32, #tpu.memory_space<hbm>>) target(%dma_start3A_1443 : memref<8x16xf32, #tpu.memory_space<vmem>>) target_semaphore(%arg22 : memref<!tpu.dma_semaphore, #tpu.memory_space<semaphore_mem>>)
      %slice3A_1446 = vector.extract_strided_slice %get3A_19 {offsets = [3], sizes = [1], strides = [1]} : vector<16xi32> to vector<1xi32>
      %squeeze3A_1447 = vector.extract %slice3A_1446[0] : i32 from vector<1xi32>
      %jit3A_1448 = arith.constant 16 : i32
      %div3A_1449 = arith.divsi %squeeze3A_1447, %jit3A_1448 : i32
      %sign3A_1450 = arith.constant 0 : i32
      %sign3A_1451 = arith.cmpi sgt, %squeeze3A_1447, %sign3A_1450 : i32
      %sign3A_1452 = arith.extui %sign3A_1451 : i1 to i32
      %sign3A_1453 = arith.constant 0 : i32
      %sign3A_1454 = arith.cmpi slt, %squeeze3A_1447, %sign3A_1453 : i32
      %sign3A_1455 = arith.extui %sign3A_1454 : i1 to i32
      %sign3A_1456 = arith.subi %sign3A_1452, %sign3A_1455 : i32
      %sign3A_1457 = arith.constant 0 : i32
      %sign3A_1458 = arith.cmpi sgt, %jit3A_1448, %sign3A_1457 : i32
      %sign3A_1459 = arith.extui %sign3A_1458 : i1 to i32
      %sign3A_1460 = arith.constant 0 : i32
      %sign3A_1461 = arith.cmpi slt, %jit3A_1448, %sign3A_1460 : i32
      %sign3A_1462 = arith.extui %sign3A_1461 : i1 to i32
      %sign3A_1463 = arith.subi %sign3A_1459, %sign3A_1462 : i32
      %ne3A_1464 = arith.cmpi ne, %sign3A_1456, %sign3A_1463 : i32
      %rem3A_1465 = arith.remsi %squeeze3A_1447, %jit3A_1448 : i32
      %ne3A_1466 = arith.constant 0 : i32
      %ne3A_1467 = arith.cmpi ne, %rem3A_1465, %ne3A_1466 : i32
      %and3A_1468 = arith.andi %ne3A_1464, %ne3A_1467 : i1
      %sub3A_1469 = arith.constant 1 : i32
      %sub3A_1470 = arith.subi %div3A_1449, %sub3A_1469 : i32
      %select_n3A_1471 = arith.select %and3A_1468, %sub3A_1470, %div3A_1449 : i32
      %jit3A_1472 = arith.constant 8 : i32
      %div3A_1473 = arith.divsi %select_n3A_1471, %jit3A_1472 : i32
      %sign3A_1474 = arith.constant 0 : i32
      %sign3A_1475 = arith.cmpi sgt, %select_n3A_1471, %sign3A_1474 : i32
      %sign3A_1476 = arith.extui %sign3A_1475 : i1 to i32
      %sign3A_1477 = arith.constant 0 : i32
      %sign3A_1478 = arith.cmpi slt, %select_n3A_1471, %sign3A_1477 : i32
      %sign3A_1479 = arith.extui %sign3A_1478 : i1 to i32
      %sign3A_1480 = arith.subi %sign3A_1476, %sign3A_1479 : i32
      %sign3A_1481 = arith.constant 0 : i32
      %sign3A_1482 = arith.cmpi sgt, %jit3A_1472, %sign3A_1481 : i32
      %sign3A_1483 = arith.extui %sign3A_1482 : i1 to i32
      %sign3A_1484 = arith.constant 0 : i32
      %sign3A_1485 = arith.cmpi slt, %jit3A_1472, %sign3A_1484 : i32
      %sign3A_1486 = arith.extui %sign3A_1485 : i1 to i32
      %sign3A_1487 = arith.subi %sign3A_1483, %sign3A_1486 : i32
      %ne3A_1488 = arith.cmpi ne, %sign3A_1480, %sign3A_1487 : i32
      %rem3A_1489 = arith.remsi %select_n3A_1471, %jit3A_1472 : i32
      %ne3A_1490 = arith.constant 0 : i32
      %ne3A_1491 = arith.cmpi ne, %rem3A_1489, %ne3A_1490 : i32
      %and3A_1492 = arith.andi %ne3A_1488, %ne3A_1491 : i1
      %sub3A_1493 = arith.constant 1 : i32
      %sub3A_1494 = arith.subi %div3A_1473, %sub3A_1493 : i32
      %select_n3A_1495 = arith.select %and3A_1492, %sub3A_1494, %div3A_1473 : i32
      %mul3A_1496 = arith.constant 8 : i32
      %mul3A_1497 = arith.muli %select_n3A_1495, %mul3A_1496 : i32
      %multiple_of3A_1498 = tpu.assume_multiple %mul3A_1497, 8 : i32
      %dma_start3A_1499 = arith.constant 24 : i32
      %dma_start3A_1500 = arith.constant 0 : i32
      %dma_start3A_1501 = tpu.memref_slice %arg20[%dma_start3A_1499, %dma_start3A_1500] : memref<128x16xf32, #tpu.memory_space<vmem>> -> memref<8x16xf32, #tpu.memory_space<vmem>>
      %dma_start3A_1502 = arith.constant 0 : i32
      %dma_start3A_1503 = tpu.memref_slice %arg10[%multiple_of3A_1498, %dma_start3A_1502] : memref<6256x16xf32, #tpu.memory_space<hbm>> -> memref<8x16xf32, #tpu.memory_space<hbm>>
      %dma_start3A_1504 = arith.constant 24 : i32
      %dma_start3A_1505 = arith.constant 0 : i32
      %dma_start3A_1506 = tpu.memref_slice %arg20[%dma_start3A_1504, %dma_start3A_1505] : memref<128x16xf32, #tpu.memory_space<vmem>> -> memref<8x16xf32, #tpu.memory_space<vmem>>
      %dma_start3A_1507 = arith.constant 0 : i32
      %dma_start3A_1508 = tpu.memref_slice %arg10[%multiple_of3A_1498, %dma_start3A_1507] : memref<6256x16xf32, #tpu.memory_space<hbm>> -> memref<8x16xf32, #tpu.memory_space<hbm>>
      tpu.enqueue_dma source(%dma_start3A_1508 : memref<8x16xf32, #tpu.memory_space<hbm>>) target(%dma_start3A_1506 : memref<8x16xf32, #tpu.memory_space<vmem>>) target_semaphore(%arg22 : memref<!tpu.dma_semaphore, #tpu.memory_space<semaphore_mem>>)
      %slice3A_1509 = vector.extract_strided_slice %get3A_19 {offsets = [4], sizes = [1], strides = [1]} : vector<16xi32> to vector<1xi32>
      %squeeze3A_1510 = vector.extract %slice3A_1509[0] : i32 from vector<1xi32>
      %jit3A_1511 = arith.constant 16 : i32
      %div3A_1512 = arith.divsi %squeeze3A_1510, %jit3A_1511 : i32
      %sign3A_1513 = arith.constant 0 : i32
      %sign3A_1514 = arith.cmpi sgt, %squeeze3A_1510, %sign3A_1513 : i32
      %sign3A_1515 = arith.extui %sign3A_1514 : i1 to i32
      %sign3A_1516 = arith.constant 0 : i32
      %sign3A_1517 = arith.cmpi slt, %squeeze3A_1510, %sign3A_1516 : i32
      %sign3A_1518 = arith.extui %sign3A_1517 : i1 to i32
      %sign3A_1519 = arith.subi %sign3A_1515, %sign3A_1518 : i32
      %sign3A_1520 = arith.constant 0 : i32
      %sign3A_1521 = arith.cmpi sgt, %jit3A_1511, %sign3A_1520 : i32
      %sign3A_1522 = arith.extui %sign3A_1521 : i1 to i32
      %sign3A_1523 = arith.constant 0 : i32
      %sign3A_1524 = arith.cmpi slt, %jit3A_1511, %sign3A_1523 : i32
      %sign3A_1525 = arith.extui %sign3A_1524 : i1 to i32
      %sign3A_1526 = arith.subi %sign3A_1522, %sign3A_1525 : i32
      %ne3A_1527 = arith.cmpi ne, %sign3A_1519, %sign3A_1526 : i32
      %rem3A_1528 = arith.remsi %squeeze3A_1510, %jit3A_1511 : i32
      %ne3A_1529 = arith.constant 0 : i32
      %ne3A_1530 = arith.cmpi ne, %rem3A_1528, %ne3A_1529 : i32
      %and3A_1531 = arith.andi %ne3A_1527, %ne3A_1530 : i1
      %sub3A_1532 = arith.constant 1 : i32
      %sub3A_1533 = arith.subi %div3A_1512, %sub3A_1532 : i32
      %select_n3A_1534 = arith.select %and3A_1531, %sub3A_1533, %div3A_1512 : i32
      %jit3A_1535 = arith.constant 8 : i32
      %div3A_1536 = arith.divsi %select_n3A_1534, %jit3A_1535 : i32
      %sign3A_1537 = arith.constant 0 : i32
      %sign3A_1538 = arith.cmpi sgt, %select_n3A_1534, %sign3A_1537 : i32
      %sign3A_1539 = arith.extui %sign3A_1538 : i1 to i32
      %sign3A_1540 = arith.constant 0 : i32
      %sign3A_1541 = arith.cmpi slt, %select_n3A_1534, %sign3A_1540 : i32
      %sign3A_1542 = arith.extui %sign3A_1541 : i1 to i32
      %sign3A_1543 = arith.subi %sign3A_1539, %sign3A_1542 : i32
      %sign3A_1544 = arith.constant 0 : i32
      %sign3A_1545 = arith.cmpi sgt, %jit3A_1535, %sign3A_1544 : i32
      %sign3A_1546 = arith.extui %sign3A_1545 : i1 to i32
      %sign3A_1547 = arith.constant 0 : i32
      %sign3A_1548 = arith.cmpi slt, %jit3A_1535, %sign3A_1547 : i32
      %sign3A_1549 = arith.extui %sign3A_1548 : i1 to i32
      %sign3A_1550 = arith.subi %sign3A_1546, %sign3A_1549 : i32
      %ne3A_1551 = arith.cmpi ne, %sign3A_1543, %sign3A_1550 : i32
      %rem3A_1552 = arith.remsi %select_n3A_1534, %jit3A_1535 : i32
      %ne3A_1553 = arith.constant 0 : i32
      %ne3A_1554 = arith.cmpi ne, %rem3A_1552, %ne3A_1553 : i32
      %and3A_1555 = arith.andi %ne3A_1551, %ne3A_1554 : i1
      %sub3A_1556 = arith.constant 1 : i32
      %sub3A_1557 = arith.subi %div3A_1536, %sub3A_1556 : i32
      %select_n3A_1558 = arith.select %and3A_1555, %sub3A_1557, %div3A_1536 : i32
      %mul3A_1559 = arith.constant 8 : i32
      %mul3A_1560 = arith.muli %select_n3A_1558, %mul3A_1559 : i32
      %multiple_of3A_1561 = tpu.assume_multiple %mul3A_1560, 8 : i32
      %dma_start3A_1562 = arith.constant 32 : i32
      %dma_start3A_1563 = arith.constant 0 : i32
      %dma_start3A_1564 = tpu.memref_slice %arg20[%dma_start3A_1562, %dma_start3A_1563] : memref<128x16xf32, #tpu.memory_space<vmem>> -> memref<8x16xf32, #tpu.memory_space<vmem>>
      %dma_start3A_1565 = arith.constant 0 : i32
      %dma_start3A_1566 = tpu.memref_slice %arg10[%multiple_of3A_1561, %dma_start3A_1565] : memref<6256x16xf32, #tpu.memory_space<hbm>> -> memref<8x16xf32, #tpu.memory_space<hbm>>
      %dma_start3A_1567 = arith.constant 32 : i32
      %dma_start3A_1568 = arith.constant 0 : i32
      %dma_start3A_1569 = tpu.memref_slice %arg20[%dma_start3A_1567, %dma_start3A_1568] : memref<128x16xf32, #tpu.memory_space<vmem>> -> memref<8x16xf32, #tpu.memory_space<vmem>>
      %dma_start3A_1570 = arith.constant 0 : i32
      %dma_start3A_1571 = tpu.memref_slice %arg10[%multiple_of3A_1561, %dma_start3A_1570] : memref<6256x16xf32, #tpu.memory_space<hbm>> -> memref<8x16xf32, #tpu.memory_space<hbm>>
      tpu.enqueue_dma source(%dma_start3A_1571 : memref<8x16xf32, #tpu.memory_space<hbm>>) target(%dma_start3A_1569 : memref<8x16xf32, #tpu.memory_space<vmem>>) target_semaphore(%arg22 : memref<!tpu.dma_semaphore, #tpu.memory_space<semaphore_mem>>)
      %slice3A_1572 = vector.extract_strided_slice %get3A_19 {offsets = [5], sizes = [1], strides = [1]} : vector<16xi32> to vector<1xi32>
      %squeeze3A_1573 = vector.extract %slice3A_1572[0] : i32 from vector<1xi32>
      %jit3A_1574 = arith.constant 16 : i32
      %div3A_1575 = arith.divsi %squeeze3A_1573, %jit3A_1574 : i32
      %sign3A_1576 = arith.constant 0 : i32
      %sign3A_1577 = arith.cmpi sgt, %squeeze3A_1573, %sign3A_1576 : i32
      %sign3A_1578 = arith.extui %sign3A_1577 : i1 to i32
      %sign3A_1579 = arith.constant 0 : i32
      %sign3A_1580 = arith.cmpi slt, %squeeze3A_1573, %sign3A_1579 : i32
      %sign3A_1581 = arith.extui %sign3A_1580 : i1 to i32
      %sign3A_1582 = arith.subi %sign3A_1578, %sign3A_1581 : i32
      %sign3A_1583 = arith.constant 0 : i32
      %sign3A_1584 = arith.cmpi sgt, %jit3A_1574, %sign3A_1583 : i32
      %sign3A_1585 = arith.extui %sign3A_1584 : i1 to i32
      %sign3A_1586 = arith.constant 0 : i32
      %sign3A_1587 = arith.cmpi slt, %jit3A_1574, %sign3A_1586 : i32
      %sign3A_1588 = arith.extui %sign3A_1587 : i1 to i32
      %sign3A_1589 = arith.subi %sign3A_1585, %sign3A_1588 : i32
      %ne3A_1590 = arith.cmpi ne, %sign3A_1582, %sign3A_1589 : i32
      %rem3A_1591 = arith.remsi %squeeze3A_1573, %jit3A_1574 : i32
      %ne3A_1592 = arith.constant 0 : i32
      %ne3A_1593 = arith.cmpi ne, %rem3A_1591, %ne3A_1592 : i32
      %and3A_1594 = arith.andi %ne3A_1590, %ne3A_1593 : i1
      %sub3A_1595 = arith.constant 1 : i32
      %sub3A_1596 = arith.subi %div3A_1575, %sub3A_1595 : i32
      %select_n3A_1597 = arith.select %and3A_1594, %sub3A_1596, %div3A_1575 : i32
      %jit3A_1598 = arith.constant 8 : i32
      %div3A_1599 = arith.divsi %select_n3A_1597, %jit3A_1598 : i32
      %sign3A_1600 = arith.constant 0 : i32
      %sign3A_1601 = arith.cmpi sgt, %select_n3A_1597, %sign3A_1600 : i32
      %sign3A_1602 = arith.extui %sign3A_1601 : i1 to i32
      %sign3A_1603 = arith.constant 0 : i32
      %sign3A_1604 = arith.cmpi slt, %select_n3A_1597, %sign3A_1603 : i32
      %sign3A_1605 = arith.extui %sign3A_1604 : i1 to i32
      %sign3A_1606 = arith.subi %sign3A_1602, %sign3A_1605 : i32
      %sign3A_1607 = arith.constant 0 : i32
      %sign3A_1608 = arith.cmpi sgt, %jit3A_1598, %sign3A_1607 : i32
      %sign3A_1609 = arith.extui %sign3A_1608 : i1 to i32
      %sign3A_1610 = arith.constant 0 : i32
      %sign3A_1611 = arith.cmpi slt, %jit3A_1598, %sign3A_1610 : i32
      %sign3A_1612 = arith.extui %sign3A_1611 : i1 to i32
      %sign3A_1613 = arith.subi %sign3A_1609, %sign3A_1612 : i32
      %ne3A_1614 = arith.cmpi ne, %sign3A_1606, %sign3A_1613 : i32
      %rem3A_1615 = arith.remsi %select_n3A_1597, %jit3A_1598 : i32
      %ne3A_1616 = arith.constant 0 : i32
      %ne3A_1617 = arith.cmpi ne, %rem3A_1615, %ne3A_1616 : i32
      %and3A_1618 = arith.andi %ne3A_1614, %ne3A_1617 : i1
      %sub3A_1619 = arith.constant 1 : i32
      %sub3A_1620 = arith.subi %div3A_1599, %sub3A_1619 : i32
      %select_n3A_1621 = arith.select %and3A_1618, %sub3A_1620, %div3A_1599 : i32
      %mul3A_1622 = arith.constant 8 : i32
      %mul3A_1623 = arith.muli %select_n3A_1621, %mul3A_1622 : i32
      %multiple_of3A_1624 = tpu.assume_multiple %mul3A_1623, 8 : i32
      %dma_start3A_1625 = arith.constant 40 : i32
      %dma_start3A_1626 = arith.constant 0 : i32
      %dma_start3A_1627 = tpu.memref_slice %arg20[%dma_start3A_1625, %dma_start3A_1626] : memref<128x16xf32, #tpu.memory_space<vmem>> -> memref<8x16xf32, #tpu.memory_space<vmem>>
      %dma_start3A_1628 = arith.constant 0 : i32
      %dma_start3A_1629 = tpu.memref_slice %arg10[%multiple_of3A_1624, %dma_start3A_1628] : memref<6256x16xf32, #tpu.memory_space<hbm>> -> memref<8x16xf32, #tpu.memory_space<hbm>>
      %dma_start3A_1630 = arith.constant 40 : i32
      %dma_start3A_1631 = arith.constant 0 : i32
      %dma_start3A_1632 = tpu.memref_slice %arg20[%dma_start3A_1630, %dma_start3A_1631] : memref<128x16xf32, #tpu.memory_space<vmem>> -> memref<8x16xf32, #tpu.memory_space<vmem>>
      %dma_start3A_1633 = arith.constant 0 : i32
      %dma_start3A_1634 = tpu.memref_slice %arg10[%multiple_of3A_1624, %dma_start3A_1633] : memref<6256x16xf32, #tpu.memory_space<hbm>> -> memref<8x16xf32, #tpu.memory_space<hbm>>
      tpu.enqueue_dma source(%dma_start3A_1634 : memref<8x16xf32, #tpu.memory_space<hbm>>) target(%dma_start3A_1632 : memref<8x16xf32, #tpu.memory_space<vmem>>) target_semaphore(%arg22 : memref<!tpu.dma_semaphore, #tpu.memory_space<semaphore_mem>>)
      %slice3A_1635 = vector.extract_strided_slice %get3A_19 {offsets = [6], sizes = [1], strides = [1]} : vector<16xi32> to vector<1xi32>
      %squeeze3A_1636 = vector.extract %slice3A_1635[0] : i32 from vector<1xi32>
      %jit3A_1637 = arith.constant 16 : i32
      %div3A_1638 = arith.divsi %squeeze3A_1636, %jit3A_1637 : i32
      %sign3A_1639 = arith.constant 0 : i32
      %sign3A_1640 = arith.cmpi sgt, %squeeze3A_1636, %sign3A_1639 : i32
      %sign3A_1641 = arith.extui %sign3A_1640 : i1 to i32
      %sign3A_1642 = arith.constant 0 : i32
      %sign3A_1643 = arith.cmpi slt, %squeeze3A_1636, %sign3A_1642 : i32
      %sign3A_1644 = arith.extui %sign3A_1643 : i1 to i32
      %sign3A_1645 = arith.subi %sign3A_1641, %sign3A_1644 : i32
      %sign3A_1646 = arith.constant 0 : i32
      %sign3A_1647 = arith.cmpi sgt, %jit3A_1637, %sign3A_1646 : i32
      %sign3A_1648 = arith.extui %sign3A_1647 : i1 to i32
      %sign3A_1649 = arith.constant 0 : i32
      %sign3A_1650 = arith.cmpi slt, %jit3A_1637, %sign3A_1649 : i32
      %sign3A_1651 = arith.extui %sign3A_1650 : i1 to i32
      %sign3A_1652 = arith.subi %sign3A_1648, %sign3A_1651 : i32
      %ne3A_1653 = arith.cmpi ne, %sign3A_1645, %sign3A_1652 : i32
      %rem3A_1654 = arith.remsi %squeeze3A_1636, %jit3A_1637 : i32
      %ne3A_1655 = arith.constant 0 : i32
      %ne3A_1656 = arith.cmpi ne, %rem3A_1654, %ne3A_1655 : i32
      %and3A_1657 = arith.andi %ne3A_1653, %ne3A_1656 : i1
      %sub3A_1658 = arith.constant 1 : i32
      %sub3A_1659 = arith.subi %div3A_1638, %sub3A_1658 : i32
      %select_n3A_1660 = arith.select %and3A_1657, %sub3A_1659, %div3A_1638 : i32
      %jit3A_1661 = arith.constant 8 : i32
      %div3A_1662 = arith.divsi %select_n3A_1660, %jit3A_1661 : i32
      %sign3A_1663 = arith.constant 0 : i32
      %sign3A_1664 = arith.cmpi sgt, %select_n3A_1660, %sign3A_1663 : i32
      %sign3A_1665 = arith.extui %sign3A_1664 : i1 to i32
      %sign3A_1666 = arith.constant 0 : i32
      %sign3A_1667 = arith.cmpi slt, %select_n3A_1660, %sign3A_1666 : i32
      %sign3A_1668 = arith.extui %sign3A_1667 : i1 to i32
      %sign3A_1669 = arith.subi %sign3A_1665, %sign3A_1668 : i32
      %sign3A_1670 = arith.constant 0 : i32
      %sign3A_1671 = arith.cmpi sgt, %jit3A_1661, %sign3A_1670 : i32
      %sign3A_1672 = arith.extui %sign3A_1671 : i1 to i32
      %sign3A_1673 = arith.constant 0 : i32
      %sign3A_1674 = arith.cmpi slt, %jit3A_1661, %sign3A_1673 : i32
      %sign3A_1675 = arith.extui %sign3A_1674 : i1 to i32
      %sign3A_1676 = arith.subi %sign3A_1672, %sign3A_1675 : i32
      %ne3A_1677 = arith.cmpi ne, %sign3A_1669, %sign3A_1676 : i32
      %rem3A_1678 = arith.remsi %select_n3A_1660, %jit3A_1661 : i32
      %ne3A_1679 = arith.constant 0 : i32
      %ne3A_1680 = arith.cmpi ne, %rem3A_1678, %ne3A_1679 : i32
      %and3A_1681 = arith.andi %ne3A_1677, %ne3A_1680 : i1
      %sub3A_1682 = arith.constant 1 : i32
      %sub3A_1683 = arith.subi %div3A_1662, %sub3A_1682 : i32
      %select_n3A_1684 = arith.select %and3A_1681, %sub3A_1683, %div3A_1662 : i32
      %mul3A_1685 = arith.constant 8 : i32
      %mul3A_1686 = arith.muli %select_n3A_1684, %mul3A_1685 : i32
      %multiple_of3A_1687 = tpu.assume_multiple %mul3A_1686, 8 : i32
      %dma_start3A_1688 = arith.constant 48 : i32
      %dma_start3A_1689 = arith.constant 0 : i32
      %dma_start3A_1690 = tpu.memref_slice %arg20[%dma_start3A_1688, %dma_start3A_1689] : memref<128x16xf32, #tpu.memory_space<vmem>> -> memref<8x16xf32, #tpu.memory_space<vmem>>
      %dma_start3A_1691 = arith.constant 0 : i32
      %dma_start3A_1692 = tpu.memref_slice %arg10[%multiple_of3A_1687, %dma_start3A_1691] : memref<6256x16xf32, #tpu.memory_space<hbm>> -> memref<8x16xf32, #tpu.memory_space<hbm>>
      %dma_start3A_1693 = arith.constant 48 : i32
      %dma_start3A_1694 = arith.constant 0 : i32
      %dma_start3A_1695 = tpu.memref_slice %arg20[%dma_start3A_1693, %dma_start3A_1694] : memref<128x16xf32, #tpu.memory_space<vmem>> -> memref<8x16xf32, #tpu.memory_space<vmem>>
      %dma_start3A_1696 = arith.constant 0 : i32
      %dma_start3A_1697 = tpu.memref_slice %arg10[%multiple_of3A_1687, %dma_start3A_1696] : memref<6256x16xf32, #tpu.memory_space<hbm>> -> memref<8x16xf32, #tpu.memory_space<hbm>>
      tpu.enqueue_dma source(%dma_start3A_1697 : memref<8x16xf32, #tpu.memory_space<hbm>>) target(%dma_start3A_1695 : memref<8x16xf32, #tpu.memory_space<vmem>>) target_semaphore(%arg22 : memref<!tpu.dma_semaphore, #tpu.memory_space<semaphore_mem>>)
      %slice3A_1698 = vector.extract_strided_slice %get3A_19 {offsets = [7], sizes = [1], strides = [1]} : vector<16xi32> to vector<1xi32>
      %squeeze3A_1699 = vector.extract %slice3A_1698[0] : i32 from vector<1xi32>
      %jit3A_1700 = arith.constant 16 : i32
      %div3A_1701 = arith.divsi %squeeze3A_1699, %jit3A_1700 : i32
      %sign3A_1702 = arith.constant 0 : i32
      %sign3A_1703 = arith.cmpi sgt, %squeeze3A_1699, %sign3A_1702 : i32
      %sign3A_1704 = arith.extui %sign3A_1703 : i1 to i32
      %sign3A_1705 = arith.constant 0 : i32
      %sign3A_1706 = arith.cmpi slt, %squeeze3A_1699, %sign3A_1705 : i32
      %sign3A_1707 = arith.extui %sign3A_1706 : i1 to i32
      %sign3A_1708 = arith.subi %sign3A_1704, %sign3A_1707 : i32
      %sign3A_1709 = arith.constant 0 : i32
      %sign3A_1710 = arith.cmpi sgt, %jit3A_1700, %sign3A_1709 : i32
      %sign3A_1711 = arith.extui %sign3A_1710 : i1 to i32
      %sign3A_1712 = arith.constant 0 : i32
      %sign3A_1713 = arith.cmpi slt, %jit3A_1700, %sign3A_1712 : i32
      %sign3A_1714 = arith.extui %sign3A_1713 : i1 to i32
      %sign3A_1715 = arith.subi %sign3A_1711, %sign3A_1714 : i32
      %ne3A_1716 = arith.cmpi ne, %sign3A_1708, %sign3A_1715 : i32
      %rem3A_1717 = arith.remsi %squeeze3A_1699, %jit3A_1700 : i32
      %ne3A_1718 = arith.constant 0 : i32
      %ne3A_1719 = arith.cmpi ne, %rem3A_1717, %ne3A_1718 : i32
      %and3A_1720 = arith.andi %ne3A_1716, %ne3A_1719 : i1
      %sub3A_1721 = arith.constant 1 : i32
      %sub3A_1722 = arith.subi %div3A_1701, %sub3A_1721 : i32
      %select_n3A_1723 = arith.select %and3A_1720, %sub3A_1722, %div3A_1701 : i32
      %jit3A_1724 = arith.constant 8 : i32
      %div3A_1725 = arith.divsi %select_n3A_1723, %jit3A_1724 : i32
      %sign3A_1726 = arith.constant 0 : i32
      %sign3A_1727 = arith.cmpi sgt, %select_n3A_1723, %sign3A_1726 : i32
      %sign3A_1728 = arith.extui %sign3A_1727 : i1 to i32
      %sign3A_1729 = arith.constant 0 : i32
      %sign3A_1730 = arith.cmpi slt, %select_n3A_1723, %sign3A_1729 : i32
      %sign3A_1731 = arith.extui %sign3A_1730 : i1 to i32
      %sign3A_1732 = arith.subi %sign3A_1728, %sign3A_1731 : i32
      %sign3A_1733 = arith.constant 0 : i32
      %sign3A_1734 = arith.cmpi sgt, %jit3A_1724, %sign3A_1733 : i32
      %sign3A_1735 = arith.extui %sign3A_1734 : i1 to i32
      %sign3A_1736 = arith.constant 0 : i32
      %sign3A_1737 = arith.cmpi slt, %jit3A_1724, %sign3A_1736 : i32
      %sign3A_1738 = arith.extui %sign3A_1737 : i1 to i32
      %sign3A_1739 = arith.subi %sign3A_1735, %sign3A_1738 : i32
      %ne3A_1740 = arith.cmpi ne, %sign3A_1732, %sign3A_1739 : i32
      %rem3A_1741 = arith.remsi %select_n3A_1723, %jit3A_1724 : i32
      %ne3A_1742 = arith.constant 0 : i32
      %ne3A_1743 = arith.cmpi ne, %rem3A_1741, %ne3A_1742 : i32
      %and3A_1744 = arith.andi %ne3A_1740, %ne3A_1743 : i1
      %sub3A_1745 = arith.constant 1 : i32
      %sub3A_1746 = arith.subi %div3A_1725, %sub3A_1745 : i32
      %select_n3A_1747 = arith.select %and3A_1744, %sub3A_1746, %div3A_1725 : i32
      %mul3A_1748 = arith.constant 8 : i32
      %mul3A_1749 = arith.muli %select_n3A_1747, %mul3A_1748 : i32
      %multiple_of3A_1750 = tpu.assume_multiple %mul3A_1749, 8 : i32
      %dma_start3A_1751 = arith.constant 56 : i32
      %dma_start3A_1752 = arith.constant 0 : i32
      %dma_start3A_1753 = tpu.memref_slice %arg20[%dma_start3A_1751, %dma_start3A_1752] : memref<128x16xf32, #tpu.memory_space<vmem>> -> memref<8x16xf32, #tpu.memory_space<vmem>>
      %dma_start3A_1754 = arith.constant 0 : i32
      %dma_start3A_1755 = tpu.memref_slice %arg10[%multiple_of3A_1750, %dma_start3A_1754] : memref<6256x16xf32, #tpu.memory_space<hbm>> -> memref<8x16xf32, #tpu.memory_space<hbm>>
      %dma_start3A_1756 = arith.constant 56 : i32
      %dma_start3A_1757 = arith.constant 0 : i32
      %dma_start3A_1758 = tpu.memref_slice %arg20[%dma_start3A_1756, %dma_start3A_1757] : memref<128x16xf32, #tpu.memory_space<vmem>> -> memref<8x16xf32, #tpu.memory_space<vmem>>
      %dma_start3A_1759 = arith.constant 0 : i32
      %dma_start3A_1760 = tpu.memref_slice %arg10[%multiple_of3A_1750, %dma_start3A_1759] : memref<6256x16xf32, #tpu.memory_space<hbm>> -> memref<8x16xf32, #tpu.memory_space<hbm>>
      tpu.enqueue_dma source(%dma_start3A_1760 : memref<8x16xf32, #tpu.memory_space<hbm>>) target(%dma_start3A_1758 : memref<8x16xf32, #tpu.memory_space<vmem>>) target_semaphore(%arg22 : memref<!tpu.dma_semaphore, #tpu.memory_space<semaphore_mem>>)
      %slice3A_1761 = vector.extract_strided_slice %get3A_19 {offsets = [8], sizes = [1], strides = [1]} : vector<16xi32> to vector<1xi32>
      %squeeze3A_1762 = vector.extract %slice3A_1761[0] : i32 from vector<1xi32>
      %jit3A_1763 = arith.constant 16 : i32
      %div3A_1764 = arith.divsi %squeeze3A_1762, %jit3A_1763 : i32
      %sign3A_1765 = arith.constant 0 : i32
      %sign3A_1766 = arith.cmpi sgt, %squeeze3A_1762, %sign3A_1765 : i32
      %sign3A_1767 = arith.extui %sign3A_1766 : i1 to i32
      %sign3A_1768 = arith.constant 0 : i32
      %sign3A_1769 = arith.cmpi slt, %squeeze3A_1762, %sign3A_1768 : i32
      %sign3A_1770 = arith.extui %sign3A_1769 : i1 to i32
      %sign3A_1771 = arith.subi %sign3A_1767, %sign3A_1770 : i32
      %sign3A_1772 = arith.constant 0 : i32
      %sign3A_1773 = arith.cmpi sgt, %jit3A_1763, %sign3A_1772 : i32
      %sign3A_1774 = arith.extui %sign3A_1773 : i1 to i32
      %sign3A_1775 = arith.constant 0 : i32
      %sign3A_1776 = arith.cmpi slt, %jit3A_1763, %sign3A_1775 : i32
      %sign3A_1777 = arith.extui %sign3A_1776 : i1 to i32
      %sign3A_1778 = arith.subi %sign3A_1774, %sign3A_1777 : i32
      %ne3A_1779 = arith.cmpi ne, %sign3A_1771, %sign3A_1778 : i32
      %rem3A_1780 = arith.remsi %squeeze3A_1762, %jit3A_1763 : i32
      %ne3A_1781 = arith.constant 0 : i32
      %ne3A_1782 = arith.cmpi ne, %rem3A_1780, %ne3A_1781 : i32
      %and3A_1783 = arith.andi %ne3A_1779, %ne3A_1782 : i1
      %sub3A_1784 = arith.constant 1 : i32
      %sub3A_1785 = arith.subi %div3A_1764, %sub3A_1784 : i32
      %select_n3A_1786 = arith.select %and3A_1783, %sub3A_1785, %div3A_1764 : i32
      %jit3A_1787 = arith.constant 8 : i32
      %div3A_1788 = arith.divsi %select_n3A_1786, %jit3A_1787 : i32
      %sign3A_1789 = arith.constant 0 : i32
      %sign3A_1790 = arith.cmpi sgt, %select_n3A_1786, %sign3A_1789 : i32
      %sign3A_1791 = arith.extui %sign3A_1790 : i1 to i32
      %sign3A_1792 = arith.constant 0 : i32
      %sign3A_1793 = arith.cmpi slt, %select_n3A_1786, %sign3A_1792 : i32
      %sign3A_1794 = arith.extui %sign3A_1793 : i1 to i32
      %sign3A_1795 = arith.subi %sign3A_1791, %sign3A_1794 : i32
      %sign3A_1796 = arith.constant 0 : i32
      %sign3A_1797 = arith.cmpi sgt, %jit3A_1787, %sign3A_1796 : i32
      %sign3A_1798 = arith.extui %sign3A_1797 : i1 to i32
      %sign3A_1799 = arith.constant 0 : i32
      %sign3A_1800 = arith.cmpi slt, %jit3A_1787, %sign3A_1799 : i32
      %sign3A_1801 = arith.extui %sign3A_1800 : i1 to i32
      %sign3A_1802 = arith.subi %sign3A_1798, %sign3A_1801 : i32
      %ne3A_1803 = arith.cmpi ne, %sign3A_1795, %sign3A_1802 : i32
      %rem3A_1804 = arith.remsi %select_n3A_1786, %jit3A_1787 : i32
      %ne3A_1805 = arith.constant 0 : i32
      %ne3A_1806 = arith.cmpi ne, %rem3A_1804, %ne3A_1805 : i32
      %and3A_1807 = arith.andi %ne3A_1803, %ne3A_1806 : i1
      %sub3A_1808 = arith.constant 1 : i32
      %sub3A_1809 = arith.subi %div3A_1788, %sub3A_1808 : i32
      %select_n3A_1810 = arith.select %and3A_1807, %sub3A_1809, %div3A_1788 : i32
      %mul3A_1811 = arith.constant 8 : i32
      %mul3A_1812 = arith.muli %select_n3A_1810, %mul3A_1811 : i32
      %multiple_of3A_1813 = tpu.assume_multiple %mul3A_1812, 8 : i32
      %dma_start3A_1814 = arith.constant 64 : i32
      %dma_start3A_1815 = arith.constant 0 : i32
      %dma_start3A_1816 = tpu.memref_slice %arg20[%dma_start3A_1814, %dma_start3A_1815] : memref<128x16xf32, #tpu.memory_space<vmem>> -> memref<8x16xf32, #tpu.memory_space<vmem>>
      %dma_start3A_1817 = arith.constant 0 : i32
      %dma_start3A_1818 = tpu.memref_slice %arg10[%multiple_of3A_1813, %dma_start3A_1817] : memref<6256x16xf32, #tpu.memory_space<hbm>> -> memref<8x16xf32, #tpu.memory_space<hbm>>
      %dma_start3A_1819 = arith.constant 64 : i32
      %dma_start3A_1820 = arith.constant 0 : i32
      %dma_start3A_1821 = tpu.memref_slice %arg20[%dma_start3A_1819, %dma_start3A_1820] : memref<128x16xf32, #tpu.memory_space<vmem>> -> memref<8x16xf32, #tpu.memory_space<vmem>>
      %dma_start3A_1822 = arith.constant 0 : i32
      %dma_start3A_1823 = tpu.memref_slice %arg10[%multiple_of3A_1813, %dma_start3A_1822] : memref<6256x16xf32, #tpu.memory_space<hbm>> -> memref<8x16xf32, #tpu.memory_space<hbm>>
      tpu.enqueue_dma source(%dma_start3A_1823 : memref<8x16xf32, #tpu.memory_space<hbm>>) target(%dma_start3A_1821 : memref<8x16xf32, #tpu.memory_space<vmem>>) target_semaphore(%arg22 : memref<!tpu.dma_semaphore, #tpu.memory_space<semaphore_mem>>)
      %slice3A_1824 = vector.extract_strided_slice %get3A_19 {offsets = [9], sizes = [1], strides = [1]} : vector<16xi32> to vector<1xi32>
      %squeeze3A_1825 = vector.extract %slice3A_1824[0] : i32 from vector<1xi32>
      %jit3A_1826 = arith.constant 16 : i32
      %div3A_1827 = arith.divsi %squeeze3A_1825, %jit3A_1826 : i32
      %sign3A_1828 = arith.constant 0 : i32
      %sign3A_1829 = arith.cmpi sgt, %squeeze3A_1825, %sign3A_1828 : i32
      %sign3A_1830 = arith.extui %sign3A_1829 : i1 to i32
      %sign3A_1831 = arith.constant 0 : i32
      %sign3A_1832 = arith.cmpi slt, %squeeze3A_1825, %sign3A_1831 : i32
      %sign3A_1833 = arith.extui %sign3A_1832 : i1 to i32
      %sign3A_1834 = arith.subi %sign3A_1830, %sign3A_1833 : i32
      %sign3A_1835 = arith.constant 0 : i32
      %sign3A_1836 = arith.cmpi sgt, %jit3A_1826, %sign3A_1835 : i32
      %sign3A_1837 = arith.extui %sign3A_1836 : i1 to i32
      %sign3A_1838 = arith.constant 0 : i32
      %sign3A_1839 = arith.cmpi slt, %jit3A_1826, %sign3A_1838 : i32
      %sign3A_1840 = arith.extui %sign3A_1839 : i1 to i32
      %sign3A_1841 = arith.subi %sign3A_1837, %sign3A_1840 : i32
      %ne3A_1842 = arith.cmpi ne, %sign3A_1834, %sign3A_1841 : i32
      %rem3A_1843 = arith.remsi %squeeze3A_1825, %jit3A_1826 : i32
      %ne3A_1844 = arith.constant 0 : i32
      %ne3A_1845 = arith.cmpi ne, %rem3A_1843, %ne3A_1844 : i32
      %and3A_1846 = arith.andi %ne3A_1842, %ne3A_1845 : i1
      %sub3A_1847 = arith.constant 1 : i32
      %sub3A_1848 = arith.subi %div3A_1827, %sub3A_1847 : i32
      %select_n3A_1849 = arith.select %and3A_1846, %sub3A_1848, %div3A_1827 : i32
      %jit3A_1850 = arith.constant 8 : i32
      %div3A_1851 = arith.divsi %select_n3A_1849, %jit3A_1850 : i32
      %sign3A_1852 = arith.constant 0 : i32
      %sign3A_1853 = arith.cmpi sgt, %select_n3A_1849, %sign3A_1852 : i32
      %sign3A_1854 = arith.extui %sign3A_1853 : i1 to i32
      %sign3A_1855 = arith.constant 0 : i32
      %sign3A_1856 = arith.cmpi slt, %select_n3A_1849, %sign3A_1855 : i32
      %sign3A_1857 = arith.extui %sign3A_1856 : i1 to i32
      %sign3A_1858 = arith.subi %sign3A_1854, %sign3A_1857 : i32
      %sign3A_1859 = arith.constant 0 : i32
      %sign3A_1860 = arith.cmpi sgt, %jit3A_1850, %sign3A_1859 : i32
      %sign3A_1861 = arith.extui %sign3A_1860 : i1 to i32
      %sign3A_1862 = arith.constant 0 : i32
      %sign3A_1863 = arith.cmpi slt, %jit3A_1850, %sign3A_1862 : i32
      %sign3A_1864 = arith.extui %sign3A_1863 : i1 to i32
      %sign3A_1865 = arith.subi %sign3A_1861, %sign3A_1864 : i32
      %ne3A_1866 = arith.cmpi ne, %sign3A_1858, %sign3A_1865 : i32
      %rem3A_1867 = arith.remsi %select_n3A_1849, %jit3A_1850 : i32
      %ne3A_1868 = arith.constant 0 : i32
      %ne3A_1869 = arith.cmpi ne, %rem3A_1867, %ne3A_1868 : i32
      %and3A_1870 = arith.andi %ne3A_1866, %ne3A_1869 : i1
      %sub3A_1871 = arith.constant 1 : i32
      %sub3A_1872 = arith.subi %div3A_1851, %sub3A_1871 : i32
      %select_n3A_1873 = arith.select %and3A_1870, %sub3A_1872, %div3A_1851 : i32
      %mul3A_1874 = arith.constant 8 : i32
      %mul3A_1875 = arith.muli %select_n3A_1873, %mul3A_1874 : i32
      %multiple_of3A_1876 = tpu.assume_multiple %mul3A_1875, 8 : i32
      %dma_start3A_1877 = arith.constant 72 : i32
      %dma_start3A_1878 = arith.constant 0 : i32
      %dma_start3A_1879 = tpu.memref_slice %arg20[%dma_start3A_1877, %dma_start3A_1878] : memref<128x16xf32, #tpu.memory_space<vmem>> -> memref<8x16xf32, #tpu.memory_space<vmem>>
      %dma_start3A_1880 = arith.constant 0 : i32
      %dma_start3A_1881 = tpu.memref_slice %arg10[%multiple_of3A_1876, %dma_start3A_1880] : memref<6256x16xf32, #tpu.memory_space<hbm>> -> memref<8x16xf32, #tpu.memory_space<hbm>>
      %dma_start3A_1882 = arith.constant 72 : i32
      %dma_start3A_1883 = arith.constant 0 : i32
      %dma_start3A_1884 = tpu.memref_slice %arg20[%dma_start3A_1882, %dma_start3A_1883] : memref<128x16xf32, #tpu.memory_space<vmem>> -> memref<8x16xf32, #tpu.memory_space<vmem>>
      %dma_start3A_1885 = arith.constant 0 : i32
      %dma_start3A_1886 = tpu.memref_slice %arg10[%multiple_of3A_1876, %dma_start3A_1885] : memref<6256x16xf32, #tpu.memory_space<hbm>> -> memref<8x16xf32, #tpu.memory_space<hbm>>
      tpu.enqueue_dma source(%dma_start3A_1886 : memref<8x16xf32, #tpu.memory_space<hbm>>) target(%dma_start3A_1884 : memref<8x16xf32, #tpu.memory_space<vmem>>) target_semaphore(%arg22 : memref<!tpu.dma_semaphore, #tpu.memory_space<semaphore_mem>>)
      %slice3A_1887 = vector.extract_strided_slice %get3A_19 {offsets = [10], sizes = [1], strides = [1]} : vector<16xi32> to vector<1xi32>
      %squeeze3A_1888 = vector.extract %slice3A_1887[0] : i32 from vector<1xi32>
      %jit3A_1889 = arith.constant 16 : i32
      %div3A_1890 = arith.divsi %squeeze3A_1888, %jit3A_1889 : i32
      %sign3A_1891 = arith.constant 0 : i32
      %sign3A_1892 = arith.cmpi sgt, %squeeze3A_1888, %sign3A_1891 : i32
      %sign3A_1893 = arith.extui %sign3A_1892 : i1 to i32
      %sign3A_1894 = arith.constant 0 : i32
      %sign3A_1895 = arith.cmpi slt, %squeeze3A_1888, %sign3A_1894 : i32
      %sign3A_1896 = arith.extui %sign3A_1895 : i1 to i32
      %sign3A_1897 = arith.subi %sign3A_1893, %sign3A_1896 : i32
      %sign3A_1898 = arith.constant 0 : i32
      %sign3A_1899 = arith.cmpi sgt, %jit3A_1889, %sign3A_1898 : i32
      %sign3A_1900 = arith.extui %sign3A_1899 : i1 to i32
      %sign3A_1901 = arith.constant 0 : i32
      %sign3A_1902 = arith.cmpi slt, %jit3A_1889, %sign3A_1901 : i32
      %sign3A_1903 = arith.extui %sign3A_1902 : i1 to i32
      %sign3A_1904 = arith.subi %sign3A_1900, %sign3A_1903 : i32
      %ne3A_1905 = arith.cmpi ne, %sign3A_1897, %sign3A_1904 : i32
      %rem3A_1906 = arith.remsi %squeeze3A_1888, %jit3A_1889 : i32
      %ne3A_1907 = arith.constant 0 : i32
      %ne3A_1908 = arith.cmpi ne, %rem3A_1906, %ne3A_1907 : i32
      %and3A_1909 = arith.andi %ne3A_1905, %ne3A_1908 : i1
      %sub3A_1910 = arith.constant 1 : i32
      %sub3A_1911 = arith.subi %div3A_1890, %sub3A_1910 : i32
      %select_n3A_1912 = arith.select %and3A_1909, %sub3A_1911, %div3A_1890 : i32
      %jit3A_1913 = arith.constant 8 : i32
      %div3A_1914 = arith.divsi %select_n3A_1912, %jit3A_1913 : i32
      %sign3A_1915 = arith.constant 0 : i32
      %sign3A_1916 = arith.cmpi sgt, %select_n3A_1912, %sign3A_1915 : i32
      %sign3A_1917 = arith.extui %sign3A_1916 : i1 to i32
      %sign3A_1918 = arith.constant 0 : i32
      %sign3A_1919 = arith.cmpi slt, %select_n3A_1912, %sign3A_1918 : i32
      %sign3A_1920 = arith.extui %sign3A_1919 : i1 to i32
      %sign3A_1921 = arith.subi %sign3A_1917, %sign3A_1920 : i32
      %sign3A_1922 = arith.constant 0 : i32
      %sign3A_1923 = arith.cmpi sgt, %jit3A_1913, %sign3A_1922 : i32
      %sign3A_1924 = arith.extui %sign3A_1923 : i1 to i32
      %sign3A_1925 = arith.constant 0 : i32
      %sign3A_1926 = arith.cmpi slt, %jit3A_1913, %sign3A_1925 : i32
      %sign3A_1927 = arith.extui %sign3A_1926 : i1 to i32
      %sign3A_1928 = arith.subi %sign3A_1924, %sign3A_1927 : i32
      %ne3A_1929 = arith.cmpi ne, %sign3A_1921, %sign3A_1928 : i32
      %rem3A_1930 = arith.remsi %select_n3A_1912, %jit3A_1913 : i32
      %ne3A_1931 = arith.constant 0 : i32
      %ne3A_1932 = arith.cmpi ne, %rem3A_1930, %ne3A_1931 : i32
      %and3A_1933 = arith.andi %ne3A_1929, %ne3A_1932 : i1
      %sub3A_1934 = arith.constant 1 : i32
      %sub3A_1935 = arith.subi %div3A_1914, %sub3A_1934 : i32
      %select_n3A_1936 = arith.select %and3A_1933, %sub3A_1935, %div3A_1914 : i32
      %mul3A_1937 = arith.constant 8 : i32
      %mul3A_1938 = arith.muli %select_n3A_1936, %mul3A_1937 : i32
      %multiple_of3A_1939 = tpu.assume_multiple %mul3A_1938, 8 : i32
      %dma_start3A_1940 = arith.constant 80 : i32
      %dma_start3A_1941 = arith.constant 0 : i32
      %dma_start3A_1942 = tpu.memref_slice %arg20[%dma_start3A_1940, %dma_start3A_1941] : memref<128x16xf32, #tpu.memory_space<vmem>> -> memref<8x16xf32, #tpu.memory_space<vmem>>
      %dma_start3A_1943 = arith.constant 0 : i32
      %dma_start3A_1944 = tpu.memref_slice %arg10[%multiple_of3A_1939, %dma_start3A_1943] : memref<6256x16xf32, #tpu.memory_space<hbm>> -> memref<8x16xf32, #tpu.memory_space<hbm>>
      %dma_start3A_1945 = arith.constant 80 : i32
      %dma_start3A_1946 = arith.constant 0 : i32
      %dma_start3A_1947 = tpu.memref_slice %arg20[%dma_start3A_1945, %dma_start3A_1946] : memref<128x16xf32, #tpu.memory_space<vmem>> -> memref<8x16xf32, #tpu.memory_space<vmem>>
      %dma_start3A_1948 = arith.constant 0 : i32
      %dma_start3A_1949 = tpu.memref_slice %arg10[%multiple_of3A_1939, %dma_start3A_1948] : memref<6256x16xf32, #tpu.memory_space<hbm>> -> memref<8x16xf32, #tpu.memory_space<hbm>>
      tpu.enqueue_dma source(%dma_start3A_1949 : memref<8x16xf32, #tpu.memory_space<hbm>>) target(%dma_start3A_1947 : memref<8x16xf32, #tpu.memory_space<vmem>>) target_semaphore(%arg22 : memref<!tpu.dma_semaphore, #tpu.memory_space<semaphore_mem>>)
      %slice3A_1950 = vector.extract_strided_slice %get3A_19 {offsets = [11], sizes = [1], strides = [1]} : vector<16xi32> to vector<1xi32>
      %squeeze3A_1951 = vector.extract %slice3A_1950[0] : i32 from vector<1xi32>
      %jit3A_1952 = arith.constant 16 : i32
      %div3A_1953 = arith.divsi %squeeze3A_1951, %jit3A_1952 : i32
      %sign3A_1954 = arith.constant 0 : i32
      %sign3A_1955 = arith.cmpi sgt, %squeeze3A_1951, %sign3A_1954 : i32
      %sign3A_1956 = arith.extui %sign3A_1955 : i1 to i32
      %sign3A_1957 = arith.constant 0 : i32
      %sign3A_1958 = arith.cmpi slt, %squeeze3A_1951, %sign3A_1957 : i32
      %sign3A_1959 = arith.extui %sign3A_1958 : i1 to i32
      %sign3A_1960 = arith.subi %sign3A_1956, %sign3A_1959 : i32
      %sign3A_1961 = arith.constant 0 : i32
      %sign3A_1962 = arith.cmpi sgt, %jit3A_1952, %sign3A_1961 : i32
      %sign3A_1963 = arith.extui %sign3A_1962 : i1 to i32
      %sign3A_1964 = arith.constant 0 : i32
      %sign3A_1965 = arith.cmpi slt, %jit3A_1952, %sign3A_1964 : i32
      %sign3A_1966 = arith.extui %sign3A_1965 : i1 to i32
      %sign3A_1967 = arith.subi %sign3A_1963, %sign3A_1966 : i32
      %ne3A_1968 = arith.cmpi ne, %sign3A_1960, %sign3A_1967 : i32
      %rem3A_1969 = arith.remsi %squeeze3A_1951, %jit3A_1952 : i32
      %ne3A_1970 = arith.constant 0 : i32
      %ne3A_1971 = arith.cmpi ne, %rem3A_1969, %ne3A_1970 : i32
      %and3A_1972 = arith.andi %ne3A_1968, %ne3A_1971 : i1
      %sub3A_1973 = arith.constant 1 : i32
      %sub3A_1974 = arith.subi %div3A_1953, %sub3A_1973 : i32
      %select_n3A_1975 = arith.select %and3A_1972, %sub3A_1974, %div3A_1953 : i32
      %jit3A_1976 = arith.constant 8 : i32
      %div3A_1977 = arith.divsi %select_n3A_1975, %jit3A_1976 : i32
      %sign3A_1978 = arith.constant 0 : i32
      %sign3A_1979 = arith.cmpi sgt, %select_n3A_1975, %sign3A_1978 : i32
      %sign3A_1980 = arith.extui %sign3A_1979 : i1 to i32
      %sign3A_1981 = arith.constant 0 : i32
      %sign3A_1982 = arith.cmpi slt, %select_n3A_1975, %sign3A_1981 : i32
      %sign3A_1983 = arith.extui %sign3A_1982 : i1 to i32
      %sign3A_1984 = arith.subi %sign3A_1980, %sign3A_1983 : i32
      %sign3A_1985 = arith.constant 0 : i32
      %sign3A_1986 = arith.cmpi sgt, %jit3A_1976, %sign3A_1985 : i32
      %sign3A_1987 = arith.extui %sign3A_1986 : i1 to i32
      %sign3A_1988 = arith.constant 0 : i32
      %sign3A_1989 = arith.cmpi slt, %jit3A_1976, %sign3A_1988 : i32
      %sign3A_1990 = arith.extui %sign3A_1989 : i1 to i32
      %sign3A_1991 = arith.subi %sign3A_1987, %sign3A_1990 : i32
      %ne3A_1992 = arith.cmpi ne, %sign3A_1984, %sign3A_1991 : i32
      %rem3A_1993 = arith.remsi %select_n3A_1975, %jit3A_1976 : i32
      %ne3A_1994 = arith.constant 0 : i32
      %ne3A_1995 = arith.cmpi ne, %rem3A_1993, %ne3A_1994 : i32
      %and3A_1996 = arith.andi %ne3A_1992, %ne3A_1995 : i1
      %sub3A_1997 = arith.constant 1 : i32
      %sub3A_1998 = arith.subi %div3A_1977, %sub3A_1997 : i32
      %select_n3A_1999 = arith.select %and3A_1996, %sub3A_1998, %div3A_1977 : i32
      %mul3A_2000 = arith.constant 8 : i32
      %mul3A_2001 = arith.muli %select_n3A_1999, %mul3A_2000 : i32
      %multiple_of3A_2002 = tpu.assume_multiple %mul3A_2001, 8 : i32
      %dma_start3A_2003 = arith.constant 88 : i32
      %dma_start3A_2004 = arith.constant 0 : i32
      %dma_start3A_2005 = tpu.memref_slice %arg20[%dma_start3A_2003, %dma_start3A_2004] : memref<128x16xf32, #tpu.memory_space<vmem>> -> memref<8x16xf32, #tpu.memory_space<vmem>>
      %dma_start3A_2006 = arith.constant 0 : i32
      %dma_start3A_2007 = tpu.memref_slice %arg10[%multiple_of3A_2002, %dma_start3A_2006] : memref<6256x16xf32, #tpu.memory_space<hbm>> -> memref<8x16xf32, #tpu.memory_space<hbm>>
      %dma_start3A_2008 = arith.constant 88 : i32
      %dma_start3A_2009 = arith.constant 0 : i32
      %dma_start3A_2010 = tpu.memref_slice %arg20[%dma_start3A_2008, %dma_start3A_2009] : memref<128x16xf32, #tpu.memory_space<vmem>> -> memref<8x16xf32, #tpu.memory_space<vmem>>
      %dma_start3A_2011 = arith.constant 0 : i32
      %dma_start3A_2012 = tpu.memref_slice %arg10[%multiple_of3A_2002, %dma_start3A_2011] : memref<6256x16xf32, #tpu.memory_space<hbm>> -> memref<8x16xf32, #tpu.memory_space<hbm>>
      tpu.enqueue_dma source(%dma_start3A_2012 : memref<8x16xf32, #tpu.memory_space<hbm>>) target(%dma_start3A_2010 : memref<8x16xf32, #tpu.memory_space<vmem>>) target_semaphore(%arg22 : memref<!tpu.dma_semaphore, #tpu.memory_space<semaphore_mem>>)
      %slice3A_2013 = vector.extract_strided_slice %get3A_19 {offsets = [12], sizes = [1], strides = [1]} : vector<16xi32> to vector<1xi32>
      %squeeze3A_2014 = vector.extract %slice3A_2013[0] : i32 from vector<1xi32>
      %jit3A_2015 = arith.constant 16 : i32
      %div3A_2016 = arith.divsi %squeeze3A_2014, %jit3A_2015 : i32
      %sign3A_2017 = arith.constant 0 : i32
      %sign3A_2018 = arith.cmpi sgt, %squeeze3A_2014, %sign3A_2017 : i32
      %sign3A_2019 = arith.extui %sign3A_2018 : i1 to i32
      %sign3A_2020 = arith.constant 0 : i32
      %sign3A_2021 = arith.cmpi slt, %squeeze3A_2014, %sign3A_2020 : i32
      %sign3A_2022 = arith.extui %sign3A_2021 : i1 to i32
      %sign3A_2023 = arith.subi %sign3A_2019, %sign3A_2022 : i32
      %sign3A_2024 = arith.constant 0 : i32
      %sign3A_2025 = arith.cmpi sgt, %jit3A_2015, %sign3A_2024 : i32
      %sign3A_2026 = arith.extui %sign3A_2025 : i1 to i32
      %sign3A_2027 = arith.constant 0 : i32
      %sign3A_2028 = arith.cmpi slt, %jit3A_2015, %sign3A_2027 : i32
      %sign3A_2029 = arith.extui %sign3A_2028 : i1 to i32
      %sign3A_2030 = arith.subi %sign3A_2026, %sign3A_2029 : i32
      %ne3A_2031 = arith.cmpi ne, %sign3A_2023, %sign3A_2030 : i32
      %rem3A_2032 = arith.remsi %squeeze3A_2014, %jit3A_2015 : i32
      %ne3A_2033 = arith.constant 0 : i32
      %ne3A_2034 = arith.cmpi ne, %rem3A_2032, %ne3A_2033 : i32
      %and3A_2035 = arith.andi %ne3A_2031, %ne3A_2034 : i1
      %sub3A_2036 = arith.constant 1 : i32
      %sub3A_2037 = arith.subi %div3A_2016, %sub3A_2036 : i32
      %select_n3A_2038 = arith.select %and3A_2035, %sub3A_2037, %div3A_2016 : i32
      %jit3A_2039 = arith.constant 8 : i32
      %div3A_2040 = arith.divsi %select_n3A_2038, %jit3A_2039 : i32
      %sign3A_2041 = arith.constant 0 : i32
      %sign3A_2042 = arith.cmpi sgt, %select_n3A_2038, %sign3A_2041 : i32
      %sign3A_2043 = arith.extui %sign3A_2042 : i1 to i32
      %sign3A_2044 = arith.constant 0 : i32
      %sign3A_2045 = arith.cmpi slt, %select_n3A_2038, %sign3A_2044 : i32
      %sign3A_2046 = arith.extui %sign3A_2045 : i1 to i32
      %sign3A_2047 = arith.subi %sign3A_2043, %sign3A_2046 : i32
      %sign3A_2048 = arith.constant 0 : i32
      %sign3A_2049 = arith.cmpi sgt, %jit3A_2039, %sign3A_2048 : i32
      %sign3A_2050 = arith.extui %sign3A_2049 : i1 to i32
      %sign3A_2051 = arith.constant 0 : i32
      %sign3A_2052 = arith.cmpi slt, %jit3A_2039, %sign3A_2051 : i32
      %sign3A_2053 = arith.extui %sign3A_2052 : i1 to i32
      %sign3A_2054 = arith.subi %sign3A_2050, %sign3A_2053 : i32
      %ne3A_2055 = arith.cmpi ne, %sign3A_2047, %sign3A_2054 : i32
      %rem3A_2056 = arith.remsi %select_n3A_2038, %jit3A_2039 : i32
      %ne3A_2057 = arith.constant 0 : i32
      %ne3A_2058 = arith.cmpi ne, %rem3A_2056, %ne3A_2057 : i32
      %and3A_2059 = arith.andi %ne3A_2055, %ne3A_2058 : i1
      %sub3A_2060 = arith.constant 1 : i32
      %sub3A_2061 = arith.subi %div3A_2040, %sub3A_2060 : i32
      %select_n3A_2062 = arith.select %and3A_2059, %sub3A_2061, %div3A_2040 : i32
      %mul3A_2063 = arith.constant 8 : i32
      %mul3A_2064 = arith.muli %select_n3A_2062, %mul3A_2063 : i32
      %multiple_of3A_2065 = tpu.assume_multiple %mul3A_2064, 8 : i32
      %dma_start3A_2066 = arith.constant 96 : i32
      %dma_start3A_2067 = arith.constant 0 : i32
      %dma_start3A_2068 = tpu.memref_slice %arg20[%dma_start3A_2066, %dma_start3A_2067] : memref<128x16xf32, #tpu.memory_space<vmem>> -> memref<8x16xf32, #tpu.memory_space<vmem>>
      %dma_start3A_2069 = arith.constant 0 : i32
      %dma_start3A_2070 = tpu.memref_slice %arg10[%multiple_of3A_2065, %dma_start3A_2069] : memref<6256x16xf32, #tpu.memory_space<hbm>> -> memref<8x16xf32, #tpu.memory_space<hbm>>
      %dma_start3A_2071 = arith.constant 96 : i32
      %dma_start3A_2072 = arith.constant 0 : i32
      %dma_start3A_2073 = tpu.memref_slice %arg20[%dma_start3A_2071, %dma_start3A_2072] : memref<128x16xf32, #tpu.memory_space<vmem>> -> memref<8x16xf32, #tpu.memory_space<vmem>>
      %dma_start3A_2074 = arith.constant 0 : i32
      %dma_start3A_2075 = tpu.memref_slice %arg10[%multiple_of3A_2065, %dma_start3A_2074] : memref<6256x16xf32, #tpu.memory_space<hbm>> -> memref<8x16xf32, #tpu.memory_space<hbm>>
      tpu.enqueue_dma source(%dma_start3A_2075 : memref<8x16xf32, #tpu.memory_space<hbm>>) target(%dma_start3A_2073 : memref<8x16xf32, #tpu.memory_space<vmem>>) target_semaphore(%arg22 : memref<!tpu.dma_semaphore, #tpu.memory_space<semaphore_mem>>)
      %slice3A_2076 = vector.extract_strided_slice %get3A_19 {offsets = [13], sizes = [1], strides = [1]} : vector<16xi32> to vector<1xi32>
      %squeeze3A_2077 = vector.extract %slice3A_2076[0] : i32 from vector<1xi32>
      %jit3A_2078 = arith.constant 16 : i32
      %div3A_2079 = arith.divsi %squeeze3A_2077, %jit3A_2078 : i32
      %sign3A_2080 = arith.constant 0 : i32
      %sign3A_2081 = arith.cmpi sgt, %squeeze3A_2077, %sign3A_2080 : i32
      %sign3A_2082 = arith.extui %sign3A_2081 : i1 to i32
      %sign3A_2083 = arith.constant 0 : i32
      %sign3A_2084 = arith.cmpi slt, %squeeze3A_2077, %sign3A_2083 : i32
      %sign3A_2085 = arith.extui %sign3A_2084 : i1 to i32
      %sign3A_2086 = arith.subi %sign3A_2082, %sign3A_2085 : i32
      %sign3A_2087 = arith.constant 0 : i32
      %sign3A_2088 = arith.cmpi sgt, %jit3A_2078, %sign3A_2087 : i32
      %sign3A_2089 = arith.extui %sign3A_2088 : i1 to i32
      %sign3A_2090 = arith.constant 0 : i32
      %sign3A_2091 = arith.cmpi slt, %jit3A_2078, %sign3A_2090 : i32
      %sign3A_2092 = arith.extui %sign3A_2091 : i1 to i32
      %sign3A_2093 = arith.subi %sign3A_2089, %sign3A_2092 : i32
      %ne3A_2094 = arith.cmpi ne, %sign3A_2086, %sign3A_2093 : i32
      %rem3A_2095 = arith.remsi %squeeze3A_2077, %jit3A_2078 : i32
      %ne3A_2096 = arith.constant 0 : i32
      %ne3A_2097 = arith.cmpi ne, %rem3A_2095, %ne3A_2096 : i32
      %and3A_2098 = arith.andi %ne3A_2094, %ne3A_2097 : i1
      %sub3A_2099 = arith.constant 1 : i32
      %sub3A_2100 = arith.subi %div3A_2079, %sub3A_2099 : i32
      %select_n3A_2101 = arith.select %and3A_2098, %sub3A_2100, %div3A_2079 : i32
      %jit3A_2102 = arith.constant 8 : i32
      %div3A_2103 = arith.divsi %select_n3A_2101, %jit3A_2102 : i32
      %sign3A_2104 = arith.constant 0 : i32
      %sign3A_2105 = arith.cmpi sgt, %select_n3A_2101, %sign3A_2104 : i32
      %sign3A_2106 = arith.extui %sign3A_2105 : i1 to i32
      %sign3A_2107 = arith.constant 0 : i32
      %sign3A_2108 = arith.cmpi slt, %select_n3A_2101, %sign3A_2107 : i32
      %sign3A_2109 = arith.extui %sign3A_2108 : i1 to i32
      %sign3A_2110 = arith.subi %sign3A_2106, %sign3A_2109 : i32
      %sign3A_2111 = arith.constant 0 : i32
      %sign3A_2112 = arith.cmpi sgt, %jit3A_2102, %sign3A_2111 : i32
      %sign3A_2113 = arith.extui %sign3A_2112 : i1 to i32
      %sign3A_2114 = arith.constant 0 : i32
      %sign3A_2115 = arith.cmpi slt, %jit3A_2102, %sign3A_2114 : i32
      %sign3A_2116 = arith.extui %sign3A_2115 : i1 to i32
      %sign3A_2117 = arith.subi %sign3A_2113, %sign3A_2116 : i32
      %ne3A_2118 = arith.cmpi ne, %sign3A_2110, %sign3A_2117 : i32
      %rem3A_2119 = arith.remsi %select_n3A_2101, %jit3A_2102 : i32
      %ne3A_2120 = arith.constant 0 : i32
      %ne3A_2121 = arith.cmpi ne, %rem3A_2119, %ne3A_2120 : i32
      %and3A_2122 = arith.andi %ne3A_2118, %ne3A_2121 : i1
      %sub3A_2123 = arith.constant 1 : i32
      %sub3A_2124 = arith.subi %div3A_2103, %sub3A_2123 : i32
      %select_n3A_2125 = arith.select %and3A_2122, %sub3A_2124, %div3A_2103 : i32
      %mul3A_2126 = arith.constant 8 : i32
      %mul3A_2127 = arith.muli %select_n3A_2125, %mul3A_2126 : i32
      %multiple_of3A_2128 = tpu.assume_multiple %mul3A_2127, 8 : i32
      %dma_start3A_2129 = arith.constant 104 : i32
      %dma_start3A_2130 = arith.constant 0 : i32
      %dma_start3A_2131 = tpu.memref_slice %arg20[%dma_start3A_2129, %dma_start3A_2130] : memref<128x16xf32, #tpu.memory_space<vmem>> -> memref<8x16xf32, #tpu.memory_space<vmem>>
      %dma_start3A_2132 = arith.constant 0 : i32
      %dma_start3A_2133 = tpu.memref_slice %arg10[%multiple_of3A_2128, %dma_start3A_2132] : memref<6256x16xf32, #tpu.memory_space<hbm>> -> memref<8x16xf32, #tpu.memory_space<hbm>>
      %dma_start3A_2134 = arith.constant 104 : i32
      %dma_start3A_2135 = arith.constant 0 : i32
      %dma_start3A_2136 = tpu.memref_slice %arg20[%dma_start3A_2134, %dma_start3A_2135] : memref<128x16xf32, #tpu.memory_space<vmem>> -> memref<8x16xf32, #tpu.memory_space<vmem>>
      %dma_start3A_2137 = arith.constant 0 : i32
      %dma_start3A_2138 = tpu.memref_slice %arg10[%multiple_of3A_2128, %dma_start3A_2137] : memref<6256x16xf32, #tpu.memory_space<hbm>> -> memref<8x16xf32, #tpu.memory_space<hbm>>
      tpu.enqueue_dma source(%dma_start3A_2138 : memref<8x16xf32, #tpu.memory_space<hbm>>) target(%dma_start3A_2136 : memref<8x16xf32, #tpu.memory_space<vmem>>) target_semaphore(%arg22 : memref<!tpu.dma_semaphore, #tpu.memory_space<semaphore_mem>>)
      %slice3A_2139 = vector.extract_strided_slice %get3A_19 {offsets = [14], sizes = [1], strides = [1]} : vector<16xi32> to vector<1xi32>
      %squeeze3A_2140 = vector.extract %slice3A_2139[0] : i32 from vector<1xi32>
      %jit3A_2141 = arith.constant 16 : i32
      %div3A_2142 = arith.divsi %squeeze3A_2140, %jit3A_2141 : i32
      %sign3A_2143 = arith.constant 0 : i32
      %sign3A_2144 = arith.cmpi sgt, %squeeze3A_2140, %sign3A_2143 : i32
      %sign3A_2145 = arith.extui %sign3A_2144 : i1 to i32
      %sign3A_2146 = arith.constant 0 : i32
      %sign3A_2147 = arith.cmpi slt, %squeeze3A_2140, %sign3A_2146 : i32
      %sign3A_2148 = arith.extui %sign3A_2147 : i1 to i32
      %sign3A_2149 = arith.subi %sign3A_2145, %sign3A_2148 : i32
      %sign3A_2150 = arith.constant 0 : i32
      %sign3A_2151 = arith.cmpi sgt, %jit3A_2141, %sign3A_2150 : i32
      %sign3A_2152 = arith.extui %sign3A_2151 : i1 to i32
      %sign3A_2153 = arith.constant 0 : i32
      %sign3A_2154 = arith.cmpi slt, %jit3A_2141, %sign3A_2153 : i32
      %sign3A_2155 = arith.extui %sign3A_2154 : i1 to i32
      %sign3A_2156 = arith.subi %sign3A_2152, %sign3A_2155 : i32
      %ne3A_2157 = arith.cmpi ne, %sign3A_2149, %sign3A_2156 : i32
      %rem3A_2158 = arith.remsi %squeeze3A_2140, %jit3A_2141 : i32
      %ne3A_2159 = arith.constant 0 : i32
      %ne3A_2160 = arith.cmpi ne, %rem3A_2158, %ne3A_2159 : i32
      %and3A_2161 = arith.andi %ne3A_2157, %ne3A_2160 : i1
      %sub3A_2162 = arith.constant 1 : i32
      %sub3A_2163 = arith.subi %div3A_2142, %sub3A_2162 : i32
      %select_n3A_2164 = arith.select %and3A_2161, %sub3A_2163, %div3A_2142 : i32
      %jit3A_2165 = arith.constant 8 : i32
      %div3A_2166 = arith.divsi %select_n3A_2164, %jit3A_2165 : i32
      %sign3A_2167 = arith.constant 0 : i32
      %sign3A_2168 = arith.cmpi sgt, %select_n3A_2164, %sign3A_2167 : i32
      %sign3A_2169 = arith.extui %sign3A_2168 : i1 to i32
      %sign3A_2170 = arith.constant 0 : i32
      %sign3A_2171 = arith.cmpi slt, %select_n3A_2164, %sign3A_2170 : i32
      %sign3A_2172 = arith.extui %sign3A_2171 : i1 to i32
      %sign3A_2173 = arith.subi %sign3A_2169, %sign3A_2172 : i32
      %sign3A_2174 = arith.constant 0 : i32
      %sign3A_2175 = arith.cmpi sgt, %jit3A_2165, %sign3A_2174 : i32
      %sign3A_2176 = arith.extui %sign3A_2175 : i1 to i32
      %sign3A_2177 = arith.constant 0 : i32
      %sign3A_2178 = arith.cmpi slt, %jit3A_2165, %sign3A_2177 : i32
      %sign3A_2179 = arith.extui %sign3A_2178 : i1 to i32
      %sign3A_2180 = arith.subi %sign3A_2176, %sign3A_2179 : i32
      %ne3A_2181 = arith.cmpi ne, %sign3A_2173, %sign3A_2180 : i32
      %rem3A_2182 = arith.remsi %select_n3A_2164, %jit3A_2165 : i32
      %ne3A_2183 = arith.constant 0 : i32
      %ne3A_2184 = arith.cmpi ne, %rem3A_2182, %ne3A_2183 : i32
      %and3A_2185 = arith.andi %ne3A_2181, %ne3A_2184 : i1
      %sub3A_2186 = arith.constant 1 : i32
      %sub3A_2187 = arith.subi %div3A_2166, %sub3A_2186 : i32
      %select_n3A_2188 = arith.select %and3A_2185, %sub3A_2187, %div3A_2166 : i32
      %mul3A_2189 = arith.constant 8 : i32
      %mul3A_2190 = arith.muli %select_n3A_2188, %mul3A_2189 : i32
      %multiple_of3A_2191 = tpu.assume_multiple %mul3A_2190, 8 : i32
      %dma_start3A_2192 = arith.constant 112 : i32
      %dma_start3A_2193 = arith.constant 0 : i32
      %dma_start3A_2194 = tpu.memref_slice %arg20[%dma_start3A_2192, %dma_start3A_2193] : memref<128x16xf32, #tpu.memory_space<vmem>> -> memref<8x16xf32, #tpu.memory_space<vmem>>
      %dma_start3A_2195 = arith.constant 0 : i32
      %dma_start3A_2196 = tpu.memref_slice %arg10[%multiple_of3A_2191, %dma_start3A_2195] : memref<6256x16xf32, #tpu.memory_space<hbm>> -> memref<8x16xf32, #tpu.memory_space<hbm>>
      %dma_start3A_2197 = arith.constant 112 : i32
      %dma_start3A_2198 = arith.constant 0 : i32
      %dma_start3A_2199 = tpu.memref_slice %arg20[%dma_start3A_2197, %dma_start3A_2198] : memref<128x16xf32, #tpu.memory_space<vmem>> -> memref<8x16xf32, #tpu.memory_space<vmem>>
      %dma_start3A_2200 = arith.constant 0 : i32
      %dma_start3A_2201 = tpu.memref_slice %arg10[%multiple_of3A_2191, %dma_start3A_2200] : memref<6256x16xf32, #tpu.memory_space<hbm>> -> memref<8x16xf32, #tpu.memory_space<hbm>>
      tpu.enqueue_dma source(%dma_start3A_2201 : memref<8x16xf32, #tpu.memory_space<hbm>>) target(%dma_start3A_2199 : memref<8x16xf32, #tpu.memory_space<vmem>>) target_semaphore(%arg22 : memref<!tpu.dma_semaphore, #tpu.memory_space<semaphore_mem>>)
      %slice3A_2202 = vector.extract_strided_slice %get3A_19 {offsets = [15], sizes = [1], strides = [1]} : vector<16xi32> to vector<1xi32>
      %squeeze3A_2203 = vector.extract %slice3A_2202[0] : i32 from vector<1xi32>
      %jit3A_2204 = arith.constant 16 : i32
      %div3A_2205 = arith.divsi %squeeze3A_2203, %jit3A_2204 : i32
      %sign3A_2206 = arith.constant 0 : i32
      %sign3A_2207 = arith.cmpi sgt, %squeeze3A_2203, %sign3A_2206 : i32
      %sign3A_2208 = arith.extui %sign3A_2207 : i1 to i32
      %sign3A_2209 = arith.constant 0 : i32
      %sign3A_2210 = arith.cmpi slt, %squeeze3A_2203, %sign3A_2209 : i32
      %sign3A_2211 = arith.extui %sign3A_2210 : i1 to i32
      %sign3A_2212 = arith.subi %sign3A_2208, %sign3A_2211 : i32
      %sign3A_2213 = arith.constant 0 : i32
      %sign3A_2214 = arith.cmpi sgt, %jit3A_2204, %sign3A_2213 : i32
      %sign3A_2215 = arith.extui %sign3A_2214 : i1 to i32
      %sign3A_2216 = arith.constant 0 : i32
      %sign3A_2217 = arith.cmpi slt, %jit3A_2204, %sign3A_2216 : i32
      %sign3A_2218 = arith.extui %sign3A_2217 : i1 to i32
      %sign3A_2219 = arith.subi %sign3A_2215, %sign3A_2218 : i32
      %ne3A_2220 = arith.cmpi ne, %sign3A_2212, %sign3A_2219 : i32
      %rem3A_2221 = arith.remsi %squeeze3A_2203, %jit3A_2204 : i32
      %ne3A_2222 = arith.constant 0 : i32
      %ne3A_2223 = arith.cmpi ne, %rem3A_2221, %ne3A_2222 : i32
      %and3A_2224 = arith.andi %ne3A_2220, %ne3A_2223 : i1
      %sub3A_2225 = arith.constant 1 : i32
      %sub3A_2226 = arith.subi %div3A_2205, %sub3A_2225 : i32
      %select_n3A_2227 = arith.select %and3A_2224, %sub3A_2226, %div3A_2205 : i32
      %jit3A_2228 = arith.constant 8 : i32
      %div3A_2229 = arith.divsi %select_n3A_2227, %jit3A_2228 : i32
      %sign3A_2230 = arith.constant 0 : i32
      %sign3A_2231 = arith.cmpi sgt, %select_n3A_2227, %sign3A_2230 : i32
      %sign3A_2232 = arith.extui %sign3A_2231 : i1 to i32
      %sign3A_2233 = arith.constant 0 : i32
      %sign3A_2234 = arith.cmpi slt, %select_n3A_2227, %sign3A_2233 : i32
      %sign3A_2235 = arith.extui %sign3A_2234 : i1 to i32
      %sign3A_2236 = arith.subi %sign3A_2232, %sign3A_2235 : i32
      %sign3A_2237 = arith.constant 0 : i32
      %sign3A_2238 = arith.cmpi sgt, %jit3A_2228, %sign3A_2237 : i32
      %sign3A_2239 = arith.extui %sign3A_2238 : i1 to i32
      %sign3A_2240 = arith.constant 0 : i32
      %sign3A_2241 = arith.cmpi slt, %jit3A_2228, %sign3A_2240 : i32
      %sign3A_2242 = arith.extui %sign3A_2241 : i1 to i32
      %sign3A_2243 = arith.subi %sign3A_2239, %sign3A_2242 : i32
      %ne3A_2244 = arith.cmpi ne, %sign3A_2236, %sign3A_2243 : i32
      %rem3A_2245 = arith.remsi %select_n3A_2227, %jit3A_2228 : i32
      %ne3A_2246 = arith.constant 0 : i32
      %ne3A_2247 = arith.cmpi ne, %rem3A_2245, %ne3A_2246 : i32
      %and3A_2248 = arith.andi %ne3A_2244, %ne3A_2247 : i1
      %sub3A_2249 = arith.constant 1 : i32
      %sub3A_2250 = arith.subi %div3A_2229, %sub3A_2249 : i32
      %select_n3A_2251 = arith.select %and3A_2248, %sub3A_2250, %div3A_2229 : i32
      %mul3A_2252 = arith.constant 8 : i32
      %mul3A_2253 = arith.muli %select_n3A_2251, %mul3A_2252 : i32
      %multiple_of3A_2254 = tpu.assume_multiple %mul3A_2253, 8 : i32
      %dma_start3A_2255 = arith.constant 120 : i32
      %dma_start3A_2256 = arith.constant 0 : i32
      %dma_start3A_2257 = tpu.memref_slice %arg20[%dma_start3A_2255, %dma_start3A_2256] : memref<128x16xf32, #tpu.memory_space<vmem>> -> memref<8x16xf32, #tpu.memory_space<vmem>>
      %dma_start3A_2258 = arith.constant 0 : i32
      %dma_start3A_2259 = tpu.memref_slice %arg10[%multiple_of3A_2254, %dma_start3A_2258] : memref<6256x16xf32, #tpu.memory_space<hbm>> -> memref<8x16xf32, #tpu.memory_space<hbm>>
      %dma_start3A_2260 = arith.constant 120 : i32
      %dma_start3A_2261 = arith.constant 0 : i32
      %dma_start3A_2262 = tpu.memref_slice %arg20[%dma_start3A_2260, %dma_start3A_2261] : memref<128x16xf32, #tpu.memory_space<vmem>> -> memref<8x16xf32, #tpu.memory_space<vmem>>
      %dma_start3A_2263 = arith.constant 0 : i32
      %dma_start3A_2264 = tpu.memref_slice %arg10[%multiple_of3A_2254, %dma_start3A_2263] : memref<6256x16xf32, #tpu.memory_space<hbm>> -> memref<8x16xf32, #tpu.memory_space<hbm>>
      tpu.enqueue_dma source(%dma_start3A_2264 : memref<8x16xf32, #tpu.memory_space<hbm>>) target(%dma_start3A_2262 : memref<8x16xf32, #tpu.memory_space<vmem>>) target_semaphore(%arg22 : memref<!tpu.dma_semaphore, #tpu.memory_space<semaphore_mem>>)
      %dma_wait3A = arith.constant 0 : i32
      %dma_wait3A_2265 = arith.constant 0 : i32
      %dma_wait3A_2266 = tpu.memref_slice %arg18[%dma_wait3A, %dma_wait3A_2265] : memref<512x128xf32, #tpu.memory_space<vmem>> -> memref<32x128xf32, #tpu.memory_space<vmem>>
      %dma_wait3A_2267 = arith.constant 0 : i32
      %dma_wait3A_2268 = arith.constant 0 : i32
      %dma_wait3A_2269 = tpu.memref_slice %arg8[%dma_wait3A_2267, %dma_wait3A_2268] : memref<32x1000000xf32, #tpu.memory_space<hbm>> -> memref<32x128xf32, #tpu.memory_space<hbm>>
      %dma_wait3A_2270 = arith.constant 0 : i32
      %dma_wait3A_2271 = arith.constant 0 : i32
      %dma_wait3A_2272 = tpu.memref_slice %arg18[%dma_wait3A_2270, %dma_wait3A_2271] : memref<512x128xf32, #tpu.memory_space<vmem>> -> memref<32x128xf32, #tpu.memory_space<vmem>>
      %dma_wait3A_2273 = arith.constant 0 : i32
      %dma_wait3A_2274 = arith.constant 0 : i32
      %dma_wait3A_2275 = tpu.memref_slice %arg8[%dma_wait3A_2273, %dma_wait3A_2274] : memref<32x1000000xf32, #tpu.memory_space<hbm>> -> memref<32x128xf32, #tpu.memory_space<hbm>>
      tpu.wait_dma2 semaphore(%arg22 : memref<!tpu.dma_semaphore, #tpu.memory_space<semaphore_mem>>) src(%dma_wait3A_2275 : memref<32x128xf32, #tpu.memory_space<hbm>>) dst(%dma_wait3A_2272 : memref<32x128xf32, #tpu.memory_space<vmem>>)
      %dma_wait3A_2276 = arith.constant 32 : i32
      %dma_wait3A_2277 = arith.constant 0 : i32
      %dma_wait3A_2278 = tpu.memref_slice %arg18[%dma_wait3A_2276, %dma_wait3A_2277] : memref<512x128xf32, #tpu.memory_space<vmem>> -> memref<32x128xf32, #tpu.memory_space<vmem>>
      %dma_wait3A_2279 = arith.constant 0 : i32
      %dma_wait3A_2280 = arith.constant 0 : i32
      %dma_wait3A_2281 = tpu.memref_slice %arg8[%dma_wait3A_2279, %dma_wait3A_2280] : memref<32x1000000xf32, #tpu.memory_space<hbm>> -> memref<32x128xf32, #tpu.memory_space<hbm>>
      %dma_wait3A_2282 = arith.constant 32 : i32
      %dma_wait3A_2283 = arith.constant 0 : i32
      %dma_wait3A_2284 = tpu.memref_slice %arg18[%dma_wait3A_2282, %dma_wait3A_2283] : memref<512x128xf32, #tpu.memory_space<vmem>> -> memref<32x128xf32, #tpu.memory_space<vmem>>
      %dma_wait3A_2285 = arith.constant 0 : i32
      %dma_wait3A_2286 = arith.constant 0 : i32
      %dma_wait3A_2287 = tpu.memref_slice %arg8[%dma_wait3A_2285, %dma_wait3A_2286] : memref<32x1000000xf32, #tpu.memory_space<hbm>> -> memref<32x128xf32, #tpu.memory_space<hbm>>
      tpu.wait_dma2 semaphore(%arg22 : memref<!tpu.dma_semaphore, #tpu.memory_space<semaphore_mem>>) src(%dma_wait3A_2287 : memref<32x128xf32, #tpu.memory_space<hbm>>) dst(%dma_wait3A_2284 : memref<32x128xf32, #tpu.memory_space<vmem>>)
      %dma_wait3A_2288 = arith.constant 64 : i32
      %dma_wait3A_2289 = arith.constant 0 : i32
      %dma_wait3A_2290 = tpu.memref_slice %arg18[%dma_wait3A_2288, %dma_wait3A_2289] : memref<512x128xf32, #tpu.memory_space<vmem>> -> memref<32x128xf32, #tpu.memory_space<vmem>>
      %dma_wait3A_2291 = arith.constant 0 : i32
      %dma_wait3A_2292 = arith.constant 0 : i32
      %dma_wait3A_2293 = tpu.memref_slice %arg8[%dma_wait3A_2291, %dma_wait3A_2292] : memref<32x1000000xf32, #tpu.memory_space<hbm>> -> memref<32x128xf32, #tpu.memory_space<hbm>>
      %dma_wait3A_2294 = arith.constant 64 : i32
      %dma_wait3A_2295 = arith.constant 0 : i32
      %dma_wait3A_2296 = tpu.memref_slice %arg18[%dma_wait3A_2294, %dma_wait3A_2295] : memref<512x128xf32, #tpu.memory_space<vmem>> -> memref<32x128xf32, #tpu.memory_space<vmem>>
      %dma_wait3A_2297 = arith.constant 0 : i32
      %dma_wait3A_2298 = arith.constant 0 : i32
      %dma_wait3A_2299 = tpu.memref_slice %arg8[%dma_wait3A_2297, %dma_wait3A_2298] : memref<32x1000000xf32, #tpu.memory_space<hbm>> -> memref<32x128xf32, #tpu.memory_space<hbm>>
      tpu.wait_dma2 semaphore(%arg22 : memref<!tpu.dma_semaphore, #tpu.memory_space<semaphore_mem>>) src(%dma_wait3A_2299 : memref<32x128xf32, #tpu.memory_space<hbm>>) dst(%dma_wait3A_2296 : memref<32x128xf32, #tpu.memory_space<vmem>>)
      %dma_wait3A_2300 = arith.constant 96 : i32
      %dma_wait3A_2301 = arith.constant 0 : i32
      %dma_wait3A_2302 = tpu.memref_slice %arg18[%dma_wait3A_2300, %dma_wait3A_2301] : memref<512x128xf32, #tpu.memory_space<vmem>> -> memref<32x128xf32, #tpu.memory_space<vmem>>
      %dma_wait3A_2303 = arith.constant 0 : i32
      %dma_wait3A_2304 = arith.constant 0 : i32
      %dma_wait3A_2305 = tpu.memref_slice %arg8[%dma_wait3A_2303, %dma_wait3A_2304] : memref<32x1000000xf32, #tpu.memory_space<hbm>> -> memref<32x128xf32, #tpu.memory_space<hbm>>
      %dma_wait3A_2306 = arith.constant 96 : i32
      %dma_wait3A_2307 = arith.constant 0 : i32
      %dma_wait3A_2308 = tpu.memref_slice %arg18[%dma_wait3A_2306, %dma_wait3A_2307] : memref<512x128xf32, #tpu.memory_space<vmem>> -> memref<32x128xf32, #tpu.memory_space<vmem>>
      %dma_wait3A_2309 = arith.constant 0 : i32
      %dma_wait3A_2310 = arith.constant 0 : i32
      %dma_wait3A_2311 = tpu.memref_slice %arg8[%dma_wait3A_2309, %dma_wait3A_2310] : memref<32x1000000xf32, #tpu.memory_space<hbm>> -> memref<32x128xf32, #tpu.memory_space<hbm>>
      tpu.wait_dma2 semaphore(%arg22 : memref<!tpu.dma_semaphore, #tpu.memory_space<semaphore_mem>>) src(%dma_wait3A_2311 : memref<32x128xf32, #tpu.memory_space<hbm>>) dst(%dma_wait3A_2308 : memref<32x128xf32, #tpu.memory_space<vmem>>)
      %dma_wait3A_2312 = arith.constant 128 : i32
      %dma_wait3A_2313 = arith.constant 0 : i32
      %dma_wait3A_2314 = tpu.memref_slice %arg18[%dma_wait3A_2312, %dma_wait3A_2313] : memref<512x128xf32, #tpu.memory_space<vmem>> -> memref<32x128xf32, #tpu.memory_space<vmem>>
      %dma_wait3A_2315 = arith.constant 0 : i32
      %dma_wait3A_2316 = arith.constant 0 : i32
      %dma_wait3A_2317 = tpu.memref_slice %arg8[%dma_wait3A_2315, %dma_wait3A_2316] : memref<32x1000000xf32, #tpu.memory_space<hbm>> -> memref<32x128xf32, #tpu.memory_space<hbm>>
      %dma_wait3A_2318 = arith.constant 128 : i32
      %dma_wait3A_2319 = arith.constant 0 : i32
      %dma_wait3A_2320 = tpu.memref_slice %arg18[%dma_wait3A_2318, %dma_wait3A_2319] : memref<512x128xf32, #tpu.memory_space<vmem>> -> memref<32x128xf32, #tpu.memory_space<vmem>>
      %dma_wait3A_2321 = arith.constant 0 : i32
      %dma_wait3A_2322 = arith.constant 0 : i32
      %dma_wait3A_2323 = tpu.memref_slice %arg8[%dma_wait3A_2321, %dma_wait3A_2322] : memref<32x1000000xf32, #tpu.memory_space<hbm>> -> memref<32x128xf32, #tpu.memory_space<hbm>>
      tpu.wait_dma2 semaphore(%arg22 : memref<!tpu.dma_semaphore, #tpu.memory_space<semaphore_mem>>) src(%dma_wait3A_2323 : memref<32x128xf32, #tpu.memory_space<hbm>>) dst(%dma_wait3A_2320 : memref<32x128xf32, #tpu.memory_space<vmem>>)
      %dma_wait3A_2324 = arith.constant 160 : i32
      %dma_wait3A_2325 = arith.constant 0 : i32
      %dma_wait3A_2326 = tpu.memref_slice %arg18[%dma_wait3A_2324, %dma_wait3A_2325] : memref<512x128xf32, #tpu.memory_space<vmem>> -> memref<32x128xf32, #tpu.memory_space<vmem>>
      %dma_wait3A_2327 = arith.constant 0 : i32
      %dma_wait3A_2328 = arith.constant 0 : i32
      %dma_wait3A_2329 = tpu.memref_slice %arg8[%dma_wait3A_2327, %dma_wait3A_2328] : memref<32x1000000xf32, #tpu.memory_space<hbm>> -> memref<32x128xf32, #tpu.memory_space<hbm>>
      %dma_wait3A_2330 = arith.constant 160 : i32
      %dma_wait3A_2331 = arith.constant 0 : i32
      %dma_wait3A_2332 = tpu.memref_slice %arg18[%dma_wait3A_2330, %dma_wait3A_2331] : memref<512x128xf32, #tpu.memory_space<vmem>> -> memref<32x128xf32, #tpu.memory_space<vmem>>
      %dma_wait3A_2333 = arith.constant 0 : i32
      %dma_wait3A_2334 = arith.constant 0 : i32
      %dma_wait3A_2335 = tpu.memref_slice %arg8[%dma_wait3A_2333, %dma_wait3A_2334] : memref<32x1000000xf32, #tpu.memory_space<hbm>> -> memref<32x128xf32, #tpu.memory_space<hbm>>
      tpu.wait_dma2 semaphore(%arg22 : memref<!tpu.dma_semaphore, #tpu.memory_space<semaphore_mem>>) src(%dma_wait3A_2335 : memref<32x128xf32, #tpu.memory_space<hbm>>) dst(%dma_wait3A_2332 : memref<32x128xf32, #tpu.memory_space<vmem>>)
      %dma_wait3A_2336 = arith.constant 192 : i32
      %dma_wait3A_2337 = arith.constant 0 : i32
      %dma_wait3A_2338 = tpu.memref_slice %arg18[%dma_wait3A_2336, %dma_wait3A_2337] : memref<512x128xf32, #tpu.memory_space<vmem>> -> memref<32x128xf32, #tpu.memory_space<vmem>>
      %dma_wait3A_2339 = arith.constant 0 : i32
      %dma_wait3A_2340 = arith.constant 0 : i32
      %dma_wait3A_2341 = tpu.memref_slice %arg8[%dma_wait3A_2339, %dma_wait3A_2340] : memref<32x1000000xf32, #tpu.memory_space<hbm>> -> memref<32x128xf32, #tpu.memory_space<hbm>>
      %dma_wait3A_2342 = arith.constant 192 : i32
      %dma_wait3A_2343 = arith.constant 0 : i32
      %dma_wait3A_2344 = tpu.memref_slice %arg18[%dma_wait3A_2342, %dma_wait3A_2343] : memref<512x128xf32, #tpu.memory_space<vmem>> -> memref<32x128xf32, #tpu.memory_space<vmem>>
      %dma_wait3A_2345 = arith.constant 0 : i32
      %dma_wait3A_2346 = arith.constant 0 : i32
      %dma_wait3A_2347 = tpu.memref_slice %arg8[%dma_wait3A_2345, %dma_wait3A_2346] : memref<32x1000000xf32, #tpu.memory_space<hbm>> -> memref<32x128xf32, #tpu.memory_space<hbm>>
      tpu.wait_dma2 semaphore(%arg22 : memref<!tpu.dma_semaphore, #tpu.memory_space<semaphore_mem>>) src(%dma_wait3A_2347 : memref<32x128xf32, #tpu.memory_space<hbm>>) dst(%dma_wait3A_2344 : memref<32x128xf32, #tpu.memory_space<vmem>>)
      %dma_wait3A_2348 = arith.constant 224 : i32
      %dma_wait3A_2349 = arith.constant 0 : i32
      %dma_wait3A_2350 = tpu.memref_slice %arg18[%dma_wait3A_2348, %dma_wait3A_2349] : memref<512x128xf32, #tpu.memory_space<vmem>> -> memref<32x128xf32, #tpu.memory_space<vmem>>
      %dma_wait3A_2351 = arith.constant 0 : i32
      %dma_wait3A_2352 = arith.constant 0 : i32
      %dma_wait3A_2353 = tpu.memref_slice %arg8[%dma_wait3A_2351, %dma_wait3A_2352] : memref<32x1000000xf32, #tpu.memory_space<hbm>> -> memref<32x128xf32, #tpu.memory_space<hbm>>
      %dma_wait3A_2354 = arith.constant 224 : i32
      %dma_wait3A_2355 = arith.constant 0 : i32
      %dma_wait3A_2356 = tpu.memref_slice %arg18[%dma_wait3A_2354, %dma_wait3A_2355] : memref<512x128xf32, #tpu.memory_space<vmem>> -> memref<32x128xf32, #tpu.memory_space<vmem>>
      %dma_wait3A_2357 = arith.constant 0 : i32
      %dma_wait3A_2358 = arith.constant 0 : i32
      %dma_wait3A_2359 = tpu.memref_slice %arg8[%dma_wait3A_2357, %dma_wait3A_2358] : memref<32x1000000xf32, #tpu.memory_space<hbm>> -> memref<32x128xf32, #tpu.memory_space<hbm>>
      tpu.wait_dma2 semaphore(%arg22 : memref<!tpu.dma_semaphore, #tpu.memory_space<semaphore_mem>>) src(%dma_wait3A_2359 : memref<32x128xf32, #tpu.memory_space<hbm>>) dst(%dma_wait3A_2356 : memref<32x128xf32, #tpu.memory_space<vmem>>)
      %dma_wait3A_2360 = arith.constant 256 : i32
      %dma_wait3A_2361 = arith.constant 0 : i32
      %dma_wait3A_2362 = tpu.memref_slice %arg18[%dma_wait3A_2360, %dma_wait3A_2361] : memref<512x128xf32, #tpu.memory_space<vmem>> -> memref<32x128xf32, #tpu.memory_space<vmem>>
      %dma_wait3A_2363 = arith.constant 0 : i32
      %dma_wait3A_2364 = arith.constant 0 : i32
      %dma_wait3A_2365 = tpu.memref_slice %arg8[%dma_wait3A_2363, %dma_wait3A_2364] : memref<32x1000000xf32, #tpu.memory_space<hbm>> -> memref<32x128xf32, #tpu.memory_space<hbm>>
      %dma_wait3A_2366 = arith.constant 256 : i32
      %dma_wait3A_2367 = arith.constant 0 : i32
      %dma_wait3A_2368 = tpu.memref_slice %arg18[%dma_wait3A_2366, %dma_wait3A_2367] : memref<512x128xf32, #tpu.memory_space<vmem>> -> memref<32x128xf32, #tpu.memory_space<vmem>>
      %dma_wait3A_2369 = arith.constant 0 : i32
      %dma_wait3A_2370 = arith.constant 0 : i32
      %dma_wait3A_2371 = tpu.memref_slice %arg8[%dma_wait3A_2369, %dma_wait3A_2370] : memref<32x1000000xf32, #tpu.memory_space<hbm>> -> memref<32x128xf32, #tpu.memory_space<hbm>>
      tpu.wait_dma2 semaphore(%arg22 : memref<!tpu.dma_semaphore, #tpu.memory_space<semaphore_mem>>) src(%dma_wait3A_2371 : memref<32x128xf32, #tpu.memory_space<hbm>>) dst(%dma_wait3A_2368 : memref<32x128xf32, #tpu.memory_space<vmem>>)
      %dma_wait3A_2372 = arith.constant 288 : i32
      %dma_wait3A_2373 = arith.constant 0 : i32
      %dma_wait3A_2374 = tpu.memref_slice %arg18[%dma_wait3A_2372, %dma_wait3A_2373] : memref<512x128xf32, #tpu.memory_space<vmem>> -> memref<32x128xf32, #tpu.memory_space<vmem>>
      %dma_wait3A_2375 = arith.constant 0 : i32
      %dma_wait3A_2376 = arith.constant 0 : i32
      %dma_wait3A_2377 = tpu.memref_slice %arg8[%dma_wait3A_2375, %dma_wait3A_2376] : memref<32x1000000xf32, #tpu.memory_space<hbm>> -> memref<32x128xf32, #tpu.memory_space<hbm>>
      %dma_wait3A_2378 = arith.constant 288 : i32
      %dma_wait3A_2379 = arith.constant 0 : i32
      %dma_wait3A_2380 = tpu.memref_slice %arg18[%dma_wait3A_2378, %dma_wait3A_2379] : memref<512x128xf32, #tpu.memory_space<vmem>> -> memref<32x128xf32, #tpu.memory_space<vmem>>
      %dma_wait3A_2381 = arith.constant 0 : i32
      %dma_wait3A_2382 = arith.constant 0 : i32
      %dma_wait3A_2383 = tpu.memref_slice %arg8[%dma_wait3A_2381, %dma_wait3A_2382] : memref<32x1000000xf32, #tpu.memory_space<hbm>> -> memref<32x128xf32, #tpu.memory_space<hbm>>
      tpu.wait_dma2 semaphore(%arg22 : memref<!tpu.dma_semaphore, #tpu.memory_space<semaphore_mem>>) src(%dma_wait3A_2383 : memref<32x128xf32, #tpu.memory_space<hbm>>) dst(%dma_wait3A_2380 : memref<32x128xf32, #tpu.memory_space<vmem>>)
      %dma_wait3A_2384 = arith.constant 320 : i32
      %dma_wait3A_2385 = arith.constant 0 : i32
      %dma_wait3A_2386 = tpu.memref_slice %arg18[%dma_wait3A_2384, %dma_wait3A_2385] : memref<512x128xf32, #tpu.memory_space<vmem>> -> memref<32x128xf32, #tpu.memory_space<vmem>>
      %dma_wait3A_2387 = arith.constant 0 : i32
      %dma_wait3A_2388 = arith.constant 0 : i32
      %dma_wait3A_2389 = tpu.memref_slice %arg8[%dma_wait3A_2387, %dma_wait3A_2388] : memref<32x1000000xf32, #tpu.memory_space<hbm>> -> memref<32x128xf32, #tpu.memory_space<hbm>>
      %dma_wait3A_2390 = arith.constant 320 : i32
      %dma_wait3A_2391 = arith.constant 0 : i32
      %dma_wait3A_2392 = tpu.memref_slice %arg18[%dma_wait3A_2390, %dma_wait3A_2391] : memref<512x128xf32, #tpu.memory_space<vmem>> -> memref<32x128xf32, #tpu.memory_space<vmem>>
      %dma_wait3A_2393 = arith.constant 0 : i32
      %dma_wait3A_2394 = arith.constant 0 : i32
      %dma_wait3A_2395 = tpu.memref_slice %arg8[%dma_wait3A_2393, %dma_wait3A_2394] : memref<32x1000000xf32, #tpu.memory_space<hbm>> -> memref<32x128xf32, #tpu.memory_space<hbm>>
      tpu.wait_dma2 semaphore(%arg22 : memref<!tpu.dma_semaphore, #tpu.memory_space<semaphore_mem>>) src(%dma_wait3A_2395 : memref<32x128xf32, #tpu.memory_space<hbm>>) dst(%dma_wait3A_2392 : memref<32x128xf32, #tpu.memory_space<vmem>>)
      %dma_wait3A_2396 = arith.constant 352 : i32
      %dma_wait3A_2397 = arith.constant 0 : i32
      %dma_wait3A_2398 = tpu.memref_slice %arg18[%dma_wait3A_2396, %dma_wait3A_2397] : memref<512x128xf32, #tpu.memory_space<vmem>> -> memref<32x128xf32, #tpu.memory_space<vmem>>
      %dma_wait3A_2399 = arith.constant 0 : i32
      %dma_wait3A_2400 = arith.constant 0 : i32
      %dma_wait3A_2401 = tpu.memref_slice %arg8[%dma_wait3A_2399, %dma_wait3A_2400] : memref<32x1000000xf32, #tpu.memory_space<hbm>> -> memref<32x128xf32, #tpu.memory_space<hbm>>
      %dma_wait3A_2402 = arith.constant 352 : i32
      %dma_wait3A_2403 = arith.constant 0 : i32
      %dma_wait3A_2404 = tpu.memref_slice %arg18[%dma_wait3A_2402, %dma_wait3A_2403] : memref<512x128xf32, #tpu.memory_space<vmem>> -> memref<32x128xf32, #tpu.memory_space<vmem>>
      %dma_wait3A_2405 = arith.constant 0 : i32
      %dma_wait3A_2406 = arith.constant 0 : i32
      %dma_wait3A_2407 = tpu.memref_slice %arg8[%dma_wait3A_2405, %dma_wait3A_2406] : memref<32x1000000xf32, #tpu.memory_space<hbm>> -> memref<32x128xf32, #tpu.memory_space<hbm>>
      tpu.wait_dma2 semaphore(%arg22 : memref<!tpu.dma_semaphore, #tpu.memory_space<semaphore_mem>>) src(%dma_wait3A_2407 : memref<32x128xf32, #tpu.memory_space<hbm>>) dst(%dma_wait3A_2404 : memref<32x128xf32, #tpu.memory_space<vmem>>)
      %dma_wait3A_2408 = arith.constant 384 : i32
      %dma_wait3A_2409 = arith.constant 0 : i32
      %dma_wait3A_2410 = tpu.memref_slice %arg18[%dma_wait3A_2408, %dma_wait3A_2409] : memref<512x128xf32, #tpu.memory_space<vmem>> -> memref<32x128xf32, #tpu.memory_space<vmem>>
      %dma_wait3A_2411 = arith.constant 0 : i32
      %dma_wait3A_2412 = arith.constant 0 : i32
      %dma_wait3A_2413 = tpu.memref_slice %arg8[%dma_wait3A_2411, %dma_wait3A_2412] : memref<32x1000000xf32, #tpu.memory_space<hbm>> -> memref<32x128xf32, #tpu.memory_space<hbm>>
      %dma_wait3A_2414 = arith.constant 384 : i32
      %dma_wait3A_2415 = arith.constant 0 : i32
      %dma_wait3A_2416 = tpu.memref_slice %arg18[%dma_wait3A_2414, %dma_wait3A_2415] : memref<512x128xf32, #tpu.memory_space<vmem>> -> memref<32x128xf32, #tpu.memory_space<vmem>>
      %dma_wait3A_2417 = arith.constant 0 : i32
      %dma_wait3A_2418 = arith.constant 0 : i32
      %dma_wait3A_2419 = tpu.memref_slice %arg8[%dma_wait3A_2417, %dma_wait3A_2418] : memref<32x1000000xf32, #tpu.memory_space<hbm>> -> memref<32x128xf32, #tpu.memory_space<hbm>>
      tpu.wait_dma2 semaphore(%arg22 : memref<!tpu.dma_semaphore, #tpu.memory_space<semaphore_mem>>) src(%dma_wait3A_2419 : memref<32x128xf32, #tpu.memory_space<hbm>>) dst(%dma_wait3A_2416 : memref<32x128xf32, #tpu.memory_space<vmem>>)
      %dma_wait3A_2420 = arith.constant 416 : i32
      %dma_wait3A_2421 = arith.constant 0 : i32
      %dma_wait3A_2422 = tpu.memref_slice %arg18[%dma_wait3A_2420, %dma_wait3A_2421] : memref<512x128xf32, #tpu.memory_space<vmem>> -> memref<32x128xf32, #tpu.memory_space<vmem>>
      %dma_wait3A_2423 = arith.constant 0 : i32
      %dma_wait3A_2424 = arith.constant 0 : i32
      %dma_wait3A_2425 = tpu.memref_slice %arg8[%dma_wait3A_2423, %dma_wait3A_2424] : memref<32x1000000xf32, #tpu.memory_space<hbm>> -> memref<32x128xf32, #tpu.memory_space<hbm>>
      %dma_wait3A_2426 = arith.constant 416 : i32
      %dma_wait3A_2427 = arith.constant 0 : i32
      %dma_wait3A_2428 = tpu.memref_slice %arg18[%dma_wait3A_2426, %dma_wait3A_2427] : memref<512x128xf32, #tpu.memory_space<vmem>> -> memref<32x128xf32, #tpu.memory_space<vmem>>
      %dma_wait3A_2429 = arith.constant 0 : i32
      %dma_wait3A_2430 = arith.constant 0 : i32
      %dma_wait3A_2431 = tpu.memref_slice %arg8[%dma_wait3A_2429, %dma_wait3A_2430] : memref<32x1000000xf32, #tpu.memory_space<hbm>> -> memref<32x128xf32, #tpu.memory_space<hbm>>
      tpu.wait_dma2 semaphore(%arg22 : memref<!tpu.dma_semaphore, #tpu.memory_space<semaphore_mem>>) src(%dma_wait3A_2431 : memref<32x128xf32, #tpu.memory_space<hbm>>) dst(%dma_wait3A_2428 : memref<32x128xf32, #tpu.memory_space<vmem>>)
      %dma_wait3A_2432 = arith.constant 448 : i32
      %dma_wait3A_2433 = arith.constant 0 : i32
      %dma_wait3A_2434 = tpu.memref_slice %arg18[%dma_wait3A_2432, %dma_wait3A_2433] : memref<512x128xf32, #tpu.memory_space<vmem>> -> memref<32x128xf32, #tpu.memory_space<vmem>>
      %dma_wait3A_2435 = arith.constant 0 : i32
      %dma_wait3A_2436 = arith.constant 0 : i32
      %dma_wait3A_2437 = tpu.memref_slice %arg8[%dma_wait3A_2435, %dma_wait3A_2436] : memref<32x1000000xf32, #tpu.memory_space<hbm>> -> memref<32x128xf32, #tpu.memory_space<hbm>>
      %dma_wait3A_2438 = arith.constant 448 : i32
      %dma_wait3A_2439 = arith.constant 0 : i32
      %dma_wait3A_2440 = tpu.memref_slice %arg18[%dma_wait3A_2438, %dma_wait3A_2439] : memref<512x128xf32, #tpu.memory_space<vmem>> -> memref<32x128xf32, #tpu.memory_space<vmem>>
      %dma_wait3A_2441 = arith.constant 0 : i32
      %dma_wait3A_2442 = arith.constant 0 : i32
      %dma_wait3A_2443 = tpu.memref_slice %arg8[%dma_wait3A_2441, %dma_wait3A_2442] : memref<32x1000000xf32, #tpu.memory_space<hbm>> -> memref<32x128xf32, #tpu.memory_space<hbm>>
      tpu.wait_dma2 semaphore(%arg22 : memref<!tpu.dma_semaphore, #tpu.memory_space<semaphore_mem>>) src(%dma_wait3A_2443 : memref<32x128xf32, #tpu.memory_space<hbm>>) dst(%dma_wait3A_2440 : memref<32x128xf32, #tpu.memory_space<vmem>>)
      %dma_wait3A_2444 = arith.constant 480 : i32
      %dma_wait3A_2445 = arith.constant 0 : i32
      %dma_wait3A_2446 = tpu.memref_slice %arg18[%dma_wait3A_2444, %dma_wait3A_2445] : memref<512x128xf32, #tpu.memory_space<vmem>> -> memref<32x128xf32, #tpu.memory_space<vmem>>
      %dma_wait3A_2447 = arith.constant 0 : i32
      %dma_wait3A_2448 = arith.constant 0 : i32
      %dma_wait3A_2449 = tpu.memref_slice %arg8[%dma_wait3A_2447, %dma_wait3A_2448] : memref<32x1000000xf32, #tpu.memory_space<hbm>> -> memref<32x128xf32, #tpu.memory_space<hbm>>
      %dma_wait3A_2450 = arith.constant 480 : i32
      %dma_wait3A_2451 = arith.constant 0 : i32
      %dma_wait3A_2452 = tpu.memref_slice %arg18[%dma_wait3A_2450, %dma_wait3A_2451] : memref<512x128xf32, #tpu.memory_space<vmem>> -> memref<32x128xf32, #tpu.memory_space<vmem>>
      %dma_wait3A_2453 = arith.constant 0 : i32
      %dma_wait3A_2454 = arith.constant 0 : i32
      %dma_wait3A_2455 = tpu.memref_slice %arg8[%dma_wait3A_2453, %dma_wait3A_2454] : memref<32x1000000xf32, #tpu.memory_space<hbm>> -> memref<32x128xf32, #tpu.memory_space<hbm>>
      tpu.wait_dma2 semaphore(%arg22 : memref<!tpu.dma_semaphore, #tpu.memory_space<semaphore_mem>>) src(%dma_wait3A_2455 : memref<32x128xf32, #tpu.memory_space<hbm>>) dst(%dma_wait3A_2452 : memref<32x128xf32, #tpu.memory_space<vmem>>)
      %dma_wait3A_2456 = arith.constant 0 : i32
      %dma_wait3A_2457 = arith.constant 0 : i32
      %dma_wait3A_2458 = tpu.memref_slice %arg9[%dma_wait3A_2456, %dma_wait3A_2457] : memref<100000x32xf32, #tpu.memory_space<hbm>> -> memref<128x32xf32, #tpu.memory_space<hbm>>
      %dma_wait3A_2459 = arith.constant 0 : i32
      %dma_wait3A_2460 = arith.constant 0 : i32
      %dma_wait3A_2461 = tpu.memref_slice %arg9[%dma_wait3A_2459, %dma_wait3A_2460] : memref<100000x32xf32, #tpu.memory_space<hbm>> -> memref<128x32xf32, #tpu.memory_space<hbm>>
      tpu.wait_dma2 semaphore(%arg22 : memref<!tpu.dma_semaphore, #tpu.memory_space<semaphore_mem>>) src(%dma_wait3A_2461 : memref<128x32xf32, #tpu.memory_space<hbm>>) dst(%arg19 : memref<128x32xf32, #tpu.memory_space<vmem>>)
      %dma_wait3A_2462 = arith.constant 0 : i32
      %dma_wait3A_2463 = arith.constant 0 : i32
      %dma_wait3A_2464 = tpu.memref_slice %arg10[%dma_wait3A_2462, %dma_wait3A_2463] : memref<6256x16xf32, #tpu.memory_space<hbm>> -> memref<128x16xf32, #tpu.memory_space<hbm>>
      %dma_wait3A_2465 = arith.constant 0 : i32
      %dma_wait3A_2466 = arith.constant 0 : i32
      %dma_wait3A_2467 = tpu.memref_slice %arg10[%dma_wait3A_2465, %dma_wait3A_2466] : memref<6256x16xf32, #tpu.memory_space<hbm>> -> memref<128x16xf32, #tpu.memory_space<hbm>>
      tpu.wait_dma2 semaphore(%arg22 : memref<!tpu.dma_semaphore, #tpu.memory_space<semaphore_mem>>) src(%dma_wait3A_2467 : memref<128x16xf32, #tpu.memory_space<hbm>>) dst(%arg20 : memref<128x16xf32, #tpu.memory_space<vmem>>)
      %get3A_2468 = arith.index_cast %multiple_of3A : i32 to index
      %get3A_2469 = tpu.vector_load %arg14[%get3A_2468] {strides = array<i32>} : memref<512xi32, #tpu.memory_space<vmem>>, vector<16xi32>,
      %get3A_2470 = arith.index_cast %multiple_of3A : i32 to index
      %get3A_2471 = tpu.vector_load %arg15[%get3A_2470] {strides = array<i32>} : memref<512xi32, #tpu.memory_space<vmem>>, vector<16xi32>,
      %add3A_2472 = arith.addi %mul3A_5, %get3A_2471 : vector<16xi32>
      %broadcast_in_dim3A = arith.constant 0.000000e+00 : f32
      %broadcast_in_dim3A_2473 = vector.broadcast %broadcast_in_dim3A : f32 to vector<16xf32>
      %broadcast_in_dim3A_2474 = arith.constant 0 : i32
      %broadcast_in_dim3A_2475 = vector.broadcast %broadcast_in_dim3A_2474 : i32 to vector<16xi32>
      %add3A_2476 = arith.constant 0 : i32
      %add3A_2477 = vector.broadcast %add3A_2476 : i32 to vector<16xi32>
      %add3A_2478 = arith.addi %mul3A_8, %add3A_2477 : vector<16xi32>
      %gather3A = tpu.vector_load_idx %arg18[%add3A_2478, %get3A_2469] : memref<512x128xf32, #tpu.memory_space<vmem>>[vector<16xi32>, vector<16xi32>], vector<16xf32>,
      %gather3A_2479 = tpu.vector_load_idx %arg19[%add3A_2472, %broadcast_in_dim3A_2475] : memref<128x32xf32, #tpu.memory_space<vmem>>[vector<16xi32>, vector<16xi32>], vector<16xf32>,
      %mul3A_2480 = arith.mulf %gather3A, %gather3A_2479 : vector<16xf32>
      %add3A_2481 = arith.addf %broadcast_in_dim3A_2473, %mul3A_2480 : vector<16xf32>
      %broadcast_in_dim3A_2482 = arith.constant 1 : i32
      %broadcast_in_dim3A_2483 = vector.broadcast %broadcast_in_dim3A_2482 : i32 to vector<16xi32>
      %add3A_2484 = arith.constant 1 : i32
      %add3A_2485 = vector.broadcast %add3A_2484 : i32 to vector<16xi32>
      %add3A_2486 = arith.addi %mul3A_8, %add3A_2485 : vector<16xi32>
      %gather3A_2487 = tpu.vector_load_idx %arg18[%add3A_2486, %get3A_2469] : memref<512x128xf32, #tpu.memory_space<vmem>>[vector<16xi32>, vector<16xi32>], vector<16xf32>,
      %gather3A_2488 = tpu.vector_load_idx %arg19[%add3A_2472, %broadcast_in_dim3A_2483] : memref<128x32xf32, #tpu.memory_space<vmem>>[vector<16xi32>, vector<16xi32>], vector<16xf32>,
      %mul3A_2489 = arith.mulf %gather3A_2487, %gather3A_2488 : vector<16xf32>
      %add3A_2490 = arith.addf %add3A_2481, %mul3A_2489 : vector<16xf32>
      %broadcast_in_dim3A_2491 = arith.constant 2 : i32
      %broadcast_in_dim3A_2492 = vector.broadcast %broadcast_in_dim3A_2491 : i32 to vector<16xi32>
      %add3A_2493 = arith.constant 2 : i32
      %add3A_2494 = vector.broadcast %add3A_2493 : i32 to vector<16xi32>
      %add3A_2495 = arith.addi %mul3A_8, %add3A_2494 : vector<16xi32>
      %gather3A_2496 = tpu.vector_load_idx %arg18[%add3A_2495, %get3A_2469] : memref<512x128xf32, #tpu.memory_space<vmem>>[vector<16xi32>, vector<16xi32>], vector<16xf32>,
      %gather3A_2497 = tpu.vector_load_idx %arg19[%add3A_2472, %broadcast_in_dim3A_2492] : memref<128x32xf32, #tpu.memory_space<vmem>>[vector<16xi32>, vector<16xi32>], vector<16xf32>,
      %mul3A_2498 = arith.mulf %gather3A_2496, %gather3A_2497 : vector<16xf32>
      %add3A_2499 = arith.addf %add3A_2490, %mul3A_2498 : vector<16xf32>
      %broadcast_in_dim3A_2500 = arith.constant 3 : i32
      %broadcast_in_dim3A_2501 = vector.broadcast %broadcast_in_dim3A_2500 : i32 to vector<16xi32>
      %add3A_2502 = arith.constant 3 : i32
      %add3A_2503 = vector.broadcast %add3A_2502 : i32 to vector<16xi32>
      %add3A_2504 = arith.addi %mul3A_8, %add3A_2503 : vector<16xi32>
      %gather3A_2505 = tpu.vector_load_idx %arg18[%add3A_2504, %get3A_2469] : memref<512x128xf32, #tpu.memory_space<vmem>>[vector<16xi32>, vector<16xi32>], vector<16xf32>,
      %gather3A_2506 = tpu.vector_load_idx %arg19[%add3A_2472, %broadcast_in_dim3A_2501] : memref<128x32xf32, #tpu.memory_space<vmem>>[vector<16xi32>, vector<16xi32>], vector<16xf32>,
      %mul3A_2507 = arith.mulf %gather3A_2505, %gather3A_2506 : vector<16xf32>
      %add3A_2508 = arith.addf %add3A_2499, %mul3A_2507 : vector<16xf32>
      %broadcast_in_dim3A_2509 = arith.constant 4 : i32
      %broadcast_in_dim3A_2510 = vector.broadcast %broadcast_in_dim3A_2509 : i32 to vector<16xi32>
      %add3A_2511 = arith.constant 4 : i32
      %add3A_2512 = vector.broadcast %add3A_2511 : i32 to vector<16xi32>
      %add3A_2513 = arith.addi %mul3A_8, %add3A_2512 : vector<16xi32>
      %gather3A_2514 = tpu.vector_load_idx %arg18[%add3A_2513, %get3A_2469] : memref<512x128xf32, #tpu.memory_space<vmem>>[vector<16xi32>, vector<16xi32>], vector<16xf32>,
      %gather3A_2515 = tpu.vector_load_idx %arg19[%add3A_2472, %broadcast_in_dim3A_2510] : memref<128x32xf32, #tpu.memory_space<vmem>>[vector<16xi32>, vector<16xi32>], vector<16xf32>,
      %mul3A_2516 = arith.mulf %gather3A_2514, %gather3A_2515 : vector<16xf32>
      %add3A_2517 = arith.addf %add3A_2508, %mul3A_2516 : vector<16xf32>
      %broadcast_in_dim3A_2518 = arith.constant 5 : i32
      %broadcast_in_dim3A_2519 = vector.broadcast %broadcast_in_dim3A_2518 : i32 to vector<16xi32>
      %add3A_2520 = arith.constant 5 : i32
      %add3A_2521 = vector.broadcast %add3A_2520 : i32 to vector<16xi32>
      %add3A_2522 = arith.addi %mul3A_8, %add3A_2521 : vector<16xi32>
      %gather3A_2523 = tpu.vector_load_idx %arg18[%add3A_2522, %get3A_2469] : memref<512x128xf32, #tpu.memory_space<vmem>>[vector<16xi32>, vector<16xi32>], vector<16xf32>,
      %gather3A_2524 = tpu.vector_load_idx %arg19[%add3A_2472, %broadcast_in_dim3A_2519] : memref<128x32xf32, #tpu.memory_space<vmem>>[vector<16xi32>, vector<16xi32>], vector<16xf32>,
      %mul3A_2525 = arith.mulf %gather3A_2523, %gather3A_2524 : vector<16xf32>
      %add3A_2526 = arith.addf %add3A_2517, %mul3A_2525 : vector<16xf32>
      %broadcast_in_dim3A_2527 = arith.constant 6 : i32
      %broadcast_in_dim3A_2528 = vector.broadcast %broadcast_in_dim3A_2527 : i32 to vector<16xi32>
      %add3A_2529 = arith.constant 6 : i32
      %add3A_2530 = vector.broadcast %add3A_2529 : i32 to vector<16xi32>
      %add3A_2531 = arith.addi %mul3A_8, %add3A_2530 : vector<16xi32>
      %gather3A_2532 = tpu.vector_load_idx %arg18[%add3A_2531, %get3A_2469] : memref<512x128xf32, #tpu.memory_space<vmem>>[vector<16xi32>, vector<16xi32>], vector<16xf32>,
      %gather3A_2533 = tpu.vector_load_idx %arg19[%add3A_2472, %broadcast_in_dim3A_2528] : memref<128x32xf32, #tpu.memory_space<vmem>>[vector<16xi32>, vector<16xi32>], vector<16xf32>,
      %mul3A_2534 = arith.mulf %gather3A_2532, %gather3A_2533 : vector<16xf32>
      %add3A_2535 = arith.addf %add3A_2526, %mul3A_2534 : vector<16xf32>
      %broadcast_in_dim3A_2536 = arith.constant 7 : i32
      %broadcast_in_dim3A_2537 = vector.broadcast %broadcast_in_dim3A_2536 : i32 to vector<16xi32>
      %add3A_2538 = arith.constant 7 : i32
      %add3A_2539 = vector.broadcast %add3A_2538 : i32 to vector<16xi32>
      %add3A_2540 = arith.addi %mul3A_8, %add3A_2539 : vector<16xi32>
      %gather3A_2541 = tpu.vector_load_idx %arg18[%add3A_2540, %get3A_2469] : memref<512x128xf32, #tpu.memory_space<vmem>>[vector<16xi32>, vector<16xi32>], vector<16xf32>,
      %gather3A_2542 = tpu.vector_load_idx %arg19[%add3A_2472, %broadcast_in_dim3A_2537] : memref<128x32xf32, #tpu.memory_space<vmem>>[vector<16xi32>, vector<16xi32>], vector<16xf32>,
      %mul3A_2543 = arith.mulf %gather3A_2541, %gather3A_2542 : vector<16xf32>
      %add3A_2544 = arith.addf %add3A_2535, %mul3A_2543 : vector<16xf32>
      %broadcast_in_dim3A_2545 = arith.constant 8 : i32
      %broadcast_in_dim3A_2546 = vector.broadcast %broadcast_in_dim3A_2545 : i32 to vector<16xi32>
      %add3A_2547 = arith.constant 8 : i32
      %add3A_2548 = vector.broadcast %add3A_2547 : i32 to vector<16xi32>
      %add3A_2549 = arith.addi %mul3A_8, %add3A_2548 : vector<16xi32>
      %gather3A_2550 = tpu.vector_load_idx %arg18[%add3A_2549, %get3A_2469] : memref<512x128xf32, #tpu.memory_space<vmem>>[vector<16xi32>, vector<16xi32>], vector<16xf32>,
      %gather3A_2551 = tpu.vector_load_idx %arg19[%add3A_2472, %broadcast_in_dim3A_2546] : memref<128x32xf32, #tpu.memory_space<vmem>>[vector<16xi32>, vector<16xi32>], vector<16xf32>,
      %mul3A_2552 = arith.mulf %gather3A_2550, %gather3A_2551 : vector<16xf32>
      %add3A_2553 = arith.addf %add3A_2544, %mul3A_2552 : vector<16xf32>
      %broadcast_in_dim3A_2554 = arith.constant 9 : i32
      %broadcast_in_dim3A_2555 = vector.broadcast %broadcast_in_dim3A_2554 : i32 to vector<16xi32>
      %add3A_2556 = arith.constant 9 : i32
      %add3A_2557 = vector.broadcast %add3A_2556 : i32 to vector<16xi32>
      %add3A_2558 = arith.addi %mul3A_8, %add3A_2557 : vector<16xi32>
      %gather3A_2559 = tpu.vector_load_idx %arg18[%add3A_2558, %get3A_2469] : memref<512x128xf32, #tpu.memory_space<vmem>>[vector<16xi32>, vector<16xi32>], vector<16xf32>,
      %gather3A_2560 = tpu.vector_load_idx %arg19[%add3A_2472, %broadcast_in_dim3A_2555] : memref<128x32xf32, #tpu.memory_space<vmem>>[vector<16xi32>, vector<16xi32>], vector<16xf32>,
      %mul3A_2561 = arith.mulf %gather3A_2559, %gather3A_2560 : vector<16xf32>
      %add3A_2562 = arith.addf %add3A_2553, %mul3A_2561 : vector<16xf32>
      %broadcast_in_dim3A_2563 = arith.constant 10 : i32
      %broadcast_in_dim3A_2564 = vector.broadcast %broadcast_in_dim3A_2563 : i32 to vector<16xi32>
      %add3A_2565 = arith.constant 10 : i32
      %add3A_2566 = vector.broadcast %add3A_2565 : i32 to vector<16xi32>
      %add3A_2567 = arith.addi %mul3A_8, %add3A_2566 : vector<16xi32>
      %gather3A_2568 = tpu.vector_load_idx %arg18[%add3A_2567, %get3A_2469] : memref<512x128xf32, #tpu.memory_space<vmem>>[vector<16xi32>, vector<16xi32>], vector<16xf32>,
      %gather3A_2569 = tpu.vector_load_idx %arg19[%add3A_2472, %broadcast_in_dim3A_2564] : memref<128x32xf32, #tpu.memory_space<vmem>>[vector<16xi32>, vector<16xi32>], vector<16xf32>,
      %mul3A_2570 = arith.mulf %gather3A_2568, %gather3A_2569 : vector<16xf32>
      %add3A_2571 = arith.addf %add3A_2562, %mul3A_2570 : vector<16xf32>
      %broadcast_in_dim3A_2572 = arith.constant 11 : i32
      %broadcast_in_dim3A_2573 = vector.broadcast %broadcast_in_dim3A_2572 : i32 to vector<16xi32>
      %add3A_2574 = arith.constant 11 : i32
      %add3A_2575 = vector.broadcast %add3A_2574 : i32 to vector<16xi32>
      %add3A_2576 = arith.addi %mul3A_8, %add3A_2575 : vector<16xi32>
      %gather3A_2577 = tpu.vector_load_idx %arg18[%add3A_2576, %get3A_2469] : memref<512x128xf32, #tpu.memory_space<vmem>>[vector<16xi32>, vector<16xi32>], vector<16xf32>,
      %gather3A_2578 = tpu.vector_load_idx %arg19[%add3A_2472, %broadcast_in_dim3A_2573] : memref<128x32xf32, #tpu.memory_space<vmem>>[vector<16xi32>, vector<16xi32>], vector<16xf32>,
      %mul3A_2579 = arith.mulf %gather3A_2577, %gather3A_2578 : vector<16xf32>
      %add3A_2580 = arith.addf %add3A_2571, %mul3A_2579 : vector<16xf32>
      %broadcast_in_dim3A_2581 = arith.constant 12 : i32
      %broadcast_in_dim3A_2582 = vector.broadcast %broadcast_in_dim3A_2581 : i32 to vector<16xi32>
      %add3A_2583 = arith.constant 12 : i32
      %add3A_2584 = vector.broadcast %add3A_2583 : i32 to vector<16xi32>
      %add3A_2585 = arith.addi %mul3A_8, %add3A_2584 : vector<16xi32>
      %gather3A_2586 = tpu.vector_load_idx %arg18[%add3A_2585, %get3A_2469] : memref<512x128xf32, #tpu.memory_space<vmem>>[vector<16xi32>, vector<16xi32>], vector<16xf32>,
      %gather3A_2587 = tpu.vector_load_idx %arg19[%add3A_2472, %broadcast_in_dim3A_2582] : memref<128x32xf32, #tpu.memory_space<vmem>>[vector<16xi32>, vector<16xi32>], vector<16xf32>,
      %mul3A_2588 = arith.mulf %gather3A_2586, %gather3A_2587 : vector<16xf32>
      %add3A_2589 = arith.addf %add3A_2580, %mul3A_2588 : vector<16xf32>
      %broadcast_in_dim3A_2590 = arith.constant 13 : i32
      %broadcast_in_dim3A_2591 = vector.broadcast %broadcast_in_dim3A_2590 : i32 to vector<16xi32>
      %add3A_2592 = arith.constant 13 : i32
      %add3A_2593 = vector.broadcast %add3A_2592 : i32 to vector<16xi32>
      %add3A_2594 = arith.addi %mul3A_8, %add3A_2593 : vector<16xi32>
      %gather3A_2595 = tpu.vector_load_idx %arg18[%add3A_2594, %get3A_2469] : memref<512x128xf32, #tpu.memory_space<vmem>>[vector<16xi32>, vector<16xi32>], vector<16xf32>,
      %gather3A_2596 = tpu.vector_load_idx %arg19[%add3A_2472, %broadcast_in_dim3A_2591] : memref<128x32xf32, #tpu.memory_space<vmem>>[vector<16xi32>, vector<16xi32>], vector<16xf32>,
      %mul3A_2597 = arith.mulf %gather3A_2595, %gather3A_2596 : vector<16xf32>
      %add3A_2598 = arith.addf %add3A_2589, %mul3A_2597 : vector<16xf32>
      %broadcast_in_dim3A_2599 = arith.constant 14 : i32
      %broadcast_in_dim3A_2600 = vector.broadcast %broadcast_in_dim3A_2599 : i32 to vector<16xi32>
      %add3A_2601 = arith.constant 14 : i32
      %add3A_2602 = vector.broadcast %add3A_2601 : i32 to vector<16xi32>
      %add3A_2603 = arith.addi %mul3A_8, %add3A_2602 : vector<16xi32>
      %gather3A_2604 = tpu.vector_load_idx %arg18[%add3A_2603, %get3A_2469] : memref<512x128xf32, #tpu.memory_space<vmem>>[vector<16xi32>, vector<16xi32>], vector<16xf32>,
      %gather3A_2605 = tpu.vector_load_idx %arg19[%add3A_2472, %broadcast_in_dim3A_2600] : memref<128x32xf32, #tpu.memory_space<vmem>>[vector<16xi32>, vector<16xi32>], vector<16xf32>,
      %mul3A_2606 = arith.mulf %gather3A_2604, %gather3A_2605 : vector<16xf32>
      %add3A_2607 = arith.addf %add3A_2598, %mul3A_2606 : vector<16xf32>
      %broadcast_in_dim3A_2608 = arith.constant 15 : i32
      %broadcast_in_dim3A_2609 = vector.broadcast %broadcast_in_dim3A_2608 : i32 to vector<16xi32>
      %add3A_2610 = arith.constant 15 : i32
      %add3A_2611 = vector.broadcast %add3A_2610 : i32 to vector<16xi32>
      %add3A_2612 = arith.addi %mul3A_8, %add3A_2611 : vector<16xi32>
      %gather3A_2613 = tpu.vector_load_idx %arg18[%add3A_2612, %get3A_2469] : memref<512x128xf32, #tpu.memory_space<vmem>>[vector<16xi32>, vector<16xi32>], vector<16xf32>,
      %gather3A_2614 = tpu.vector_load_idx %arg19[%add3A_2472, %broadcast_in_dim3A_2609] : memref<128x32xf32, #tpu.memory_space<vmem>>[vector<16xi32>, vector<16xi32>], vector<16xf32>,
      %mul3A_2615 = arith.mulf %gather3A_2613, %gather3A_2614 : vector<16xf32>
      %add3A_2616 = arith.addf %add3A_2607, %mul3A_2615 : vector<16xf32>
      %broadcast_in_dim3A_2617 = arith.constant 16 : i32
      %broadcast_in_dim3A_2618 = vector.broadcast %broadcast_in_dim3A_2617 : i32 to vector<16xi32>
      %add3A_2619 = arith.constant 16 : i32
      %add3A_2620 = vector.broadcast %add3A_2619 : i32 to vector<16xi32>
      %add3A_2621 = arith.addi %mul3A_8, %add3A_2620 : vector<16xi32>
      %gather3A_2622 = tpu.vector_load_idx %arg18[%add3A_2621, %get3A_2469] : memref<512x128xf32, #tpu.memory_space<vmem>>[vector<16xi32>, vector<16xi32>], vector<16xf32>,
      %gather3A_2623 = tpu.vector_load_idx %arg19[%add3A_2472, %broadcast_in_dim3A_2618] : memref<128x32xf32, #tpu.memory_space<vmem>>[vector<16xi32>, vector<16xi32>], vector<16xf32>,
      %mul3A_2624 = arith.mulf %gather3A_2622, %gather3A_2623 : vector<16xf32>
      %add3A_2625 = arith.addf %add3A_2616, %mul3A_2624 : vector<16xf32>
      %broadcast_in_dim3A_2626 = arith.constant 17 : i32
      %broadcast_in_dim3A_2627 = vector.broadcast %broadcast_in_dim3A_2626 : i32 to vector<16xi32>
      %add3A_2628 = arith.constant 17 : i32
      %add3A_2629 = vector.broadcast %add3A_2628 : i32 to vector<16xi32>
      %add3A_2630 = arith.addi %mul3A_8, %add3A_2629 : vector<16xi32>
      %gather3A_2631 = tpu.vector_load_idx %arg18[%add3A_2630, %get3A_2469] : memref<512x128xf32, #tpu.memory_space<vmem>>[vector<16xi32>, vector<16xi32>], vector<16xf32>,
      %gather3A_2632 = tpu.vector_load_idx %arg19[%add3A_2472, %broadcast_in_dim3A_2627] : memref<128x32xf32, #tpu.memory_space<vmem>>[vector<16xi32>, vector<16xi32>], vector<16xf32>,
      %mul3A_2633 = arith.mulf %gather3A_2631, %gather3A_2632 : vector<16xf32>
      %add3A_2634 = arith.addf %add3A_2625, %mul3A_2633 : vector<16xf32>
      %broadcast_in_dim3A_2635 = arith.constant 18 : i32
      %broadcast_in_dim3A_2636 = vector.broadcast %broadcast_in_dim3A_2635 : i32 to vector<16xi32>
      %add3A_2637 = arith.constant 18 : i32
      %add3A_2638 = vector.broadcast %add3A_2637 : i32 to vector<16xi32>
      %add3A_2639 = arith.addi %mul3A_8, %add3A_2638 : vector<16xi32>
      %gather3A_2640 = tpu.vector_load_idx %arg18[%add3A_2639, %get3A_2469] : memref<512x128xf32, #tpu.memory_space<vmem>>[vector<16xi32>, vector<16xi32>], vector<16xf32>,
      %gather3A_2641 = tpu.vector_load_idx %arg19[%add3A_2472, %broadcast_in_dim3A_2636] : memref<128x32xf32, #tpu.memory_space<vmem>>[vector<16xi32>, vector<16xi32>], vector<16xf32>,
      %mul3A_2642 = arith.mulf %gather3A_2640, %gather3A_2641 : vector<16xf32>
      %add3A_2643 = arith.addf %add3A_2634, %mul3A_2642 : vector<16xf32>
      %broadcast_in_dim3A_2644 = arith.constant 19 : i32
      %broadcast_in_dim3A_2645 = vector.broadcast %broadcast_in_dim3A_2644 : i32 to vector<16xi32>
      %add3A_2646 = arith.constant 19 : i32
      %add3A_2647 = vector.broadcast %add3A_2646 : i32 to vector<16xi32>
      %add3A_2648 = arith.addi %mul3A_8, %add3A_2647 : vector<16xi32>
      %gather3A_2649 = tpu.vector_load_idx %arg18[%add3A_2648, %get3A_2469] : memref<512x128xf32, #tpu.memory_space<vmem>>[vector<16xi32>, vector<16xi32>], vector<16xf32>,
      %gather3A_2650 = tpu.vector_load_idx %arg19[%add3A_2472, %broadcast_in_dim3A_2645] : memref<128x32xf32, #tpu.memory_space<vmem>>[vector<16xi32>, vector<16xi32>], vector<16xf32>,
      %mul3A_2651 = arith.mulf %gather3A_2649, %gather3A_2650 : vector<16xf32>
      %add3A_2652 = arith.addf %add3A_2643, %mul3A_2651 : vector<16xf32>
      %broadcast_in_dim3A_2653 = arith.constant 20 : i32
      %broadcast_in_dim3A_2654 = vector.broadcast %broadcast_in_dim3A_2653 : i32 to vector<16xi32>
      %add3A_2655 = arith.constant 20 : i32
      %add3A_2656 = vector.broadcast %add3A_2655 : i32 to vector<16xi32>
      %add3A_2657 = arith.addi %mul3A_8, %add3A_2656 : vector<16xi32>
      %gather3A_2658 = tpu.vector_load_idx %arg18[%add3A_2657, %get3A_2469] : memref<512x128xf32, #tpu.memory_space<vmem>>[vector<16xi32>, vector<16xi32>], vector<16xf32>,
      %gather3A_2659 = tpu.vector_load_idx %arg19[%add3A_2472, %broadcast_in_dim3A_2654] : memref<128x32xf32, #tpu.memory_space<vmem>>[vector<16xi32>, vector<16xi32>], vector<16xf32>,
      %mul3A_2660 = arith.mulf %gather3A_2658, %gather3A_2659 : vector<16xf32>
      %add3A_2661 = arith.addf %add3A_2652, %mul3A_2660 : vector<16xf32>
      %broadcast_in_dim3A_2662 = arith.constant 21 : i32
      %broadcast_in_dim3A_2663 = vector.broadcast %broadcast_in_dim3A_2662 : i32 to vector<16xi32>
      %add3A_2664 = arith.constant 21 : i32
      %add3A_2665 = vector.broadcast %add3A_2664 : i32 to vector<16xi32>
      %add3A_2666 = arith.addi %mul3A_8, %add3A_2665 : vector<16xi32>
      %gather3A_2667 = tpu.vector_load_idx %arg18[%add3A_2666, %get3A_2469] : memref<512x128xf32, #tpu.memory_space<vmem>>[vector<16xi32>, vector<16xi32>], vector<16xf32>,
      %gather3A_2668 = tpu.vector_load_idx %arg19[%add3A_2472, %broadcast_in_dim3A_2663] : memref<128x32xf32, #tpu.memory_space<vmem>>[vector<16xi32>, vector<16xi32>], vector<16xf32>,
      %mul3A_2669 = arith.mulf %gather3A_2667, %gather3A_2668 : vector<16xf32>
      %add3A_2670 = arith.addf %add3A_2661, %mul3A_2669 : vector<16xf32>
      %broadcast_in_dim3A_2671 = arith.constant 22 : i32
      %broadcast_in_dim3A_2672 = vector.broadcast %broadcast_in_dim3A_2671 : i32 to vector<16xi32>
      %add3A_2673 = arith.constant 22 : i32
      %add3A_2674 = vector.broadcast %add3A_2673 : i32 to vector<16xi32>
      %add3A_2675 = arith.addi %mul3A_8, %add3A_2674 : vector<16xi32>
      %gather3A_2676 = tpu.vector_load_idx %arg18[%add3A_2675, %get3A_2469] : memref<512x128xf32, #tpu.memory_space<vmem>>[vector<16xi32>, vector<16xi32>], vector<16xf32>,
      %gather3A_2677 = tpu.vector_load_idx %arg19[%add3A_2472, %broadcast_in_dim3A_2672] : memref<128x32xf32, #tpu.memory_space<vmem>>[vector<16xi32>, vector<16xi32>], vector<16xf32>,
      %mul3A_2678 = arith.mulf %gather3A_2676, %gather3A_2677 : vector<16xf32>
      %add3A_2679 = arith.addf %add3A_2670, %mul3A_2678 : vector<16xf32>
      %broadcast_in_dim3A_2680 = arith.constant 23 : i32
      %broadcast_in_dim3A_2681 = vector.broadcast %broadcast_in_dim3A_2680 : i32 to vector<16xi32>
      %add3A_2682 = arith.constant 23 : i32
      %add3A_2683 = vector.broadcast %add3A_2682 : i32 to vector<16xi32>
      %add3A_2684 = arith.addi %mul3A_8, %add3A_2683 : vector<16xi32>
      %gather3A_2685 = tpu.vector_load_idx %arg18[%add3A_2684, %get3A_2469] : memref<512x128xf32, #tpu.memory_space<vmem>>[vector<16xi32>, vector<16xi32>], vector<16xf32>,
      %gather3A_2686 = tpu.vector_load_idx %arg19[%add3A_2472, %broadcast_in_dim3A_2681] : memref<128x32xf32, #tpu.memory_space<vmem>>[vector<16xi32>, vector<16xi32>], vector<16xf32>,
      %mul3A_2687 = arith.mulf %gather3A_2685, %gather3A_2686 : vector<16xf32>
      %add3A_2688 = arith.addf %add3A_2679, %mul3A_2687 : vector<16xf32>
      %broadcast_in_dim3A_2689 = arith.constant 24 : i32
      %broadcast_in_dim3A_2690 = vector.broadcast %broadcast_in_dim3A_2689 : i32 to vector<16xi32>
      %add3A_2691 = arith.constant 24 : i32
      %add3A_2692 = vector.broadcast %add3A_2691 : i32 to vector<16xi32>
      %add3A_2693 = arith.addi %mul3A_8, %add3A_2692 : vector<16xi32>
      %gather3A_2694 = tpu.vector_load_idx %arg18[%add3A_2693, %get3A_2469] : memref<512x128xf32, #tpu.memory_space<vmem>>[vector<16xi32>, vector<16xi32>], vector<16xf32>,
      %gather3A_2695 = tpu.vector_load_idx %arg19[%add3A_2472, %broadcast_in_dim3A_2690] : memref<128x32xf32, #tpu.memory_space<vmem>>[vector<16xi32>, vector<16xi32>], vector<16xf32>,
      %mul3A_2696 = arith.mulf %gather3A_2694, %gather3A_2695 : vector<16xf32>
      %add3A_2697 = arith.addf %add3A_2688, %mul3A_2696 : vector<16xf32>
      %broadcast_in_dim3A_2698 = arith.constant 25 : i32
      %broadcast_in_dim3A_2699 = vector.broadcast %broadcast_in_dim3A_2698 : i32 to vector<16xi32>
      %add3A_2700 = arith.constant 25 : i32
      %add3A_2701 = vector.broadcast %add3A_2700 : i32 to vector<16xi32>
      %add3A_2702 = arith.addi %mul3A_8, %add3A_2701 : vector<16xi32>
      %gather3A_2703 = tpu.vector_load_idx %arg18[%add3A_2702, %get3A_2469] : memref<512x128xf32, #tpu.memory_space<vmem>>[vector<16xi32>, vector<16xi32>], vector<16xf32>,
      %gather3A_2704 = tpu.vector_load_idx %arg19[%add3A_2472, %broadcast_in_dim3A_2699] : memref<128x32xf32, #tpu.memory_space<vmem>>[vector<16xi32>, vector<16xi32>], vector<16xf32>,
      %mul3A_2705 = arith.mulf %gather3A_2703, %gather3A_2704 : vector<16xf32>
      %add3A_2706 = arith.addf %add3A_2697, %mul3A_2705 : vector<16xf32>
      %broadcast_in_dim3A_2707 = arith.constant 26 : i32
      %broadcast_in_dim3A_2708 = vector.broadcast %broadcast_in_dim3A_2707 : i32 to vector<16xi32>
      %add3A_2709 = arith.constant 26 : i32
      %add3A_2710 = vector.broadcast %add3A_2709 : i32 to vector<16xi32>
      %add3A_2711 = arith.addi %mul3A_8, %add3A_2710 : vector<16xi32>
      %gather3A_2712 = tpu.vector_load_idx %arg18[%add3A_2711, %get3A_2469] : memref<512x128xf32, #tpu.memory_space<vmem>>[vector<16xi32>, vector<16xi32>], vector<16xf32>,
      %gather3A_2713 = tpu.vector_load_idx %arg19[%add3A_2472, %broadcast_in_dim3A_2708] : memref<128x32xf32, #tpu.memory_space<vmem>>[vector<16xi32>, vector<16xi32>], vector<16xf32>,
      %mul3A_2714 = arith.mulf %gather3A_2712, %gather3A_2713 : vector<16xf32>
      %add3A_2715 = arith.addf %add3A_2706, %mul3A_2714 : vector<16xf32>
      %broadcast_in_dim3A_2716 = arith.constant 27 : i32
      %broadcast_in_dim3A_2717 = vector.broadcast %broadcast_in_dim3A_2716 : i32 to vector<16xi32>
      %add3A_2718 = arith.constant 27 : i32
      %add3A_2719 = vector.broadcast %add3A_2718 : i32 to vector<16xi32>
      %add3A_2720 = arith.addi %mul3A_8, %add3A_2719 : vector<16xi32>
      %gather3A_2721 = tpu.vector_load_idx %arg18[%add3A_2720, %get3A_2469] : memref<512x128xf32, #tpu.memory_space<vmem>>[vector<16xi32>, vector<16xi32>], vector<16xf32>,
      %gather3A_2722 = tpu.vector_load_idx %arg19[%add3A_2472, %broadcast_in_dim3A_2717] : memref<128x32xf32, #tpu.memory_space<vmem>>[vector<16xi32>, vector<16xi32>], vector<16xf32>,
      %mul3A_2723 = arith.mulf %gather3A_2721, %gather3A_2722 : vector<16xf32>
      %add3A_2724 = arith.addf %add3A_2715, %mul3A_2723 : vector<16xf32>
      %broadcast_in_dim3A_2725 = arith.constant 28 : i32
      %broadcast_in_dim3A_2726 = vector.broadcast %broadcast_in_dim3A_2725 : i32 to vector<16xi32>
      %add3A_2727 = arith.constant 28 : i32
      %add3A_2728 = vector.broadcast %add3A_2727 : i32 to vector<16xi32>
      %add3A_2729 = arith.addi %mul3A_8, %add3A_2728 : vector<16xi32>
      %gather3A_2730 = tpu.vector_load_idx %arg18[%add3A_2729, %get3A_2469] : memref<512x128xf32, #tpu.memory_space<vmem>>[vector<16xi32>, vector<16xi32>], vector<16xf32>,
      %gather3A_2731 = tpu.vector_load_idx %arg19[%add3A_2472, %broadcast_in_dim3A_2726] : memref<128x32xf32, #tpu.memory_space<vmem>>[vector<16xi32>, vector<16xi32>], vector<16xf32>,
      %mul3A_2732 = arith.mulf %gather3A_2730, %gather3A_2731 : vector<16xf32>
      %add3A_2733 = arith.addf %add3A_2724, %mul3A_2732 : vector<16xf32>
      %broadcast_in_dim3A_2734 = arith.constant 29 : i32
      %broadcast_in_dim3A_2735 = vector.broadcast %broadcast_in_dim3A_2734 : i32 to vector<16xi32>
      %add3A_2736 = arith.constant 29 : i32
      %add3A_2737 = vector.broadcast %add3A_2736 : i32 to vector<16xi32>
      %add3A_2738 = arith.addi %mul3A_8, %add3A_2737 : vector<16xi32>
      %gather3A_2739 = tpu.vector_load_idx %arg18[%add3A_2738, %get3A_2469] : memref<512x128xf32, #tpu.memory_space<vmem>>[vector<16xi32>, vector<16xi32>], vector<16xf32>,
      %gather3A_2740 = tpu.vector_load_idx %arg19[%add3A_2472, %broadcast_in_dim3A_2735] : memref<128x32xf32, #tpu.memory_space<vmem>>[vector<16xi32>, vector<16xi32>], vector<16xf32>,
      %mul3A_2741 = arith.mulf %gather3A_2739, %gather3A_2740 : vector<16xf32>
      %add3A_2742 = arith.addf %add3A_2733, %mul3A_2741 : vector<16xf32>
      %broadcast_in_dim3A_2743 = arith.constant 30 : i32
      %broadcast_in_dim3A_2744 = vector.broadcast %broadcast_in_dim3A_2743 : i32 to vector<16xi32>
      %add3A_2745 = arith.constant 30 : i32
      %add3A_2746 = vector.broadcast %add3A_2745 : i32 to vector<16xi32>
      %add3A_2747 = arith.addi %mul3A_8, %add3A_2746 : vector<16xi32>
      %gather3A_2748 = tpu.vector_load_idx %arg18[%add3A_2747, %get3A_2469] : memref<512x128xf32, #tpu.memory_space<vmem>>[vector<16xi32>, vector<16xi32>], vector<16xf32>,
      %gather3A_2749 = tpu.vector_load_idx %arg19[%add3A_2472, %broadcast_in_dim3A_2744] : memref<128x32xf32, #tpu.memory_space<vmem>>[vector<16xi32>, vector<16xi32>], vector<16xf32>,
      %mul3A_2750 = arith.mulf %gather3A_2748, %gather3A_2749 : vector<16xf32>
      %add3A_2751 = arith.addf %add3A_2742, %mul3A_2750 : vector<16xf32>
      %broadcast_in_dim3A_2752 = arith.constant 31 : i32
      %broadcast_in_dim3A_2753 = vector.broadcast %broadcast_in_dim3A_2752 : i32 to vector<16xi32>
      %add3A_2754 = arith.constant 31 : i32
      %add3A_2755 = vector.broadcast %add3A_2754 : i32 to vector<16xi32>
      %add3A_2756 = arith.addi %mul3A_8, %add3A_2755 : vector<16xi32>
      %gather3A_2757 = tpu.vector_load_idx %arg18[%add3A_2756, %get3A_2469] : memref<512x128xf32, #tpu.memory_space<vmem>>[vector<16xi32>, vector<16xi32>], vector<16xf32>,
      %gather3A_2758 = tpu.vector_load_idx %arg19[%add3A_2472, %broadcast_in_dim3A_2753] : memref<128x32xf32, #tpu.memory_space<vmem>>[vector<16xi32>, vector<16xi32>], vector<16xf32>,
      %mul3A_2759 = arith.mulf %gather3A_2757, %gather3A_2758 : vector<16xf32>
      %add3A_2760 = arith.addf %add3A_2751, %mul3A_2759 : vector<16xf32>
      %get3A_2761 = arith.index_cast %multiple_of3A : i32 to index
      %get3A_2762 = tpu.vector_load %arg16[%get3A_2761] {strides = array<i32>} : memref<512xi32, #tpu.memory_space<vmem>>, vector<16xi32>,
      %add3A_2763 = arith.addi %mul3A_5, %get3A_2762 : vector<16xi32>
      %get3A_2764 = arith.index_cast %multiple_of3A : i32 to index
      %get3A_2765 = tpu.vector_load %arg17[%get3A_2764] {strides = array<i32>} : memref<512xi32, #tpu.memory_space<vmem>>, vector<16xi32>,
      %gather3A_2766 = tpu.vector_load_idx %arg20[%add3A_2763, %get3A_2765] : memref<128x16xf32, #tpu.memory_space<vmem>>[vector<16xi32>, vector<16xi32>], vector<16xf32>,
      %neg3A = arith.constant 0.000000e+00 : f32
      %neg3A_2767 = vector.broadcast %neg3A : f32 to vector<16xf32>
      %neg3A_2768 = arith.subf %neg3A_2767, %add3A_2760 : vector<16xf32>
      %add3A_2769 = arith.addf %neg3A_2768, %gather3A_2766 : vector<16xf32>
      %exp3A = math.exp %add3A_2769 : vector<16xf32>
      %add3A_2770 = arith.constant 1.000000e+00 : f32
      %add3A_2771 = vector.broadcast %add3A_2770 : f32 to vector<16xf32>
      %add3A_2772 = arith.addf %add3A_2771, %exp3A : vector<16xf32>
      %div3A_2773 = arith.constant 1.000000e+00 : f32
      %div3A_2774 = vector.broadcast %div3A_2773 : f32 to vector<16xf32>
      %div3A_2775 = arith.divf %div3A_2774, %add3A_2772 : vector<16xf32>
      %swap3A = arith.index_cast %multiple_of3A : i32 to index
      %swap3A_2776 = tpu.vector_load %arg21[%swap3A] {strides = array<i32>} : memref<512xf32, #tpu.memory_space<vmem>>, vector<16xf32>,
      tpu.vector_store %arg21[%swap3A], %div3A_2775 {strides = array<i32>} : memref<512xf32, #tpu.memory_space<vmem>>, vector<16xf32>,
    }
    %scan3A_13 = arith.constant 32 : i32
    "tpu.region"() ({
      %run_scoped3A = tpu.sem_alloc : memref<!tpu.dma_semaphore, #tpu.memory_space<semaphore_mem>>
      %dma_start3A = tpu.memref_slice %arg11[%mul3A_2] : memref<16384xf32, #tpu.memory_space<hbm>> -> memref<512xf32, #tpu.memory_space<hbm>>
      %dma_start3A_14 = tpu.memref_slice %arg11[%mul3A_2] : memref<16384xf32, #tpu.memory_space<hbm>> -> memref<512xf32, #tpu.memory_space<hbm>>
      tpu.enqueue_dma source(%arg21 : memref<512xf32, #tpu.memory_space<vmem>>) target(%dma_start3A_14 : memref<512xf32, #tpu.memory_space<hbm>>) target_semaphore(%run_scoped3A : memref<!tpu.dma_semaphore, #tpu.memory_space<semaphore_mem>>)
      %dma_wait3A = tpu.memref_slice %arg11[%mul3A_2] : memref<16384xf32, #tpu.memory_space<hbm>> -> memref<512xf32, #tpu.memory_space<hbm>>
      %dma_wait3A_15 = tpu.memref_slice %arg11[%mul3A_2] : memref<16384xf32, #tpu.memory_space<hbm>> -> memref<512xf32, #tpu.memory_space<hbm>>
      tpu.wait_dma2 semaphore(%run_scoped3A : memref<!tpu.dma_semaphore, #tpu.memory_space<semaphore_mem>>) src(%arg21 : memref<512xf32, #tpu.memory_space<vmem>>) dst(%dma_wait3A_15 : memref<512xf32, #tpu.memory_space<hbm>>)
      tpu.yield
    }) : () -> ()
    return
  }
}

</mosaic_0001>

<sc_bundles>
// kernel: _mirt.3.cloned.1.call-start
scs
__scs_entry_jumppad:
0x0: {  	(pc) =	sbr.rel $0x88, $3  }
0x1: {  	(tag) =	ssettag $0x0;
	lr =	simm.s32 $0x1  }
0x2: {  	[smem:$0x3F98] =	sst lr;
	_ =	strace $0xD0000000  }
0x3: {  	_ = 	snop  }
0x4: {  	_ = 	snop  }
0x5: {  	_ = 	snop  }
0x6: {  	_ = 	snop  }
0x7: {  	_ = 	snop  }
__scs_overlays_trampoline_lowered:
0x8: {  	[smem:$0x3FA7] =	sst s0  }
0x9: {  	[smem:$0x3FA8] =	sst s1  }
0xa: {  	[smem:$0x3FA9] =	sst s2  }
0xb: {  	[smem:$0x3FAA] =	sst s3  }
0xc: {  	[smem:$0x3FAB] =	sst s4  }
0xd: {  	[smem:$0x3FAC] =	sst s5  }
0xe: {  	[smem:$0x3FAD] =	sst s6  }
0xf: {  	[smem:$0x3FAE] =	sst s7  }
0x10: {  	[smem:$0x3FAF] =	sst s8  }
0x11: {  	[smem:$0x3FB0] =	sst s9;
	s0 =	simm.s32 @!p0 $0x0  }
0x12: {  	s1 =	sld [smem:$0x3F96];
	s0 =	simm.s32 @p0 $0x1  }
0x13: {  	[smem:$0x3FB1] =	sst s0;
	s0 =	simm.s32 @!p1 $0x0  }
0x14: {  	s2 =	sld [smem:$0x3F95];
	s0 =	simm.s32 @p1 $0x1  }
0x15: {  	[smem:$0x3FB2] =	sst s0;
	s0 =	simm.s32 @!p2 $0x0  }
0x16: {  	s3 =	sld [smem:$0x3FDB];
	s0 =	simm.s32 @p2 $0x1  }
0x17: {  	s4 =	simm.s32 $0x1BF5;
	[smem:$0x3FB4] =	sst s0  }
0x18: {  	s0 =	sld [smem:$0x3F97];
	_ =	swait.ge [sflag:s4], $0x0  }
0x19: {  	s7 =	sld [smem:$0x3F98]  }
0x1a: {  	s8 =	sadd.s32 $0xFFFFE003, lr  }
0x1b: {  	s9 =	sadd.s32 $0xFFFFFEF7, lr;
	s5 =	simm.s32 $0xFFFFFFFF;
	p2 =	slt.u32 s8, $0xFFFFF086  }
0x1c: {  	p1 =	slt.u32 s9, $0xF7A;
	s5 =	simm.s32 @!p2 $0x0  }
0x1d: {  	s5 =	simm.s32 @p1 $0x1;
	p0 =	seq.s32 s7, s2  }
0x1e: {  	s7 =	smul.u32 @!p0 $0xF7A, s2;
	p2 =	seq.s32 @!p0 s5, $0x0  }
0x1f: {  	s9 =	smul.u32 $0xF7A, s1;
	s8 =	simm.s32 @!p0 $0x1BF5;
	p2 =	por !p2, p0  }
0x20: {  	[sflag:s8] =	ssyncset.s32 @!p0 $0xFFFFF086;
	s6 =	sadd.s32 @!p0 s3, s7;
	s7 =	simm.s32 @!p0 $0x108  }
0x21: {  	s3 =	sadd.s32 s3, s9;
	s6 =	sadd.s32 @!p0 $0x88, s6;
	s7 =	simm.s32 @p2 $0x1082  }
0x22: {  	[simem:s7], [sflag:s8] =	dma.local @!p0 [hbm:s6], $0xF7A  }
0x23: {  	s9 =	sor.u32 $0xD0000000, s2;
	s6 =	simm.s32 $0x108;
	_ =	swait.ge @!p0 [sflag:s8], $0x0  }
0x24: {  	s3 =	sadd.s32 $0x88, s3;
	s6 =	simm.s32 @!p1 $0x1082;
	[sflag:s4] =	ssyncset.s32 $0xFFFFF086  }
0x25: {  	[simem:s6], [sflag:s4] =	dma.local [hbm:s3], $0xF7A  }
0x26: {  	[smem:$0x3F98] =	sst s1;
	(tag) =	ssettag s2;
	_ =	strace s9  }
0x27: {  	s1 =	sld [smem:$0x3FA8]  }
0x28: {  	s2 =	sld [smem:$0x3FA9]  }
0x29: {  	s4 =	sld [smem:$0x3FAB]  }
0x2a: {  	p0 =	seq.s32 s5, $0x0;
	s5 =	sld [smem:$0x3FAC]  }
0x2b: {  	s6 =	sld [smem:$0x3FAD]  }
0x2c: {  	s7 =	sld [smem:$0x3FAE]  }
0x2d: {  	s3 =	simm.s32 $0x108;
	s8 =	sld [smem:$0x3FAF]  }
0x2e: {  	s3 =	simm.s32 @!p0 $0x1082;
	s9 =	sld [smem:$0x3FB0]  }
0x2f: {  	lr =	sadd.s32 s0, s3;
	s0 =	sld [smem:$0x3FA7]  }
0x30: {  	s3 =	sld [smem:$0x3FAA]  }
0x31: {  	[smem:$0x3FB3] =	sst s10  }
0x32: {  	s10 =	sld [smem:$0x3FB1];
	_ =	sdelay $0x3  }
0x33: {  	p0 =	seq.s32 s10, $0x1;
	s10 =	sld [smem:$0x3FB3];
	_ =	sdelay $0x3  }
0x34: {  	[smem:$0x3FB3] =	sst s10  }
0x35: {  	s10 =	sld [smem:$0x3FB2];
	_ =	sdelay $0x3  }
0x36: {  	p1 =	seq.s32 s10, $0x1;
	s10 =	sld [smem:$0x3FB3];
	_ =	sdelay $0x3  }
0x37: {  	[smem:$0x3FB3] =	sst s10  }
0x38: {  	s10 =	sld [smem:$0x3FB4]  }
0x39: {  	_ = 	snop;
	(pc) =	sbr.ind lr, $3  }
0x3a: {  	_ = 	snop  }
0x3b: {  	_ = 	snop  }
0x3c: {  	p2 =	seq.s32 s10, $0x1;
	s10 =	sld [smem:$0x3FB3]  }
0x3d: {  	_ =	shalt  }
0x3e: {  	_ =	shalt  }
0x3f: {  	_ =	shalt  }
0x40: {  	_ =	shalt  }
0x41: {  	_ =	shalt  }
0x42: {  	_ =	shalt  }
0x43: {  	_ =	shalt  }
0x44: {  	_ =	shalt  }
0x45: {  	_ =	shalt  }
0x46: {  	_ =	shalt  }
0x47: {  	_ =	shalt  }
0x48: {  	_ =	shalt  }
0x49: {  	_ =	shalt  }
0x4a: {  	_ =	shalt  }
0x4b: {  	_ =	shalt  }
0x4c: {  	_ =	shalt  }
0x4d: {  	_ =	shalt  }
0x4e: {  	_ =	shalt  }
0x4f: {  	_ =	shalt  }
0x50: {  	_ =	shalt  }
0x51: {  	_ =	shalt  }
0x52: {  	_ =	shalt  }
0x53: {  	_ =	shalt  }
0x54: {  	_ =	shalt  }
0x55: {  	_ =	shalt  }
0x56: {  	_ =	shalt  }
0x57: {  	_ =	shalt  }
0x58: {  	_ =	shalt  }
0x59: {  	_ =	shalt  }
0x5a: {  	_ =	shalt  }
0x5b: {  	_ =	shalt  }
0x5c: {  	_ =	shalt  }
0x5d: {  	_ =	shalt  }
0x5e: {  	_ =	shalt  }
0x5f: {  	_ =	shalt  }
0x60: {  	_ =	shalt  }
0x61: {  	_ =	shalt  }
0x62: {  	_ =	shalt  }
0x63: {  	_ =	shalt  }
0x64: {  	_ =	shalt  }
0x65: {  	_ =	shalt  }
0x66: {  	_ =	shalt  }
0x67: {  	_ =	shalt  }
0x68: {  	_ =	shalt  }
0x69: {  	_ =	shalt  }
0x6a: {  	_ =	shalt  }
0x6b: {  	_ =	shalt  }
0x6c: {  	_ =	shalt  }
0x6d: {  	_ =	shalt  }
0x6e: {  	_ =	shalt  }
0x6f: {  	_ =	shalt  }
0x70: {  	_ =	shalt  }
0x71: {  	_ =	shalt  }
0x72: {  	_ =	shalt  }
0x73: {  	_ =	shalt  }
0x74: {  	_ =	shalt  }
0x75: {  	_ =	shalt  }
0x76: {  	_ =	shalt  }
0x77: {  	_ =	shalt  }
0x78: {  	_ =	shalt  }
0x79: {  	_ =	shalt  }
0x7a: {  	_ =	shalt  }
0x7b: {  	_ =	shalt  }
0x7c: {  	_ =	shalt  }
0x7d: {  	_ =	shalt  }
0x7e: {  	_ =	shalt  }
0x7f: {  	_ =	shalt  }
0x80: {  	_ =	shalt  }
0x81: {  	_ =	shalt  }
0x82: {  	_ =	shalt  }
0x83: {  	_ =	shalt  }
0x84: {  	_ =	shalt  }
0x85: {  	_ =	shalt  }
0x86: {  	_ =	shalt  }
0x87: {  	_ =	shalt  }
.Lfunc_end0:
.L_simem_size_0:
called_computation_lowered:
.L_overlay_start_0:
0x88: {  	s2 =	sld [smem:$0x3FD9]  }
0x89: {  	s3 =	sld [smem:$0x3FFE];
	_ =	sdelay $0x1  }
0x8a: {  	s1 =	srdreg.scid  }
0x8b: {  	s0 =	sand.u32 $0x1, s1  }
0x8c: {  	s17 =	sshll.u32 s0, $0xA;
	s2 =	sadd.s32 s3, s2  }
0x8d: {  	s2 =	sadd.s32 s2, s17  }
0x8e: {  	[smem:$0x3FBF] =	sst s2  }
0x8f: {  	_ = 	snop  }
0x90: {  	s2 =	sld [smem:$0x3FC9]  }
0x91: {  	s18 =	sld [smem:$0x3FC8]  }
0x92: {  	s4 =	sld [smem:$0x3FC7]  }
0x93: {  	s5 =	sld [smem:$0x3FC6]  }
0x94: {  	s6 =	sld [smem:$0x3FC5]  }
0x95: {  	s7 =	sld [smem:$0x3FC4]  }
0x96: {  	s8 =	sld [smem:$0x3FC3]  }
0x97: {  	s9 =	sld [smem:$0x3FD0];
	(tm) =	ssettm $0x1  }
0x98: {  	s10 =	sld [smem:$0x3FFB];
	_ =	sdelay $0x3  }
0x99: {  	_ =	strace s10  }
0x9a: {  	s10 =	sld [smem:$0x3FFC];
	_ =	sdelay $0x3  }
0x9b: {  	_ =	strace s10  }
0x9c: {  	s10 =	sld [smem:$0x3FFD];
	_ =	sdelay $0x3  }
0x9d: {  	_ =	strace s10  }
0x9e: {  	_ =	strace $0x8FFFFFFF  }
0x9f: {  	s19 =	sld [smem:$0x3FDB];
	_ =	sdelay $0x1  }
0xa0: {  	s11 =	simm.s32 $_scs_section_size  }
0xa1: {  	s12 =	simm.s32 $_size__tile_overlayer_lowered;
	s13 =	simm.s32 $_tile_overlayer_lowered  }
0xa2: {  	s22 =	simm.s32 $0x1BFF;
	s21 =	sshll.u32 s13, $0x1;
	s10 =	sadd.s32 s11, s19  }
0xa3: {  	s14 =	simm.s32 $0x0;
	s20 =	sshll.u32 s12, $0x1;
	s12 =	sadd.s32 s21, s10  }
0xa4: {  	[timem:s14], [sflag:s22] =	dma.local [hbm:s12], s20  }
0xa5: {  	_ =	swait.ge [sflag:s22], s20  }
0xa6: {  	s11 =	ssub.s32 $0x0, s20;
	[sflag:s22] =	ssyncset.done $0x0  }
0xa7: {  	[sflag:s22] =	ssyncadd.s32 s11;
	_ =	sdelay $0x1  }
0xa8: {  	s23 =	simm.s32 $0x1B8B  }
0xa9: {  	_ =	swait.ge [sflag:s23], $0x1  }
0xaa: {  	[sflag:s23] =	ssyncset.done $0x0  }
0xab: {  	s25 =	simm.s32 $0x1B8E;
	s24 =	sld [smem:$0x3FFE];
	[sflag:s23] =	ssyncadd.s32 $0xFFFFFFFF  }
0xac: {  	s26 =	simm.s32 $execute0_lowered;
	[smem:$0x3FD2] =	sst s25  }
0xad: {  	s12 =	sshll.u32 s26, $0x1;
	_ =	strace $0x80000046;
	[dreg:$0x1] =	wrdreg $0xFFFFFFFF  }
0xae: {  	s28 =	simm.s32 $_size_execute0_lowered;
	s10 =	sadd.s32 s10, s12;
	[dreg:$0x0] =	wrdreg $0x0  }
0xaf: {  	s12 =	sshll.u32 s28, $0x1;
	[dreg:$0x2] =	wrdreg s10  }
0xb0: {  	[dreg:$0x3] =	wrdreg s12  }
0xb1: {  	[dreg:$0x4] =	wrdreg $0xC0  }
0xb2: {  	_ =	task [dreg:s14], $0x5FFFF  }
0xb3: {  	[dreg:$0x1] =	wrdreg $0xFFFFFFFF  }
0xb4: {  	[dreg:$0x0] =	wrdreg $0x60  }
0xb5: {  	[dreg:$0x2] =	wrdreg s2  }
0xb6: {  	[dreg:$0x3] =	wrdreg s18  }
0xb7: {  	[dreg:$0x4] =	wrdreg s4  }
0xb8: {  	[dreg:$0x5] =	wrdreg s5  }
0xb9: {  	[dreg:$0x6] =	wrdreg s6  }
0xba: {  	[dreg:$0x7] =	wrdreg s7  }
0xbb: {  	[dreg:$0x8] =	wrdreg s8  }
0xbc: {  	[dreg:$0x9] =	wrdreg s24  }
0xbd: {  	[dreg:$0xa] =	wrdreg s9  }
0xbe: {  	[dreg:$0xb] =	wrdreg $0x9  }
0xbf: {  	_ =	task.clear_ibuf [dreg:s14], $0xCFFFF;
	_ =	strace $0x90000046  }
0xc0: {  	s29 =	simm.s32 $0x9;
	_ =	strace $0x80000048  }
0xc1: {  	_ =	swait.ge [sflag:s29], $0x1  }
0xc2: {  	[sflag:s29] =	ssyncadd.s32 $0xFFFFFFFF  }
0xc3: {  	_ =	strace $0x90000048  }
0xc4: {  	_ =	sfence  }
0xc5: {  	s30 =	sld [smem:$0x0];
	_ =	sdelay $0x2  }
0xc6: {  	s31 =	sshll.u32 s1, $0xD;
	s1 =	sshrl.u32 s1, $0x2  }
0xc7: {  	s3 =	sand.u32 $0x4000, s31;
	s1 =	sadd.s32 s1, s30  }
0xc8: {  	s0 =	sor.u32 s3, s0;
	s1 =	sshll.u32 s1, $0x11  }
0xc9: {  	s0 =	sor.u32 s1, s0  }
0xca: {  	s0 =	sadd.s32 $0x8F2B, s0  }
0xcb: {  	[sflag:s0] =	ssyncadd.remote.s32 $0x1  }
0xcc: {  	_ =	sfence.sel $0xFFFF  }
0xcd: {  	[dreg:$0x0] =	wrdreg $0xFFFFFFFF;
	(pc) =	sbr.abs _section_cstart, $3  }
0xce: {  	[dreg:$0x1] =	wrdreg $0xFFFFFFFF  }
0xcf: {  	_ =	task.clear_ibuf [dreg:s14], $0x2FFFF;
	_ =	strace $0x9FFFFFFF  }
0xd0: {  	(tm) =	ssettm $0x7FFFFFFF  }
0xd1: {  	_ =	shalt  }
tec
execute0_lowered:
.L_overlay_start_1:
0x0: {  	(tag) =	ssettag $0x1  }
0x1: {  	s8 =	rddreg [dreg:$0x0]  }
0x2: {  	s7 =	rddreg [dreg:$0x1]  }
0x3: {  	s6 =	rddreg [dreg:$0x2]  }
0x4: {  	s5 =	rddreg [dreg:$0x3]  }
0x5: {  	s2 =	rddreg [dreg:$0x4]  }
0x6: {  	s0 =	rddreg [dreg:$0x5]  }
0x7: {  	s26 =	rddreg [dreg:$0x6]  }
0x8: {  	s4 =	rddreg [dreg:$0x7]  }
0x9: {  	s1 =	rddreg [dreg:$0x8];
	s24 =	simm.s32 $0x0  }
0xa: {  	s3 =	simm.s32 $0x1C00;
	[smem:$0x7FF] =	sst s24  }
0xb: {  	s23 =	simm.s32 $0x2C00;
	_ =	strace $0x80000047;
	[dreg:$0xa] =	wrdreg s3  }
0xc: {  	s25 =	simm.s32 $0x3C00;
	[dreg:$0xb] =	wrdreg s23  }
0xd: {  	s28 =	simm.s32 $0x4C00;
	[dreg:$0xc] =	wrdreg s25  }
0xe: {  	s29 =	simm.s32 $0x5C00;
	[dreg:$0xd] =	wrdreg s28  }
0xf: {  	s30 =	simm.s32 $0x6C00;
	[dreg:$0xe] =	wrdreg s29  }
0x10: {  	s31 =	simm.s32 $0x7C00;
	[dreg:$0xf] =	wrdreg s30  }
0x11: {  	s9 =	simm.s32 $0x8C00;
	[dreg:$0x10] =	wrdreg s31  }
0x12: {  	s10 =	simm.s32 $0x9C00;
	[dreg:$0x11] =	wrdreg s9  }
0x13: {  	s11 =	simm.s32 $0xAC00;
	[dreg:$0x12] =	wrdreg s10  }
0x14: {  	s12 =	simm.s32 $0xBC00;
	[dreg:$0x13] =	wrdreg s11  }
0x15: {  	s13 =	simm.s32 $0xCC00;
	[dreg:$0x14] =	wrdreg s12  }
0x16: {  	s14 =	simm.s32 $0xDC00;
	[dreg:$0x15] =	wrdreg s13  }
0x17: {  	s15 =	simm.s32 $0xEC00;
	[dreg:$0x16] =	wrdreg s14  }
0x18: {  	s16 =	simm.s32 $0x11000;
	[dreg:$0x17] =	wrdreg s15  }
0x19: {  	s17 =	simm.s32 $0x11400;
	[dreg:$0x19] =	wrdreg s16  }
0x1a: {  	s18 =	simm.s32 $0x11800;
	[dreg:$0x1a] =	wrdreg s17  }
0x1b: {  	s19 =	simm.s32 $0x11C00;
	[dreg:$0x1b] =	wrdreg s18  }
0x1c: {  	s20 =	simm.s32 $0x12000;
	[dreg:$0x1c] =	wrdreg s19  }
0x1d: {  	s21 =	simm.s32 $0x12400;
	[dreg:$0x1d] =	wrdreg s20  }
0x1e: {  	s22 =	simm.s32 $0x12800;
	[dreg:$0x1e] =	wrdreg s21  }
0x1f: {  	s9 =	simm.s32 $0xFC00;
	[dreg:$0x1f] =	wrdreg s22  }
0x20: {  	s23 =	simm.s32 $0x12C00;
	[dreg:$0x18] =	wrdreg s9  }
0x21: {  	s28 =	simm.s32 $0x13000;
	[smem:$0x7DF] =	sst s23  }
0x22: {  	s29 =	simm.s32 $0x13400;
	[smem:$0x7E0] =	sst s28  }
0x23: {  	s30 =	simm.s32 $0x13800;
	[smem:$0x7E1] =	sst s29  }
0x24: {  	s31 =	simm.s32 $0x13C00;
	[smem:$0x7E3] =	sst s30  }
0x25: {  	s12 =	simm.s32 $0x14800;
	[smem:$0x7E5] =	sst s31  }
0x26: {  	s15 =	simm.s32 $0x15800;
	[smem:$0x7EB] =	sst s12  }
0x27: {  	s17 =	simm.s32 $0x15C00;
	[smem:$0x7F1] =	sst s15  }
0x28: {  	s18 =	simm.s32 $0x16000;
	[smem:$0x7F2] =	sst s17  }
0x29: {  	s19 =	simm.s32 $0x16400;
	[smem:$0x7F3] =	sst s18  }
0x2a: {  	s20 =	simm.s32 $0x16800;
	[smem:$0x7F4] =	sst s19  }
0x2b: {  	s21 =	simm.s32 $0x16C00;
	[smem:$0x7F5] =	sst s20  }
0x2c: {  	s22 =	simm.s32 $0x17000;
	[smem:$0x7F6] =	sst s21  }
0x2d: {  	s14 =	stileid.u32;
	s9 =	simm.s32 $0x14400;
	[smem:$0x7F7] =	sst s22  }
0x2e: {  	s25 =	sshll.u32 s14, $0x7;
	s14 =	simm.s32 $0x15400;
	[smem:$0x7E9] =	sst s9  }
0x2f: {  	s23 =	simm.s32 $0x17400;
	[smem:$0x7EF] =	sst s14  }
0x30: {  	s10 =	srdreg.scid;
	s28 =	simm.s32 $0x17C00;
	[smem:$0x7F8] =	sst s23  }
0x31: {  	s10 =	sand.u32 $0x1, s10;
	s29 =	simm.s32 $0x18000;
	[smem:$0x7FA] =	sst s28  }
0x32: {  	v1 =	vlaneseq.u32;
	s30 =	simm.s32 $0x18400;
	s31 =	simm.s32 $0x18800;
	[smem:$0x7FB] =	sst s29  }
0x33: {  	v0 =	vmul.u32 $0x1000, v1;
	s11 =	ssub.s32 $0x2, s10;
	s10 =	sshll.u32 s10, $0x6;
	[smem:$0x7FC] =	sst s30  }
0x34: {  	[smem:$0x7FD] =	sst s31;
	s10 =	sor.u32 s10, s25;
	s25 =	simm.s32 $0x17800  }
0x35: {  	v1 =	vmul.u32 $0x400, v1;
	v2 =	vor.u32 $0x80, v0;
	s8 =	sadd.s32 s8, s10;
	[smem:$0x7F9] =	sst s25  }
0x36: {  	s3 =	sadd.s32 $0x18C00, s4;
	v3 =	vor.u32 $0x100, v0;
	v4 =	vor.u32 $0x180, v0;
	v5 =	vor.u32 $0x200, v0;
	s7 =	sadd.s32 s7, s10;
	[smem:$0x7E2] =	sst s8  }
0x37: {  	s4 =	sadd.s32 $0x400, s4;
	v6 =	vor.u32 $0x280, v0;
	v7 =	vor.u32 $0x300, v0;
	v8 =	vor.u32 $0x380, v0;
	s6 =	sadd.s32 s6, s10;
	[smem:$0x7E4] =	sst s7  }
0x38: {  	v9 =	vor.u32 $0x400, v0;
	v10 =	vor.u32 $0x480, v0;
	v11 =	vor.u32 $0x500, v0;
	s20 =	simm.s32 $0x1;
	s5 =	sadd.s32 s5, s10;
	[smem:$0x7E6] =	sst s6  }
0x39: {  	v12 =	vor.u32 $0x580, v0;
	v13 =	vor.u32 $0x600, v0;
	v14 =	vor.u32 $0x680, v0;
	s22 =	simm.s32 $0xC00;
	s2 =	sadd.s32 s2, s10;
	[smem:$0x7E8] =	sst s5  }
0x3a: {  	v15 =	vor.u32 $0x700, v0;
	v16 =	vor.u32 $0x780, v0;
	v17 =	vor.u32 $0x800, v0;
	s13 =	sshrl.u32 s11, $0x1;
	s0 =	sadd.s32 s0, s10;
	[smem:$0x7EA] =	sst s2  }
0x3b: {  	v18 =	vor.u32 $0x880, v0;
	v19 =	vor.u32 $0x900, v0;
	v20 =	vor.u32 $0x980, v0;
	s11 =	ssub.s32 s11, s13;
	s13 =	simm.s32 $0x15000;
	[smem:$0x7EC] =	sst s0  }
0x3c: {  	v21 =	vor.u32 $0xA00, v0;
	v22 =	vor.u32 $0xA80, v0;
	v23 =	vor.u32 $0xB00, v0;
	s23 =	simm.s32 $0x10C00;
	s1 =	sadd.s32 s1, s10;
	[smem:$0x7ED] =	sst s13  }
0x3d: {  	v24 =	vor.u32 $0xB80, v0;
	v25 =	vor.u32 $0xC00, v0;
	v26 =	vor.u32 $0xC80, v0;
	s8 =	simm.s32 $0x14000;
	[smem:$0x7EE] =	sst s1;
	s16 =	smax.u32 s11, $0x1  }
0x3e: {  	v27 =	vor.u32 $0xD00, v0;
	v28 =	vor.u32 $0xD80, v0;
	v29 =	vor.u32 $0xE00, v0;
	s1 =	simm.s32 $0x2;
	s5 =	simm.s32 $0x400;
	[smem:$0x7E7] =	sst s8  }
0x3f: {  	v30 =	vor.u32 $0xE80, v0;
	v31 =	vor.u32 $0xF00, v0;
	v32 =	vor.u32 $0xF80, v0;
	s6 =	simm.s32 $0x7A1400;
	s2 =	simm.s32 $0x0;
	[smem:$0x7F0] =	sst s16  }
.LBB2_1:
0x40: {  	s0 =	sld [smem:$0x7E2];
	_ =	sdelay $0x1  }
0x41: {  	[smem:$0x7DE] =	sst s2  }
0x42: {  	[tilespmem:s24], [sflag:$0x2] =	stream.linear.gather [hbm4b:s0+s24], $0x200, $0x38;
	[tilespmem:$0x18E00] =	vst v63  }
0x43: {  	_ =	swait.ge [sflag:s1], $0x200  }
0x44: {  	s17 =	sld [smem:$0x7E4]  }
0x45: {  	[sflag:s1] =	ssyncset.done $0x0  }
0x46: {  	s18 =	simm.s32 $0x200;
	[sflag:s1] =	ssyncadd.s32 $0xFFFFFE00  }
0x47: {  	[tilespmem:s18], [sflag:$0x2] =	stream.linear.gather [hbm4b:s17+s24], $0x200, $0x38;
	[tilespmem:$0x18E00] =	vst v63  }
0x48: {  	_ =	swait.ge [sflag:s1], $0x200  }
0x49: {  	s19 =	sld [smem:$0x7E6]  }
0x4a: {  	[sflag:s1] =	ssyncset.done $0x0  }
0x4b: {  	[sflag:s1] =	ssyncadd.s32 $0xFFFFFE00  }
0x4c: {  	[tilespmem:s5], [sflag:$0x2] =	stream.linear.gather [hbm4b:s19+s24], $0x200, $0x38;
	[tilespmem:$0x18E00] =	vst v63  }
0x4d: {  	_ =	swait.ge [sflag:s1], $0x200  }
0x4e: {  	s21 =	sld [smem:$0x7E8]  }
0x4f: {  	[sflag:s1] =	ssyncset.done $0x0  }
0x50: {  	s25 =	simm.s32 $0x600;
	[sflag:s1] =	ssyncadd.s32 $0xFFFFFE00  }
0x51: {  	[tilespmem:s25], [sflag:$0x2] =	stream.linear.gather [hbm4b:s21+s24], $0x200, $0x38;
	[tilespmem:$0x18E00] =	vst v63  }
0x52: {  	_ =	swait.ge [sflag:s1], $0x200  }
0x53: {  	s28 =	sld [smem:$0x7EA]  }
0x54: {  	[sflag:s1] =	ssyncset.done $0x0  }
0x55: {  	s29 =	simm.s32 $0x800;
	[sflag:s1] =	ssyncadd.s32 $0xFFFFFE00  }
0x56: {  	[tilespmem:s29], [sflag:$0x2] =	stream.linear.gather [hbm4b:s28+s24], $0x200, $0x38;
	[tilespmem:$0x18E00] =	vst v63  }
0x57: {  	_ =	swait.ge [sflag:s1], $0x200  }
0x58: {  	s30 =	sld [smem:$0x7EC]  }
0x59: {  	[sflag:s1] =	ssyncset.done $0x0  }
0x5a: {  	s31 =	simm.s32 $0xA00;
	[sflag:s1] =	ssyncadd.s32 $0xFFFFFE00  }
0x5b: {  	[tilespmem:s31], [sflag:$0x2] =	stream.linear.gather [hbm4b:s30+s24], $0x200, $0x38;
	[tilespmem:$0x18E00] =	vst v63  }
0x5c: {  	_ =	swait.ge [sflag:s1], $0x200  }
0x5d: {  	[sflag:s1] =	ssyncset.done $0x0  }
0x5e: {  	s0 =	simm.s32 $0x0;
	[sflag:s1] =	ssyncadd.s32 $0xFFFFFE00  }
.LBB2_2:
0x5f: {  	s7 =	sshra.s32 s0, $0x2  }
0x60: {  	v34 =	vld [tilespmem:s7+$0x0];
	_ =	sdelay $0x4  }
0x61: {  	(v2sf) =	vpush v34, $0x0;
	_ =	sdelay $0x5  }
0x62: {  	(v2sf) =	vpush v34, $0x1;
	_ =	sdelay $0x8  }
0x63: {  	s16 =	spop (v2sf)  }
0x64: {  	(v2sf) =	vpush v34, $0x2;
	s1 =	sand.u32 $0x7F, s16  }
0x65: {  	s2 =	sshra.s32 s16, $0x1F;
	p0 =	slt.s32 s16, $0x1;
	p1 =	sne.s32 s1, $0x0  }
0x66: {  	[smem:$0x7DC] =	sst s0;
	s17 =	sshrl.u32 s2, $0x19;
	p0 =	por !p0, !p1  }
0x67: {  	s1 =	simm.s32 $0x1;
	s0 =	sadd.s32 s17, s16;
	p0 =	por !p0, !p0  }
0x68: {  	s0 =	sshrl.u32 s0, $0x7;
	s1 =	simm.s32 @!p0 $0x0  }
0x69: {  	s18 =	spop (v2sf);
	s0 =	ssub.s32 s0, s1  }
0x6a: {  	s19 =	sand.u32 $0x7F, s18;
	s21 =	sshra.s32 s18, $0x1F;
	s0 =	sshll.u32 s0, $0x7  }
0x6b: {  	(v2sf) =	vpush v34, $0x3;
	p5 =	slt.s32 s18, $0x1;
	p6 =	sne.s32 s19, $0x0;
	s0 =	sand.u32 $0x1FFFFF80, s0  }
0x6c: {  	s25 =	sshrl.u32 s21, $0x19;
	p0 =	por !p5, !p6;
	s0 =	sadd.s32 s26, s0  }
0x6d: {  	v33 =	vld [tilespmem:s7+$0x200];
	[tilespmem:s22], [sflag:$0x1] =	stream.strided.gather [hbm4b:s0+s5], $0x1000, s6, s5, $0x38  }
0x6e: {  	p0 =	por !p0, !p0;
	s1 =	simm.s32 $0x1;
	s0 =	sadd.s32 s25, s18  }
0x6f: {  	s1 =	simm.s32 @!p0 $0x0;
	s0 =	sshrl.u32 s0, $0x7  }
0x70: {  	s0 =	ssub.s32 s0, s1  }
0x71: {  	s0 =	sshll.u32 s0, $0x7  }
0x72: {  	s0 =	sand.u32 $0x1FFFFF80, s0  }
0x73: {  	s28 =	rddreg [dreg:$0xa];
	s0 =	sadd.s32 s26, s0;
	s29 =	spop (v2sf)  }
0x74: {  	[tilespmem:s28], [sflag:$0x1] =	stream.strided.gather [hbm4b:s0+s5], $0x1000, s6, s5, $0x38;
	[tilespmem:$0x18E00] =	vst v63  }
0x75: {  	(v2sf) =	vpush v34, $0x4;
	s30 =	sand.u32 $0x7F, s29  }
0x76: {  	s31 =	sshra.s32 s29, $0x1F;
	p1 =	slt.s32 s29, $0x1;
	p2 =	sne.s32 s30, $0x0  }
0x77: {  	s2 =	sshrl.u32 s31, $0x19;
	p0 =	por !p1, !p2  }
0x78: {  	s1 =	simm.s32 $0x1;
	s0 =	sadd.s32 s2, s29;
	p0 =	por !p0, !p0  }
0x79: {  	[smem:$0x7DD] =	sst s7;
	s0 =	sshrl.u32 s0, $0x7;
	s1 =	simm.s32 @!p0 $0x0  }
0x7a: {  	s7 =	rddreg [dreg:$0xb];
	s8 =	spop (v2sf);
	s0 =	ssub.s32 s0, s1  }
0x7b: {  	s9 =	sand.u32 $0x7F, s8;
	s10 =	sshra.s32 s8, $0x1F;
	s0 =	sshll.u32 s0, $0x7  }
0x7c: {  	(v2sf) =	vpush v34, $0x5;
	p3 =	slt.s32 s8, $0x1;
	p4 =	sne.s32 s9, $0x0;
	s0 =	sand.u32 $0x1FFFFF80, s0  }
0x7d: {  	s11 =	sshrl.u32 s10, $0x19;
	p0 =	por !p3, !p4;
	s0 =	sadd.s32 s26, s0  }
0x7e: {  	[tilespmem:s7], [sflag:$0x1] =	stream.strided.gather [hbm4b:s0+s5], $0x1000, s6, s5, $0x38;
	[tilespmem:$0x18E00] =	vst v63  }
0x7f: {  	p0 =	por !p0, !p0;
	s1 =	simm.s32 $0x1;
	s0 =	sadd.s32 s11, s8  }
0x80: {  	s1 =	simm.s32 @!p0 $0x0;
	s0 =	sshrl.u32 s0, $0x7  }
0x81: {  	s0 =	ssub.s32 s0, s1  }
0x82: {  	s0 =	sshll.u32 s0, $0x7  }
0x83: {  	s0 =	sand.u32 $0x1FFFFF80, s0  }
0x84: {  	s12 =	rddreg [dreg:$0xc];
	s0 =	sadd.s32 s26, s0;
	s13 =	spop (v2sf)  }
0x85: {  	[tilespmem:s12], [sflag:$0x1] =	stream.strided.gather [hbm4b:s0+s5], $0x1000, s6, s5, $0x38;
	[tilespmem:$0x18E00] =	vst v63  }
0x86: {  	(v2sf) =	vpush v34, $0x6;
	s14 =	sand.u32 $0x7F, s13  }
0x87: {  	s15 =	sshra.s32 s13, $0x1F;
	p5 =	slt.s32 s13, $0x1;
	p6 =	sne.s32 s14, $0x0  }
0x88: {  	s16 =	sshrl.u32 s15, $0x19;
	p0 =	por !p5, !p6  }
0x89: {  	s1 =	simm.s32 $0x1;
	s0 =	sadd.s32 s16, s13;
	p0 =	por !p0, !p0  }
0x8a: {  	s0 =	sshrl.u32 s0, $0x7;
	s1 =	simm.s32 @!p0 $0x0  }
0x8b: {  	s17 =	rddreg [dreg:$0xd];
	s18 =	spop (v2sf);
	s0 =	ssub.s32 s0, s1  }
0x8c: {  	s19 =	sand.u32 $0x7F, s18;
	s21 =	sshra.s32 s18, $0x1F;
	s0 =	sshll.u32 s0, $0x7  }
0x8d: {  	(v2sf) =	vpush v34, $0x7;
	p1 =	slt.s32 s18, $0x1;
	p2 =	sne.s32 s19, $0x0;
	s0 =	sand.u32 $0x1FFFFF80, s0  }
0x8e: {  	s25 =	sshrl.u32 s21, $0x19;
	p0 =	por !p1, !p2;
	s0 =	sadd.s32 s26, s0  }
0x8f: {  	[tilespmem:s17], [sflag:$0x1] =	stream.strided.gather [hbm4b:s0+s5], $0x1000, s6, s5, $0x38;
	[tilespmem:$0x18E00] =	vst v63  }
0x90: {  	p0 =	por !p0, !p0;
	s1 =	simm.s32 $0x1;
	s0 =	sadd.s32 s25, s18  }
0x91: {  	s1 =	simm.s32 @!p0 $0x0;
	s0 =	sshrl.u32 s0, $0x7  }
0x92: {  	s0 =	ssub.s32 s0, s1  }
0x93: {  	s0 =	sshll.u32 s0, $0x7  }
0x94: {  	s0 =	sand.u32 $0x1FFFFF80, s0  }
0x95: {  	s28 =	rddreg [dreg:$0xe];
	s0 =	sadd.s32 s26, s0;
	s29 =	spop (v2sf)  }
0x96: {  	[tilespmem:s28], [sflag:$0x1] =	stream.strided.gather [hbm4b:s0+s5], $0x1000, s6, s5, $0x38;
	[tilespmem:$0x18E00] =	vst v63  }
0x97: {  	(v2sf) =	vpush v34, $0x8;
	s30 =	sand.u32 $0x7F, s29  }
0x98: {  	s31 =	sshra.s32 s29, $0x1F;
	p3 =	slt.s32 s29, $0x1;
	p4 =	sne.s32 s30, $0x0  }
0x99: {  	s2 =	sshrl.u32 s31, $0x19;
	p0 =	por !p3, !p4  }
0x9a: {  	s1 =	simm.s32 $0x1;
	s0 =	sadd.s32 s2, s29;
	p0 =	por !p0, !p0  }
0x9b: {  	s0 =	sshrl.u32 s0, $0x7;
	s1 =	simm.s32 @!p0 $0x0  }
0x9c: {  	s7 =	rddreg [dreg:$0xf];
	s8 =	spop (v2sf);
	s0 =	ssub.s32 s0, s1  }
0x9d: {  	s9 =	sand.u32 $0x7F, s8;
	s10 =	sshra.s32 s8, $0x1F;
	s0 =	sshll.u32 s0, $0x7  }
0x9e: {  	(v2sf) =	vpush v34, $0x9;
	p5 =	slt.s32 s8, $0x1;
	p6 =	sne.s32 s9, $0x0;
	s0 =	sand.u32 $0x1FFFFF80, s0  }
0x9f: {  	s11 =	sshrl.u32 s10, $0x19;
	p0 =	por !p5, !p6;
	s0 =	sadd.s32 s26, s0  }
0xa0: {  	[tilespmem:s7], [sflag:$0x1] =	stream.strided.gather [hbm4b:s0+s5], $0x1000, s6, s5, $0x38;
	[tilespmem:$0x18E00] =	vst v63  }
0xa1: {  	p0 =	por !p0, !p0;
	s1 =	simm.s32 $0x1;
	s0 =	sadd.s32 s11, s8  }
0xa2: {  	s1 =	simm.s32 @!p0 $0x0;
	s0 =	sshrl.u32 s0, $0x7  }
0xa3: {  	s0 =	ssub.s32 s0, s1  }
0xa4: {  	s0 =	sshll.u32 s0, $0x7  }
0xa5: {  	s0 =	sand.u32 $0x1FFFFF80, s0  }
0xa6: {  	s12 =	rddreg [dreg:$0x10];
	s0 =	sadd.s32 s26, s0;
	s13 =	spop (v2sf)  }
0xa7: {  	[tilespmem:s12], [sflag:$0x1] =	stream.strided.gather [hbm4b:s0+s5], $0x1000, s6, s5, $0x38;
	[tilespmem:$0x18E00] =	vst v63  }
0xa8: {  	(v2sf) =	vpush v34, $0xA;
	s14 =	sand.u32 $0x7F, s13  }
0xa9: {  	s15 =	sshra.s32 s13, $0x1F;
	p1 =	slt.s32 s13, $0x1;
	p2 =	sne.s32 s14, $0x0  }
0xaa: {  	s16 =	sshrl.u32 s15, $0x19;
	p0 =	por !p1, !p2  }
0xab: {  	s1 =	simm.s32 $0x1;
	s0 =	sadd.s32 s16, s13;
	p0 =	por !p0, !p0  }
0xac: {  	s0 =	sshrl.u32 s0, $0x7;
	s1 =	simm.s32 @!p0 $0x0  }
0xad: {  	s17 =	rddreg [dreg:$0x11];
	s18 =	spop (v2sf);
	s0 =	ssub.s32 s0, s1  }
0xae: {  	s19 =	sand.u32 $0x7F, s18;
	s21 =	sshra.s32 s18, $0x1F;
	s0 =	sshll.u32 s0, $0x7  }
0xaf: {  	(v2sf) =	vpush v34, $0xB;
	p3 =	slt.s32 s18, $0x1;
	p4 =	sne.s32 s19, $0x0;
	s0 =	sand.u32 $0x1FFFFF80, s0  }
0xb0: {  	s25 =	sshrl.u32 s21, $0x19;
	p0 =	por !p3, !p4;
	s0 =	sadd.s32 s26, s0  }
0xb1: {  	[tilespmem:s17], [sflag:$0x1] =	stream.strided.gather [hbm4b:s0+s5], $0x1000, s6, s5, $0x38;
	[tilespmem:$0x18E00] =	vst v63  }
0xb2: {  	p0 =	por !p0, !p0;
	s1 =	simm.s32 $0x1;
	s0 =	sadd.s32 s25, s18  }
0xb3: {  	s1 =	simm.s32 @!p0 $0x0;
	s0 =	sshrl.u32 s0, $0x7  }
0xb4: {  	s0 =	ssub.s32 s0, s1  }
0xb5: {  	s0 =	sshll.u32 s0, $0x7  }
0xb6: {  	s0 =	sand.u32 $0x1FFFFF80, s0  }
0xb7: {  	s28 =	rddreg [dreg:$0x12];
	s0 =	sadd.s32 s26, s0;
	s29 =	spop (v2sf)  }
0xb8: {  	[tilespmem:s28], [sflag:$0x1] =	stream.strided.gather [hbm4b:s0+s5], $0x1000, s6, s5, $0x38;
	[tilespmem:$0x18E00] =	vst v63  }
0xb9: {  	(v2sf) =	vpush v34, $0xC;
	s30 =	sand.u32 $0x7F, s29  }
0xba: {  	s31 =	sshra.s32 s29, $0x1F;
	p5 =	slt.s32 s29, $0x1;
	p6 =	sne.s32 s30, $0x0  }
0xbb: {  	s2 =	sshrl.u32 s31, $0x19;
	p0 =	por !p5, !p6  }
0xbc: {  	s1 =	simm.s32 $0x1;
	s0 =	sadd.s32 s2, s29;
	p0 =	por !p0, !p0  }
0xbd: {  	s0 =	sshrl.u32 s0, $0x7;
	s1 =	simm.s32 @!p0 $0x0  }
0xbe: {  	s7 =	rddreg [dreg:$0x13];
	s8 =	spop (v2sf);
	s0 =	ssub.s32 s0, s1  }
0xbf: {  	s9 =	sand.u32 $0x7F, s8;
	s10 =	sshra.s32 s8, $0x1F;
	s0 =	sshll.u32 s0, $0x7  }
0xc0: {  	(v2sf) =	vpush v34, $0xD;
	p1 =	slt.s32 s8, $0x1;
	p2 =	sne.s32 s9, $0x0;
	s0 =	sand.u32 $0x1FFFFF80, s0  }
0xc1: {  	s11 =	sshrl.u32 s10, $0x19;
	p0 =	por !p1, !p2;
	s0 =	sadd.s32 s26, s0  }
0xc2: {  	[tilespmem:s7], [sflag:$0x1] =	stream.strided.gather [hbm4b:s0+s5], $0x1000, s6, s5, $0x38;
	[tilespmem:$0x18E00] =	vst v63  }
0xc3: {  	p0 =	por !p0, !p0;
	s1 =	simm.s32 $0x1;
	s0 =	sadd.s32 s11, s8  }
0xc4: {  	s1 =	simm.s32 @!p0 $0x0;
	s0 =	sshrl.u32 s0, $0x7  }
0xc5: {  	s0 =	ssub.s32 s0, s1  }
0xc6: {  	s0 =	sshll.u32 s0, $0x7  }
0xc7: {  	s0 =	sand.u32 $0x1FFFFF80, s0  }
0xc8: {  	s12 =	rddreg [dreg:$0x14];
	s0 =	sadd.s32 s26, s0;
	s13 =	spop (v2sf)  }
0xc9: {  	[tilespmem:s12], [sflag:$0x1] =	stream.strided.gather [hbm4b:s0+s5], $0x1000, s6, s5, $0x38;
	[tilespmem:$0x18E00] =	vst v63  }
0xca: {  	(v2sf) =	vpush v34, $0xE;
	s14 =	sand.u32 $0x7F, s13  }
0xcb: {  	s15 =	sshra.s32 s13, $0x1F;
	p3 =	slt.s32 s13, $0x1;
	p4 =	sne.s32 s14, $0x0  }
0xcc: {  	s16 =	sshrl.u32 s15, $0x19;
	p0 =	por !p3, !p4  }
0xcd: {  	s1 =	simm.s32 $0x1;
	s0 =	sadd.s32 s16, s13;
	p0 =	por !p0, !p0  }
0xce: {  	s0 =	sshrl.u32 s0, $0x7;
	s1 =	simm.s32 @!p0 $0x0  }
0xcf: {  	s17 =	rddreg [dreg:$0x15];
	s18 =	spop (v2sf);
	s0 =	ssub.s32 s0, s1  }
0xd0: {  	s19 =	sand.u32 $0x7F, s18;
	s21 =	sshra.s32 s18, $0x1F;
	s0 =	sshll.u32 s0, $0x7  }
0xd1: {  	(v2sf) =	vpush v34, $0xF;
	p5 =	slt.s32 s18, $0x1;
	p6 =	sne.s32 s19, $0x0;
	s0 =	sand.u32 $0x1FFFFF80, s0  }
0xd2: {  	s25 =	sshrl.u32 s21, $0x19;
	p0 =	por !p5, !p6;
	s0 =	sadd.s32 s26, s0  }
0xd3: {  	[tilespmem:s17], [sflag:$0x1] =	stream.strided.gather [hbm4b:s0+s5], $0x1000, s6, s5, $0x38;
	[tilespmem:$0x18E00] =	vst v63  }
0xd4: {  	p0 =	por !p0, !p0;
	s1 =	simm.s32 $0x1;
	s0 =	sadd.s32 s25, s18  }
0xd5: {  	s1 =	simm.s32 @!p0 $0x0;
	s0 =	sshrl.u32 s0, $0x7  }
0xd6: {  	s0 =	ssub.s32 s0, s1  }
0xd7: {  	s0 =	sshll.u32 s0, $0x7  }
0xd8: {  	s0 =	sand.u32 $0x1FFFFF80, s0  }
0xd9: {  	s28 =	rddreg [dreg:$0x16];
	s0 =	sadd.s32 s26, s0;
	s29 =	spop (v2sf)  }
0xda: {  	[tilespmem:s28], [sflag:$0x1] =	stream.strided.gather [hbm4b:s0+s5], $0x1000, s6, s5, $0x38;
	[tilespmem:$0x18E00] =	vst v63  }
0xdb: {  	(v2sf) =	vpush v33, $0x0;
	s30 =	sand.u32 $0x7F, s29  }
0xdc: {  	s31 =	sshra.s32 s29, $0x1F;
	p1 =	slt.s32 s29, $0x1;
	p2 =	sne.s32 s30, $0x0  }
0xdd: {  	s7 =	sshrl.u32 s31, $0x19;
	p0 =	por !p1, !p2  }
0xde: {  	s1 =	simm.s32 $0x1;
	s0 =	sadd.s32 s7, s29;
	p0 =	por !p0, !p0  }
0xdf: {  	s0 =	sshrl.u32 s0, $0x7;
	s1 =	simm.s32 @!p0 $0x0  }
0xe0: {  	s8 =	rddreg [dreg:$0x17];
	s9 =	spop (v2sf);
	s0 =	ssub.s32 s0, s1  }
0xe1: {  	s10 =	sand.u32 $0x7F, s9;
	s11 =	sshra.s32 s9, $0x1F;
	s0 =	sshll.u32 s0, $0x7  }
0xe2: {  	(v2sf) =	vpush v33, $0x1;
	p3 =	slt.s32 s9, $0x1;
	p4 =	sne.s32 s10, $0x0;
	s0 =	sand.u32 $0x1FFFFF80, s0  }
0xe3: {  	s12 =	sshrl.u32 s11, $0x19;
	p0 =	por !p3, !p4;
	s0 =	sadd.s32 s26, s0  }
0xe4: {  	[tilespmem:s8], [sflag:$0x1] =	stream.strided.gather [hbm4b:s0+s5], $0x1000, s6, s5, $0x38;
	[tilespmem:$0x18E00] =	vst v63  }
0xe5: {  	p0 =	por !p0, !p0;
	s1 =	simm.s32 $0x1;
	s0 =	sadd.s32 s12, s9  }
0xe6: {  	s1 =	simm.s32 @!p0 $0x0;
	s0 =	sshrl.u32 s0, $0x7  }
0xe7: {  	s0 =	ssub.s32 s0, s1  }
0xe8: {  	s0 =	sshll.u32 s0, $0x7  }
0xe9: {  	s0 =	sand.u32 $0x1FFFFF80, s0  }
0xea: {  	s13 =	rddreg [dreg:$0x18];
	s0 =	sadd.s32 s26, s0;
	s19 =	spop (v2sf)  }
0xeb: {  	[tilespmem:s13], [sflag:$0x1] =	stream.strided.gather [hbm4b:s0+s5], $0x1000, s6, s5, $0x38;
	[tilespmem:$0x18E00] =	vst v63  }
0xec: {  	(v2sf) =	vpush v33, $0x2;
	s14 =	sand.u32 $0x7, s19;
	p0 =	slt.s32 s19, $0x1;
	s5 =	sshra.s32 s19, $0x1F  }
0xed: {  	s1 =	simm.s32 @!p0 $0x0;
	p5 =	sne.s32 s14, $0x0;
	s15 =	sshrl.u32 s5, $0x1D  }
0xee: {  	s1 =	simm.s32 @p0 $0x1;
	p1 =	por !p0, !p5;
	s0 =	sadd.s32 s15, s19  }
0xef: {  	[smem:$0x7C7] =	sst s1;
	p1 =	por !p1, !p1;
	s1 =	simm.s32 $0x1  }
0xf0: {  	s0 =	sshrl.u32 s0, $0x3;
	s1 =	simm.s32 @!p1 $0x0  }
0xf1: {  	s31 =	spop (v2sf);
	s0 =	ssub.s32 s0, s1  }
0xf2: {  	s16 =	sand.u32 $0x7, s31;
	s6 =	sshra.s32 s31, $0x1F;
	s0 =	sshll.u32 s0, $0x7  }
0xf3: {  	(v2sf) =	vpush v33, $0x3;
	p2 =	sne.s32 s16, $0x0;
	p1 =	slt.s32 s31, $0x1;
	s0 =	sand.u32 $0x1FFFFF80, s0  }
0xf4: {  	s17 =	sshrl.u32 s6, $0x1D;
	p2 =	por !p1, !p2;
	s0 =	sadd.s32 s3, s0  }
0xf5: {  	[tilespmem:s23], [sflag:$0x1] =	stream.linear.gather [hbm4b:s0+s24], $0x400, $0x38;
	[tilespmem:$0x18E00] =	vst v63  }
0xf6: {  	s1 =	simm.s32 $0x1;
	p2 =	por !p2, !p2;
	s0 =	sadd.s32 s17, s31  }
0xf7: {  	s1 =	simm.s32 @!p2 $0x0;
	s0 =	sshrl.u32 s0, $0x3  }
0xf8: {  	s0 =	ssub.s32 s0, s1  }
0xf9: {  	s0 =	sshll.u32 s0, $0x7  }
0xfa: {  	s0 =	sand.u32 $0x1FFFFF80, s0  }
0xfb: {  	s18 =	rddreg [dreg:$0x19];
	s0 =	sadd.s32 s3, s0;
	s29 =	spop (v2sf)  }
0xfc: {  	[tilespmem:s18], [sflag:$0x1] =	stream.linear.gather [hbm4b:s0+s24], $0x400, $0x38;
	[tilespmem:$0x18E00] =	vst v63  }
0xfd: {  	(v2sf) =	vpush v33, $0x4;
	s21 =	sand.u32 $0x7, s29  }
0xfe: {  	p2 =	slt.s32 s29, $0x1;
	s8 =	sshra.s32 s29, $0x1F;
	p3 =	sne.s32 s21, $0x0  }
0xff: {  	s25 =	sshrl.u32 s8, $0x1D;
	p3 =	por !p2, !p3  }
0x100: {  	s1 =	simm.s32 $0x1;
	s0 =	sadd.s32 s25, s29;
	p3 =	por !p3, !p3  }
0x101: {  	s0 =	sshrl.u32 s0, $0x3;
	s1 =	simm.s32 @!p3 $0x0  }
0x102: {  	s28 =	rddreg [dreg:$0x1a];
	s2 =	spop (v2sf);
	s0 =	ssub.s32 s0, s1  }
0x103: {  	s30 =	sand.u32 $0x7, s2;
	s10 =	sshra.s32 s2, $0x1F;
	s0 =	sshll.u32 s0, $0x7  }
0x104: {  	(v2sf) =	vpush v33, $0x5;
	p4 =	sne.s32 s30, $0x0;
	p3 =	slt.s32 s2, $0x1;
	s0 =	sand.u32 $0x1FFFFF80, s0  }
0x105: {  	s1 =	sshrl.u32 s10, $0x1D;
	p4 =	por !p3, !p4;
	s0 =	sadd.s32 s3, s0  }
0x106: {  	[tilespmem:s28], [sflag:$0x1] =	stream.linear.gather [hbm4b:s0+s24], $0x400, $0x38;
	[tilespmem:$0x18E00] =	vst v63  }
0x107: {  	p4 =	por !p4, !p4;
	s0 =	sadd.s32 s1, s2;
	s1 =	simm.s32 $0x1  }
0x108: {  	s0 =	sshrl.u32 s0, $0x3;
	s1 =	simm.s32 @!p4 $0x0  }
0x109: {  	s0 =	ssub.s32 s0, s1  }
0x10a: {  	s0 =	sshll.u32 s0, $0x7  }
0x10b: {  	s0 =	sand.u32 $0x1FFFFF80, s0  }
0x10c: {  	s7 =	rddreg [dreg:$0x1b];
	s0 =	sadd.s32 s3, s0;
	s21 =	spop (v2sf)  }
0x10d: {  	[tilespmem:s7], [sflag:$0x1] =	stream.linear.gather [hbm4b:s0+s24], $0x400, $0x38;
	[tilespmem:$0x18E00] =	vst v63  }
0x10e: {  	(v2sf) =	vpush v33, $0x6;
	s9 =	sand.u32 $0x7, s21  }
0x10f: {  	p4 =	slt.s32 s21, $0x1;
	s28 =	sshra.s32 s21, $0x1F;
	p5 =	sne.s32 s9, $0x0  }
0x110: {  	s11 =	sshrl.u32 s28, $0x1D;
	p5 =	por !p4, !p5  }
0x111: {  	s1 =	simm.s32 $0x1;
	s0 =	sadd.s32 s11, s21;
	p5 =	por !p5, !p5  }
0x112: {  	s0 =	sshrl.u32 s0, $0x3;
	s1 =	simm.s32 @!p5 $0x0  }
0x113: {  	s12 =	rddreg [dreg:$0x1c];
	s0 =	ssub.s32 s0, s1;
	s1 =	spop (v2sf)  }
0x114: {  	s0 =	sshll.u32 s0, $0x7;
	s13 =	sand.u32 $0x7, s1;
	p5 =	slt.s32 s1, $0x1  }
0x115: {  	(v2sf) =	vpush v33, $0x7;
	s16 =	sshra.s32 s1, $0x1F;
	s0 =	sand.u32 $0x1FFFFF80, s0;
	p6 =	sne.s32 s13, $0x0  }
0x116: {  	s14 =	sshrl.u32 s16, $0x1D;
	s0 =	sadd.s32 s3, s0;
	p6 =	por !p5, !p6  }
0x117: {  	[tilespmem:s12], [sflag:$0x1] =	stream.linear.gather [hbm4b:s0+s24], $0x400, $0x38;
	[tilespmem:$0x18E00] =	vst v63  }
0x118: {  	s7 =	simm.s32 $0x1;
	s0 =	sadd.s32 s14, s1;
	p6 =	por !p6, !p6  }
0x119: {  	s0 =	sshrl.u32 s0, $0x3;
	s7 =	simm.s32 @!p6 $0x0  }
0x11a: {  	s0 =	ssub.s32 s0, s7  }
0x11b: {  	s0 =	sshll.u32 s0, $0x7  }
0x11c: {  	s0 =	sand.u32 $0x1FFFFF80, s0  }
0x11d: {  	s15 =	rddreg [dreg:$0x1d];
	s0 =	sadd.s32 s3, s0;
	s14 =	spop (v2sf)  }
0x11e: {  	[tilespmem:s15], [sflag:$0x1] =	stream.linear.gather [hbm4b:s0+s24], $0x400, $0x38;
	[tilespmem:$0x18E00] =	vst v63  }
0x11f: {  	(v2sf) =	vpush v33, $0x8;
	s17 =	sand.u32 $0x7, s14;
	p6 =	slt.s32 s14, $0x1;
	s18 =	sshra.s32 s14, $0x1F  }
0x120: {  	s7 =	simm.s32 @!p6 $0x0;
	p0 =	sne.s32 s17, $0x0;
	s25 =	sshrl.u32 s18, $0x1D  }
0x121: {  	s7 =	simm.s32 @p6 $0x1;
	p0 =	por !p6, !p0;
	s0 =	sadd.s32 s25, s14  }
0x122: {  	[smem:$0x7C8] =	sst s7;
	p0 =	por !p0, !p0;
	s7 =	simm.s32 $0x1  }
0x123: {  	s0 =	sshrl.u32 s0, $0x3;
	s7 =	simm.s32 @!p0 $0x0  }
0x124: {  	s30 =	rddreg [dreg:$0x1e];
	s0 =	ssub.s32 s0, s7;
	s13 =	spop (v2sf)  }
0x125: {  	s0 =	sshll.u32 s0, $0x7;
	s7 =	sand.u32 $0x7, s13;
	s11 =	sshra.s32 s13, $0x1F  }
0x126: {  	(v2sf) =	vpush v33, $0x9;
	p6 =	slt.s32 s13, $0x1;
	s0 =	sand.u32 $0x1FFFFF80, s0;
	p0 =	sne.s32 s7, $0x0  }
0x127: {  	s12 =	sshrl.u32 s11, $0x1D;
	s0 =	sadd.s32 s3, s0;
	p0 =	por !p6, !p0  }
0x128: {  	[tilespmem:s30], [sflag:$0x1] =	stream.linear.gather [hbm4b:s0+s24], $0x400, $0x38;
	[tilespmem:$0x18E00] =	vst v63  }
0x129: {  	s7 =	simm.s32 $0x1;
	s0 =	sadd.s32 s12, s13;
	p0 =	por !p0, !p0  }
0x12a: {  	s7 =	simm.s32 @!p0 $0x0;
	s0 =	sshrl.u32 s0, $0x3  }
0x12b: {  	s15 =	rddreg [dreg:$0x1f];
	s0 =	ssub.s32 s0, s7  }
0x12c: {  	[smem:$0x7C9] =	sst s18;
	s9 =	simm.s32 @!p6 $0x0;
	s0 =	sshll.u32 s0, $0x7  }
0x12d: {  	[smem:$0x7CB] =	sst s11;
	s9 =	simm.s32 @p6 $0x1;
	s0 =	sand.u32 $0x1FFFFF80, s0  }
0x12e: {  	[smem:$0x7CA] =	sst s9;
	s0 =	sadd.s32 s3, s0;
	s11 =	spop (v2sf)  }
0x12f: {  	[tilespmem:s15], [sflag:$0x1] =	stream.linear.gather [hbm4b:s0+s24], $0x400, $0x38;
	[tilespmem:$0x18E00] =	vst v63  }
0x130: {  	s30 =	sld [smem:$0x7DF];
	(v2sf) =	vpush v33, $0xA;
	s17 =	sand.u32 $0x7, s11  }
0x131: {  	s18 =	sshra.s32 s11, $0x1F;
	p6 =	slt.s32 s11, $0x1;
	p0 =	sne.s32 s17, $0x0  }
0x132: {  	s7 =	simm.s32 $0x1;
	s25 =	sshrl.u32 s18, $0x1D;
	p0 =	por !p6, !p0  }
0x133: {  	s9 =	simm.s32 @!p6 $0x0;
	s0 =	sadd.s32 s25, s11;
	p0 =	por !p0, !p0  }
0x134: {  	s9 =	simm.s32 @p6 $0x1;
	s0 =	sshrl.u32 s0, $0x3;
	s7 =	simm.s32 @!p0 $0x0  }
0x135: {  	[smem:$0x7CC] =	sst s9;
	s0 =	ssub.s32 s0, s7;
	s9 =	spop (v2sf)  }
0x136: {  	s0 =	sshll.u32 s0, $0x7;
	s7 =	sand.u32 $0x7, s9;
	s15 =	sshra.s32 s9, $0x1F  }
0x137: {  	(v2sf) =	vpush v33, $0xB;
	p6 =	slt.s32 s9, $0x1;
	s0 =	sand.u32 $0x1FFFFF80, s0;
	p0 =	sne.s32 s7, $0x0  }
0x138: {  	s17 =	sshrl.u32 s15, $0x1D;
	s0 =	sadd.s32 s3, s0;
	p0 =	por !p6, !p0  }
0x139: {  	[tilespmem:s30], [sflag:$0x1] =	stream.linear.gather [hbm4b:s0+s24], $0x400, $0x38;
	[tilespmem:$0x18E00] =	vst v63  }
0x13a: {  	s7 =	simm.s32 $0x1;
	s0 =	sadd.s32 s17, s9;
	p0 =	por !p0, !p0  }
0x13b: {  	s7 =	simm.s32 @!p0 $0x0;
	s0 =	sshrl.u32 s0, $0x3  }
0x13c: {  	[smem:$0x7CD] =	sst s18;
	s0 =	ssub.s32 s0, s7  }
0x13d: {  	s18 =	sld [smem:$0x7E0];
	s12 =	simm.s32 @!p6 $0x0;
	s0 =	sshll.u32 s0, $0x7  }
0x13e: {  	[smem:$0x7CF] =	sst s15;
	s12 =	simm.s32 @p6 $0x1;
	s0 =	sand.u32 $0x1FFFFF80, s0  }
0x13f: {  	[smem:$0x7CE] =	sst s12;
	s0 =	sadd.s32 s3, s0;
	s7 =	spop (v2sf)  }
0x140: {  	[tilespmem:s18], [sflag:$0x1] =	stream.linear.gather [hbm4b:s0+s24], $0x400, $0x38;
	[tilespmem:$0x18E00] =	vst v63  }
0x141: {  	(v2sf) =	vpush v33, $0xC;
	s25 =	sand.u32 $0x7, s7;
	s15 =	sshra.s32 s7, $0x1F;
	p6 =	slt.s32 s7, $0x1  }
0x142: {  	[smem:$0x7D0] =	sst s15;
	s12 =	simm.s32 @!p6 $0x0;
	p0 =	sne.s32 s25, $0x0  }
0x143: {  	s30 =	sshrl.u32 s15, $0x1D;
	s15 =	simm.s32 $0x1;
	p0 =	por !p6, !p0  }
0x144: {  	s12 =	simm.s32 @p6 $0x1;
	s0 =	sadd.s32 s30, s7;
	p0 =	por !p0, !p0  }
0x145: {  	[smem:$0x7D1] =	sst s12;
	s0 =	sshrl.u32 s0, $0x3;
	s15 =	simm.s32 @!p0 $0x0  }
0x146: {  	s12 =	sld [smem:$0x7E1];
	s0 =	ssub.s32 s0, s15;
	s25 =	spop (v2sf)  }
0x147: {  	s0 =	sshll.u32 s0, $0x7;
	s15 =	sand.u32 $0x7, s25;
	s17 =	sshra.s32 s25, $0x1F  }
0x148: {  	p6 =	slt.s32 s25, $0x1;
	s0 =	sand.u32 $0x1FFFFF80, s0;
	p0 =	sne.s32 s15, $0x0  }
0x149: {  	s18 =	sshrl.u32 s17, $0x1D;
	s0 =	sadd.s32 s3, s0;
	p0 =	por !p6, !p0  }
0x14a: {  	[tilespmem:s12], [sflag:$0x1] =	stream.linear.gather [hbm4b:s0+s24], $0x400, $0x38;
	[tilespmem:$0x18E00] =	vst v63  }
0x14b: {  	(v2sf) =	vpush v33, $0xD;
	s15 =	simm.s32 $0x1;
	s0 =	sadd.s32 s18, s25;
	p0 =	por !p0, !p0  }
0x14c: {  	s15 =	simm.s32 @!p0 $0x0;
	s0 =	sshrl.u32 s0, $0x3  }
0x14d: {  	s0 =	ssub.s32 s0, s15  }
0x14e: {  	s30 =	sld [smem:$0x7E3];
	s0 =	sshll.u32 s0, $0x7  }
0x14f: {  	s12 =	simm.s32 @!p6 $0x0;
	s0 =	sand.u32 $0x1FFFFF80, s0  }
0x150: {  	s12 =	simm.s32 @p6 $0x1;
	s0 =	sadd.s32 s3, s0;
	s18 =	spop (v2sf)  }
0x151: {  	[tilespmem:s30], [sflag:$0x1] =	stream.linear.gather [hbm4b:s0+s24], $0x400, $0x38;
	[tilespmem:$0x18E00] =	vst v63  }
0x152: {  	[smem:$0x7D3] =	sst s12;
	p6 =	slt.s32 s18, $0x1  }
0x153: {  	s12 =	sand.u32 $0x7, s18;
	s15 =	sshra.s32 s18, $0x1F;
	s0 =	simm.s32 @!p6 $0x0  }
0x154: {  	p0 =	sne.s32 s12, $0x0;
	[smem:$0x7D4] =	sst s15;
	s0 =	simm.s32 @p6 $0x1  }
0x155: {  	p0 =	por !p6, !p0;
	[smem:$0x7D5] =	sst s0;
	s0 =	sshrl.u32 s15, $0x1D  }
0x156: {  	p0 =	por !p0, !p0;
	s15 =	simm.s32 $0x1;
	s0 =	sadd.s32 s0, s18  }
0x157: {  	s15 =	simm.s32 @!p0 $0x0;
	s0 =	sshrl.u32 s0, $0x3  }
0x158: {  	[smem:$0x7D2] =	sst s17;
	(v2sf) =	vpush v33, $0xE;
	s0 =	ssub.s32 s0, s15  }
0x159: {  	s17 =	sld [smem:$0x7E5];
	s0 =	sshll.u32 s0, $0x7  }
0x15a: {  	s15 =	spop (v2sf);
	s0 =	sand.u32 $0x1FFFFF80, s0  }
0x15b: {  	p6 =	slt.s32 s15, $0x1;
	s0 =	sadd.s32 s3, s0  }
0x15c: {  	[tilespmem:s17], [sflag:$0x1] =	stream.linear.gather [hbm4b:s0+s24], $0x400, $0x38;
	[tilespmem:$0x18E00] =	vst v63  }
0x15d: {  	s30 =	sand.u32 $0x7, s15;
	s0 =	simm.s32 @!p6 $0x0  }
0x15e: {  	s12 =	sshra.s32 s15, $0x1F;
	p0 =	sne.s32 s30, $0x0;
	s0 =	simm.s32 @p6 $0x1  }
0x15f: {  	p0 =	por !p6, !p0;
	[smem:$0x7D7] =	sst s0;
	s0 =	sshrl.u32 s12, $0x1D  }
0x160: {  	s30 =	simm.s32 $0x1;
	p0 =	por !p0, !p0;
	s0 =	sadd.s32 s0, s15  }
0x161: {  	(v2sf) =	vpush v33, $0xF;
	s30 =	simm.s32 @!p0 $0x0;
	s0 =	sshrl.u32 s0, $0x3  }
0x162: {  	s0 =	ssub.s32 s0, s30  }
0x163: {  	s17 =	sld [smem:$0x7E7];
	s0 =	sshll.u32 s0, $0x7  }
0x164: {  	s0 =	sand.u32 $0x1FFFFF80, s0  }
0x165: {  	s0 =	sadd.s32 s3, s0  }
0x166: {  	[tilespmem:s17], [sflag:$0x1] =	stream.linear.gather [hbm4b:s0+s24], $0x400, $0x38;
	[tilespmem:$0x18E00] =	vst v63  }
0x167: {  	s0 =	spop (v2sf)  }
0x168: {  	[smem:$0x7D6] =	sst s12;
	s12 =	sand.u32 $0x7, s0;
	p6 =	slt.s32 s0, $0x1  }
0x169: {  	s17 =	sshra.s32 s0, $0x1F;
	p0 =	sne.s32 s12, $0x0;
	s12 =	simm.s32 @!p6 $0x0  }
0x16a: {  	[smem:$0x7D8] =	sst s17;
	s17 =	sshrl.u32 s17, $0x1D;
	p0 =	por !p6, !p0  }
0x16b: {  	s30 =	sadd.s32 s17, s0;
	s17 =	simm.s32 $0x1;
	p0 =	por !p0, !p0  }
0x16c: {  	s12 =	simm.s32 @p6 $0x1;
	s30 =	sshrl.u32 s30, $0x3;
	s17 =	simm.s32 @!p0 $0x0  }
0x16d: {  	[smem:$0x7D9] =	sst s12;
	s17 =	ssub.s32 s30, s17  }
0x16e: {  	s12 =	sld [smem:$0x7E9];
	s17 =	sshll.u32 s17, $0x7  }
0x16f: {  	s17 =	sand.u32 $0x1FFFFF80, s17  }
0x170: {  	s30 =	spop (v2sf);
	s17 =	sadd.s32 s3, s17  }
0x171: {  	[tilespmem:s12], [sflag:$0x1] =	stream.linear.gather [hbm4b:s17+s24], $0x400, $0x38;
	[tilespmem:$0x18E00] =	vst v63  }
0x172: {  	p6 =	slt.s32 s30, $0x1;
	s12 =	sand.u32 $0x7, s30  }
0x173: {  	p0 =	sne.s32 s12, $0x0;
	s12 =	simm.s32 @!p6 $0x0  }
0x174: {  	s12 =	simm.s32 @p6 $0x1  }
0x175: {  	p0 =	por !p6, !p0;
	[smem:$0x7DB] =	sst s12;
	s12 =	sshra.s32 s30, $0x1F  }
0x176: {  	p0 =	por !p0, !p0;
	s17 =	sshrl.u32 s12, $0x1D  }
0x177: {  	[smem:$0x7DA] =	sst s12;
	s12 =	simm.s32 $0x1;
	s17 =	sadd.s32 s17, s30  }
0x178: {  	s12 =	simm.s32 @!p0 $0x0;
	s17 =	sshrl.u32 s17, $0x3  }
0x179: {  	s12 =	ssub.s32 s17, s12  }
0x17a: {  	s17 =	sld [smem:$0x7EB];
	s12 =	sshll.u32 s12, $0x7  }
0x17b: {  	s12 =	sand.u32 $0x1FFFFF80, s12  }
0x17c: {  	s12 =	sadd.s32 s3, s12  }
0x17d: {  	[tilespmem:s17], [sflag:$0x1] =	stream.linear.gather [hbm4b:s12+s24], $0x400, $0x38;
	[tilespmem:$0x18E00] =	vst v63  }
0x17e: {  	s12 =	sand.u32 $0xF, s19  }
0x17f: {  	p0 =	sne.s32 s12, $0x0;
	s12 =	sld [smem:$0x7C7];
	_ =	sdelay $0x2  }
0x180: {  	p6 =	seq.s32 s12, $0x1  }
0x181: {  	s5 =	sshrl.u32 s5, $0x1C;
	p0 =	por !p6, !p0  }
0x182: {  	s5 =	sadd.s32 s5, s19;
	s12 =	simm.s32 $0x1;
	p0 =	por !p0, !p0  }
0x183: {  	s5 =	sshra.s32 s5, $0x4;
	s12 =	simm.s32 @!p0 $0x0  }
0x184: {  	s5 =	ssub.s32 s5, s12  }
0x185: {  	s12 =	sand.u32 $0x7, s5  }
0x186: {  	p6 =	slt.s32 s5, $0x1;
	p0 =	sne.s32 s12, $0x0  }
0x187: {  	s19 =	sshrl.u32 s5, $0x1D;
	p0 =	por !p6, !p0  }
0x188: {  	s5 =	sadd.s32 s19, s5;
	s12 =	simm.s32 $0x1;
	p0 =	por !p0, !p0  }
0x189: {  	s5 =	sshrl.u32 s5, $0x3;
	s12 =	simm.s32 @!p0 $0x0  }
0x18a: {  	s5 =	ssub.s32 s5, s12  }
0x18b: {  	s19 =	sand.u32 $0xF, s31;
	s5 =	sshll.u32 s5, $0x7  }
0x18c: {  	s17 =	simm.s32 $0x14C00;
	p6 =	sne.s32 s19, $0x0;
	s5 =	sand.u32 $0x1FFFFF80, s5  }
0x18d: {  	p0 =	por !p1, !p6;
	s12 =	sshrl.u32 s6, $0x1C;
	s5 =	sadd.s32 s4, s5  }
0x18e: {  	[tilespmem:s17], [sflag:$0x1] =	stream.linear.gather [hbm4b:s5+s24], $0x400, $0x38;
	[tilespmem:$0x18E00] =	vst v63  }
0x18f: {  	p0 =	por !p0, !p0;
	s6 =	simm.s32 $0x1;
	s5 =	sadd.s32 s12, s31  }
0x190: {  	s6 =	simm.s32 @!p0 $0x0;
	s5 =	sshra.s32 s5, $0x4  }
0x191: {  	s5 =	ssub.s32 s5, s6  }
0x192: {  	s6 =	sand.u32 $0x7, s5  }
0x193: {  	p6 =	slt.s32 s5, $0x1;
	p1 =	sne.s32 s6, $0x0  }
0x194: {  	s19 =	sshrl.u32 s5, $0x1D;
	p0 =	por !p6, !p1  }
0x195: {  	s5 =	sadd.s32 s19, s5;
	s6 =	simm.s32 $0x1;
	p0 =	por !p0, !p0  }
0x196: {  	s5 =	sshrl.u32 s5, $0x3;
	s6 =	simm.s32 @!p0 $0x0  }
0x197: {  	s5 =	ssub.s32 s5, s6  }
0x198: {  	s31 =	sld [smem:$0x7ED];
	s12 =	sand.u32 $0xF, s29;
	s5 =	sshll.u32 s5, $0x7  }
0x199: {  	p1 =	sne.s32 s12, $0x0;
	s5 =	sand.u32 $0x1FFFFF80, s5  }
0x19a: {  	s19 =	sshrl.u32 s8, $0x1C;
	p0 =	por !p2, !p1;
	s5 =	sadd.s32 s4, s5  }
0x19b: {  	[tilespmem:s31], [sflag:$0x1] =	stream.linear.gather [hbm4b:s5+s24], $0x400, $0x38;
	[tilespmem:$0x18E00] =	vst v63  }
0x19c: {  	p0 =	por !p0, !p0;
	s6 =	simm.s32 $0x1;
	s5 =	sadd.s32 s19, s29  }
0x19d: {  	s6 =	simm.s32 @!p0 $0x0;
	s5 =	sshra.s32 s5, $0x4  }
0x19e: {  	s5 =	ssub.s32 s5, s6  }
0x19f: {  	s6 =	sand.u32 $0x7, s5  }
0x1a0: {  	p6 =	slt.s32 s5, $0x1;
	p2 =	sne.s32 s6, $0x0  }
0x1a1: {  	s31 =	sshrl.u32 s5, $0x1D;
	p0 =	por !p6, !p2  }
0x1a2: {  	s5 =	sadd.s32 s31, s5;
	s6 =	simm.s32 $0x1;
	p0 =	por !p0, !p0  }
0x1a3: {  	s5 =	sshrl.u32 s5, $0x3;
	s6 =	simm.s32 @!p0 $0x0  }
0x1a4: {  	s5 =	ssub.s32 s5, s6  }
0x1a5: {  	s8 =	sld [smem:$0x7EF];
	s12 =	sand.u32 $0xF, s2;
	s5 =	sshll.u32 s5, $0x7  }
0x1a6: {  	p2 =	sne.s32 s12, $0x0;
	s5 =	sand.u32 $0x1FFFFF80, s5  }
0x1a7: {  	s19 =	sshrl.u32 s10, $0x1C;
	p0 =	por !p3, !p2;
	s5 =	sadd.s32 s4, s5  }
0x1a8: {  	[tilespmem:s8], [sflag:$0x1] =	stream.linear.gather [hbm4b:s5+s24], $0x400, $0x38;
	[tilespmem:$0x18E00] =	vst v63  }
0x1a9: {  	s2 =	sadd.s32 s19, s2;
	p0 =	por !p0, !p0;
	s5 =	simm.s32 $0x1  }
0x1aa: {  	s2 =	sshra.s32 s2, $0x4;
	s5 =	simm.s32 @!p0 $0x0  }
0x1ab: {  	s2 =	ssub.s32 s2, s5  }
0x1ac: {  	s5 =	sand.u32 $0x7, s2  }
0x1ad: {  	p6 =	slt.s32 s2, $0x1;
	p3 =	sne.s32 s5, $0x0  }
0x1ae: {  	s29 =	sshrl.u32 s2, $0x1D;
	p0 =	por !p6, !p3  }
0x1af: {  	s2 =	sadd.s32 s29, s2;
	s5 =	simm.s32 $0x1;
	p0 =	por !p0, !p0  }
0x1b0: {  	s2 =	sshrl.u32 s2, $0x3;
	s5 =	simm.s32 @!p0 $0x0  }
0x1b1: {  	s2 =	ssub.s32 s2, s5  }
0x1b2: {  	s31 =	sld [smem:$0x7F1];
	s8 =	sand.u32 $0xF, s21;
	s2 =	sshll.u32 s2, $0x7  }
0x1b3: {  	p2 =	sne.s32 s8, $0x0;
	s2 =	sand.u32 $0x1FFFFF80, s2  }
0x1b4: {  	s10 =	sshrl.u32 s28, $0x1C;
	p0 =	por !p4, !p2;
	s2 =	sadd.s32 s4, s2  }
0x1b5: {  	[tilespmem:s31], [sflag:$0x1] =	stream.linear.gather [hbm4b:s2+s24], $0x400, $0x38;
	[tilespmem:$0x18E00] =	vst v63  }
0x1b6: {  	p0 =	por !p0, !p0;
	s5 =	simm.s32 $0x1;
	s2 =	sadd.s32 s10, s21  }
0x1b7: {  	s5 =	simm.s32 @!p0 $0x0;
	s2 =	sshra.s32 s2, $0x4  }
0x1b8: {  	s2 =	ssub.s32 s2, s5  }
0x1b9: {  	s5 =	sand.u32 $0x7, s2  }
0x1ba: {  	p3 =	slt.s32 s2, $0x1;
	p4 =	sne.s32 s5, $0x0  }
0x1bb: {  	s12 =	sshrl.u32 s2, $0x1D;
	p0 =	por !p3, !p4  }
0x1bc: {  	s2 =	sadd.s32 s12, s2;
	s5 =	simm.s32 $0x1;
	p0 =	por !p0, !p0  }
0x1bd: {  	s2 =	sshrl.u32 s2, $0x3;
	s5 =	simm.s32 @!p0 $0x0  }
0x1be: {  	s2 =	ssub.s32 s2, s5  }
0x1bf: {  	s19 =	sld [smem:$0x7F2];
	s21 =	sand.u32 $0xF, s1;
	s2 =	sshll.u32 s2, $0x7  }
0x1c0: {  	p6 =	sne.s32 s21, $0x0;
	s2 =	sand.u32 $0x1FFFFF80, s2  }
0x1c1: {  	s28 =	sshrl.u32 s16, $0x1C;
	p0 =	por !p5, !p6;
	s2 =	sadd.s32 s4, s2  }
0x1c2: {  	[tilespmem:s19], [sflag:$0x1] =	stream.linear.gather [hbm4b:s2+s24], $0x400, $0x38;
	[tilespmem:$0x18E00] =	vst v63  }
0x1c3: {  	s1 =	sadd.s32 s28, s1;
	p0 =	por !p0, !p0;
	s2 =	simm.s32 $0x1  }
0x1c4: {  	s1 =	sshra.s32 s1, $0x4;
	s2 =	simm.s32 @!p0 $0x0  }
0x1c5: {  	s1 =	ssub.s32 s1, s2  }
0x1c6: {  	s2 =	sand.u32 $0x7, s1  }
0x1c7: {  	p1 =	slt.s32 s1, $0x1;
	p2 =	sne.s32 s2, $0x0  }
0x1c8: {  	s29 =	sshrl.u32 s1, $0x1D;
	p0 =	por !p1, !p2  }
0x1c9: {  	s1 =	sadd.s32 s29, s1;
	s2 =	simm.s32 $0x1;
	p0 =	por !p0, !p0  }
0x1ca: {  	s1 =	sshrl.u32 s1, $0x3;
	s2 =	simm.s32 @!p0 $0x0  }
0x1cb: {  	s10 =	sld [smem:$0x7C8];
	s1 =	ssub.s32 s1, s2  }
0x1cc: {  	s31 =	sld [smem:$0x7F3];
	s1 =	sshll.u32 s1, $0x7  }
0x1cd: {  	s8 =	sand.u32 $0xF, s14;
	s12 =	sld [smem:$0x7C9];
	s1 =	sand.u32 $0x1FFFFF80, s1  }
0x1ce: {  	p3 =	sne.s32 s8, $0x0;
	p4 =	seq.s32 s10, $0x1;
	s1 =	sadd.s32 s4, s1  }
0x1cf: {  	[tilespmem:s31], [sflag:$0x1] =	stream.linear.gather [hbm4b:s1+s24], $0x400, $0x38;
	[tilespmem:$0x18E00] =	vst v63  }
0x1d0: {  	p0 =	por !p4, !p3;
	s1 =	sshrl.u32 s12, $0x1C  }
0x1d1: {  	p0 =	por !p0, !p0;
	s2 =	simm.s32 $0x1;
	s1 =	sadd.s32 s1, s14  }
0x1d2: {  	s2 =	simm.s32 @!p0 $0x0;
	s1 =	sshra.s32 s1, $0x4  }
0x1d3: {  	s1 =	ssub.s32 s1, s2  }
0x1d4: {  	s2 =	sand.u32 $0x7, s1  }
0x1d5: {  	p5 =	slt.s32 s1, $0x1;
	p6 =	sne.s32 s2, $0x0  }
0x1d6: {  	s16 =	sshrl.u32 s1, $0x1D;
	p0 =	por !p5, !p6  }
0x1d7: {  	s1 =	sadd.s32 s16, s1;
	s2 =	simm.s32 $0x1;
	p0 =	por !p0, !p0  }
0x1d8: {  	s1 =	sshrl.u32 s1, $0x3;
	s2 =	simm.s32 @!p0 $0x0  }
0x1d9: {  	s28 =	sld [smem:$0x7CA];
	s1 =	ssub.s32 s1, s2  }
0x1da: {  	s19 =	sld [smem:$0x7F4];
	s1 =	sshll.u32 s1, $0x7  }
0x1db: {  	s21 =	sand.u32 $0xF, s13;
	s29 =	sld [smem:$0x7CB];
	s1 =	sand.u32 $0x1FFFFF80, s1  }
0x1dc: {  	p1 =	sne.s32 s21, $0x0;
	p2 =	seq.s32 s28, $0x1;
	s1 =	sadd.s32 s4, s1  }
0x1dd: {  	[tilespmem:s19], [sflag:$0x1] =	stream.linear.gather [hbm4b:s1+s24], $0x400, $0x38;
	[tilespmem:$0x18E00] =	vst v63  }
0x1de: {  	p0 =	por !p2, !p1;
	s1 =	sshrl.u32 s29, $0x1C  }
0x1df: {  	p0 =	por !p0, !p0;
	s2 =	simm.s32 $0x1;
	s1 =	sadd.s32 s1, s13  }
0x1e0: {  	s2 =	simm.s32 @!p0 $0x0;
	s1 =	sshra.s32 s1, $0x4  }
0x1e1: {  	s1 =	ssub.s32 s1, s2  }
0x1e2: {  	s2 =	sand.u32 $0x7, s1  }
0x1e3: {  	p3 =	slt.s32 s1, $0x1;
	p4 =	sne.s32 s2, $0x0  }
0x1e4: {  	s31 =	sshrl.u32 s1, $0x1D;
	p0 =	por !p3, !p4  }
0x1e5: {  	s1 =	sadd.s32 s31, s1;
	s2 =	simm.s32 $0x1;
	p0 =	por !p0, !p0  }
0x1e6: {  	s1 =	sshrl.u32 s1, $0x3;
	s2 =	simm.s32 @!p0 $0x0  }
0x1e7: {  	s12 =	sld [smem:$0x7CC];
	s1 =	ssub.s32 s1, s2  }
0x1e8: {  	s8 =	sld [smem:$0x7F5];
	s1 =	sshll.u32 s1, $0x7  }
0x1e9: {  	s10 =	sand.u32 $0xF, s11;
	s13 =	sld [smem:$0x7CD];
	s1 =	sand.u32 $0x1FFFFF80, s1  }
0x1ea: {  	p5 =	sne.s32 s10, $0x0;
	p6 =	seq.s32 s12, $0x1;
	s1 =	sadd.s32 s4, s1  }
0x1eb: {  	[tilespmem:s8], [sflag:$0x1] =	stream.linear.gather [hbm4b:s1+s24], $0x400, $0x38;
	[tilespmem:$0x18E00] =	vst v63  }
0x1ec: {  	p0 =	por !p6, !p5;
	s1 =	sshrl.u32 s13, $0x1C  }
0x1ed: {  	p0 =	por !p0, !p0;
	s2 =	simm.s32 $0x1;
	s1 =	sadd.s32 s1, s11  }
0x1ee: {  	s2 =	simm.s32 @!p0 $0x0;
	s1 =	sshra.s32 s1, $0x4  }
0x1ef: {  	s1 =	ssub.s32 s1, s2  }
0x1f0: {  	s2 =	sand.u32 $0x7, s1  }
0x1f1: {  	p1 =	slt.s32 s1, $0x1;
	p2 =	sne.s32 s2, $0x0  }
0x1f2: {  	s14 =	sshrl.u32 s1, $0x1D;
	p0 =	por !p1, !p2  }
0x1f3: {  	s1 =	sadd.s32 s14, s1;
	s2 =	simm.s32 $0x1;
	p0 =	por !p0, !p0  }
0x1f4: {  	s1 =	sshrl.u32 s1, $0x3;
	s2 =	simm.s32 @!p0 $0x0  }
0x1f5: {  	s21 =	sld [smem:$0x7CE];
	s1 =	ssub.s32 s1, s2  }
0x1f6: {  	s16 =	sld [smem:$0x7F6];
	s1 =	sshll.u32 s1, $0x7  }
0x1f7: {  	s28 =	sld [smem:$0x7CF];
	s19 =	sand.u32 $0xF, s9;
	s1 =	sand.u32 $0x1FFFFF80, s1  }
0x1f8: {  	p3 =	sne.s32 s19, $0x0;
	p4 =	seq.s32 s21, $0x1;
	s1 =	sadd.s32 s4, s1  }
0x1f9: {  	[tilespmem:s16], [sflag:$0x1] =	stream.linear.gather [hbm4b:s1+s24], $0x400, $0x38;
	[tilespmem:$0x18E00] =	vst v63  }
0x1fa: {  	p0 =	por !p4, !p3;
	s1 =	sshrl.u32 s28, $0x1C  }
0x1fb: {  	p0 =	por !p0, !p0;
	s2 =	simm.s32 $0x1;
	s1 =	sadd.s32 s1, s9  }
0x1fc: {  	s2 =	simm.s32 @!p0 $0x0;
	s1 =	sshra.s32 s1, $0x4  }
0x1fd: {  	s1 =	ssub.s32 s1, s2  }
0x1fe: {  	s2 =	sand.u32 $0x7, s1  }
0x1ff: {  	p5 =	slt.s32 s1, $0x1;
	p6 =	sne.s32 s2, $0x0  }
0x200: {  	s29 =	sshrl.u32 s1, $0x1D;
	p0 =	por !p5, !p6  }
0x201: {  	s1 =	sadd.s32 s29, s1;
	s2 =	simm.s32 $0x1;
	p0 =	por !p0, !p0  }
0x202: {  	s1 =	sshrl.u32 s1, $0x3;
	s2 =	simm.s32 @!p0 $0x0  }
0x203: {  	s10 =	sld [smem:$0x7D1];
	s1 =	ssub.s32 s1, s2  }
0x204: {  	s31 =	sld [smem:$0x7F7];
	s1 =	sshll.u32 s1, $0x7  }
0x205: {  	s8 =	sand.u32 $0xF, s7;
	s9 =	sld [smem:$0x7D0];
	s1 =	sand.u32 $0x1FFFFF80, s1  }
0x206: {  	p1 =	sne.s32 s8, $0x0;
	p2 =	seq.s32 s10, $0x1;
	s1 =	sadd.s32 s4, s1  }
0x207: {  	[tilespmem:s31], [sflag:$0x1] =	stream.linear.gather [hbm4b:s1+s24], $0x400, $0x38;
	[tilespmem:$0x18E00] =	vst v63  }
0x208: {  	p0 =	por !p2, !p1;
	s1 =	sshrl.u32 s9, $0x1C  }
0x209: {  	p0 =	por !p0, !p0;
	s2 =	simm.s32 $0x1;
	s1 =	sadd.s32 s1, s7  }
0x20a: {  	s2 =	simm.s32 @!p0 $0x0;
	s1 =	sshra.s32 s1, $0x4  }
0x20b: {  	s1 =	ssub.s32 s1, s2  }
0x20c: {  	s2 =	sand.u32 $0x7, s1  }
0x20d: {  	p3 =	slt.s32 s1, $0x1;
	p4 =	sne.s32 s2, $0x0  }
0x20e: {  	s11 =	sshrl.u32 s1, $0x1D;
	p0 =	por !p3, !p4  }
0x20f: {  	s1 =	sadd.s32 s11, s1;
	s2 =	simm.s32 $0x1;
	p0 =	por !p0, !p0  }
0x210: {  	s1 =	sshrl.u32 s1, $0x3;
	s2 =	simm.s32 @!p0 $0x0  }
0x211: {  	s16 =	sld [smem:$0x7D3];
	s1 =	ssub.s32 s1, s2  }
0x212: {  	s12 =	sld [smem:$0x7F8];
	s1 =	sshll.u32 s1, $0x7  }
0x213: {  	s13 =	sand.u32 $0xF, s25;
	s14 =	sld [smem:$0x7D2];
	s1 =	sand.u32 $0x1FFFFF80, s1  }
0x214: {  	p5 =	sne.s32 s13, $0x0;
	p6 =	seq.s32 s16, $0x1;
	s1 =	sadd.s32 s4, s1  }
0x215: {  	[tilespmem:s12], [sflag:$0x1] =	stream.linear.gather [hbm4b:s1+s24], $0x400, $0x38;
	[tilespmem:$0x18E00] =	vst v63  }
0x216: {  	p0 =	por !p6, !p5;
	s1 =	sshrl.u32 s14, $0x1C  }
0x217: {  	p0 =	por !p0, !p0;
	s2 =	simm.s32 $0x1;
	s1 =	sadd.s32 s1, s25  }
0x218: {  	s2 =	simm.s32 @!p0 $0x0;
	s1 =	sshra.s32 s1, $0x4  }
0x219: {  	s1 =	ssub.s32 s1, s2  }
0x21a: {  	s2 =	sand.u32 $0x7, s1  }
0x21b: {  	p1 =	slt.s32 s1, $0x1;
	p2 =	sne.s32 s2, $0x0  }
0x21c: {  	s19 =	sshrl.u32 s1, $0x1D;
	p0 =	por !p1, !p2  }
0x21d: {  	s1 =	sadd.s32 s19, s1;
	s2 =	simm.s32 $0x1;
	p0 =	por !p0, !p0  }
0x21e: {  	s1 =	sshrl.u32 s1, $0x3;
	s2 =	simm.s32 @!p0 $0x0  }
0x21f: {  	s29 =	sld [smem:$0x7D5];
	s1 =	ssub.s32 s1, s2  }
0x220: {  	s21 =	sld [smem:$0x7F9];
	s1 =	sshll.u32 s1, $0x7  }
0x221: {  	s28 =	sld [smem:$0x7D4];
	s25 =	sand.u32 $0xF, s18;
	s1 =	sand.u32 $0x1FFFFF80, s1  }
0x222: {  	p4 =	seq.s32 s29, $0x1;
	p3 =	sne.s32 s25, $0x0;
	s1 =	sadd.s32 s4, s1  }
0x223: {  	[tilespmem:s21], [sflag:$0x1] =	stream.linear.gather [hbm4b:s1+s24], $0x400, $0x38;
	[tilespmem:$0x18E00] =	vst v63  }
0x224: {  	p0 =	por !p4, !p3;
	s1 =	sshrl.u32 s28, $0x1C  }
0x225: {  	p0 =	por !p0, !p0;
	s2 =	simm.s32 $0x1;
	s1 =	sadd.s32 s1, s18  }
0x226: {  	s2 =	simm.s32 @!p0 $0x0;
	s1 =	sshra.s32 s1, $0x4  }
0x227: {  	s1 =	ssub.s32 s1, s2  }
0x228: {  	s2 =	sand.u32 $0x7, s1  }
0x229: {  	p5 =	slt.s32 s1, $0x1;
	p6 =	sne.s32 s2, $0x0  }
0x22a: {  	s31 =	sshrl.u32 s1, $0x1D;
	p0 =	por !p5, !p6  }
0x22b: {  	s1 =	sadd.s32 s31, s1;
	s2 =	simm.s32 $0x1;
	p0 =	por !p0, !p0  }
0x22c: {  	s1 =	sshrl.u32 s1, $0x3;
	s2 =	simm.s32 @!p0 $0x0  }
0x22d: {  	s10 =	sld [smem:$0x7D7];
	s1 =	ssub.s32 s1, s2  }
0x22e: {  	s7 =	sld [smem:$0x7FA];
	s1 =	sshll.u32 s1, $0x7  }
0x22f: {  	s8 =	sand.u32 $0xF, s15;
	s9 =	sld [smem:$0x7D6];
	s1 =	sand.u32 $0x1FFFFF80, s1  }
0x230: {  	p1 =	sne.s32 s8, $0x0;
	p2 =	seq.s32 s10, $0x1;
	s1 =	sadd.s32 s4, s1  }
0x231: {  	[tilespmem:s7], [sflag:$0x1] =	stream.linear.gather [hbm4b:s1+s24], $0x400, $0x38;
	[tilespmem:$0x18E00] =	vst v63  }
0x232: {  	p0 =	por !p2, !p1;
	s1 =	sshrl.u32 s9, $0x1C  }
0x233: {  	p0 =	por !p0, !p0;
	s2 =	simm.s32 $0x1;
	s1 =	sadd.s32 s1, s15  }
0x234: {  	s2 =	simm.s32 @!p0 $0x0;
	s1 =	sshra.s32 s1, $0x4  }
0x235: {  	s1 =	ssub.s32 s1, s2  }
0x236: {  	s2 =	sand.u32 $0x7, s1  }
0x237: {  	p3 =	slt.s32 s1, $0x1;
	p4 =	sne.s32 s2, $0x0  }
0x238: {  	s11 =	sshrl.u32 s1, $0x1D;
	p0 =	por !p3, !p4  }
0x239: {  	s1 =	sadd.s32 s11, s1;
	s2 =	simm.s32 $0x1;
	p0 =	por !p0, !p0  }
0x23a: {  	s1 =	sshrl.u32 s1, $0x3;
	s2 =	simm.s32 @!p0 $0x0  }
0x23b: {  	s15 =	sld [smem:$0x7D9];
	s1 =	ssub.s32 s1, s2  }
0x23c: {  	s12 =	sld [smem:$0x7FB];
	s1 =	sshll.u32 s1, $0x7  }
0x23d: {  	s13 =	sand.u32 $0xF, s0;
	s14 =	sld [smem:$0x7D8];
	s1 =	sand.u32 $0x1FFFFF80, s1  }
0x23e: {  	p5 =	sne.s32 s13, $0x0;
	p6 =	seq.s32 s15, $0x1;
	s1 =	sadd.s32 s4, s1  }
0x23f: {  	[tilespmem:s12], [sflag:$0x1] =	stream.linear.gather [hbm4b:s1+s24], $0x400, $0x38;
	[tilespmem:$0x18E00] =	vst v63  }
0x240: {  	p0 =	por !p6, !p5;
	s1 =	sshrl.u32 s14, $0x1C  }
0x241: {  	p0 =	por !p0, !p0;
	s0 =	sadd.s32 s1, s0;
	s1 =	simm.s32 $0x1  }
0x242: {  	s0 =	sshra.s32 s0, $0x4;
	s1 =	simm.s32 @!p0 $0x0  }
0x243: {  	s0 =	ssub.s32 s0, s1  }
0x244: {  	s1 =	sand.u32 $0x7, s0  }
0x245: {  	p1 =	slt.s32 s0, $0x1;
	p2 =	sne.s32 s1, $0x0  }
0x246: {  	s16 =	sshrl.u32 s0, $0x1D;
	p0 =	por !p1, !p2  }
0x247: {  	s0 =	sadd.s32 s16, s0;
	s1 =	simm.s32 $0x1;
	p0 =	por !p0, !p0  }
0x248: {  	s0 =	sshrl.u32 s0, $0x3;
	s1 =	simm.s32 @!p0 $0x0  }
0x249: {  	s25 =	sld [smem:$0x7DB];
	s0 =	ssub.s32 s0, s1  }
0x24a: {  	s18 =	sld [smem:$0x7FC];
	s0 =	sshll.u32 s0, $0x7  }
0x24b: {  	s19 =	sand.u32 $0xF, s30;
	s21 =	sld [smem:$0x7DA];
	s0 =	sand.u32 $0x1FFFFF80, s0  }
0x24c: {  	p3 =	sne.s32 s19, $0x0;
	p4 =	seq.s32 s25, $0x1;
	s0 =	sadd.s32 s4, s0  }
0x24d: {  	[tilespmem:s18], [sflag:$0x1] =	stream.linear.gather [hbm4b:s0+s24], $0x400, $0x38;
	[tilespmem:$0x18E00] =	vst v63  }
0x24e: {  	p0 =	por !p4, !p3;
	s0 =	sshrl.u32 s21, $0x1C  }
0x24f: {  	p0 =	por !p0, !p0;
	s1 =	simm.s32 $0x1;
	s0 =	sadd.s32 s0, s30  }
0x250: {  	s1 =	simm.s32 @!p0 $0x0;
	s0 =	sshra.s32 s0, $0x4  }
0x251: {  	s0 =	ssub.s32 s0, s1  }
0x252: {  	s1 =	sand.u32 $0x7, s0  }
0x253: {  	p5 =	slt.s32 s0, $0x1;
	p6 =	sne.s32 s1, $0x0  }
0x254: {  	s28 =	sshrl.u32 s0, $0x1D;
	p0 =	por !p5, !p6  }
0x255: {  	s0 =	sadd.s32 s28, s0;
	s1 =	simm.s32 $0x1;
	p0 =	por !p0, !p0  }
0x256: {  	s0 =	sshrl.u32 s0, $0x3;
	s1 =	simm.s32 @!p0 $0x0  }
0x257: {  	s0 =	ssub.s32 s0, s1  }
0x258: {  	s29 =	sld [smem:$0x7FD];
	s0 =	sshll.u32 s0, $0x7  }
0x259: {  	s0 =	sand.u32 $0x1FFFFF80, s0  }
0x25a: {  	s0 =	sadd.s32 s4, s0  }
0x25b: {  	[tilespmem:s29], [sflag:$0x1] =	stream.linear.gather [hbm4b:s0+s24], $0x400, $0x38;
	[tilespmem:$0x18E00] =	vst v63  }
0x25c: {  	s30 =	sld [smem:$0x7DC];
	_ =	swait.ge [sflag:s20], $0x1000  }
0x25d: {  	[sflag:s20] =	ssyncset.done $0x0  }
0x25e: {  	[sflag:s20] =	ssyncadd.s32 $0xFFFFF000  }
0x25f: {  	_ =	swait.ge [sflag:s20], $0x1000  }
0x260: {  	[sflag:s20] =	ssyncset.done $0x0  }
0x261: {  	[sflag:s20] =	ssyncadd.s32 $0xFFFFF000  }
0x262: {  	_ =	swait.ge [sflag:s20], $0x1000  }
0x263: {  	[sflag:s20] =	ssyncset.done $0x0  }
0x264: {  	[sflag:s20] =	ssyncadd.s32 $0xFFFFF000  }
0x265: {  	_ =	swait.ge [sflag:s20], $0x1000  }
0x266: {  	[sflag:s20] =	ssyncset.done $0x0  }
0x267: {  	[sflag:s20] =	ssyncadd.s32 $0xFFFFF000  }
0x268: {  	_ =	swait.ge [sflag:s20], $0x1000  }
0x269: {  	[sflag:s20] =	ssyncset.done $0x0  }
0x26a: {  	[sflag:s20] =	ssyncadd.s32 $0xFFFFF000  }
0x26b: {  	_ =	swait.ge [sflag:s20], $0x1000  }
0x26c: {  	[sflag:s20] =	ssyncset.done $0x0  }
0x26d: {  	[sflag:s20] =	ssyncadd.s32 $0xFFFFF000  }
0x26e: {  	_ =	swait.ge [sflag:s20], $0x1000  }
0x26f: {  	[sflag:s20] =	ssyncset.done $0x0  }
0x270: {  	[sflag:s20] =	ssyncadd.s32 $0xFFFFF000  }
0x271: {  	_ =	swait.ge [sflag:s20], $0x1000  }
0x272: {  	[sflag:s20] =	ssyncset.done $0x0  }
0x273: {  	[sflag:s20] =	ssyncadd.s32 $0xFFFFF000  }
0x274: {  	_ =	swait.ge [sflag:s20], $0x1000  }
0x275: {  	[sflag:s20] =	ssyncset.done $0x0  }
0x276: {  	[sflag:s20] =	ssyncadd.s32 $0xFFFFF000  }
0x277: {  	_ =	swait.ge [sflag:s20], $0x1000  }
0x278: {  	[sflag:s20] =	ssyncset.done $0x0  }
0x279: {  	[sflag:s20] =	ssyncadd.s32 $0xFFFFF000  }
0x27a: {  	_ =	swait.ge [sflag:s20], $0x1000  }
0x27b: {  	[sflag:s20] =	ssyncset.done $0x0  }
0x27c: {  	[sflag:s20] =	ssyncadd.s32 $0xFFFFF000  }
0x27d: {  	_ =	swait.ge [sflag:s20], $0x1000  }
0x27e: {  	[sflag:s20] =	ssyncset.done $0x0  }
0x27f: {  	[sflag:s20] =	ssyncadd.s32 $0xFFFFF000  }
0x280: {  	_ =	swait.ge [sflag:s20], $0x1000  }
0x281: {  	[sflag:s20] =	ssyncset.done $0x0  }
0x282: {  	[sflag:s20] =	ssyncadd.s32 $0xFFFFF000  }
0x283: {  	_ =	swait.ge [sflag:s20], $0x1000  }
0x284: {  	[sflag:s20] =	ssyncset.done $0x0  }
0x285: {  	[sflag:s20] =	ssyncadd.s32 $0xFFFFF000  }
0x286: {  	_ =	swait.ge [sflag:s20], $0x1000  }
0x287: {  	[sflag:s20] =	ssyncset.done $0x0  }
0x288: {  	[sflag:s20] =	ssyncadd.s32 $0xFFFFF000  }
0x289: {  	_ =	swait.ge [sflag:s20], $0x1000  }
0x28a: {  	[sflag:s20] =	ssyncset.done $0x0  }
0x28b: {  	[sflag:s20] =	ssyncadd.s32 $0xFFFFF000  }
0x28c: {  	_ =	swait.ge [sflag:s20], $0x4000  }
0x28d: {  	[sflag:s20] =	ssyncset.done $0x0  }
0x28e: {  	[sflag:s20] =	ssyncadd.s32 $0xFFFFC000  }
0x28f: {  	_ =	swait.ge [sflag:s20], $0x4000  }
0x290: {  	s31 =	sld [smem:$0x7DD]  }
0x291: {  	[sflag:s20] =	ssyncset.done $0x0  }
0x292: {  	[sflag:s20] =	ssyncadd.s32 $0xFFFFC000  }
0x293: {  	v33 =	vld [tilespmem:s31+$0x400];
	_ =	sdelay $0x1  }
0x294: {  	v52 =	vld [tilespmem:s31+$0x600];
	_ =	sdelay $0x2  }
0x295: {  	v35 =	vadd.s32 v0, v33  }
0x296: {  	v36 =	vadd.s32 v2, v33  }
0x297: {  	v34 =	vshll.u32 v52, $0x7;
	v38 =	vadd.s32 v3, v33  }
0x298: {  	v34 =	vadd.s32 v1, v34  }
0x299: {  	v41 =	vadd.s32 v4, v33  }
0x29a: {  	v37 =	vor.u32 $0x1, v34;
	v35 =	vld.idx.msk [tilespmem:v35+s22+$0x0], $0xffff  }
0x29b: {  	v43 =	vadd.s32 v5, v33;
	v36 =	vld.idx.msk [tilespmem:v36+s22+$0x0], $0xffff  }
0x29c: {  	v39 =	vor.u32 $0x2, v34;
	v38 =	vld.idx.msk [tilespmem:v38+s22+$0x0], $0xffff  }
0x29d: {  	v42 =	vor.u32 $0x3, v34;
	v40 =	vld.idx.msk [tilespmem:v34+s23+$0x0], $0xffff  }
0x29e: {  	v44 =	vor.u32 $0x4, v34;
	v41 =	vld.idx.msk [tilespmem:v41+s22+$0x0], $0xffff  }
0x29f: {  	v45 =	vadd.s32 v6, v33;
	v37 =	vld.idx.msk [tilespmem:v37+s23+$0x0], $0xffff  }
0x2a0: {  	v46 =	vor.u32 $0x5, v34;
	v43 =	vld.idx.msk [tilespmem:v43+s22+$0x0], $0xffff  }
0x2a1: {  	v54 =	vadd.s32 v7, v33;
	v39 =	vld.idx.msk [tilespmem:v39+s23+$0x0], $0xffff  }
0x2a2: {  	v47 =	vor.u32 $0x6, v34;
	v53 =	vld.idx.msk [tilespmem:v42+s23+$0x0], $0xffff;
	v35 =	vmul.f32 v40, v35  }
0x2a3: {  	v56 =	vadd.s32 v8, v33;
	v55 =	vld.idx.msk [tilespmem:v44+s23+$0x0], $0xffff  }
0x2a4: {  	v59 =	vadd.s32 v9, v33;
	v45 =	vld.idx.msk [tilespmem:v45+s22+$0x0], $0xffff;
	v36 =	vmul.f32 v37, v36;
	v35 =	vadd.f32 $0.0e+00, v35  }
0x2a5: {  	v48 =	vor.u32 $0x7, v34;
	v58 =	vld.idx.msk [tilespmem:v46+s23+$0x0], $0xffff  }
0x2a6: {  	v63 =	vadd.s32 v10, v33;
	v42 =	vld.idx.msk [tilespmem:v54+s22+$0x0], $0xffff;
	v57 =	vmul.f32 v39, v38;
	v35 =	vadd.f32 v36, v35  }
0x2a7: {  	v60 =	vor.u32 $0x8, v34;
	v62 =	vld.idx.msk [tilespmem:v47+s23+$0x0], $0xffff;
	v61 =	vmul.f32 v53, v41  }
0x2a8: {  	v44 =	vld.idx.msk [tilespmem:v56+s22+$0x0], $0xffff;
	v53 =	vmul.f32 v55, v43;
	v55 =	vadd.s32 v11, v33;
	v35 =	vadd.f32 v57, v35  }
0x2a9: {  	v39 =	vld.idx.msk [tilespmem:v59+s22+$0x0], $0xffff;
	v59 =	vadd.s32 v12, v33  }
0x2aa: {  	v52 =	vor.u32 $0x9, v34;
	v54 =	vld.idx.msk [tilespmem:v48+s23+$0x0], $0xffff;
	v35 =	vadd.f32 v61, v35  }
0x2ab: {  	v41 =	vld.idx.msk [tilespmem:v63+s22+$0x0], $0xffff;
	v63 =	vadd.s32 v13, v33  }
0x2ac: {  	v56 =	vor.u32 $0xA, v34;
	v57 =	vmul.f32 v58, v45;
	v58 =	vld.idx.msk [tilespmem:v60+s23+$0x0], $0xffff;
	v35 =	vadd.f32 v53, v35  }
0x2ad: {  	v43 =	vld.idx.msk [tilespmem:v55+s22+$0x0], $0xffff;
	v55 =	vadd.s32 v14, v33  }
0x2ae: {  	v60 =	vor.u32 $0xB, v34;
	v45 =	vld.idx.msk [tilespmem:v59+s22+$0x0], $0xffff;
	v61 =	vmul.f32 v62, v42;
	v35 =	vadd.f32 v57, v35  }
0x2af: {  	v59 =	vadd.s32 v15, v33;
	v62 =	vld.idx.msk [tilespmem:v52+s23+$0x0], $0xffff  }
0x2b0: {  	v52 =	vor.u32 $0xC, v34;
	v42 =	vld.idx.msk [tilespmem:v63+s22+$0x0], $0xffff;
	v53 =	vmul.f32 v54, v44;
	v35 =	vadd.f32 v61, v35  }
0x2b1: {  	v63 =	vadd.s32 v16, v33;
	v54 =	vld.idx.msk [tilespmem:v56+s23+$0x0], $0xffff  }
0x2b2: {  	v56 =	vor.u32 $0xD, v34;
	v44 =	vld.idx.msk [tilespmem:v55+s22+$0x0], $0xffff;
	v57 =	vmul.f32 v58, v39;
	v35 =	vadd.f32 v53, v35  }
0x2b3: {  	v55 =	vadd.s32 v17, v33;
	v58 =	vld.idx.msk [tilespmem:v60+s23+$0x0], $0xffff  }
0x2b4: {  	v60 =	vor.u32 $0xE, v34;
	v39 =	vld.idx.msk [tilespmem:v59+s22+$0x0], $0xffff;
	v61 =	vmul.f32 v62, v41;
	v35 =	vadd.f32 v57, v35  }
0x2b5: {  	v59 =	vadd.s32 v18, v33;
	v62 =	vld.idx.msk [tilespmem:v52+s23+$0x0], $0xffff  }
0x2b6: {  	v52 =	vor.u32 $0xF, v34;
	v41 =	vld.idx.msk [tilespmem:v63+s22+$0x0], $0xffff;
	v53 =	vmul.f32 v54, v43;
	v35 =	vadd.f32 v61, v35  }
0x2b7: {  	v63 =	vadd.s32 v19, v33;
	v54 =	vld.idx.msk [tilespmem:v56+s23+$0x0], $0xffff  }
0x2b8: {  	v56 =	vor.u32 $0x10, v34;
	v43 =	vld.idx.msk [tilespmem:v55+s22+$0x0], $0xffff;
	v57 =	vmul.f32 v58, v45;
	v35 =	vadd.f32 v53, v35  }
0x2b9: {  	v55 =	vadd.s32 v20, v33;
	v58 =	vld.idx.msk [tilespmem:v60+s23+$0x0], $0xffff  }
0x2ba: {  	v60 =	vor.u32 $0x11, v34;
	v45 =	vld.idx.msk [tilespmem:v59+s22+$0x0], $0xffff;
	v61 =	vmul.f32 v62, v42;
	v35 =	vadd.f32 v57, v35  }
0x2bb: {  	v59 =	vadd.s32 v21, v33;
	v62 =	vld.idx.msk [tilespmem:v52+s23+$0x0], $0xffff  }
0x2bc: {  	v52 =	vor.u32 $0x12, v34;
	v42 =	vld.idx.msk [tilespmem:v63+s22+$0x0], $0xffff;
	v53 =	vmul.f32 v54, v44;
	v35 =	vadd.f32 v61, v35  }
0x2bd: {  	v63 =	vadd.s32 v22, v33;
	v54 =	vld.idx.msk [tilespmem:v56+s23+$0x0], $0xffff  }
0x2be: {  	v56 =	vor.u32 $0x13, v34;
	v44 =	vld.idx.msk [tilespmem:v55+s22+$0x0], $0xffff;
	v57 =	vmul.f32 v58, v39;
	v35 =	vadd.f32 v53, v35  }
0x2bf: {  	v55 =	vadd.s32 v23, v33;
	v58 =	vld.idx.msk [tilespmem:v60+s23+$0x0], $0xffff  }
0x2c0: {  	v60 =	vor.u32 $0x14, v34;
	v39 =	vld.idx.msk [tilespmem:v59+s22+$0x0], $0xffff;
	v61 =	vmul.f32 v62, v41;
	v35 =	vadd.f32 v57, v35  }
0x2c1: {  	v59 =	vadd.s32 v24, v33;
	v62 =	vld.idx.msk [tilespmem:v52+s23+$0x0], $0xffff  }
0x2c2: {  	v52 =	vor.u32 $0x15, v34;
	v41 =	vld.idx.msk [tilespmem:v63+s22+$0x0], $0xffff;
	v53 =	vmul.f32 v54, v43;
	v35 =	vadd.f32 v61, v35  }
0x2c3: {  	v63 =	vadd.s32 v25, v33;
	v54 =	vld.idx.msk [tilespmem:v56+s23+$0x0], $0xffff  }
0x2c4: {  	v56 =	vor.u32 $0x16, v34;
	v43 =	vld.idx.msk [tilespmem:v55+s22+$0x0], $0xffff;
	v57 =	vmul.f32 v58, v45;
	v35 =	vadd.f32 v53, v35  }
0x2c5: {  	v55 =	vadd.s32 v26, v33;
	v58 =	vld.idx.msk [tilespmem:v60+s23+$0x0], $0xffff  }
0x2c6: {  	v60 =	vor.u32 $0x17, v34;
	v45 =	vld.idx.msk [tilespmem:v59+s22+$0x0], $0xffff;
	v61 =	vmul.f32 v62, v42;
	v35 =	vadd.f32 v57, v35  }
0x2c7: {  	v62 =	vld.idx.msk [tilespmem:v52+s23+$0x0], $0xffff;
	v52 =	vor.u32 $0x18, v34  }
0x2c8: {  	v59 =	vadd.s32 v27, v33;
	v42 =	vld.idx.msk [tilespmem:v63+s22+$0x0], $0xffff;
	v53 =	vmul.f32 v54, v44;
	v35 =	vadd.f32 v61, v35  }
0x2c9: {  	v63 =	vadd.s32 v28, v33;
	v54 =	vld.idx.msk [tilespmem:v56+s23+$0x0], $0xffff  }
0x2ca: {  	v56 =	vor.u32 $0x19, v34;
	v44 =	vld.idx.msk [tilespmem:v55+s22+$0x0], $0xffff;
	v57 =	vmul.f32 v58, v39;
	v35 =	vadd.f32 v53, v35  }
0x2cb: {  	v55 =	vadd.s32 v29, v33;
	v58 =	vld.idx.msk [tilespmem:v60+s23+$0x0], $0xffff  }
0x2cc: {  	v60 =	vor.u32 $0x1A, v34;
	v61 =	vmul.f32 v62, v41;
	v62 =	vld.idx.msk [tilespmem:v52+s23+$0x0], $0xffff;
	v35 =	vadd.f32 v57, v35  }
0x2cd: {  	v39 =	vld.idx.msk [tilespmem:v59+s22+$0x0], $0xffff;
	v52 =	vor.u32 $0x1B, v34  }
0x2ce: {  	v41 =	vld.idx.msk [tilespmem:v63+s22+$0x0], $0xffff;
	v53 =	vmul.f32 v54, v43;
	v35 =	vadd.f32 v61, v35  }
0x2cf: {  	v54 =	vld.idx.msk [tilespmem:v56+s23+$0x0], $0xffff;
	v56 =	vor.u32 $0x1C, v34  }
0x2d0: {  	v43 =	vld.idx.msk [tilespmem:v55+s22+$0x0], $0xffff;
	v57 =	vmul.f32 v58, v45;
	v35 =	vadd.f32 v53, v35  }
0x2d1: {  	v58 =	vld.idx.msk [tilespmem:v60+s23+$0x0], $0xffff;
	v59 =	vmul.f32 v62, v42;
	v62 =	vor.u32 $0x1D, v34  }
0x2d2: {  	v60 =	vld.idx.msk [tilespmem:v52+s23+$0x0], $0xffff;
	v61 =	vadd.s32 v30, v33;
	v35 =	vadd.f32 v57, v35  }
0x2d3: {  	v50 =	vadd.s32 v31, v33;
	v52 =	vld [tilespmem:s31+$0x800]  }
0x2d4: {  	v51 =	vor.u32 $0x1E, v34;
	v63 =	vmul.f32 v54, v44;
	v49 =	vld.idx.msk [tilespmem:v56+s23+$0x0], $0xffff;
	v35 =	vadd.f32 v59, v35  }
0x2d5: {  	v34 =	vor.u32 $0x1F, v34;
	v54 =	vld [tilespmem:s31+$0xA00]  }
0x2d6: {  	v33 =	vadd.s32 v32, v33;
	v53 =	vmul.f32 v58, v39;
	v57 =	vld.idx.msk [tilespmem:v62+s23+$0x0], $0xffff;
	v35 =	vadd.f32 v63, v35  }
0x2d7: {  	v55 =	vld.idx.msk [tilespmem:v61+s22+$0x0], $0xffff  }
0x2d8: {  	v58 =	vld.idx.msk [tilespmem:v50+s22+$0x0], $0xffff;
	v56 =	vmul.f32 v60, v41;
	v60 =	vshll.u32 v52, $0x7;
	v35 =	vadd.f32 v53, v35  }
0x2d9: {  	v42 =	vadd.s32 v1, v60;
	v59 =	vld.idx.msk [tilespmem:v51+s23+$0x0], $0xffff  }
0x2da: {  	v34 =	vld.idx.msk [tilespmem:v34+s23+$0x0], $0xffff;
	v37 =	vmul.f32 v49, v43;
	v61 =	vand.u32 $0xFFFFFF80, v54;
	v35 =	vadd.f32 v56, v35  }
0x2db: {  	v33 =	vld.idx.msk [tilespmem:v33+s22+$0x0], $0xffff;
	v38 =	vand.u32 $0x7F, v54;
	v42 =	vadd.s32 v61, v42  }
0x2dc: {  	v38 =	vor.u32 v38, v42;
	v62 =	vmul.f32 v57, v55;
	v35 =	vadd.f32 v37, v35;
	_ =	sdelay $0x1  }
0x2dd: {  	v36 =	vmul.f32 v59, v58;
	v35 =	vadd.f32 v62, v35;
	_ =	sdelay $0x1  }
0x2de: {  	v33 =	vmul.f32 v34, v33;
	v35 =	vadd.f32 v36, v35  }
0x2df: {  	v63 =	vld.idx.msk [tilespmem:v38+s17+$0x0], $0xffff  }
0x2e0: {  	v33 =	vadd.f32 v33, v35;
	_ =	sdelay $0x1  }
0x2e1: {  	v33 =	vsub.f32 $0.0e+00, v33;
	_ =	sdelay $0x1  }
0x2e2: {  	v33 =	vadd.f32 v63, v33;
	_ =	sdelay $0x1  }
0x2e3: {  	v33 =	vmul.f32 $1.442695020e+00, v33;
	_ =	sdelay $0x1  }
0x2e4: {  	(erf) = vpow2.f32 v33;
	_ =	sdelay $0x8  }
0x2e5: {  	v33 =	vpop (erf)  }
0x2e6: {  	v33 =	vadd.f32 $1.000000000e+00, v33;
	_ =	sdelay $0x1  }
0x2e7: {  	(erf) = vrcp.f32 v33;
	_ =	sdelay $0x4  }
0x2e8: {  	p0 =	sne.s32 s30, $0x7C0  }
.Ltmp0:
0x2e9: {  	_ = 	snop;
	(pc) =	sbr.rel @p0 .LBB2_2-.Ltmp0, $3  }
0x2ea: {  	_ =	sdelay $0x1  }
0x2eb: {  	v33 =	vpop (erf)  }
0x2ec: {  	s6 =	simm.s32 $0x7A1400;
	s5 =	simm.s32 $0x400;
	s0 =	sadd.s32 $0x40, s30;
	[tilespmem:s31+$0x18C00] =	vst v33  }
0x2ed: {  	s0 =	sld [smem:$0x7EE];
	_ =	sdelay $0x1  }
0x2ee: {  	s1 =	simm.s32 $0x18C00  }
0x2ef: {  	[hbm4b:s0+s24] =	stream.linear.scatter [tilespmem:s1], [sflag:$0x2], $0x200, $0x38;
	[tilespmem:$0x18E00] =	vst v63  }
0x2f0: {  	s1 =	simm.s32 $0x2  }
0x2f1: {  	_ =	swait.ge [sflag:s1], $0x200  }
0x2f2: {  	s2 =	sld [smem:$0x7DE]  }
0x2f3: {  	s31 =	sld [smem:$0x7F0];
	_ =	sdelay $0x1  }
0x2f4: {  	s2 =	sadd.s32 $0x1, s2  }
0x2f5: {  	p0 =	sne.s32 s2, s31  }
.Ltmp1:
0x2f6: {  	_ = 	snop;
	(pc) =	sbr.rel @p0 .LBB2_1-.Ltmp1, $3  }
0x2f7: {  	_ =	sdelay $0x1  }
0x2f8: {  	[sflag:s1] =	ssyncset.done $0x0  }
0x2f9: {  	[sflag:s1] =	ssyncadd.s32 $0xFFFFFE00  }
0x2fa: {  	_ =	sfence.sel $0x180000  }
0x2fb: {  	[bflag:$0x0] =	sbarrier.arrive $0xFFFF  }
0x2fc: {  	_ =	strace $0x90000047  }
0x2fd: {  	s0 =	stileid.u32;
	[bflag:$0x2] =	sbarrier.arrive $0xFFFF  }
0x2fe: {  	p0 =	sne.s32 s0, $0x0;
	s0 =	rddreg [dreg:$0x9]  }
0x2ff: {  	s0 =	sadd.s32 @!p0 $0x100000, s0  }
0x300: {  	[sflag:s0] =	ssyncadd.tile.s32 @!p0 $0x1;
	_ =	shalt  }
.Lfunc_end2:
_tile_overlayer_lowered:
.L_overlay_start_2:
0x301: {  	(tag) =	ssettag $0x2  }
0x302: {  	s0 =	rddreg [dreg:$0x0];
	s2 =	stileid.u32  }
0x303: {  	s1 =	rddreg [dreg:$0x1];
	p0 =	sne.s32 s2, $0x0  }
0x304: {  	s3 =	rddreg [dreg:$0x2];
	[bflag:$0x3] =	sbarrier.arrive $0xFFFF;
	s2 =	simm.s32 @!p0 $0x1C02  }
0x305: {  	[timem:s3], [sflag:s2] =	dma.local @!p0 [hbm:s0], s1  }
0x306: {  	s0 =	simm.s32 @!p0 $0x2  }
0x307: {  	_ =	swait.ge @!p0 [sflag:s0], s1  }
0x308: {  	s1 =	ssub.s32 @!p0 $0x0, s1;
	[sflag:s0] =	ssyncset.done @!p0 $0x0  }
0x309: {  	[sflag:s0] =	ssyncadd.s32 @!p0 s1  }
0x30a: {  	[bflag:$0x3] =	sbarrier.arrive $0xFFFF  }
0x30b: {  	_ =	shalt  }

</sc_bundles>
